<compile_context>
chip_gen: v7x
topology: tpu7x:2x2x1
jax: 0.10.2.dev20260603
libtpu: 0.0.44.dev20260713+nightly
codegen_flags: <defaults>
</compile_context>

<pallas_src>
import functools

import jax
import jax.numpy as jnp
from jax import lax
from jax.experimental import pallas as pl
from jax.experimental.pallas import tpu as pltpu
from jax.experimental.pallas import tpu_sc as plsc

N = 10000
E = 160000
IN = 256
H = 512
OUT = 256
G = 64

NPAD = 10240
EPAD = 163840
BM = 1024
NBLK = NPAD // BM
RPT = NPAD // 16
GEPT = EPAD // (16 * 128)
GEPT32 = EPAD // (32 * 128)



@functools.cache
def _build_deg_sc():
    mesh = plsc.VectorSubcoreMesh(core_axis_name="c", subcore_axis_name="s")

    @functools.partial(
        pl.kernel, mesh=mesh,
        out_type=jax.ShapeDtypeStruct((2 * NPAD, 128), jnp.float32),
        scratch_types=[
            pltpu.VMEM((128, 128), jnp.float32),
            pltpu.VMEM((GEPT32, 128), jnp.int32),
            pltpu.VMEM_SHARED((NPAD, 128), jnp.float32),
        ],
    )
    def _deg(dst_hbm, out_hbm, ones_v, idx_v, hist_sh):
        c = lax.axis_index("c")
        s = lax.axis_index("s")
        wid = s * 2 + c

        def _fill0(r, _):
            for j in range(8):
                ones_v[r, pl.ds(j * 16, 16)] = jnp.zeros((16,), jnp.float32)
            return 0
        lax.fori_loop(0, 128, _fill0, 0)

        for r in range(RPT // 128):
            pltpu.sync_copy(ones_v,
                            hist_sh.at[pl.ds(s * RPT + r * 128, 128)])

        def _fill1(r, _):
            for j in range(8):
                ones_v[r, pl.ds(j * 16, 16)] = jnp.full((16,), 1.0,
                                                        jnp.float32)
            return 0
        lax.fori_loop(0, 128, _fill1, 0)

        base = wid * (GEPT32 * 128)

        def _load(g, _):
            pltpu.sync_copy(dst_hbm.at[pl.ds(base + g * 128, 128)],
                            idx_v.at[g])
            return 0
        lax.fori_loop(0, GEPT32, _load, 0)

        plsc.subcore_barrier()

        def _scat(g, _):
            pltpu.sync_copy(ones_v, hist_sh.at[idx_v.at[g]], add=True)
            return 0
        lax.fori_loop(0, GEPT32, _scat, 0)

        plsc.subcore_barrier()
        for r in range(RPT // 128):
            pltpu.sync_copy(hist_sh.at[pl.ds(s * RPT + r * 128, 128)],
                            ones_v)
            pltpu.sync_copy(
                ones_v,
                out_hbm.at[pl.ds(c * NPAD + s * RPT + r * 128, 128)])

    return _deg


def _deg_sc(dst_pad):
    return _build_deg_sc()(dst_pad)


@functools.cache
def _build_agg_sc(nchunk):
    mesh = plsc.VectorSubcoreMesh(core_axis_name="c", subcore_axis_name="s")

    @functools.partial(
        pl.kernel, mesh=mesh,
        out_type=jax.ShapeDtypeStruct((nchunk * 2 * NPAD, 128), jnp.float32),
        scratch_types=[
            pltpu.VMEM((GEPT32, 128), jnp.int32),
            pltpu.VMEM((GEPT32, 128), jnp.int32),
            pltpu.VMEM((128, 128), jnp.float32),
            pltpu.VMEM((128, 128), jnp.float32),
            pltpu.VMEM_SHARED((NPAD, 128), jnp.float32),
            pltpu.SemaphoreType.DMA,
            pltpu.SemaphoreType.DMA,
        ],
    )
    def _agg(src_hbm, dst_hbm, *rest):
        ys = rest[:nchunk]
        out_hbm = rest[nchunk]
        six_v, dix_v, rows_v, rows_w, acc_sh, sema, semb = rest[nchunk + 1:]
        c = lax.axis_index("c")
        s = lax.axis_index("s")
        wid = s * 2 + c
        base = wid * (GEPT32 * 128)

        def _load(g, _):
            pltpu.sync_copy(src_hbm.at[pl.ds(base + g * 128, 128)],
                            six_v.at[g])
            pltpu.sync_copy(dst_hbm.at[pl.ds(base + g * 128, 128)],
                            dix_v.at[g])
            return 0
        lax.fori_loop(0, GEPT32, _load, 0)

        for chunk in range(nchunk):
            y_hbm = ys[chunk]

            def _zero(r, _):
                for j in range(8):
                    rows_v[r, pl.ds(j * 16, 16)] = jnp.zeros(
                        (16,), jnp.float32)
                return 0
            lax.fori_loop(0, 128, _zero, 0)
            for r in range(RPT // 128):
                pltpu.sync_copy(
                    rows_v, acc_sh.at[pl.ds(s * RPT + r * 128, 128)])
            plsc.subcore_barrier()

            def _mk(g, buf, sem):
                return pltpu.make_async_copy(y_hbm.at[six_v.at[g]], buf, sem)

            _mk(0, rows_v, sema).start()

            def _edge2(h, _):
                g0 = 2 * h
                _mk(g0 + 1, rows_w, semb).start()
                _mk(g0, rows_v, sema).wait()
                pltpu.sync_copy(rows_v, acc_sh.at[dix_v.at[g0]], add=True)

                @pl.when(h + 1 < GEPT32 // 2)
                def _():
                    _mk(g0 + 2, rows_v, sema).start()
                _mk(g0 + 1, rows_w, semb).wait()
                pltpu.sync_copy(rows_w, acc_sh.at[dix_v.at[g0 + 1]],
                                add=True)
                return 0
            lax.fori_loop(0, GEPT32 // 2, _edge2, 0)

            plsc.subcore_barrier()
            off = (chunk * 2) * NPAD
            for r in range(RPT // 128):
                pltpu.sync_copy(
                    acc_sh.at[pl.ds(s * RPT + r * 128, 128)], rows_v)
                pltpu.sync_copy(
                    rows_v,
                    out_hbm.at[pl.ds(off + c * NPAD + s * RPT + r * 128,
                                     128)])
            if chunk + 1 < nchunk:
                plsc.subcore_barrier()

    return _agg


def _agg_sc(src_pad, dst_pad, y_chunks):
    nchunk = len(y_chunks)
    out = _build_agg_sc(nchunk)(src_pad, dst_pad, *y_chunks)
    return out.reshape(nchunk, 2, NPAD, 128)



def _kb_body(x_ref, wp_ref, bp_ref, w1_ref, hist_ref,
             y0_ref, y1_ref, y2_ref, y3_ref, dinv_ref):
    h0 = jnp.maximum(jnp.dot(x_ref[...], wp_ref[...],
                             preferred_element_type=jnp.float32)
                     + bp_ref[...], 0.0)
    xw1 = jnp.dot(h0, w1_ref[...], preferred_element_type=jnp.float32)
    deg = hist_ref[0, :, 0:1] + hist_ref[1, :, 0:1] + 1.0
    dinv = lax.rsqrt(deg)
    y = xw1 * dinv
    for c, ref in enumerate((y0_ref, y1_ref, y2_ref, y3_ref)):
        ref[...] = y[:, c * 128:(c + 1) * 128]
    dinv_ref[...] = jnp.broadcast_to(dinv, (BM, 16))


def _proj_mm1(x_pad, Wp, bp2, W1, hist):
    outs = pl.pallas_call(
        _kb_body,
        grid=(NBLK,),
        in_specs=[
            pl.BlockSpec((BM, IN), lambda i: (i, 0)),
            pl.BlockSpec((IN, H), lambda i: (0, 0)),
            pl.BlockSpec((1, H), lambda i: (0, 0)),
            pl.BlockSpec((H, H), lambda i: (0, 0)),
            pl.BlockSpec((2, BM, 128), lambda i: (0, i, 0)),
        ],
        out_specs=[pl.BlockSpec((BM, 128), lambda i: (i, 0))] * 4
        + [pl.BlockSpec((BM, 16), lambda i: (i, 0))],
        out_shape=[jax.ShapeDtypeStruct((NPAD, 128), jnp.float32)] * 4
        + [jax.ShapeDtypeStruct((NPAD, 16), jnp.float32)],
    )(x_pad, Wp, bp2, W1, hist)
    return outs[:4], outs[4]


def _make_zstats_body(nch, width):
    def _body(*refs):
        agg_ref = refs[0]
        y_refs = refs[1:1 + nch]
        dinv_ref, b_ref, z_ref, st_ref = refs[1 + nch:]
        i = pl.program_id(0)
        dinv = dinv_ref[...][:, 0:1]
        cols = []
        for c in range(nch):
            cols.append(agg_ref[c, 0] + agg_ref[c, 1] + y_refs[c][...])
        z = (jnp.concatenate(cols, axis=1) * dinv + b_ref[...])
        z_ref[...] = z
        rows = i * BM + lax.broadcasted_iota(jnp.int32, (BM, 1), 0)
        zm = jnp.where(rows < N, z, 0.0)
        s1 = jnp.sum(zm, axis=0, keepdims=True)
        s2 = jnp.sum(zm * zm, axis=0, keepdims=True)
        upd = jnp.concatenate(
            [s1, s2, jnp.zeros((6, width), jnp.float32)], axis=0)

        @pl.when(i == 0)
        def _():
            st_ref[...] = upd

        @pl.when(i > 0)
        def _():
            st_ref[...] = st_ref[...] + upd
    return _body


def _zstats(agg, y_chunks, dinv, b2):
    nch = len(y_chunks)
    width = nch * 128
    return pl.pallas_call(
        _make_zstats_body(nch, width),
        grid=(NBLK,),
        in_specs=[pl.BlockSpec((nch, 2, BM, 128), lambda i: (0, 0, i, 0))]
        + [pl.BlockSpec((BM, 128), lambda i: (i, 0))] * nch
        + [
            pl.BlockSpec((BM, 16), lambda i: (i, 0)),
            pl.BlockSpec((1, width), lambda i: (0, 0)),
        ],
        out_specs=[
            pl.BlockSpec((BM, width), lambda i: (i, 0)),
            pl.BlockSpec((8, width), lambda i: (0, 0)),
        ],
        out_shape=[
            jax.ShapeDtypeStruct((NPAD, width), jnp.float32),
            jax.ShapeDtypeStruct((8, width), jnp.float32),
        ],
    )(agg, *y_chunks, dinv, b2)


def _bn_scale(st_ref, g_ref, be_ref):
    m = st_ref[0:1, :] * (1.0 / N)
    v = st_ref[1:2, :] * (1.0 / N) - m * m
    a = g_ref[...] * lax.rsqrt(v + 1e-5)
    return a, be_ref[...] - m * a


def _ke2_body(z_ref, st_ref, g_ref, be_ref, w2_ref, dinv_ref,
              y0_ref, y1_ref):
    a, c = _bn_scale(st_ref, g_ref, be_ref)
    h1 = jnp.maximum(z_ref[...] * a + c, 0.0)
    xw2 = jnp.dot(h1, w2_ref[...], preferred_element_type=jnp.float32)
    y = xw2 * dinv_ref[...][:, 0:1]
    y0_ref[...] = y[:, 0:128]
    y1_ref[...] = y[:, 128:256]


def _bn_mm2(z1, st1, g1r, be1r, W2, dinv):
    return pl.pallas_call(
        _ke2_body,
        grid=(NBLK,),
        in_specs=[
            pl.BlockSpec((BM, H), lambda i: (i, 0)),
            pl.BlockSpec((8, H), lambda i: (0, 0)),
            pl.BlockSpec((1, H), lambda i: (0, 0)),
            pl.BlockSpec((1, H), lambda i: (0, 0)),
            pl.BlockSpec((H, OUT), lambda i: (0, 0)),
            pl.BlockSpec((BM, 16), lambda i: (i, 0)),
        ],
        out_specs=[pl.BlockSpec((BM, 128), lambda i: (i, 0))] * 2,
        out_shape=[jax.ShapeDtypeStruct((NPAD, 128), jnp.float32)] * 2,
    )(z1, st1, g1r, be1r, W2, dinv)


def _ke4_body(z_ref, st_ref, g_ref, be_ref, batch_ref, pooled_ref, cnt_ref):
    i = pl.program_id(0)
    a, c = _bn_scale(st_ref, g_ref, be_ref)
    h2 = jnp.maximum(z_ref[...] * a + c, 0.0)
    seg = lax.broadcasted_iota(jnp.int32, (1, G), 1)
    mask = (batch_ref[...] == seg).astype(jnp.float32)
    pp = lax.dot_general(mask, h2, (((0,), (0,)), ((), ())),
                         preferred_element_type=jnp.float32,
                         precision=lax.Precision.HIGHEST)
    cntb = jnp.broadcast_to(jnp.sum(mask, axis=0)[:, None], (G, 128))

    @pl.when(i == 0)
    def _():
        pooled_ref[...] = pp
        cnt_ref[...] = cntb

    @pl.when(i > 0)
    def _():
        pooled_ref[...] = pooled_ref[...] + pp
        cnt_ref[...] = cnt_ref[...] + cntb


def _bn_pool(z2, st2, g2r, be2r, batch_pad):
    return pl.pallas_call(
        _ke4_body,
        grid=(NBLK,),
        in_specs=[
            pl.BlockSpec((BM, OUT), lambda i: (i, 0)),
            pl.BlockSpec((8, OUT), lambda i: (0, 0)),
            pl.BlockSpec((1, OUT), lambda i: (0, 0)),
            pl.BlockSpec((1, OUT), lambda i: (0, 0)),
            pl.BlockSpec((BM, 1), lambda i: (i, 0)),
        ],
        out_specs=[
            pl.BlockSpec((G, OUT), lambda i: (0, 0)),
            pl.BlockSpec((G, 128), lambda i: (0, 0)),
        ],
        out_shape=[
            jax.ShapeDtypeStruct((G, OUT), jnp.float32),
            jax.ShapeDtypeStruct((G, 128), jnp.float32),
        ],
    )(z2, st2, g2r, be2r, batch_pad)


def _head_body(pooled_ref, cnt_ref, wf1_ref, bf1_ref, gf1_ref, bef1_ref,
               wf2_ref, bf2_ref, gf2_ref, bef2_ref, wf3_ref, bf3_ref,
               out_ref):
    pooled = pooled_ref[...] / jnp.maximum(cnt_ref[...][:, 0:1], 1.0)

    def bn(x, g, b):
        m = jnp.mean(x, axis=0, keepdims=True)
        v = jnp.mean((x - m) ** 2, axis=0, keepdims=True)
        return (x - m) * lax.rsqrt(v + 1e-5) * g + b

    z = pooled @ wf1_ref[...] + bf1_ref[...]
    z = jnp.maximum(bn(z, gf1_ref[...], bef1_ref[...]), 0.0)
    z = z @ wf2_ref[...] + bf2_ref[...]
    z = jnp.maximum(bn(z, gf2_ref[...], bef2_ref[...]), 0.0)
    out_ref[...] = z @ wf3_ref[...] + bf3_ref[...]


def _head(pooled, cnt, Wf1, bf1, gf1, bef1, Wf2, bf2, gf2, bef2, Wf3, bf3):
    out = pl.pallas_call(
        _head_body,
        out_shape=jax.ShapeDtypeStruct((G, 1), jnp.float32),
    )(pooled, cnt, Wf1, bf1[None, :], gf1[None, :], bef1[None, :],
      Wf2, bf2[None, :], gf2[None, :], bef2[None, :], Wf3, bf3[None, :])
    return out[:, 0]



def kernel(x, edge_index, batch, Wp, bp, W1, b1, g1, be1, W2, b2, g2, be2,
           Wf1, bf1, gf1, bef1, Wf2, bf2, gf2, bef2, Wf3, bf3):
    src = edge_index[0]
    dst = edge_index[1]
    src_pad = jnp.concatenate(
        [src, jnp.zeros((EPAD - E,), jnp.int32)])
    dst_pad = jnp.concatenate(
        [dst, jnp.full((EPAD - E,), N, jnp.int32)])
    x_pad = jnp.pad(x, ((0, NPAD - N), (0, 0)))
    batch_pad = jnp.concatenate(
        [batch, jnp.full((NPAD - N,), G + 63, jnp.int32)])[:, None]

    hist = _deg_sc(dst_pad)
    y1c, dinv = _proj_mm1(x_pad, Wp, bp[None, :], W1,
                          hist.reshape(2, NPAD, 128))

    agg1 = _agg_sc(src_pad, dst_pad, tuple(y1c))
    z1, st1 = _zstats(agg1, tuple(y1c), dinv, b1[None, :])

    y2c = _bn_mm2(z1, st1, g1[None, :], be1[None, :], W2, dinv)
    agg2 = _agg_sc(src_pad, dst_pad, tuple(y2c))
    z2, st2 = _zstats(agg2, tuple(y2c), dinv, b2[None, :])

    pooled, cnt = _bn_pool(z2, st2, g2[None, :], be2[None, :], batch_pad)
    return _head(pooled, cnt, Wf1, bf1, gf1, bef1,
                 Wf2, bf2, gf2, bef2, Wf3, bf3)

# --- scband reference (transcript-rebuilt; emitter-appended) ---
"""Pipeline reference for scband-gcnmodel-51161650430389 (READ-ONLY COPY).

The authoritative reference and input builder live on the scoring server;
editing this copy changes nothing except your own understanding.
"""

import jax, jax.numpy as jnp
import numpy as np

N = 10000
E = 160000
IN = 256
H = 512
OUT = 256
G = 64


def _p(k, shape, scale=0.05):
    return jax.random.normal(k, shape, dtype=jnp.float32) * scale


def setup_inputs(seed: int = 0) -> dict:
    key = jax.random.key(seed)
    ks = jax.random.split(key, 24)
    inp = {}
    inp['x'] = jax.random.normal(ks[0], (N, IN), dtype=jnp.float32)
    inp['edge_index'] = jax.random.randint(ks[1], (2, E), 0, N, dtype=jnp.int32)
    inp['batch'] = jnp.sort(jax.random.randint(ks[2], (N,), 0, G, dtype=jnp.int32))
    inp['Wp'] = _p(ks[3], (IN, H)); inp['bp'] = jnp.zeros((H,), jnp.float32)
    inp['W1'] = _p(ks[4], (H, H)); inp['b1'] = jnp.zeros((H,), jnp.float32)
    inp['g1'] = jnp.ones((H,), jnp.float32); inp['be1'] = jnp.zeros((H,), jnp.float32)
    inp['W2'] = _p(ks[5], (H, OUT)); inp['b2'] = jnp.zeros((OUT,), jnp.float32)
    inp['g2'] = jnp.ones((OUT,), jnp.float32); inp['be2'] = jnp.zeros((OUT,), jnp.float32)
    inp['Wf1'] = _p(ks[6], (OUT, H)); inp['bf1'] = jnp.zeros((H,), jnp.float32)
    inp['gf1'] = jnp.ones((H,), jnp.float32); inp['bef1'] = jnp.zeros((H,), jnp.float32)
    inp['Wf2'] = _p(ks[7], (H, H // 2)); inp['bf2'] = jnp.zeros((H // 2,), jnp.float32)
    inp['gf2'] = jnp.ones((H // 2,), jnp.float32); inp['bef2'] = jnp.zeros((H // 2,), jnp.float32)
    inp['Wf3'] = _p(ks[8], (H // 2, 1)); inp['bf3'] = jnp.zeros((1,), jnp.float32)
    return inp


def _gcn_conv(x, src, dst, W, b):
    n = x.shape[0]
    loop = jnp.arange(n, dtype=src.dtype)
    s = jnp.concatenate([src, loop])
    d = jnp.concatenate([dst, loop])
    deg = jnp.zeros((n,), jnp.float32).at[d].add(1.0)
    dinv = jax.lax.rsqrt(jnp.maximum(deg, 1.0))
    norm = dinv[s] * dinv[d]
    xw = x @ W
    out = jnp.zeros((n, W.shape[1]), jnp.float32).at[d].add(xw[s] * norm[:, None])
    return out + b


def _bn(x, g, b):
    m = jnp.mean(x, axis=0)
    v = jnp.var(x, axis=0)
    return (x - m) * jax.lax.rsqrt(v + 1e-5) * g + b


def reference(x, edge_index, batch, Wp, bp, W1, b1, g1, be1, W2, b2, g2, be2, Wf1, bf1, gf1, bef1, Wf2, bf2, gf2, bef2, Wf3, bf3):
    src, dst = edge_index[0], edge_index[1]
    h = jax.nn.relu(x @ Wp + bp)
    h = jax.nn.relu(_bn(_gcn_conv(h, src, dst, W1, b1), g1, be1))
    h = jax.nn.relu(_bn(_gcn_conv(h, src, dst, W2, b2), g2, be2))
    sums = jax.ops.segment_sum(h, batch, num_segments=G)
    cnt = jax.ops.segment_sum(jnp.ones((h.shape[0],), jnp.float32), batch, num_segments=G)
    pooled = sums / jnp.maximum(cnt, 1.0)[:, None]
    z = jax.nn.relu(_bn(pooled @ Wf1 + bf1, gf1, bef1))
    z = jax.nn.relu(_bn(z @ Wf2 + bf2, gf2, bef2))
    z = z @ Wf3 + bf3
    return z.squeeze(-1)

if __name__ == "__main__":
    import jax
    _d = setup_inputs()
    print(jax.jit(kernel)(*tuple(_d.values())))

</pallas_src>

<mosaic_0001>
#map = affine_map<(d0, d1) -> (0)>
#map1 = affine_map<(d0, d1) -> (0, 0)>
module attributes {stable_mosaic.version = 14 : i64} {
  func.func @_agg(%arg0: i32, %arg1: i32, %arg2: memref<163840xi32, #tpu.memory_space<hbm>>, %arg3: memref<163840xi32, #tpu.memory_space<hbm>>, %arg4: memref<10240x128xf32, #tpu.memory_space<hbm>>, %arg5: memref<10240x128xf32, #tpu.memory_space<hbm>>, %arg6: memref<40960x128xf32, #tpu.memory_space<hbm>>, %arg7: memref<40x128xi32, #tpu.memory_space<vmem>>, %arg8: memref<40x128xi32, #tpu.memory_space<vmem>>, %arg9: memref<128x128xf32, #tpu.memory_space<vmem>>, %arg10: memref<128x128xf32, #tpu.memory_space<vmem>>, %arg11: memref<10240x128xf32, #tpu.memory_space<vmem_shared>>, %arg12: memref<!tpu.dma_semaphore, #tpu.memory_space<semaphore_mem>>, %arg13: memref<!tpu.dma_semaphore, #tpu.memory_space<semaphore_mem>>) attributes {dimension_semantics = [#tpu.dimension_semantics<core_parallel>, #tpu.dimension_semantics<subcore_parallel>], iteration_bounds = array<i64: 2, 16>, scalar_prefetch = 0 : i64, scratch_operands = 7 : i64, tpu.core_type = #tpu.core_type<sc_vector_subcore>, window_params = [{transform_indices = #map}, {transform_indices = #map}, {transform_indices = #map1}, {transform_indices = #map1}, {transform_indices = #map1}]} {
    %mul3A = arith.constant 2 : i32
    %mul3A_0 = arith.muli %arg1, %mul3A : i32
    %add3A = arith.addi %mul3A_0, %arg0 : i32
    %mul3A_1 = arith.constant 5120 : i32
    %mul3A_2 = arith.muli %add3A, %mul3A_1 : i32
    %scan3A = arith.constant 0 : i32
    %scan3A_3 = arith.constant 0 : i32
    %scan3A_4 = arith.constant 40 : i32
    %scan3A_5 = arith.addi %scan3A_3, %scan3A_4 : i32
    %scan3A_6 = arith.constant 1 : i32
    %scan3A_7 = scf.for %scan3A_224 = %scan3A_3 to %scan3A_5 step %scan3A_6 iter_args(%scan3A_225 = %scan3A) -> (i32)  : i32 {
      %mul3A_226 = arith.constant 128 : i32
      %mul3A_227 = arith.muli %scan3A_224, %mul3A_226 : i32
      %add3A_228 = arith.addi %mul3A_2, %mul3A_227 : i32
      "tpu.region"() ({
        %run_scoped3A = tpu.sem_alloc : memref<!tpu.dma_semaphore, #tpu.memory_space<semaphore_mem>>
        %dma_start3A_233 = arith.constant 0 : i32
        %dma_start3A_234 = tpu.memref_slice %arg7[%scan3A_224, %dma_start3A_233] : memref<40x128xi32, #tpu.memory_space<vmem>> -> memref<1x128xi32, #tpu.memory_space<vmem>>
        %dma_start3A_235 = tpu.memref_squeeze %dma_start3A_234 : memref<1x128xi32, #tpu.memory_space<vmem>> -> memref<128xi32, #tpu.memory_space<vmem>>
        %dma_start3A_236 = tpu.memref_slice %arg2[%add3A_228] : memref<163840xi32, #tpu.memory_space<hbm>> -> memref<128xi32, #tpu.memory_space<hbm>>
        %dma_start3A_237 = arith.constant 0 : i32
        %dma_start3A_238 = tpu.memref_slice %arg7[%scan3A_224, %dma_start3A_237] : memref<40x128xi32, #tpu.memory_space<vmem>> -> memref<1x128xi32, #tpu.memory_space<vmem>>
        %dma_start3A_239 = tpu.memref_squeeze %dma_start3A_238 : memref<1x128xi32, #tpu.memory_space<vmem>> -> memref<128xi32, #tpu.memory_space<vmem>>
        %dma_start3A_240 = tpu.memref_slice %arg2[%add3A_228] : memref<163840xi32, #tpu.memory_space<hbm>> -> memref<128xi32, #tpu.memory_space<hbm>>
        tpu.enqueue_dma source(%dma_start3A_240 : memref<128xi32, #tpu.memory_space<hbm>>) target(%dma_start3A_239 : memref<128xi32, #tpu.memory_space<vmem>>) target_semaphore(%run_scoped3A : memref<!tpu.dma_semaphore, #tpu.memory_space<semaphore_mem>>)
        %dma_wait3A = arith.constant 0 : i32
        %dma_wait3A_241 = tpu.memref_slice %arg7[%scan3A_224, %dma_wait3A] : memref<40x128xi32, #tpu.memory_space<vmem>> -> memref<1x128xi32, #tpu.memory_space<vmem>>
        %dma_wait3A_242 = tpu.memref_squeeze %dma_wait3A_241 : memref<1x128xi32, #tpu.memory_space<vmem>> -> memref<128xi32, #tpu.memory_space<vmem>>
        %dma_wait3A_243 = tpu.memref_slice %arg2[%add3A_228] : memref<163840xi32, #tpu.memory_space<hbm>> -> memref<128xi32, #tpu.memory_space<hbm>>
        %dma_wait3A_244 = arith.constant 0 : i32
        %dma_wait3A_245 = tpu.memref_slice %arg7[%scan3A_224, %dma_wait3A_244] : memref<40x128xi32, #tpu.memory_space<vmem>> -> memref<1x128xi32, #tpu.memory_space<vmem>>
        %dma_wait3A_246 = tpu.memref_squeeze %dma_wait3A_245 : memref<1x128xi32, #tpu.memory_space<vmem>> -> memref<128xi32, #tpu.memory_space<vmem>>
        %dma_wait3A_247 = tpu.memref_slice %arg2[%add3A_228] : memref<163840xi32, #tpu.memory_space<hbm>> -> memref<128xi32, #tpu.memory_space<hbm>>
        tpu.wait_dma2 semaphore(%run_scoped3A : memref<!tpu.dma_semaphore, #tpu.memory_space<semaphore_mem>>) src(%dma_wait3A_247 : memref<128xi32, #tpu.memory_space<hbm>>) dst(%dma_wait3A_246 : memref<128xi32, #tpu.memory_space<vmem>>)
        tpu.yield
      }) : () -> ()
      %mul3A_229 = arith.constant 128 : i32
      %mul3A_230 = arith.muli %scan3A_224, %mul3A_229 : i32
      %add3A_231 = arith.addi %mul3A_2, %mul3A_230 : i32
      "tpu.region"() ({
        %run_scoped3A = tpu.sem_alloc : memref<!tpu.dma_semaphore, #tpu.memory_space<semaphore_mem>>
        %dma_start3A_233 = arith.constant 0 : i32
        %dma_start3A_234 = tpu.memref_slice %arg8[%scan3A_224, %dma_start3A_233] : memref<40x128xi32, #tpu.memory_space<vmem>> -> memref<1x128xi32, #tpu.memory_space<vmem>>
        %dma_start3A_235 = tpu.memref_squeeze %dma_start3A_234 : memref<1x128xi32, #tpu.memory_space<vmem>> -> memref<128xi32, #tpu.memory_space<vmem>>
        %dma_start3A_236 = tpu.memref_slice %arg3[%add3A_231] : memref<163840xi32, #tpu.memory_space<hbm>> -> memref<128xi32, #tpu.memory_space<hbm>>
        %dma_start3A_237 = arith.constant 0 : i32
        %dma_start3A_238 = tpu.memref_slice %arg8[%scan3A_224, %dma_start3A_237] : memref<40x128xi32, #tpu.memory_space<vmem>> -> memref<1x128xi32, #tpu.memory_space<vmem>>
        %dma_start3A_239 = tpu.memref_squeeze %dma_start3A_238 : memref<1x128xi32, #tpu.memory_space<vmem>> -> memref<128xi32, #tpu.memory_space<vmem>>
        %dma_start3A_240 = tpu.memref_slice %arg3[%add3A_231] : memref<163840xi32, #tpu.memory_space<hbm>> -> memref<128xi32, #tpu.memory_space<hbm>>
        tpu.enqueue_dma source(%dma_start3A_240 : memref<128xi32, #tpu.memory_space<hbm>>) target(%dma_start3A_239 : memref<128xi32, #tpu.memory_space<vmem>>) target_semaphore(%run_scoped3A : memref<!tpu.dma_semaphore, #tpu.memory_space<semaphore_mem>>)
        %dma_wait3A = arith.constant 0 : i32
        %dma_wait3A_241 = tpu.memref_slice %arg8[%scan3A_224, %dma_wait3A] : memref<40x128xi32, #tpu.memory_space<vmem>> -> memref<1x128xi32, #tpu.memory_space<vmem>>
        %dma_wait3A_242 = tpu.memref_squeeze %dma_wait3A_241 : memref<1x128xi32, #tpu.memory_space<vmem>> -> memref<128xi32, #tpu.memory_space<vmem>>
        %dma_wait3A_243 = tpu.memref_slice %arg3[%add3A_231] : memref<163840xi32, #tpu.memory_space<hbm>> -> memref<128xi32, #tpu.memory_space<hbm>>
        %dma_wait3A_244 = arith.constant 0 : i32
        %dma_wait3A_245 = tpu.memref_slice %arg8[%scan3A_224, %dma_wait3A_244] : memref<40x128xi32, #tpu.memory_space<vmem>> -> memref<1x128xi32, #tpu.memory_space<vmem>>
        %dma_wait3A_246 = tpu.memref_squeeze %dma_wait3A_245 : memref<1x128xi32, #tpu.memory_space<vmem>> -> memref<128xi32, #tpu.memory_space<vmem>>
        %dma_wait3A_247 = tpu.memref_slice %arg3[%add3A_231] : memref<163840xi32, #tpu.memory_space<hbm>> -> memref<128xi32, #tpu.memory_space<hbm>>
        tpu.wait_dma2 semaphore(%run_scoped3A : memref<!tpu.dma_semaphore, #tpu.memory_space<semaphore_mem>>) src(%dma_wait3A_247 : memref<128xi32, #tpu.memory_space<hbm>>) dst(%dma_wait3A_246 : memref<128xi32, #tpu.memory_space<vmem>>)
        tpu.yield
      }) : () -> ()
      %scan3A_232 = arith.constant 0 : i32
      scf.yield %scan3A_232 : i32
    }
    %scan3A_8 = arith.constant 40 : i32
    %scan3A_9 = arith.constant 0 : i32
    %scan3A_10 = arith.constant 0 : i32
    %scan3A_11 = arith.constant 128 : i32
    %scan3A_12 = arith.addi %scan3A_10, %scan3A_11 : i32
    %scan3A_13 = arith.constant 1 : i32
    %scan3A_14 = scf.for %scan3A_224 = %scan3A_10 to %scan3A_12 step %scan3A_13 iter_args(%scan3A_225 = %scan3A_9) -> (i32)  : i32 {
      %broadcast_in_dim3A = arith.constant 0.000000e+00 : f32
      %broadcast_in_dim3A_226 = vector.broadcast %broadcast_in_dim3A : f32 to vector<16xf32>
      %swap3A = arith.index_cast %scan3A_224 : i32 to index
      %swap3A_227 = arith.constant 0 : index
      %swap3A_228 = tpu.vector_load %arg9[%swap3A, %swap3A_227] {strides = array<i32>} : memref<128x128xf32, #tpu.memory_space<vmem>>, vector<1x16xf32>,
      %swap3A_229 = vector.shape_cast %swap3A_228 : vector<1x16xf32> to vector<16xf32>
      %swap3A_230 = vector.shape_cast %broadcast_in_dim3A_226 : vector<16xf32> to vector<1x16xf32>
      tpu.vector_store %arg9[%swap3A, %swap3A_227], %swap3A_230 {strides = array<i32>} : memref<128x128xf32, #tpu.memory_space<vmem>>, vector<1x16xf32>,
      %broadcast_in_dim3A_231 = arith.constant 0.000000e+00 : f32
      %broadcast_in_dim3A_232 = vector.broadcast %broadcast_in_dim3A_231 : f32 to vector<16xf32>
      %swap3A_233 = arith.index_cast %scan3A_224 : i32 to index
      %swap3A_234 = arith.constant 16 : index
      %swap3A_235 = tpu.vector_load %arg9[%swap3A_233, %swap3A_234] {strides = array<i32>} : memref<128x128xf32, #tpu.memory_space<vmem>>, vector<1x16xf32>,
      %swap3A_236 = vector.shape_cast %swap3A_235 : vector<1x16xf32> to vector<16xf32>
      %swap3A_237 = vector.shape_cast %broadcast_in_dim3A_232 : vector<16xf32> to vector<1x16xf32>
      tpu.vector_store %arg9[%swap3A_233, %swap3A_234], %swap3A_237 {strides = array<i32>} : memref<128x128xf32, #tpu.memory_space<vmem>>, vector<1x16xf32>,
      %broadcast_in_dim3A_238 = arith.constant 0.000000e+00 : f32
      %broadcast_in_dim3A_239 = vector.broadcast %broadcast_in_dim3A_238 : f32 to vector<16xf32>
      %swap3A_240 = arith.index_cast %scan3A_224 : i32 to index
      %swap3A_241 = arith.constant 32 : index
      %swap3A_242 = tpu.vector_load %arg9[%swap3A_240, %swap3A_241] {strides = array<i32>} : memref<128x128xf32, #tpu.memory_space<vmem>>, vector<1x16xf32>,
      %swap3A_243 = vector.shape_cast %swap3A_242 : vector<1x16xf32> to vector<16xf32>
      %swap3A_244 = vector.shape_cast %broadcast_in_dim3A_239 : vector<16xf32> to vector<1x16xf32>
      tpu.vector_store %arg9[%swap3A_240, %swap3A_241], %swap3A_244 {strides = array<i32>} : memref<128x128xf32, #tpu.memory_space<vmem>>, vector<1x16xf32>,
      %broadcast_in_dim3A_245 = arith.constant 0.000000e+00 : f32
      %broadcast_in_dim3A_246 = vector.broadcast %broadcast_in_dim3A_245 : f32 to vector<16xf32>
      %swap3A_247 = arith.index_cast %scan3A_224 : i32 to index
      %swap3A_248 = arith.constant 48 : index
      %swap3A_249 = tpu.vector_load %arg9[%swap3A_247, %swap3A_248] {strides = array<i32>} : memref<128x128xf32, #tpu.memory_space<vmem>>, vector<1x16xf32>,
      %swap3A_250 = vector.shape_cast %swap3A_249 : vector<1x16xf32> to vector<16xf32>
      %swap3A_251 = vector.shape_cast %broadcast_in_dim3A_246 : vector<16xf32> to vector<1x16xf32>
      tpu.vector_store %arg9[%swap3A_247, %swap3A_248], %swap3A_251 {strides = array<i32>} : memref<128x128xf32, #tpu.memory_space<vmem>>, vector<1x16xf32>,
      %broadcast_in_dim3A_252 = arith.constant 0.000000e+00 : f32
      %broadcast_in_dim3A_253 = vector.broadcast %broadcast_in_dim3A_252 : f32 to vector<16xf32>
      %swap3A_254 = arith.index_cast %scan3A_224 : i32 to index
      %swap3A_255 = arith.constant 64 : index
      %swap3A_256 = tpu.vector_load %arg9[%swap3A_254, %swap3A_255] {strides = array<i32>} : memref<128x128xf32, #tpu.memory_space<vmem>>, vector<1x16xf32>,
      %swap3A_257 = vector.shape_cast %swap3A_256 : vector<1x16xf32> to vector<16xf32>
      %swap3A_258 = vector.shape_cast %broadcast_in_dim3A_253 : vector<16xf32> to vector<1x16xf32>
      tpu.vector_store %arg9[%swap3A_254, %swap3A_255], %swap3A_258 {strides = array<i32>} : memref<128x128xf32, #tpu.memory_space<vmem>>, vector<1x16xf32>,
      %broadcast_in_dim3A_259 = arith.constant 0.000000e+00 : f32
      %broadcast_in_dim3A_260 = vector.broadcast %broadcast_in_dim3A_259 : f32 to vector<16xf32>
      %swap3A_261 = arith.index_cast %scan3A_224 : i32 to index
      %swap3A_262 = arith.constant 80 : index
      %swap3A_263 = tpu.vector_load %arg9[%swap3A_261, %swap3A_262] {strides = array<i32>} : memref<128x128xf32, #tpu.memory_space<vmem>>, vector<1x16xf32>,
      %swap3A_264 = vector.shape_cast %swap3A_263 : vector<1x16xf32> to vector<16xf32>
      %swap3A_265 = vector.shape_cast %broadcast_in_dim3A_260 : vector<16xf32> to vector<1x16xf32>
      tpu.vector_store %arg9[%swap3A_261, %swap3A_262], %swap3A_265 {strides = array<i32>} : memref<128x128xf32, #tpu.memory_space<vmem>>, vector<1x16xf32>,
      %broadcast_in_dim3A_266 = arith.constant 0.000000e+00 : f32
      %broadcast_in_dim3A_267 = vector.broadcast %broadcast_in_dim3A_266 : f32 to vector<16xf32>
      %swap3A_268 = arith.index_cast %scan3A_224 : i32 to index
      %swap3A_269 = arith.constant 96 : index
      %swap3A_270 = tpu.vector_load %arg9[%swap3A_268, %swap3A_269] {strides = array<i32>} : memref<128x128xf32, #tpu.memory_space<vmem>>, vector<1x16xf32>,
      %swap3A_271 = vector.shape_cast %swap3A_270 : vector<1x16xf32> to vector<16xf32>
      %swap3A_272 = vector.shape_cast %broadcast_in_dim3A_267 : vector<16xf32> to vector<1x16xf32>
      tpu.vector_store %arg9[%swap3A_268, %swap3A_269], %swap3A_272 {strides = array<i32>} : memref<128x128xf32, #tpu.memory_space<vmem>>, vector<1x16xf32>,
      %broadcast_in_dim3A_273 = arith.constant 0.000000e+00 : f32
      %broadcast_in_dim3A_274 = vector.broadcast %broadcast_in_dim3A_273 : f32 to vector<16xf32>
      %swap3A_275 = arith.index_cast %scan3A_224 : i32 to index
      %swap3A_276 = arith.constant 112 : index
      %swap3A_277 = tpu.vector_load %arg9[%swap3A_275, %swap3A_276] {strides = array<i32>} : memref<128x128xf32, #tpu.memory_space<vmem>>, vector<1x16xf32>,
      %swap3A_278 = vector.shape_cast %swap3A_277 : vector<1x16xf32> to vector<16xf32>
      %swap3A_279 = vector.shape_cast %broadcast_in_dim3A_274 : vector<16xf32> to vector<1x16xf32>
      tpu.vector_store %arg9[%swap3A_275, %swap3A_276], %swap3A_279 {strides = array<i32>} : memref<128x128xf32, #tpu.memory_space<vmem>>, vector<1x16xf32>,
      %scan3A_280 = arith.constant 0 : i32
      scf.yield %scan3A_280 : i32
    }
    %scan3A_15 = arith.constant 128 : i32
    %mul3A_16 = arith.constant 640 : i32
    %mul3A_17 = arith.muli %arg1, %mul3A_16 : i32
    %add3A_18 = arith.constant 0 : i32
    %add3A_19 = arith.addi %mul3A_17, %add3A_18 : i32
    "tpu.region"() ({
      %run_scoped3A = tpu.sem_alloc : memref<!tpu.dma_semaphore, #tpu.memory_space<semaphore_mem>>
      %dma_start3A_224 = arith.constant 0 : i32
      %dma_start3A_225 = tpu.memref_slice %arg11[%add3A_19, %dma_start3A_224] : memref<10240x128xf32, #tpu.memory_space<vmem_shared>> -> memref<128x128xf32, #tpu.memory_space<vmem_shared>>
      %dma_start3A_226 = arith.constant 0 : i32
      %dma_start3A_227 = tpu.memref_slice %arg11[%add3A_19, %dma_start3A_226] : memref<10240x128xf32, #tpu.memory_space<vmem_shared>> -> memref<128x128xf32, #tpu.memory_space<vmem_shared>>
      tpu.enqueue_dma source(%arg9 : memref<128x128xf32, #tpu.memory_space<vmem>>) target(%dma_start3A_227 : memref<128x128xf32, #tpu.memory_space<vmem_shared>>) target_semaphore(%run_scoped3A : memref<!tpu.dma_semaphore, #tpu.memory_space<semaphore_mem>>)
      %dma_wait3A = arith.constant 0 : i32
      %dma_wait3A_228 = tpu.memref_slice %arg11[%add3A_19, %dma_wait3A] : memref<10240x128xf32, #tpu.memory_space<vmem_shared>> -> memref<128x128xf32, #tpu.memory_space<vmem_shared>>
      %dma_wait3A_229 = arith.constant 0 : i32
      %dma_wait3A_230 = tpu.memref_slice %arg11[%add3A_19, %dma_wait3A_229] : memref<10240x128xf32, #tpu.memory_space<vmem_shared>> -> memref<128x128xf32, #tpu.memory_space<vmem_shared>>
      tpu.wait_dma2 semaphore(%run_scoped3A : memref<!tpu.dma_semaphore, #tpu.memory_space<semaphore_mem>>) src(%arg9 : memref<128x128xf32, #tpu.memory_space<vmem>>) dst(%dma_wait3A_230 : memref<128x128xf32, #tpu.memory_space<vmem_shared>>)
      tpu.yield
    }) : () -> ()
    %mul3A_20 = arith.constant 640 : i32
    %mul3A_21 = arith.muli %arg1, %mul3A_20 : i32
    %add3A_22 = arith.constant 128 : i32
    %add3A_23 = arith.addi %mul3A_21, %add3A_22 : i32
    "tpu.region"() ({
      %run_scoped3A = tpu.sem_alloc : memref<!tpu.dma_semaphore, #tpu.memory_space<semaphore_mem>>
      %dma_start3A_224 = arith.constant 0 : i32
      %dma_start3A_225 = tpu.memref_slice %arg11[%add3A_23, %dma_start3A_224] : memref<10240x128xf32, #tpu.memory_space<vmem_shared>> -> memref<128x128xf32, #tpu.memory_space<vmem_shared>>
      %dma_start3A_226 = arith.constant 0 : i32
      %dma_start3A_227 = tpu.memref_slice %arg11[%add3A_23, %dma_start3A_226] : memref<10240x128xf32, #tpu.memory_space<vmem_shared>> -> memref<128x128xf32, #tpu.memory_space<vmem_shared>>
      tpu.enqueue_dma source(%arg9 : memref<128x128xf32, #tpu.memory_space<vmem>>) target(%dma_start3A_227 : memref<128x128xf32, #tpu.memory_space<vmem_shared>>) target_semaphore(%run_scoped3A : memref<!tpu.dma_semaphore, #tpu.memory_space<semaphore_mem>>)
      %dma_wait3A = arith.constant 0 : i32
      %dma_wait3A_228 = tpu.memref_slice %arg11[%add3A_23, %dma_wait3A] : memref<10240x128xf32, #tpu.memory_space<vmem_shared>> -> memref<128x128xf32, #tpu.memory_space<vmem_shared>>
      %dma_wait3A_229 = arith.constant 0 : i32
      %dma_wait3A_230 = tpu.memref_slice %arg11[%add3A_23, %dma_wait3A_229] : memref<10240x128xf32, #tpu.memory_space<vmem_shared>> -> memref<128x128xf32, #tpu.memory_space<vmem_shared>>
      tpu.wait_dma2 semaphore(%run_scoped3A : memref<!tpu.dma_semaphore, #tpu.memory_space<semaphore_mem>>) src(%arg9 : memref<128x128xf32, #tpu.memory_space<vmem>>) dst(%dma_wait3A_230 : memref<128x128xf32, #tpu.memory_space<vmem_shared>>)
      tpu.yield
    }) : () -> ()
    %mul3A_24 = arith.constant 640 : i32
    %mul3A_25 = arith.muli %arg1, %mul3A_24 : i32
    %add3A_26 = arith.constant 256 : i32
    %add3A_27 = arith.addi %mul3A_25, %add3A_26 : i32
    "tpu.region"() ({
      %run_scoped3A = tpu.sem_alloc : memref<!tpu.dma_semaphore, #tpu.memory_space<semaphore_mem>>
      %dma_start3A_224 = arith.constant 0 : i32
      %dma_start3A_225 = tpu.memref_slice %arg11[%add3A_27, %dma_start3A_224] : memref<10240x128xf32, #tpu.memory_space<vmem_shared>> -> memref<128x128xf32, #tpu.memory_space<vmem_shared>>
      %dma_start3A_226 = arith.constant 0 : i32
      %dma_start3A_227 = tpu.memref_slice %arg11[%add3A_27, %dma_start3A_226] : memref<10240x128xf32, #tpu.memory_space<vmem_shared>> -> memref<128x128xf32, #tpu.memory_space<vmem_shared>>
      tpu.enqueue_dma source(%arg9 : memref<128x128xf32, #tpu.memory_space<vmem>>) target(%dma_start3A_227 : memref<128x128xf32, #tpu.memory_space<vmem_shared>>) target_semaphore(%run_scoped3A : memref<!tpu.dma_semaphore, #tpu.memory_space<semaphore_mem>>)
      %dma_wait3A = arith.constant 0 : i32
      %dma_wait3A_228 = tpu.memref_slice %arg11[%add3A_27, %dma_wait3A] : memref<10240x128xf32, #tpu.memory_space<vmem_shared>> -> memref<128x128xf32, #tpu.memory_space<vmem_shared>>
      %dma_wait3A_229 = arith.constant 0 : i32
      %dma_wait3A_230 = tpu.memref_slice %arg11[%add3A_27, %dma_wait3A_229] : memref<10240x128xf32, #tpu.memory_space<vmem_shared>> -> memref<128x128xf32, #tpu.memory_space<vmem_shared>>
      tpu.wait_dma2 semaphore(%run_scoped3A : memref<!tpu.dma_semaphore, #tpu.memory_space<semaphore_mem>>) src(%arg9 : memref<128x128xf32, #tpu.memory_space<vmem>>) dst(%dma_wait3A_230 : memref<128x128xf32, #tpu.memory_space<vmem_shared>>)
      tpu.yield
    }) : () -> ()
    %mul3A_28 = arith.constant 640 : i32
    %mul3A_29 = arith.muli %arg1, %mul3A_28 : i32
    %add3A_30 = arith.constant 384 : i32
    %add3A_31 = arith.addi %mul3A_29, %add3A_30 : i32
    "tpu.region"() ({
      %run_scoped3A = tpu.sem_alloc : memref<!tpu.dma_semaphore, #tpu.memory_space<semaphore_mem>>
      %dma_start3A_224 = arith.constant 0 : i32
      %dma_start3A_225 = tpu.memref_slice %arg11[%add3A_31, %dma_start3A_224] : memref<10240x128xf32, #tpu.memory_space<vmem_shared>> -> memref<128x128xf32, #tpu.memory_space<vmem_shared>>
      %dma_start3A_226 = arith.constant 0 : i32
      %dma_start3A_227 = tpu.memref_slice %arg11[%add3A_31, %dma_start3A_226] : memref<10240x128xf32, #tpu.memory_space<vmem_shared>> -> memref<128x128xf32, #tpu.memory_space<vmem_shared>>
      tpu.enqueue_dma source(%arg9 : memref<128x128xf32, #tpu.memory_space<vmem>>) target(%dma_start3A_227 : memref<128x128xf32, #tpu.memory_space<vmem_shared>>) target_semaphore(%run_scoped3A : memref<!tpu.dma_semaphore, #tpu.memory_space<semaphore_mem>>)
      %dma_wait3A = arith.constant 0 : i32
      %dma_wait3A_228 = tpu.memref_slice %arg11[%add3A_31, %dma_wait3A] : memref<10240x128xf32, #tpu.memory_space<vmem_shared>> -> memref<128x128xf32, #tpu.memory_space<vmem_shared>>
      %dma_wait3A_229 = arith.constant 0 : i32
      %dma_wait3A_230 = tpu.memref_slice %arg11[%add3A_31, %dma_wait3A_229] : memref<10240x128xf32, #tpu.memory_space<vmem_shared>> -> memref<128x128xf32, #tpu.memory_space<vmem_shared>>
      tpu.wait_dma2 semaphore(%run_scoped3A : memref<!tpu.dma_semaphore, #tpu.memory_space<semaphore_mem>>) src(%arg9 : memref<128x128xf32, #tpu.memory_space<vmem>>) dst(%dma_wait3A_230 : memref<128x128xf32, #tpu.memory_space<vmem_shared>>)
      tpu.yield
    }) : () -> ()
    %mul3A_32 = arith.constant 640 : i32
    %mul3A_33 = arith.muli %arg1, %mul3A_32 : i32
    %add3A_34 = arith.constant 512 : i32
    %add3A_35 = arith.addi %mul3A_33, %add3A_34 : i32
    "tpu.region"() ({
      %run_scoped3A = tpu.sem_alloc : memref<!tpu.dma_semaphore, #tpu.memory_space<semaphore_mem>>
      %dma_start3A_224 = arith.constant 0 : i32
      %dma_start3A_225 = tpu.memref_slice %arg11[%add3A_35, %dma_start3A_224] : memref<10240x128xf32, #tpu.memory_space<vmem_shared>> -> memref<128x128xf32, #tpu.memory_space<vmem_shared>>
      %dma_start3A_226 = arith.constant 0 : i32
      %dma_start3A_227 = tpu.memref_slice %arg11[%add3A_35, %dma_start3A_226] : memref<10240x128xf32, #tpu.memory_space<vmem_shared>> -> memref<128x128xf32, #tpu.memory_space<vmem_shared>>
      tpu.enqueue_dma source(%arg9 : memref<128x128xf32, #tpu.memory_space<vmem>>) target(%dma_start3A_227 : memref<128x128xf32, #tpu.memory_space<vmem_shared>>) target_semaphore(%run_scoped3A : memref<!tpu.dma_semaphore, #tpu.memory_space<semaphore_mem>>)
      %dma_wait3A = arith.constant 0 : i32
      %dma_wait3A_228 = tpu.memref_slice %arg11[%add3A_35, %dma_wait3A] : memref<10240x128xf32, #tpu.memory_space<vmem_shared>> -> memref<128x128xf32, #tpu.memory_space<vmem_shared>>
      %dma_wait3A_229 = arith.constant 0 : i32
      %dma_wait3A_230 = tpu.memref_slice %arg11[%add3A_35, %dma_wait3A_229] : memref<10240x128xf32, #tpu.memory_space<vmem_shared>> -> memref<128x128xf32, #tpu.memory_space<vmem_shared>>
      tpu.wait_dma2 semaphore(%run_scoped3A : memref<!tpu.dma_semaphore, #tpu.memory_space<semaphore_mem>>) src(%arg9 : memref<128x128xf32, #tpu.memory_space<vmem>>) dst(%dma_wait3A_230 : memref<128x128xf32, #tpu.memory_space<vmem_shared>>)
      tpu.yield
    }) : () -> ()
    %barrier3A = arith.constant 0 : index
    tpu.barrier barrier_id(%barrier3A)
    %dma_start3A = arith.constant 0 : i32
    %dma_start3A_36 = arith.constant 0 : i32
    %dma_start3A_37 = tpu.memref_slice %arg7[%dma_start3A, %dma_start3A_36] : memref<40x128xi32, #tpu.memory_space<vmem>> -> memref<1x128xi32, #tpu.memory_space<vmem>>
    %dma_start3A_38 = tpu.memref_squeeze %dma_start3A_37 : memref<1x128xi32, #tpu.memory_space<vmem>> -> memref<128xi32, #tpu.memory_space<vmem>>
    %dma_start3A_39 = arith.constant 0 : i32
    %dma_start3A_40 = arith.constant 0 : i32
    %dma_start3A_41 = tpu.memref_slice %arg4[%dma_start3A_39, %dma_start3A_40] : memref<10240x128xf32, #tpu.memory_space<hbm>> -> memref<10240x128xf32, #tpu.memory_space<hbm>>
    tpu.enqueue_indirect_dma source(%dma_start3A_41 : memref<10240x128xf32, #tpu.memory_space<hbm>>) target(%arg9 : memref<128x128xf32, #tpu.memory_space<vmem>>) offsets(%dma_start3A_38 : memref<128xi32, #tpu.memory_space<vmem>>) semaphore(%arg12 : memref<!tpu.dma_semaphore, #tpu.memory_space<semaphore_mem>>)
    %scan3A_42 = arith.constant 0 : i32
    %scan3A_43 = arith.constant 0 : i32
    %scan3A_44 = arith.constant 20 : i32
    %scan3A_45 = arith.addi %scan3A_43, %scan3A_44 : i32
    %scan3A_46 = arith.constant 1 : i32
    %scan3A_47 = scf.for %scan3A_224 = %scan3A_43 to %scan3A_45 step %scan3A_46 iter_args(%scan3A_225 = %scan3A_42) -> (i32)  : i32 {
      %mul3A_226 = arith.constant 2 : i32
      %mul3A_227 = arith.muli %mul3A_226, %scan3A_224 : i32
      %add3A_228 = arith.constant 1 : i32
      %add3A_229 = arith.addi %mul3A_227, %add3A_228 : i32
      %dma_start3A_230 = arith.constant 0 : i32
      %dma_start3A_231 = tpu.memref_slice %arg7[%add3A_229, %dma_start3A_230] : memref<40x128xi32, #tpu.memory_space<vmem>> -> memref<1x128xi32, #tpu.memory_space<vmem>>
      %dma_start3A_232 = tpu.memref_squeeze %dma_start3A_231 : memref<1x128xi32, #tpu.memory_space<vmem>> -> memref<128xi32, #tpu.memory_space<vmem>>
      %dma_start3A_233 = arith.constant 0 : i32
      %dma_start3A_234 = arith.constant 0 : i32
      %dma_start3A_235 = tpu.memref_slice %arg4[%dma_start3A_233, %dma_start3A_234] : memref<10240x128xf32, #tpu.memory_space<hbm>> -> memref<10240x128xf32, #tpu.memory_space<hbm>>
      tpu.enqueue_indirect_dma source(%dma_start3A_235 : memref<10240x128xf32, #tpu.memory_space<hbm>>) target(%arg10 : memref<128x128xf32, #tpu.memory_space<vmem>>) offsets(%dma_start3A_232 : memref<128xi32, #tpu.memory_space<vmem>>) semaphore(%arg13 : memref<!tpu.dma_semaphore, #tpu.memory_space<semaphore_mem>>)
      %dma_wait3A = arith.constant 0 : i32
      %dma_wait3A_236 = tpu.memref_slice %arg7[%mul3A_227, %dma_wait3A] : memref<40x128xi32, #tpu.memory_space<vmem>> -> memref<1x128xi32, #tpu.memory_space<vmem>>
      %dma_wait3A_237 = tpu.memref_squeeze %dma_wait3A_236 : memref<1x128xi32, #tpu.memory_space<vmem>> -> memref<128xi32, #tpu.memory_space<vmem>>
      %dma_wait3A_238 = arith.constant 0 : i32
      %dma_wait3A_239 = arith.constant 0 : i32
      %dma_wait3A_240 = tpu.memref_slice %arg4[%dma_wait3A_238, %dma_wait3A_239] : memref<10240x128xf32, #tpu.memory_space<hbm>> -> memref<10240x128xf32, #tpu.memory_space<hbm>>
      tpu.wait_indirect_dma semaphore(%arg12 : memref<!tpu.dma_semaphore, #tpu.memory_space<semaphore_mem>>) src(%dma_wait3A_240 : memref<10240x128xf32, #tpu.memory_space<hbm>>) dst(%arg9 : memref<128x128xf32, #tpu.memory_space<vmem>>)
      "tpu.region"() ({
        %run_scoped3A = tpu.sem_alloc : memref<!tpu.dma_semaphore, #tpu.memory_space<semaphore_mem>>
        %dma_start3A_256 = arith.constant 0 : i32
        %dma_start3A_257 = tpu.memref_slice %arg8[%mul3A_227, %dma_start3A_256] : memref<40x128xi32, #tpu.memory_space<vmem>> -> memref<1x128xi32, #tpu.memory_space<vmem>>
        %dma_start3A_258 = tpu.memref_squeeze %dma_start3A_257 : memref<1x128xi32, #tpu.memory_space<vmem>> -> memref<128xi32, #tpu.memory_space<vmem>>
        %dma_start3A_259 = arith.constant 0 : i32
        %dma_start3A_260 = arith.constant 0 : i32
        %dma_start3A_261 = tpu.memref_slice %arg11[%dma_start3A_259, %dma_start3A_260] : memref<10240x128xf32, #tpu.memory_space<vmem_shared>> -> memref<10240x128xf32, #tpu.memory_space<vmem_shared>>
        tpu.enqueue_indirect_dma source(%arg9 : memref<128x128xf32, #tpu.memory_space<vmem>>) target(%dma_start3A_261 : memref<10240x128xf32, #tpu.memory_space<vmem_shared>>) offsets(%dma_start3A_258 : memref<128xi32, #tpu.memory_space<vmem>>) semaphore(%run_scoped3A : memref<!tpu.dma_semaphore, #tpu.memory_space<semaphore_mem>>) {add = true}
        %dma_wait3A_262 = arith.constant 0 : i32
        %dma_wait3A_263 = tpu.memref_slice %arg8[%mul3A_227, %dma_wait3A_262] : memref<40x128xi32, #tpu.memory_space<vmem>> -> memref<1x128xi32, #tpu.memory_space<vmem>>
        %dma_wait3A_264 = tpu.memref_squeeze %dma_wait3A_263 : memref<1x128xi32, #tpu.memory_space<vmem>> -> memref<128xi32, #tpu.memory_space<vmem>>
        %dma_wait3A_265 = arith.constant 0 : i32
        %dma_wait3A_266 = arith.constant 0 : i32
        %dma_wait3A_267 = tpu.memref_slice %arg11[%dma_wait3A_265, %dma_wait3A_266] : memref<10240x128xf32, #tpu.memory_space<vmem_shared>> -> memref<10240x128xf32, #tpu.memory_space<vmem_shared>>
        tpu.wait_indirect_dma semaphore(%run_scoped3A : memref<!tpu.dma_semaphore, #tpu.memory_space<semaphore_mem>>) src(%arg9 : memref<128x128xf32, #tpu.memory_space<vmem>>) dst(%dma_wait3A_267 : memref<10240x128xf32, #tpu.memory_space<vmem_shared>>)
        tpu.yield
      }) : () -> ()
      %add3A_241 = arith.constant 1 : i32
      %add3A_242 = arith.addi %scan3A_224, %add3A_241 : i32
      %lt3A = arith.constant 20 : i32
      %lt3A_243 = arith.cmpi slt, %add3A_242, %lt3A : i32
      %convert_element_type3A = arith.extui %lt3A_243 : i1 to i32
      %cond3A = arith.constant 0 : i32
      %cond3A_244 = arith.cmpi ne, %convert_element_type3A, %cond3A : i32
      scf.if %cond3A_244 {
        %add3A_256 = arith.constant 2 : i32
        %add3A_257 = arith.addi %mul3A_227, %add3A_256 : i32
        %dma_start3A_258 = arith.constant 0 : i32
        %dma_start3A_259 = tpu.memref_slice %arg7[%add3A_257, %dma_start3A_258] : memref<40x128xi32, #tpu.memory_space<vmem>> -> memref<1x128xi32, #tpu.memory_space<vmem>>
        %dma_start3A_260 = tpu.memref_squeeze %dma_start3A_259 : memref<1x128xi32, #tpu.memory_space<vmem>> -> memref<128xi32, #tpu.memory_space<vmem>>
        %dma_start3A_261 = arith.constant 0 : i32
        %dma_start3A_262 = arith.constant 0 : i32
        %dma_start3A_263 = tpu.memref_slice %arg4[%dma_start3A_261, %dma_start3A_262] : memref<10240x128xf32, #tpu.memory_space<hbm>> -> memref<10240x128xf32, #tpu.memory_space<hbm>>
        tpu.enqueue_indirect_dma source(%dma_start3A_263 : memref<10240x128xf32, #tpu.memory_space<hbm>>) target(%arg9 : memref<128x128xf32, #tpu.memory_space<vmem>>) offsets(%dma_start3A_260 : memref<128xi32, #tpu.memory_space<vmem>>) semaphore(%arg12 : memref<!tpu.dma_semaphore, #tpu.memory_space<semaphore_mem>>)
      } else {
      }
      %add3A_245 = arith.constant 1 : i32
      %add3A_246 = arith.addi %mul3A_227, %add3A_245 : i32
      %dma_wait3A_247 = arith.constant 0 : i32
      %dma_wait3A_248 = tpu.memref_slice %arg7[%add3A_246, %dma_wait3A_247] : memref<40x128xi32, #tpu.memory_space<vmem>> -> memref<1x128xi32, #tpu.memory_space<vmem>>
      %dma_wait3A_249 = tpu.memref_squeeze %dma_wait3A_248 : memref<1x128xi32, #tpu.memory_space<vmem>> -> memref<128xi32, #tpu.memory_space<vmem>>
      %dma_wait3A_250 = arith.constant 0 : i32
      %dma_wait3A_251 = arith.constant 0 : i32
      %dma_wait3A_252 = tpu.memref_slice %arg4[%dma_wait3A_250, %dma_wait3A_251] : memref<10240x128xf32, #tpu.memory_space<hbm>> -> memref<10240x128xf32, #tpu.memory_space<hbm>>
      tpu.wait_indirect_dma semaphore(%arg13 : memref<!tpu.dma_semaphore, #tpu.memory_space<semaphore_mem>>) src(%dma_wait3A_252 : memref<10240x128xf32, #tpu.memory_space<hbm>>) dst(%arg10 : memref<128x128xf32, #tpu.memory_space<vmem>>)
      %add3A_253 = arith.constant 1 : i32
      %add3A_254 = arith.addi %mul3A_227, %add3A_253 : i32
      "tpu.region"() ({
        %run_scoped3A = tpu.sem_alloc : memref<!tpu.dma_semaphore, #tpu.memory_space<semaphore_mem>>
        %dma_start3A_256 = arith.constant 0 : i32
        %dma_start3A_257 = tpu.memref_slice %arg8[%add3A_254, %dma_start3A_256] : memref<40x128xi32, #tpu.memory_space<vmem>> -> memref<1x128xi32, #tpu.memory_space<vmem>>
        %dma_start3A_258 = tpu.memref_squeeze %dma_start3A_257 : memref<1x128xi32, #tpu.memory_space<vmem>> -> memref<128xi32, #tpu.memory_space<vmem>>
        %dma_start3A_259 = arith.constant 0 : i32
        %dma_start3A_260 = arith.constant 0 : i32
        %dma_start3A_261 = tpu.memref_slice %arg11[%dma_start3A_259, %dma_start3A_260] : memref<10240x128xf32, #tpu.memory_space<vmem_shared>> -> memref<10240x128xf32, #tpu.memory_space<vmem_shared>>
        tpu.enqueue_indirect_dma source(%arg10 : memref<128x128xf32, #tpu.memory_space<vmem>>) target(%dma_start3A_261 : memref<10240x128xf32, #tpu.memory_space<vmem_shared>>) offsets(%dma_start3A_258 : memref<128xi32, #tpu.memory_space<vmem>>) semaphore(%run_scoped3A : memref<!tpu.dma_semaphore, #tpu.memory_space<semaphore_mem>>) {add = true}
        %dma_wait3A_262 = arith.constant 0 : i32
        %dma_wait3A_263 = tpu.memref_slice %arg8[%add3A_254, %dma_wait3A_262] : memref<40x128xi32, #tpu.memory_space<vmem>> -> memref<1x128xi32, #tpu.memory_space<vmem>>
        %dma_wait3A_264 = tpu.memref_squeeze %dma_wait3A_263 : memref<1x128xi32, #tpu.memory_space<vmem>> -> memref<128xi32, #tpu.memory_space<vmem>>
        %dma_wait3A_265 = arith.constant 0 : i32
        %dma_wait3A_266 = arith.constant 0 : i32
        %dma_wait3A_267 = tpu.memref_slice %arg11[%dma_wait3A_265, %dma_wait3A_266] : memref<10240x128xf32, #tpu.memory_space<vmem_shared>> -> memref<10240x128xf32, #tpu.memory_space<vmem_shared>>
        tpu.wait_indirect_dma semaphore(%run_scoped3A : memref<!tpu.dma_semaphore, #tpu.memory_space<semaphore_mem>>) src(%arg10 : memref<128x128xf32, #tpu.memory_space<vmem>>) dst(%dma_wait3A_267 : memref<10240x128xf32, #tpu.memory_space<vmem_shared>>)
        tpu.yield
      }) : () -> ()
      %scan3A_255 = arith.constant 0 : i32
      scf.yield %scan3A_255 : i32
    }
    %scan3A_48 = arith.constant 20 : i32
    %barrier3A_49 = arith.constant 0 : index
    tpu.barrier barrier_id(%barrier3A_49)
    %mul3A_50 = arith.constant 640 : i32
    %mul3A_51 = arith.muli %arg1, %mul3A_50 : i32
    %add3A_52 = arith.constant 0 : i32
    %add3A_53 = arith.addi %mul3A_51, %add3A_52 : i32
    "tpu.region"() ({
      %run_scoped3A = tpu.sem_alloc : memref<!tpu.dma_semaphore, #tpu.memory_space<semaphore_mem>>
      %dma_start3A_224 = arith.constant 0 : i32
      %dma_start3A_225 = tpu.memref_slice %arg11[%add3A_53, %dma_start3A_224] : memref<10240x128xf32, #tpu.memory_space<vmem_shared>> -> memref<128x128xf32, #tpu.memory_space<vmem_shared>>
      %dma_start3A_226 = arith.constant 0 : i32
      %dma_start3A_227 = tpu.memref_slice %arg11[%add3A_53, %dma_start3A_226] : memref<10240x128xf32, #tpu.memory_space<vmem_shared>> -> memref<128x128xf32, #tpu.memory_space<vmem_shared>>
      tpu.enqueue_dma source(%dma_start3A_227 : memref<128x128xf32, #tpu.memory_space<vmem_shared>>) target(%arg9 : memref<128x128xf32, #tpu.memory_space<vmem>>) target_semaphore(%run_scoped3A : memref<!tpu.dma_semaphore, #tpu.memory_space<semaphore_mem>>)
      %dma_wait3A = arith.constant 0 : i32
      %dma_wait3A_228 = tpu.memref_slice %arg11[%add3A_53, %dma_wait3A] : memref<10240x128xf32, #tpu.memory_space<vmem_shared>> -> memref<128x128xf32, #tpu.memory_space<vmem_shared>>
      %dma_wait3A_229 = arith.constant 0 : i32
      %dma_wait3A_230 = tpu.memref_slice %arg11[%add3A_53, %dma_wait3A_229] : memref<10240x128xf32, #tpu.memory_space<vmem_shared>> -> memref<128x128xf32, #tpu.memory_space<vmem_shared>>
      tpu.wait_dma2 semaphore(%run_scoped3A : memref<!tpu.dma_semaphore, #tpu.memory_space<semaphore_mem>>) src(%dma_wait3A_230 : memref<128x128xf32, #tpu.memory_space<vmem_shared>>) dst(%arg9 : memref<128x128xf32, #tpu.memory_space<vmem>>)
      tpu.yield
    }) : () -> ()
    %mul3A_54 = arith.constant 10240 : i32
    %mul3A_55 = arith.muli %arg0, %mul3A_54 : i32
    %add3A_56 = arith.constant 0 : i32
    %add3A_57 = arith.addi %add3A_56, %mul3A_55 : i32
    %mul3A_58 = arith.constant 640 : i32
    %mul3A_59 = arith.muli %arg1, %mul3A_58 : i32
    %add3A_60 = arith.addi %add3A_57, %mul3A_59 : i32
    %add3A_61 = arith.constant 0 : i32
    %add3A_62 = arith.addi %add3A_60, %add3A_61 : i32
    "tpu.region"() ({
      %run_scoped3A = tpu.sem_alloc : memref<!tpu.dma_semaphore, #tpu.memory_space<semaphore_mem>>
      %dma_start3A_224 = arith.constant 0 : i32
      %dma_start3A_225 = tpu.memref_slice %arg6[%add3A_62, %dma_start3A_224] : memref<40960x128xf32, #tpu.memory_space<hbm>> -> memref<128x128xf32, #tpu.memory_space<hbm>>
      %dma_start3A_226 = arith.constant 0 : i32
      %dma_start3A_227 = tpu.memref_slice %arg6[%add3A_62, %dma_start3A_226] : memref<40960x128xf32, #tpu.memory_space<hbm>> -> memref<128x128xf32, #tpu.memory_space<hbm>>
      tpu.enqueue_dma source(%arg9 : memref<128x128xf32, #tpu.memory_space<vmem>>) target(%dma_start3A_227 : memref<128x128xf32, #tpu.memory_space<hbm>>) target_semaphore(%run_scoped3A : memref<!tpu.dma_semaphore, #tpu.memory_space<semaphore_mem>>)
      %dma_wait3A = arith.constant 0 : i32
      %dma_wait3A_228 = tpu.memref_slice %arg6[%add3A_62, %dma_wait3A] : memref<40960x128xf32, #tpu.memory_space<hbm>> -> memref<128x128xf32, #tpu.memory_space<hbm>>
      %dma_wait3A_229 = arith.constant 0 : i32
      %dma_wait3A_230 = tpu.memref_slice %arg6[%add3A_62, %dma_wait3A_229] : memref<40960x128xf32, #tpu.memory_space<hbm>> -> memref<128x128xf32, #tpu.memory_space<hbm>>
      tpu.wait_dma2 semaphore(%run_scoped3A : memref<!tpu.dma_semaphore, #tpu.memory_space<semaphore_mem>>) src(%arg9 : memref<128x128xf32, #tpu.memory_space<vmem>>) dst(%dma_wait3A_230 : memref<128x128xf32, #tpu.memory_space<hbm>>)
      tpu.yield
    }) : () -> ()
    %mul3A_63 = arith.constant 640 : i32
    %mul3A_64 = arith.muli %arg1, %mul3A_63 : i32
    %add3A_65 = arith.constant 128 : i32
    %add3A_66 = arith.addi %mul3A_64, %add3A_65 : i32
    "tpu.region"() ({
      %run_scoped3A = tpu.sem_alloc : memref<!tpu.dma_semaphore, #tpu.memory_space<semaphore_mem>>
      %dma_start3A_224 = arith.constant 0 : i32
      %dma_start3A_225 = tpu.memref_slice %arg11[%add3A_66, %dma_start3A_224] : memref<10240x128xf32, #tpu.memory_space<vmem_shared>> -> memref<128x128xf32, #tpu.memory_space<vmem_shared>>
      %dma_start3A_226 = arith.constant 0 : i32
      %dma_start3A_227 = tpu.memref_slice %arg11[%add3A_66, %dma_start3A_226] : memref<10240x128xf32, #tpu.memory_space<vmem_shared>> -> memref<128x128xf32, #tpu.memory_space<vmem_shared>>
      tpu.enqueue_dma source(%dma_start3A_227 : memref<128x128xf32, #tpu.memory_space<vmem_shared>>) target(%arg9 : memref<128x128xf32, #tpu.memory_space<vmem>>) target_semaphore(%run_scoped3A : memref<!tpu.dma_semaphore, #tpu.memory_space<semaphore_mem>>)
      %dma_wait3A = arith.constant 0 : i32
      %dma_wait3A_228 = tpu.memref_slice %arg11[%add3A_66, %dma_wait3A] : memref<10240x128xf32, #tpu.memory_space<vmem_shared>> -> memref<128x128xf32, #tpu.memory_space<vmem_shared>>
      %dma_wait3A_229 = arith.constant 0 : i32
      %dma_wait3A_230 = tpu.memref_slice %arg11[%add3A_66, %dma_wait3A_229] : memref<10240x128xf32, #tpu.memory_space<vmem_shared>> -> memref<128x128xf32, #tpu.memory_space<vmem_shared>>
      tpu.wait_dma2 semaphore(%run_scoped3A : memref<!tpu.dma_semaphore, #tpu.memory_space<semaphore_mem>>) src(%dma_wait3A_230 : memref<128x128xf32, #tpu.memory_space<vmem_shared>>) dst(%arg9 : memref<128x128xf32, #tpu.memory_space<vmem>>)
      tpu.yield
    }) : () -> ()
    %mul3A_67 = arith.constant 10240 : i32
    %mul3A_68 = arith.muli %arg0, %mul3A_67 : i32
    %add3A_69 = arith.constant 0 : i32
    %add3A_70 = arith.addi %add3A_69, %mul3A_68 : i32
    %mul3A_71 = arith.constant 640 : i32
    %mul3A_72 = arith.muli %arg1, %mul3A_71 : i32
    %add3A_73 = arith.addi %add3A_70, %mul3A_72 : i32
    %add3A_74 = arith.constant 128 : i32
    %add3A_75 = arith.addi %add3A_73, %add3A_74 : i32
    "tpu.region"() ({
      %run_scoped3A = tpu.sem_alloc : memref<!tpu.dma_semaphore, #tpu.memory_space<semaphore_mem>>
      %dma_start3A_224 = arith.constant 0 : i32
      %dma_start3A_225 = tpu.memref_slice %arg6[%add3A_75, %dma_start3A_224] : memref<40960x128xf32, #tpu.memory_space<hbm>> -> memref<128x128xf32, #tpu.memory_space<hbm>>
      %dma_start3A_226 = arith.constant 0 : i32
      %dma_start3A_227 = tpu.memref_slice %arg6[%add3A_75, %dma_start3A_226] : memref<40960x128xf32, #tpu.memory_space<hbm>> -> memref<128x128xf32, #tpu.memory_space<hbm>>
      tpu.enqueue_dma source(%arg9 : memref<128x128xf32, #tpu.memory_space<vmem>>) target(%dma_start3A_227 : memref<128x128xf32, #tpu.memory_space<hbm>>) target_semaphore(%run_scoped3A : memref<!tpu.dma_semaphore, #tpu.memory_space<semaphore_mem>>)
      %dma_wait3A = arith.constant 0 : i32
      %dma_wait3A_228 = tpu.memref_slice %arg6[%add3A_75, %dma_wait3A] : memref<40960x128xf32, #tpu.memory_space<hbm>> -> memref<128x128xf32, #tpu.memory_space<hbm>>
      %dma_wait3A_229 = arith.constant 0 : i32
      %dma_wait3A_230 = tpu.memref_slice %arg6[%add3A_75, %dma_wait3A_229] : memref<40960x128xf32, #tpu.memory_space<hbm>> -> memref<128x128xf32, #tpu.memory_space<hbm>>
      tpu.wait_dma2 semaphore(%run_scoped3A : memref<!tpu.dma_semaphore, #tpu.memory_space<semaphore_mem>>) src(%arg9 : memref<128x128xf32, #tpu.memory_space<vmem>>) dst(%dma_wait3A_230 : memref<128x128xf32, #tpu.memory_space<hbm>>)
      tpu.yield
    }) : () -> ()
    %mul3A_76 = arith.constant 640 : i32
    %mul3A_77 = arith.muli %arg1, %mul3A_76 : i32
    %add3A_78 = arith.constant 256 : i32
    %add3A_79 = arith.addi %mul3A_77, %add3A_78 : i32
    "tpu.region"() ({
      %run_scoped3A = tpu.sem_alloc : memref<!tpu.dma_semaphore, #tpu.memory_space<semaphore_mem>>
      %dma_start3A_224 = arith.constant 0 : i32
      %dma_start3A_225 = tpu.memref_slice %arg11[%add3A_79, %dma_start3A_224] : memref<10240x128xf32, #tpu.memory_space<vmem_shared>> -> memref<128x128xf32, #tpu.memory_space<vmem_shared>>
      %dma_start3A_226 = arith.constant 0 : i32
      %dma_start3A_227 = tpu.memref_slice %arg11[%add3A_79, %dma_start3A_226] : memref<10240x128xf32, #tpu.memory_space<vmem_shared>> -> memref<128x128xf32, #tpu.memory_space<vmem_shared>>
      tpu.enqueue_dma source(%dma_start3A_227 : memref<128x128xf32, #tpu.memory_space<vmem_shared>>) target(%arg9 : memref<128x128xf32, #tpu.memory_space<vmem>>) target_semaphore(%run_scoped3A : memref<!tpu.dma_semaphore, #tpu.memory_space<semaphore_mem>>)
      %dma_wait3A = arith.constant 0 : i32
      %dma_wait3A_228 = tpu.memref_slice %arg11[%add3A_79, %dma_wait3A] : memref<10240x128xf32, #tpu.memory_space<vmem_shared>> -> memref<128x128xf32, #tpu.memory_space<vmem_shared>>
      %dma_wait3A_229 = arith.constant 0 : i32
      %dma_wait3A_230 = tpu.memref_slice %arg11[%add3A_79, %dma_wait3A_229] : memref<10240x128xf32, #tpu.memory_space<vmem_shared>> -> memref<128x128xf32, #tpu.memory_space<vmem_shared>>
      tpu.wait_dma2 semaphore(%run_scoped3A : memref<!tpu.dma_semaphore, #tpu.memory_space<semaphore_mem>>) src(%dma_wait3A_230 : memref<128x128xf32, #tpu.memory_space<vmem_shared>>) dst(%arg9 : memref<128x128xf32, #tpu.memory_space<vmem>>)
      tpu.yield
    }) : () -> ()
    %mul3A_80 = arith.constant 10240 : i32
    %mul3A_81 = arith.muli %arg0, %mul3A_80 : i32
    %add3A_82 = arith.constant 0 : i32
    %add3A_83 = arith.addi %add3A_82, %mul3A_81 : i32
    %mul3A_84 = arith.constant 640 : i32
    %mul3A_85 = arith.muli %arg1, %mul3A_84 : i32
    %add3A_86 = arith.addi %add3A_83, %mul3A_85 : i32
    %add3A_87 = arith.constant 256 : i32
    %add3A_88 = arith.addi %add3A_86, %add3A_87 : i32
    "tpu.region"() ({
      %run_scoped3A = tpu.sem_alloc : memref<!tpu.dma_semaphore, #tpu.memory_space<semaphore_mem>>
      %dma_start3A_224 = arith.constant 0 : i32
      %dma_start3A_225 = tpu.memref_slice %arg6[%add3A_88, %dma_start3A_224] : memref<40960x128xf32, #tpu.memory_space<hbm>> -> memref<128x128xf32, #tpu.memory_space<hbm>>
      %dma_start3A_226 = arith.constant 0 : i32
      %dma_start3A_227 = tpu.memref_slice %arg6[%add3A_88, %dma_start3A_226] : memref<40960x128xf32, #tpu.memory_space<hbm>> -> memref<128x128xf32, #tpu.memory_space<hbm>>
      tpu.enqueue_dma source(%arg9 : memref<128x128xf32, #tpu.memory_space<vmem>>) target(%dma_start3A_227 : memref<128x128xf32, #tpu.memory_space<hbm>>) target_semaphore(%run_scoped3A : memref<!tpu.dma_semaphore, #tpu.memory_space<semaphore_mem>>)
      %dma_wait3A = arith.constant 0 : i32
      %dma_wait3A_228 = tpu.memref_slice %arg6[%add3A_88, %dma_wait3A] : memref<40960x128xf32, #tpu.memory_space<hbm>> -> memref<128x128xf32, #tpu.memory_space<hbm>>
      %dma_wait3A_229 = arith.constant 0 : i32
      %dma_wait3A_230 = tpu.memref_slice %arg6[%add3A_88, %dma_wait3A_229] : memref<40960x128xf32, #tpu.memory_space<hbm>> -> memref<128x128xf32, #tpu.memory_space<hbm>>
      tpu.wait_dma2 semaphore(%run_scoped3A : memref<!tpu.dma_semaphore, #tpu.memory_space<semaphore_mem>>) src(%arg9 : memref<128x128xf32, #tpu.memory_space<vmem>>) dst(%dma_wait3A_230 : memref<128x128xf32, #tpu.memory_space<hbm>>)
      tpu.yield
    }) : () -> ()
    %mul3A_89 = arith.constant 640 : i32
    %mul3A_90 = arith.muli %arg1, %mul3A_89 : i32
    %add3A_91 = arith.constant 384 : i32
    %add3A_92 = arith.addi %mul3A_90, %add3A_91 : i32
    "tpu.region"() ({
      %run_scoped3A = tpu.sem_alloc : memref<!tpu.dma_semaphore, #tpu.memory_space<semaphore_mem>>
      %dma_start3A_224 = arith.constant 0 : i32
      %dma_start3A_225 = tpu.memref_slice %arg11[%add3A_92, %dma_start3A_224] : memref<10240x128xf32, #tpu.memory_space<vmem_shared>> -> memref<128x128xf32, #tpu.memory_space<vmem_shared>>
      %dma_start3A_226 = arith.constant 0 : i32
      %dma_start3A_227 = tpu.memref_slice %arg11[%add3A_92, %dma_start3A_226] : memref<10240x128xf32, #tpu.memory_space<vmem_shared>> -> memref<128x128xf32, #tpu.memory_space<vmem_shared>>
      tpu.enqueue_dma source(%dma_start3A_227 : memref<128x128xf32, #tpu.memory_space<vmem_shared>>) target(%arg9 : memref<128x128xf32, #tpu.memory_space<vmem>>) target_semaphore(%run_scoped3A : memref<!tpu.dma_semaphore, #tpu.memory_space<semaphore_mem>>)
      %dma_wait3A = arith.constant 0 : i32
      %dma_wait3A_228 = tpu.memref_slice %arg11[%add3A_92, %dma_wait3A] : memref<10240x128xf32, #tpu.memory_space<vmem_shared>> -> memref<128x128xf32, #tpu.memory_space<vmem_shared>>
      %dma_wait3A_229 = arith.constant 0 : i32
      %dma_wait3A_230 = tpu.memref_slice %arg11[%add3A_92, %dma_wait3A_229] : memref<10240x128xf32, #tpu.memory_space<vmem_shared>> -> memref<128x128xf32, #tpu.memory_space<vmem_shared>>
      tpu.wait_dma2 semaphore(%run_scoped3A : memref<!tpu.dma_semaphore, #tpu.memory_space<semaphore_mem>>) src(%dma_wait3A_230 : memref<128x128xf32, #tpu.memory_space<vmem_shared>>) dst(%arg9 : memref<128x128xf32, #tpu.memory_space<vmem>>)
      tpu.yield
    }) : () -> ()
    %mul3A_93 = arith.constant 10240 : i32
    %mul3A_94 = arith.muli %arg0, %mul3A_93 : i32
    %add3A_95 = arith.constant 0 : i32
    %add3A_96 = arith.addi %add3A_95, %mul3A_94 : i32
    %mul3A_97 = arith.constant 640 : i32
    %mul3A_98 = arith.muli %arg1, %mul3A_97 : i32
    %add3A_99 = arith.addi %add3A_96, %mul3A_98 : i32
    %add3A_100 = arith.constant 384 : i32
    %add3A_101 = arith.addi %add3A_99, %add3A_100 : i32
    "tpu.region"() ({
      %run_scoped3A = tpu.sem_alloc : memref<!tpu.dma_semaphore, #tpu.memory_space<semaphore_mem>>
      %dma_start3A_224 = arith.constant 0 : i32
      %dma_start3A_225 = tpu.memref_slice %arg6[%add3A_101, %dma_start3A_224] : memref<40960x128xf32, #tpu.memory_space<hbm>> -> memref<128x128xf32, #tpu.memory_space<hbm>>
      %dma_start3A_226 = arith.constant 0 : i32
      %dma_start3A_227 = tpu.memref_slice %arg6[%add3A_101, %dma_start3A_226] : memref<40960x128xf32, #tpu.memory_space<hbm>> -> memref<128x128xf32, #tpu.memory_space<hbm>>
      tpu.enqueue_dma source(%arg9 : memref<128x128xf32, #tpu.memory_space<vmem>>) target(%dma_start3A_227 : memref<128x128xf32, #tpu.memory_space<hbm>>) target_semaphore(%run_scoped3A : memref<!tpu.dma_semaphore, #tpu.memory_space<semaphore_mem>>)
      %dma_wait3A = arith.constant 0 : i32
      %dma_wait3A_228 = tpu.memref_slice %arg6[%add3A_101, %dma_wait3A] : memref<40960x128xf32, #tpu.memory_space<hbm>> -> memref<128x128xf32, #tpu.memory_space<hbm>>
      %dma_wait3A_229 = arith.constant 0 : i32
      %dma_wait3A_230 = tpu.memref_slice %arg6[%add3A_101, %dma_wait3A_229] : memref<40960x128xf32, #tpu.memory_space<hbm>> -> memref<128x128xf32, #tpu.memory_space<hbm>>
      tpu.wait_dma2 semaphore(%run_scoped3A : memref<!tpu.dma_semaphore, #tpu.memory_space<semaphore_mem>>) src(%arg9 : memref<128x128xf32, #tpu.memory_space<vmem>>) dst(%dma_wait3A_230 : memref<128x128xf32, #tpu.memory_space<hbm>>)
      tpu.yield
    }) : () -> ()
    %mul3A_102 = arith.constant 640 : i32
    %mul3A_103 = arith.muli %arg1, %mul3A_102 : i32
    %add3A_104 = arith.constant 512 : i32
    %add3A_105 = arith.addi %mul3A_103, %add3A_104 : i32
    "tpu.region"() ({
      %run_scoped3A = tpu.sem_alloc : memref<!tpu.dma_semaphore, #tpu.memory_space<semaphore_mem>>
      %dma_start3A_224 = arith.constant 0 : i32
      %dma_start3A_225 = tpu.memref_slice %arg11[%add3A_105, %dma_start3A_224] : memref<10240x128xf32, #tpu.memory_space<vmem_shared>> -> memref<128x128xf32, #tpu.memory_space<vmem_shared>>
      %dma_start3A_226 = arith.constant 0 : i32
      %dma_start3A_227 = tpu.memref_slice %arg11[%add3A_105, %dma_start3A_226] : memref<10240x128xf32, #tpu.memory_space<vmem_shared>> -> memref<128x128xf32, #tpu.memory_space<vmem_shared>>
      tpu.enqueue_dma source(%dma_start3A_227 : memref<128x128xf32, #tpu.memory_space<vmem_shared>>) target(%arg9 : memref<128x128xf32, #tpu.memory_space<vmem>>) target_semaphore(%run_scoped3A : memref<!tpu.dma_semaphore, #tpu.memory_space<semaphore_mem>>)
      %dma_wait3A = arith.constant 0 : i32
      %dma_wait3A_228 = tpu.memref_slice %arg11[%add3A_105, %dma_wait3A] : memref<10240x128xf32, #tpu.memory_space<vmem_shared>> -> memref<128x128xf32, #tpu.memory_space<vmem_shared>>
      %dma_wait3A_229 = arith.constant 0 : i32
      %dma_wait3A_230 = tpu.memref_slice %arg11[%add3A_105, %dma_wait3A_229] : memref<10240x128xf32, #tpu.memory_space<vmem_shared>> -> memref<128x128xf32, #tpu.memory_space<vmem_shared>>
      tpu.wait_dma2 semaphore(%run_scoped3A : memref<!tpu.dma_semaphore, #tpu.memory_space<semaphore_mem>>) src(%dma_wait3A_230 : memref<128x128xf32, #tpu.memory_space<vmem_shared>>) dst(%arg9 : memref<128x128xf32, #tpu.memory_space<vmem>>)
      tpu.yield
    }) : () -> ()
    %mul3A_106 = arith.constant 10240 : i32
    %mul3A_107 = arith.muli %arg0, %mul3A_106 : i32
    %add3A_108 = arith.constant 0 : i32
    %add3A_109 = arith.addi %add3A_108, %mul3A_107 : i32
    %mul3A_110 = arith.constant 640 : i32
    %mul3A_111 = arith.muli %arg1, %mul3A_110 : i32
    %add3A_112 = arith.addi %add3A_109, %mul3A_111 : i32
    %add3A_113 = arith.constant 512 : i32
    %add3A_114 = arith.addi %add3A_112, %add3A_113 : i32
    "tpu.region"() ({
      %run_scoped3A = tpu.sem_alloc : memref<!tpu.dma_semaphore, #tpu.memory_space<semaphore_mem>>
      %dma_start3A_224 = arith.constant 0 : i32
      %dma_start3A_225 = tpu.memref_slice %arg6[%add3A_114, %dma_start3A_224] : memref<40960x128xf32, #tpu.memory_space<hbm>> -> memref<128x128xf32, #tpu.memory_space<hbm>>
      %dma_start3A_226 = arith.constant 0 : i32
      %dma_start3A_227 = tpu.memref_slice %arg6[%add3A_114, %dma_start3A_226] : memref<40960x128xf32, #tpu.memory_space<hbm>> -> memref<128x128xf32, #tpu.memory_space<hbm>>
      tpu.enqueue_dma source(%arg9 : memref<128x128xf32, #tpu.memory_space<vmem>>) target(%dma_start3A_227 : memref<128x128xf32, #tpu.memory_space<hbm>>) target_semaphore(%run_scoped3A : memref<!tpu.dma_semaphore, #tpu.memory_space<semaphore_mem>>)
      %dma_wait3A = arith.constant 0 : i32
      %dma_wait3A_228 = tpu.memref_slice %arg6[%add3A_114, %dma_wait3A] : memref<40960x128xf32, #tpu.memory_space<hbm>> -> memref<128x128xf32, #tpu.memory_space<hbm>>
      %dma_wait3A_229 = arith.constant 0 : i32
      %dma_wait3A_230 = tpu.memref_slice %arg6[%add3A_114, %dma_wait3A_229] : memref<40960x128xf32, #tpu.memory_space<hbm>> -> memref<128x128xf32, #tpu.memory_space<hbm>>
      tpu.wait_dma2 semaphore(%run_scoped3A : memref<!tpu.dma_semaphore, #tpu.memory_space<semaphore_mem>>) src(%arg9 : memref<128x128xf32, #tpu.memory_space<vmem>>) dst(%dma_wait3A_230 : memref<128x128xf32, #tpu.memory_space<hbm>>)
      tpu.yield
    }) : () -> ()
    %barrier3A_115 = arith.constant 0 : index
    tpu.barrier barrier_id(%barrier3A_115)
    %scan3A_116 = arith.constant 0 : i32
    %scan3A_117 = arith.constant 0 : i32
    %scan3A_118 = arith.constant 128 : i32
    %scan3A_119 = arith.addi %scan3A_117, %scan3A_118 : i32
    %scan3A_120 = arith.constant 1 : i32
    %scan3A_121 = scf.for %scan3A_224 = %scan3A_117 to %scan3A_119 step %scan3A_120 iter_args(%scan3A_225 = %scan3A_116) -> (i32)  : i32 {
      %broadcast_in_dim3A = arith.constant 0.000000e+00 : f32
      %broadcast_in_dim3A_226 = vector.broadcast %broadcast_in_dim3A : f32 to vector<16xf32>
      %swap3A = arith.index_cast %scan3A_224 : i32 to index
      %swap3A_227 = arith.constant 0 : index
      %swap3A_228 = tpu.vector_load %arg9[%swap3A, %swap3A_227] {strides = array<i32>} : memref<128x128xf32, #tpu.memory_space<vmem>>, vector<1x16xf32>,
      %swap3A_229 = vector.shape_cast %swap3A_228 : vector<1x16xf32> to vector<16xf32>
      %swap3A_230 = vector.shape_cast %broadcast_in_dim3A_226 : vector<16xf32> to vector<1x16xf32>
      tpu.vector_store %arg9[%swap3A, %swap3A_227], %swap3A_230 {strides = array<i32>} : memref<128x128xf32, #tpu.memory_space<vmem>>, vector<1x16xf32>,
      %broadcast_in_dim3A_231 = arith.constant 0.000000e+00 : f32
      %broadcast_in_dim3A_232 = vector.broadcast %broadcast_in_dim3A_231 : f32 to vector<16xf32>
      %swap3A_233 = arith.index_cast %scan3A_224 : i32 to index
      %swap3A_234 = arith.constant 16 : index
      %swap3A_235 = tpu.vector_load %arg9[%swap3A_233, %swap3A_234] {strides = array<i32>} : memref<128x128xf32, #tpu.memory_space<vmem>>, vector<1x16xf32>,
      %swap3A_236 = vector.shape_cast %swap3A_235 : vector<1x16xf32> to vector<16xf32>
      %swap3A_237 = vector.shape_cast %broadcast_in_dim3A_232 : vector<16xf32> to vector<1x16xf32>
      tpu.vector_store %arg9[%swap3A_233, %swap3A_234], %swap3A_237 {strides = array<i32>} : memref<128x128xf32, #tpu.memory_space<vmem>>, vector<1x16xf32>,
      %broadcast_in_dim3A_238 = arith.constant 0.000000e+00 : f32
      %broadcast_in_dim3A_239 = vector.broadcast %broadcast_in_dim3A_238 : f32 to vector<16xf32>
      %swap3A_240 = arith.index_cast %scan3A_224 : i32 to index
      %swap3A_241 = arith.constant 32 : index
      %swap3A_242 = tpu.vector_load %arg9[%swap3A_240, %swap3A_241] {strides = array<i32>} : memref<128x128xf32, #tpu.memory_space<vmem>>, vector<1x16xf32>,
      %swap3A_243 = vector.shape_cast %swap3A_242 : vector<1x16xf32> to vector<16xf32>
      %swap3A_244 = vector.shape_cast %broadcast_in_dim3A_239 : vector<16xf32> to vector<1x16xf32>
      tpu.vector_store %arg9[%swap3A_240, %swap3A_241], %swap3A_244 {strides = array<i32>} : memref<128x128xf32, #tpu.memory_space<vmem>>, vector<1x16xf32>,
      %broadcast_in_dim3A_245 = arith.constant 0.000000e+00 : f32
      %broadcast_in_dim3A_246 = vector.broadcast %broadcast_in_dim3A_245 : f32 to vector<16xf32>
      %swap3A_247 = arith.index_cast %scan3A_224 : i32 to index
      %swap3A_248 = arith.constant 48 : index
      %swap3A_249 = tpu.vector_load %arg9[%swap3A_247, %swap3A_248] {strides = array<i32>} : memref<128x128xf32, #tpu.memory_space<vmem>>, vector<1x16xf32>,
      %swap3A_250 = vector.shape_cast %swap3A_249 : vector<1x16xf32> to vector<16xf32>
      %swap3A_251 = vector.shape_cast %broadcast_in_dim3A_246 : vector<16xf32> to vector<1x16xf32>
      tpu.vector_store %arg9[%swap3A_247, %swap3A_248], %swap3A_251 {strides = array<i32>} : memref<128x128xf32, #tpu.memory_space<vmem>>, vector<1x16xf32>,
      %broadcast_in_dim3A_252 = arith.constant 0.000000e+00 : f32
      %broadcast_in_dim3A_253 = vector.broadcast %broadcast_in_dim3A_252 : f32 to vector<16xf32>
      %swap3A_254 = arith.index_cast %scan3A_224 : i32 to index
      %swap3A_255 = arith.constant 64 : index
      %swap3A_256 = tpu.vector_load %arg9[%swap3A_254, %swap3A_255] {strides = array<i32>} : memref<128x128xf32, #tpu.memory_space<vmem>>, vector<1x16xf32>,
      %swap3A_257 = vector.shape_cast %swap3A_256 : vector<1x16xf32> to vector<16xf32>
      %swap3A_258 = vector.shape_cast %broadcast_in_dim3A_253 : vector<16xf32> to vector<1x16xf32>
      tpu.vector_store %arg9[%swap3A_254, %swap3A_255], %swap3A_258 {strides = array<i32>} : memref<128x128xf32, #tpu.memory_space<vmem>>, vector<1x16xf32>,
      %broadcast_in_dim3A_259 = arith.constant 0.000000e+00 : f32
      %broadcast_in_dim3A_260 = vector.broadcast %broadcast_in_dim3A_259 : f32 to vector<16xf32>
      %swap3A_261 = arith.index_cast %scan3A_224 : i32 to index
      %swap3A_262 = arith.constant 80 : index
      %swap3A_263 = tpu.vector_load %arg9[%swap3A_261, %swap3A_262] {strides = array<i32>} : memref<128x128xf32, #tpu.memory_space<vmem>>, vector<1x16xf32>,
      %swap3A_264 = vector.shape_cast %swap3A_263 : vector<1x16xf32> to vector<16xf32>
      %swap3A_265 = vector.shape_cast %broadcast_in_dim3A_260 : vector<16xf32> to vector<1x16xf32>
      tpu.vector_store %arg9[%swap3A_261, %swap3A_262], %swap3A_265 {strides = array<i32>} : memref<128x128xf32, #tpu.memory_space<vmem>>, vector<1x16xf32>,
      %broadcast_in_dim3A_266 = arith.constant 0.000000e+00 : f32
      %broadcast_in_dim3A_267 = vector.broadcast %broadcast_in_dim3A_266 : f32 to vector<16xf32>
      %swap3A_268 = arith.index_cast %scan3A_224 : i32 to index
      %swap3A_269 = arith.constant 96 : index
      %swap3A_270 = tpu.vector_load %arg9[%swap3A_268, %swap3A_269] {strides = array<i32>} : memref<128x128xf32, #tpu.memory_space<vmem>>, vector<1x16xf32>,
      %swap3A_271 = vector.shape_cast %swap3A_270 : vector<1x16xf32> to vector<16xf32>
      %swap3A_272 = vector.shape_cast %broadcast_in_dim3A_267 : vector<16xf32> to vector<1x16xf32>
      tpu.vector_store %arg9[%swap3A_268, %swap3A_269], %swap3A_272 {strides = array<i32>} : memref<128x128xf32, #tpu.memory_space<vmem>>, vector<1x16xf32>,
      %broadcast_in_dim3A_273 = arith.constant 0.000000e+00 : f32
      %broadcast_in_dim3A_274 = vector.broadcast %broadcast_in_dim3A_273 : f32 to vector<16xf32>
      %swap3A_275 = arith.index_cast %scan3A_224 : i32 to index
      %swap3A_276 = arith.constant 112 : index
      %swap3A_277 = tpu.vector_load %arg9[%swap3A_275, %swap3A_276] {strides = array<i32>} : memref<128x128xf32, #tpu.memory_space<vmem>>, vector<1x16xf32>,
      %swap3A_278 = vector.shape_cast %swap3A_277 : vector<1x16xf32> to vector<16xf32>
      %swap3A_279 = vector.shape_cast %broadcast_in_dim3A_274 : vector<16xf32> to vector<1x16xf32>
      tpu.vector_store %arg9[%swap3A_275, %swap3A_276], %swap3A_279 {strides = array<i32>} : memref<128x128xf32, #tpu.memory_space<vmem>>, vector<1x16xf32>,
      %scan3A_280 = arith.constant 0 : i32
      scf.yield %scan3A_280 : i32
    }
    %scan3A_122 = arith.constant 128 : i32
    %mul3A_123 = arith.constant 640 : i32
    %mul3A_124 = arith.muli %arg1, %mul3A_123 : i32
    %add3A_125 = arith.constant 0 : i32
    %add3A_126 = arith.addi %mul3A_124, %add3A_125 : i32
    "tpu.region"() ({
      %run_scoped3A = tpu.sem_alloc : memref<!tpu.dma_semaphore, #tpu.memory_space<semaphore_mem>>
      %dma_start3A_224 = arith.constant 0 : i32
      %dma_start3A_225 = tpu.memref_slice %arg11[%add3A_126, %dma_start3A_224] : memref<10240x128xf32, #tpu.memory_space<vmem_shared>> -> memref<128x128xf32, #tpu.memory_space<vmem_shared>>
      %dma_start3A_226 = arith.constant 0 : i32
      %dma_start3A_227 = tpu.memref_slice %arg11[%add3A_126, %dma_start3A_226] : memref<10240x128xf32, #tpu.memory_space<vmem_shared>> -> memref<128x128xf32, #tpu.memory_space<vmem_shared>>
      tpu.enqueue_dma source(%arg9 : memref<128x128xf32, #tpu.memory_space<vmem>>) target(%dma_start3A_227 : memref<128x128xf32, #tpu.memory_space<vmem_shared>>) target_semaphore(%run_scoped3A : memref<!tpu.dma_semaphore, #tpu.memory_space<semaphore_mem>>)
      %dma_wait3A = arith.constant 0 : i32
      %dma_wait3A_228 = tpu.memref_slice %arg11[%add3A_126, %dma_wait3A] : memref<10240x128xf32, #tpu.memory_space<vmem_shared>> -> memref<128x128xf32, #tpu.memory_space<vmem_shared>>
      %dma_wait3A_229 = arith.constant 0 : i32
      %dma_wait3A_230 = tpu.memref_slice %arg11[%add3A_126, %dma_wait3A_229] : memref<10240x128xf32, #tpu.memory_space<vmem_shared>> -> memref<128x128xf32, #tpu.memory_space<vmem_shared>>
      tpu.wait_dma2 semaphore(%run_scoped3A : memref<!tpu.dma_semaphore, #tpu.memory_space<semaphore_mem>>) src(%arg9 : memref<128x128xf32, #tpu.memory_space<vmem>>) dst(%dma_wait3A_230 : memref<128x128xf32, #tpu.memory_space<vmem_shared>>)
      tpu.yield
    }) : () -> ()
    %mul3A_127 = arith.constant 640 : i32
    %mul3A_128 = arith.muli %arg1, %mul3A_127 : i32
    %add3A_129 = arith.constant 128 : i32
    %add3A_130 = arith.addi %mul3A_128, %add3A_129 : i32
    "tpu.region"() ({
      %run_scoped3A = tpu.sem_alloc : memref<!tpu.dma_semaphore, #tpu.memory_space<semaphore_mem>>
      %dma_start3A_224 = arith.constant 0 : i32
      %dma_start3A_225 = tpu.memref_slice %arg11[%add3A_130, %dma_start3A_224] : memref<10240x128xf32, #tpu.memory_space<vmem_shared>> -> memref<128x128xf32, #tpu.memory_space<vmem_shared>>
      %dma_start3A_226 = arith.constant 0 : i32
      %dma_start3A_227 = tpu.memref_slice %arg11[%add3A_130, %dma_start3A_226] : memref<10240x128xf32, #tpu.memory_space<vmem_shared>> -> memref<128x128xf32, #tpu.memory_space<vmem_shared>>
      tpu.enqueue_dma source(%arg9 : memref<128x128xf32, #tpu.memory_space<vmem>>) target(%dma_start3A_227 : memref<128x128xf32, #tpu.memory_space<vmem_shared>>) target_semaphore(%run_scoped3A : memref<!tpu.dma_semaphore, #tpu.memory_space<semaphore_mem>>)
      %dma_wait3A = arith.constant 0 : i32
      %dma_wait3A_228 = tpu.memref_slice %arg11[%add3A_130, %dma_wait3A] : memref<10240x128xf32, #tpu.memory_space<vmem_shared>> -> memref<128x128xf32, #tpu.memory_space<vmem_shared>>
      %dma_wait3A_229 = arith.constant 0 : i32
      %dma_wait3A_230 = tpu.memref_slice %arg11[%add3A_130, %dma_wait3A_229] : memref<10240x128xf32, #tpu.memory_space<vmem_shared>> -> memref<128x128xf32, #tpu.memory_space<vmem_shared>>
      tpu.wait_dma2 semaphore(%run_scoped3A : memref<!tpu.dma_semaphore, #tpu.memory_space<semaphore_mem>>) src(%arg9 : memref<128x128xf32, #tpu.memory_space<vmem>>) dst(%dma_wait3A_230 : memref<128x128xf32, #tpu.memory_space<vmem_shared>>)
      tpu.yield
    }) : () -> ()
    %mul3A_131 = arith.constant 640 : i32
    %mul3A_132 = arith.muli %arg1, %mul3A_131 : i32
    %add3A_133 = arith.constant 256 : i32
    %add3A_134 = arith.addi %mul3A_132, %add3A_133 : i32
    "tpu.region"() ({
      %run_scoped3A = tpu.sem_alloc : memref<!tpu.dma_semaphore, #tpu.memory_space<semaphore_mem>>
      %dma_start3A_224 = arith.constant 0 : i32
      %dma_start3A_225 = tpu.memref_slice %arg11[%add3A_134, %dma_start3A_224] : memref<10240x128xf32, #tpu.memory_space<vmem_shared>> -> memref<128x128xf32, #tpu.memory_space<vmem_shared>>
      %dma_start3A_226 = arith.constant 0 : i32
      %dma_start3A_227 = tpu.memref_slice %arg11[%add3A_134, %dma_start3A_226] : memref<10240x128xf32, #tpu.memory_space<vmem_shared>> -> memref<128x128xf32, #tpu.memory_space<vmem_shared>>
      tpu.enqueue_dma source(%arg9 : memref<128x128xf32, #tpu.memory_space<vmem>>) target(%dma_start3A_227 : memref<128x128xf32, #tpu.memory_space<vmem_shared>>) target_semaphore(%run_scoped3A : memref<!tpu.dma_semaphore, #tpu.memory_space<semaphore_mem>>)
      %dma_wait3A = arith.constant 0 : i32
      %dma_wait3A_228 = tpu.memref_slice %arg11[%add3A_134, %dma_wait3A] : memref<10240x128xf32, #tpu.memory_space<vmem_shared>> -> memref<128x128xf32, #tpu.memory_space<vmem_shared>>
      %dma_wait3A_229 = arith.constant 0 : i32
      %dma_wait3A_230 = tpu.memref_slice %arg11[%add3A_134, %dma_wait3A_229] : memref<10240x128xf32, #tpu.memory_space<vmem_shared>> -> memref<128x128xf32, #tpu.memory_space<vmem_shared>>
      tpu.wait_dma2 semaphore(%run_scoped3A : memref<!tpu.dma_semaphore, #tpu.memory_space<semaphore_mem>>) src(%arg9 : memref<128x128xf32, #tpu.memory_space<vmem>>) dst(%dma_wait3A_230 : memref<128x128xf32, #tpu.memory_space<vmem_shared>>)
      tpu.yield
    }) : () -> ()
    %mul3A_135 = arith.constant 640 : i32
    %mul3A_136 = arith.muli %arg1, %mul3A_135 : i32
    %add3A_137 = arith.constant 384 : i32
    %add3A_138 = arith.addi %mul3A_136, %add3A_137 : i32
    "tpu.region"() ({
      %run_scoped3A = tpu.sem_alloc : memref<!tpu.dma_semaphore, #tpu.memory_space<semaphore_mem>>
      %dma_start3A_224 = arith.constant 0 : i32
      %dma_start3A_225 = tpu.memref_slice %arg11[%add3A_138, %dma_start3A_224] : memref<10240x128xf32, #tpu.memory_space<vmem_shared>> -> memref<128x128xf32, #tpu.memory_space<vmem_shared>>
      %dma_start3A_226 = arith.constant 0 : i32
      %dma_start3A_227 = tpu.memref_slice %arg11[%add3A_138, %dma_start3A_226] : memref<10240x128xf32, #tpu.memory_space<vmem_shared>> -> memref<128x128xf32, #tpu.memory_space<vmem_shared>>
      tpu.enqueue_dma source(%arg9 : memref<128x128xf32, #tpu.memory_space<vmem>>) target(%dma_start3A_227 : memref<128x128xf32, #tpu.memory_space<vmem_shared>>) target_semaphore(%run_scoped3A : memref<!tpu.dma_semaphore, #tpu.memory_space<semaphore_mem>>)
      %dma_wait3A = arith.constant 0 : i32
      %dma_wait3A_228 = tpu.memref_slice %arg11[%add3A_138, %dma_wait3A] : memref<10240x128xf32, #tpu.memory_space<vmem_shared>> -> memref<128x128xf32, #tpu.memory_space<vmem_shared>>
      %dma_wait3A_229 = arith.constant 0 : i32
      %dma_wait3A_230 = tpu.memref_slice %arg11[%add3A_138, %dma_wait3A_229] : memref<10240x128xf32, #tpu.memory_space<vmem_shared>> -> memref<128x128xf32, #tpu.memory_space<vmem_shared>>
      tpu.wait_dma2 semaphore(%run_scoped3A : memref<!tpu.dma_semaphore, #tpu.memory_space<semaphore_mem>>) src(%arg9 : memref<128x128xf32, #tpu.memory_space<vmem>>) dst(%dma_wait3A_230 : memref<128x128xf32, #tpu.memory_space<vmem_shared>>)
      tpu.yield
    }) : () -> ()
    %mul3A_139 = arith.constant 640 : i32
    %mul3A_140 = arith.muli %arg1, %mul3A_139 : i32
    %add3A_141 = arith.constant 512 : i32
    %add3A_142 = arith.addi %mul3A_140, %add3A_141 : i32
    "tpu.region"() ({
      %run_scoped3A = tpu.sem_alloc : memref<!tpu.dma_semaphore, #tpu.memory_space<semaphore_mem>>
      %dma_start3A_224 = arith.constant 0 : i32
      %dma_start3A_225 = tpu.memref_slice %arg11[%add3A_142, %dma_start3A_224] : memref<10240x128xf32, #tpu.memory_space<vmem_shared>> -> memref<128x128xf32, #tpu.memory_space<vmem_shared>>
      %dma_start3A_226 = arith.constant 0 : i32
      %dma_start3A_227 = tpu.memref_slice %arg11[%add3A_142, %dma_start3A_226] : memref<10240x128xf32, #tpu.memory_space<vmem_shared>> -> memref<128x128xf32, #tpu.memory_space<vmem_shared>>
      tpu.enqueue_dma source(%arg9 : memref<128x128xf32, #tpu.memory_space<vmem>>) target(%dma_start3A_227 : memref<128x128xf32, #tpu.memory_space<vmem_shared>>) target_semaphore(%run_scoped3A : memref<!tpu.dma_semaphore, #tpu.memory_space<semaphore_mem>>)
      %dma_wait3A = arith.constant 0 : i32
      %dma_wait3A_228 = tpu.memref_slice %arg11[%add3A_142, %dma_wait3A] : memref<10240x128xf32, #tpu.memory_space<vmem_shared>> -> memref<128x128xf32, #tpu.memory_space<vmem_shared>>
      %dma_wait3A_229 = arith.constant 0 : i32
      %dma_wait3A_230 = tpu.memref_slice %arg11[%add3A_142, %dma_wait3A_229] : memref<10240x128xf32, #tpu.memory_space<vmem_shared>> -> memref<128x128xf32, #tpu.memory_space<vmem_shared>>
      tpu.wait_dma2 semaphore(%run_scoped3A : memref<!tpu.dma_semaphore, #tpu.memory_space<semaphore_mem>>) src(%arg9 : memref<128x128xf32, #tpu.memory_space<vmem>>) dst(%dma_wait3A_230 : memref<128x128xf32, #tpu.memory_space<vmem_shared>>)
      tpu.yield
    }) : () -> ()
    %barrier3A_143 = arith.constant 0 : index
    tpu.barrier barrier_id(%barrier3A_143)
    %dma_start3A_144 = arith.constant 0 : i32
    %dma_start3A_145 = arith.constant 0 : i32
    %dma_start3A_146 = tpu.memref_slice %arg7[%dma_start3A_144, %dma_start3A_145] : memref<40x128xi32, #tpu.memory_space<vmem>> -> memref<1x128xi32, #tpu.memory_space<vmem>>
    %dma_start3A_147 = tpu.memref_squeeze %dma_start3A_146 : memref<1x128xi32, #tpu.memory_space<vmem>> -> memref<128xi32, #tpu.memory_space<vmem>>
    %dma_start3A_148 = arith.constant 0 : i32
    %dma_start3A_149 = arith.constant 0 : i32
    %dma_start3A_150 = tpu.memref_slice %arg5[%dma_start3A_148, %dma_start3A_149] : memref<10240x128xf32, #tpu.memory_space<hbm>> -> memref<10240x128xf32, #tpu.memory_space<hbm>>
    tpu.enqueue_indirect_dma source(%dma_start3A_150 : memref<10240x128xf32, #tpu.memory_space<hbm>>) target(%arg9 : memref<128x128xf32, #tpu.memory_space<vmem>>) offsets(%dma_start3A_147 : memref<128xi32, #tpu.memory_space<vmem>>) semaphore(%arg12 : memref<!tpu.dma_semaphore, #tpu.memory_space<semaphore_mem>>)
    %scan3A_151 = arith.constant 0 : i32
    %scan3A_152 = arith.constant 0 : i32
    %scan3A_153 = arith.constant 20 : i32
    %scan3A_154 = arith.addi %scan3A_152, %scan3A_153 : i32
    %scan3A_155 = arith.constant 1 : i32
    %scan3A_156 = scf.for %scan3A_224 = %scan3A_152 to %scan3A_154 step %scan3A_155 iter_args(%scan3A_225 = %scan3A_151) -> (i32)  : i32 {
      %mul3A_226 = arith.constant 2 : i32
      %mul3A_227 = arith.muli %mul3A_226, %scan3A_224 : i32
      %add3A_228 = arith.constant 1 : i32
      %add3A_229 = arith.addi %mul3A_227, %add3A_228 : i32
      %dma_start3A_230 = arith.constant 0 : i32
      %dma_start3A_231 = tpu.memref_slice %arg7[%add3A_229, %dma_start3A_230] : memref<40x128xi32, #tpu.memory_space<vmem>> -> memref<1x128xi32, #tpu.memory_space<vmem>>
      %dma_start3A_232 = tpu.memref_squeeze %dma_start3A_231 : memref<1x128xi32, #tpu.memory_space<vmem>> -> memref<128xi32, #tpu.memory_space<vmem>>
      %dma_start3A_233 = arith.constant 0 : i32
      %dma_start3A_234 = arith.constant 0 : i32
      %dma_start3A_235 = tpu.memref_slice %arg5[%dma_start3A_233, %dma_start3A_234] : memref<10240x128xf32, #tpu.memory_space<hbm>> -> memref<10240x128xf32, #tpu.memory_space<hbm>>
      tpu.enqueue_indirect_dma source(%dma_start3A_235 : memref<10240x128xf32, #tpu.memory_space<hbm>>) target(%arg10 : memref<128x128xf32, #tpu.memory_space<vmem>>) offsets(%dma_start3A_232 : memref<128xi32, #tpu.memory_space<vmem>>) semaphore(%arg13 : memref<!tpu.dma_semaphore, #tpu.memory_space<semaphore_mem>>)
      %dma_wait3A = arith.constant 0 : i32
      %dma_wait3A_236 = tpu.memref_slice %arg7[%mul3A_227, %dma_wait3A] : memref<40x128xi32, #tpu.memory_space<vmem>> -> memref<1x128xi32, #tpu.memory_space<vmem>>
      %dma_wait3A_237 = tpu.memref_squeeze %dma_wait3A_236 : memref<1x128xi32, #tpu.memory_space<vmem>> -> memref<128xi32, #tpu.memory_space<vmem>>
      %dma_wait3A_238 = arith.constant 0 : i32
      %dma_wait3A_239 = arith.constant 0 : i32
      %dma_wait3A_240 = tpu.memref_slice %arg5[%dma_wait3A_238, %dma_wait3A_239] : memref<10240x128xf32, #tpu.memory_space<hbm>> -> memref<10240x128xf32, #tpu.memory_space<hbm>>
      tpu.wait_indirect_dma semaphore(%arg12 : memref<!tpu.dma_semaphore, #tpu.memory_space<semaphore_mem>>) src(%dma_wait3A_240 : memref<10240x128xf32, #tpu.memory_space<hbm>>) dst(%arg9 : memref<128x128xf32, #tpu.memory_space<vmem>>)
      "tpu.region"() ({
        %run_scoped3A = tpu.sem_alloc : memref<!tpu.dma_semaphore, #tpu.memory_space<semaphore_mem>>
        %dma_start3A_256 = arith.constant 0 : i32
        %dma_start3A_257 = tpu.memref_slice %arg8[%mul3A_227, %dma_start3A_256] : memref<40x128xi32, #tpu.memory_space<vmem>> -> memref<1x128xi32, #tpu.memory_space<vmem>>
        %dma_start3A_258 = tpu.memref_squeeze %dma_start3A_257 : memref<1x128xi32, #tpu.memory_space<vmem>> -> memref<128xi32, #tpu.memory_space<vmem>>
        %dma_start3A_259 = arith.constant 0 : i32
        %dma_start3A_260 = arith.constant 0 : i32
        %dma_start3A_261 = tpu.memref_slice %arg11[%dma_start3A_259, %dma_start3A_260] : memref<10240x128xf32, #tpu.memory_space<vmem_shared>> -> memref<10240x128xf32, #tpu.memory_space<vmem_shared>>
        tpu.enqueue_indirect_dma source(%arg9 : memref<128x128xf32, #tpu.memory_space<vmem>>) target(%dma_start3A_261 : memref<10240x128xf32, #tpu.memory_space<vmem_shared>>) offsets(%dma_start3A_258 : memref<128xi32, #tpu.memory_space<vmem>>) semaphore(%run_scoped3A : memref<!tpu.dma_semaphore, #tpu.memory_space<semaphore_mem>>) {add = true}
        %dma_wait3A_262 = arith.constant 0 : i32
        %dma_wait3A_263 = tpu.memref_slice %arg8[%mul3A_227, %dma_wait3A_262] : memref<40x128xi32, #tpu.memory_space<vmem>> -> memref<1x128xi32, #tpu.memory_space<vmem>>
        %dma_wait3A_264 = tpu.memref_squeeze %dma_wait3A_263 : memref<1x128xi32, #tpu.memory_space<vmem>> -> memref<128xi32, #tpu.memory_space<vmem>>
        %dma_wait3A_265 = arith.constant 0 : i32
        %dma_wait3A_266 = arith.constant 0 : i32
        %dma_wait3A_267 = tpu.memref_slice %arg11[%dma_wait3A_265, %dma_wait3A_266] : memref<10240x128xf32, #tpu.memory_space<vmem_shared>> -> memref<10240x128xf32, #tpu.memory_space<vmem_shared>>
        tpu.wait_indirect_dma semaphore(%run_scoped3A : memref<!tpu.dma_semaphore, #tpu.memory_space<semaphore_mem>>) src(%arg9 : memref<128x128xf32, #tpu.memory_space<vmem>>) dst(%dma_wait3A_267 : memref<10240x128xf32, #tpu.memory_space<vmem_shared>>)
        tpu.yield
      }) : () -> ()
      %add3A_241 = arith.constant 1 : i32
      %add3A_242 = arith.addi %scan3A_224, %add3A_241 : i32
      %lt3A = arith.constant 20 : i32
      %lt3A_243 = arith.cmpi slt, %add3A_242, %lt3A : i32
      %convert_element_type3A = arith.extui %lt3A_243 : i1 to i32
      %cond3A = arith.constant 0 : i32
      %cond3A_244 = arith.cmpi ne, %convert_element_type3A, %cond3A : i32
      scf.if %cond3A_244 {
        %add3A_256 = arith.constant 2 : i32
        %add3A_257 = arith.addi %mul3A_227, %add3A_256 : i32
        %dma_start3A_258 = arith.constant 0 : i32
        %dma_start3A_259 = tpu.memref_slice %arg7[%add3A_257, %dma_start3A_258] : memref<40x128xi32, #tpu.memory_space<vmem>> -> memref<1x128xi32, #tpu.memory_space<vmem>>
        %dma_start3A_260 = tpu.memref_squeeze %dma_start3A_259 : memref<1x128xi32, #tpu.memory_space<vmem>> -> memref<128xi32, #tpu.memory_space<vmem>>
        %dma_start3A_261 = arith.constant 0 : i32
        %dma_start3A_262 = arith.constant 0 : i32
        %dma_start3A_263 = tpu.memref_slice %arg5[%dma_start3A_261, %dma_start3A_262] : memref<10240x128xf32, #tpu.memory_space<hbm>> -> memref<10240x128xf32, #tpu.memory_space<hbm>>
        tpu.enqueue_indirect_dma source(%dma_start3A_263 : memref<10240x128xf32, #tpu.memory_space<hbm>>) target(%arg9 : memref<128x128xf32, #tpu.memory_space<vmem>>) offsets(%dma_start3A_260 : memref<128xi32, #tpu.memory_space<vmem>>) semaphore(%arg12 : memref<!tpu.dma_semaphore, #tpu.memory_space<semaphore_mem>>)
      } else {
      }
      %add3A_245 = arith.constant 1 : i32
      %add3A_246 = arith.addi %mul3A_227, %add3A_245 : i32
      %dma_wait3A_247 = arith.constant 0 : i32
      %dma_wait3A_248 = tpu.memref_slice %arg7[%add3A_246, %dma_wait3A_247] : memref<40x128xi32, #tpu.memory_space<vmem>> -> memref<1x128xi32, #tpu.memory_space<vmem>>
      %dma_wait3A_249 = tpu.memref_squeeze %dma_wait3A_248 : memref<1x128xi32, #tpu.memory_space<vmem>> -> memref<128xi32, #tpu.memory_space<vmem>>
      %dma_wait3A_250 = arith.constant 0 : i32
      %dma_wait3A_251 = arith.constant 0 : i32
      %dma_wait3A_252 = tpu.memref_slice %arg5[%dma_wait3A_250, %dma_wait3A_251] : memref<10240x128xf32, #tpu.memory_space<hbm>> -> memref<10240x128xf32, #tpu.memory_space<hbm>>
      tpu.wait_indirect_dma semaphore(%arg13 : memref<!tpu.dma_semaphore, #tpu.memory_space<semaphore_mem>>) src(%dma_wait3A_252 : memref<10240x128xf32, #tpu.memory_space<hbm>>) dst(%arg10 : memref<128x128xf32, #tpu.memory_space<vmem>>)
      %add3A_253 = arith.constant 1 : i32
      %add3A_254 = arith.addi %mul3A_227, %add3A_253 : i32
      "tpu.region"() ({
        %run_scoped3A = tpu.sem_alloc : memref<!tpu.dma_semaphore, #tpu.memory_space<semaphore_mem>>
        %dma_start3A_256 = arith.constant 0 : i32
        %dma_start3A_257 = tpu.memref_slice %arg8[%add3A_254, %dma_start3A_256] : memref<40x128xi32, #tpu.memory_space<vmem>> -> memref<1x128xi32, #tpu.memory_space<vmem>>
        %dma_start3A_258 = tpu.memref_squeeze %dma_start3A_257 : memref<1x128xi32, #tpu.memory_space<vmem>> -> memref<128xi32, #tpu.memory_space<vmem>>
        %dma_start3A_259 = arith.constant 0 : i32
        %dma_start3A_260 = arith.constant 0 : i32
        %dma_start3A_261 = tpu.memref_slice %arg11[%dma_start3A_259, %dma_start3A_260] : memref<10240x128xf32, #tpu.memory_space<vmem_shared>> -> memref<10240x128xf32, #tpu.memory_space<vmem_shared>>
        tpu.enqueue_indirect_dma source(%arg10 : memref<128x128xf32, #tpu.memory_space<vmem>>) target(%dma_start3A_261 : memref<10240x128xf32, #tpu.memory_space<vmem_shared>>) offsets(%dma_start3A_258 : memref<128xi32, #tpu.memory_space<vmem>>) semaphore(%run_scoped3A : memref<!tpu.dma_semaphore, #tpu.memory_space<semaphore_mem>>) {add = true}
        %dma_wait3A_262 = arith.constant 0 : i32
        %dma_wait3A_263 = tpu.memref_slice %arg8[%add3A_254, %dma_wait3A_262] : memref<40x128xi32, #tpu.memory_space<vmem>> -> memref<1x128xi32, #tpu.memory_space<vmem>>
        %dma_wait3A_264 = tpu.memref_squeeze %dma_wait3A_263 : memref<1x128xi32, #tpu.memory_space<vmem>> -> memref<128xi32, #tpu.memory_space<vmem>>
        %dma_wait3A_265 = arith.constant 0 : i32
        %dma_wait3A_266 = arith.constant 0 : i32
        %dma_wait3A_267 = tpu.memref_slice %arg11[%dma_wait3A_265, %dma_wait3A_266] : memref<10240x128xf32, #tpu.memory_space<vmem_shared>> -> memref<10240x128xf32, #tpu.memory_space<vmem_shared>>
        tpu.wait_indirect_dma semaphore(%run_scoped3A : memref<!tpu.dma_semaphore, #tpu.memory_space<semaphore_mem>>) src(%arg10 : memref<128x128xf32, #tpu.memory_space<vmem>>) dst(%dma_wait3A_267 : memref<10240x128xf32, #tpu.memory_space<vmem_shared>>)
        tpu.yield
      }) : () -> ()
      %scan3A_255 = arith.constant 0 : i32
      scf.yield %scan3A_255 : i32
    }
    %scan3A_157 = arith.constant 20 : i32
    %barrier3A_158 = arith.constant 0 : index
    tpu.barrier barrier_id(%barrier3A_158)
    %mul3A_159 = arith.constant 640 : i32
    %mul3A_160 = arith.muli %arg1, %mul3A_159 : i32
    %add3A_161 = arith.constant 0 : i32
    %add3A_162 = arith.addi %mul3A_160, %add3A_161 : i32
    "tpu.region"() ({
      %run_scoped3A = tpu.sem_alloc : memref<!tpu.dma_semaphore, #tpu.memory_space<semaphore_mem>>
      %dma_start3A_224 = arith.constant 0 : i32
      %dma_start3A_225 = tpu.memref_slice %arg11[%add3A_162, %dma_start3A_224] : memref<10240x128xf32, #tpu.memory_space<vmem_shared>> -> memref<128x128xf32, #tpu.memory_space<vmem_shared>>
      %dma_start3A_226 = arith.constant 0 : i32
      %dma_start3A_227 = tpu.memref_slice %arg11[%add3A_162, %dma_start3A_226] : memref<10240x128xf32, #tpu.memory_space<vmem_shared>> -> memref<128x128xf32, #tpu.memory_space<vmem_shared>>
      tpu.enqueue_dma source(%dma_start3A_227 : memref<128x128xf32, #tpu.memory_space<vmem_shared>>) target(%arg9 : memref<128x128xf32, #tpu.memory_space<vmem>>) target_semaphore(%run_scoped3A : memref<!tpu.dma_semaphore, #tpu.memory_space<semaphore_mem>>)
      %dma_wait3A = arith.constant 0 : i32
      %dma_wait3A_228 = tpu.memref_slice %arg11[%add3A_162, %dma_wait3A] : memref<10240x128xf32, #tpu.memory_space<vmem_shared>> -> memref<128x128xf32, #tpu.memory_space<vmem_shared>>
      %dma_wait3A_229 = arith.constant 0 : i32
      %dma_wait3A_230 = tpu.memref_slice %arg11[%add3A_162, %dma_wait3A_229] : memref<10240x128xf32, #tpu.memory_space<vmem_shared>> -> memref<128x128xf32, #tpu.memory_space<vmem_shared>>
      tpu.wait_dma2 semaphore(%run_scoped3A : memref<!tpu.dma_semaphore, #tpu.memory_space<semaphore_mem>>) src(%dma_wait3A_230 : memref<128x128xf32, #tpu.memory_space<vmem_shared>>) dst(%arg9 : memref<128x128xf32, #tpu.memory_space<vmem>>)
      tpu.yield
    }) : () -> ()
    %mul3A_163 = arith.constant 10240 : i32
    %mul3A_164 = arith.muli %arg0, %mul3A_163 : i32
    %add3A_165 = arith.constant 20480 : i32
    %add3A_166 = arith.addi %add3A_165, %mul3A_164 : i32
    %mul3A_167 = arith.constant 640 : i32
    %mul3A_168 = arith.muli %arg1, %mul3A_167 : i32
    %add3A_169 = arith.addi %add3A_166, %mul3A_168 : i32
    %add3A_170 = arith.constant 0 : i32
    %add3A_171 = arith.addi %add3A_169, %add3A_170 : i32
    "tpu.region"() ({
      %run_scoped3A = tpu.sem_alloc : memref<!tpu.dma_semaphore, #tpu.memory_space<semaphore_mem>>
      %dma_start3A_224 = arith.constant 0 : i32
      %dma_start3A_225 = tpu.memref_slice %arg6[%add3A_171, %dma_start3A_224] : memref<40960x128xf32, #tpu.memory_space<hbm>> -> memref<128x128xf32, #tpu.memory_space<hbm>>
      %dma_start3A_226 = arith.constant 0 : i32
      %dma_start3A_227 = tpu.memref_slice %arg6[%add3A_171, %dma_start3A_226] : memref<40960x128xf32, #tpu.memory_space<hbm>> -> memref<128x128xf32, #tpu.memory_space<hbm>>
      tpu.enqueue_dma source(%arg9 : memref<128x128xf32, #tpu.memory_space<vmem>>) target(%dma_start3A_227 : memref<128x128xf32, #tpu.memory_space<hbm>>) target_semaphore(%run_scoped3A : memref<!tpu.dma_semaphore, #tpu.memory_space<semaphore_mem>>)
      %dma_wait3A = arith.constant 0 : i32
      %dma_wait3A_228 = tpu.memref_slice %arg6[%add3A_171, %dma_wait3A] : memref<40960x128xf32, #tpu.memory_space<hbm>> -> memref<128x128xf32, #tpu.memory_space<hbm>>
      %dma_wait3A_229 = arith.constant 0 : i32
      %dma_wait3A_230 = tpu.memref_slice %arg6[%add3A_171, %dma_wait3A_229] : memref<40960x128xf32, #tpu.memory_space<hbm>> -> memref<128x128xf32, #tpu.memory_space<hbm>>
      tpu.wait_dma2 semaphore(%run_scoped3A : memref<!tpu.dma_semaphore, #tpu.memory_space<semaphore_mem>>) src(%arg9 : memref<128x128xf32, #tpu.memory_space<vmem>>) dst(%dma_wait3A_230 : memref<128x128xf32, #tpu.memory_space<hbm>>)
      tpu.yield
    }) : () -> ()
    %mul3A_172 = arith.constant 640 : i32
    %mul3A_173 = arith.muli %arg1, %mul3A_172 : i32
    %add3A_174 = arith.constant 128 : i32
    %add3A_175 = arith.addi %mul3A_173, %add3A_174 : i32
    "tpu.region"() ({
      %run_scoped3A = tpu.sem_alloc : memref<!tpu.dma_semaphore, #tpu.memory_space<semaphore_mem>>
      %dma_start3A_224 = arith.constant 0 : i32
      %dma_start3A_225 = tpu.memref_slice %arg11[%add3A_175, %dma_start3A_224] : memref<10240x128xf32, #tpu.memory_space<vmem_shared>> -> memref<128x128xf32, #tpu.memory_space<vmem_shared>>
      %dma_start3A_226 = arith.constant 0 : i32
      %dma_start3A_227 = tpu.memref_slice %arg11[%add3A_175, %dma_start3A_226] : memref<10240x128xf32, #tpu.memory_space<vmem_shared>> -> memref<128x128xf32, #tpu.memory_space<vmem_shared>>
      tpu.enqueue_dma source(%dma_start3A_227 : memref<128x128xf32, #tpu.memory_space<vmem_shared>>) target(%arg9 : memref<128x128xf32, #tpu.memory_space<vmem>>) target_semaphore(%run_scoped3A : memref<!tpu.dma_semaphore, #tpu.memory_space<semaphore_mem>>)
      %dma_wait3A = arith.constant 0 : i32
      %dma_wait3A_228 = tpu.memref_slice %arg11[%add3A_175, %dma_wait3A] : memref<10240x128xf32, #tpu.memory_space<vmem_shared>> -> memref<128x128xf32, #tpu.memory_space<vmem_shared>>
      %dma_wait3A_229 = arith.constant 0 : i32
      %dma_wait3A_230 = tpu.memref_slice %arg11[%add3A_175, %dma_wait3A_229] : memref<10240x128xf32, #tpu.memory_space<vmem_shared>> -> memref<128x128xf32, #tpu.memory_space<vmem_shared>>
      tpu.wait_dma2 semaphore(%run_scoped3A : memref<!tpu.dma_semaphore, #tpu.memory_space<semaphore_mem>>) src(%dma_wait3A_230 : memref<128x128xf32, #tpu.memory_space<vmem_shared>>) dst(%arg9 : memref<128x128xf32, #tpu.memory_space<vmem>>)
      tpu.yield
    }) : () -> ()
    %mul3A_176 = arith.constant 10240 : i32
    %mul3A_177 = arith.muli %arg0, %mul3A_176 : i32
    %add3A_178 = arith.constant 20480 : i32
    %add3A_179 = arith.addi %add3A_178, %mul3A_177 : i32
    %mul3A_180 = arith.constant 640 : i32
    %mul3A_181 = arith.muli %arg1, %mul3A_180 : i32
    %add3A_182 = arith.addi %add3A_179, %mul3A_181 : i32
    %add3A_183 = arith.constant 128 : i32
    %add3A_184 = arith.addi %add3A_182, %add3A_183 : i32
    "tpu.region"() ({
      %run_scoped3A = tpu.sem_alloc : memref<!tpu.dma_semaphore, #tpu.memory_space<semaphore_mem>>
      %dma_start3A_224 = arith.constant 0 : i32
      %dma_start3A_225 = tpu.memref_slice %arg6[%add3A_184, %dma_start3A_224] : memref<40960x128xf32, #tpu.memory_space<hbm>> -> memref<128x128xf32, #tpu.memory_space<hbm>>
      %dma_start3A_226 = arith.constant 0 : i32
      %dma_start3A_227 = tpu.memref_slice %arg6[%add3A_184, %dma_start3A_226] : memref<40960x128xf32, #tpu.memory_space<hbm>> -> memref<128x128xf32, #tpu.memory_space<hbm>>
      tpu.enqueue_dma source(%arg9 : memref<128x128xf32, #tpu.memory_space<vmem>>) target(%dma_start3A_227 : memref<128x128xf32, #tpu.memory_space<hbm>>) target_semaphore(%run_scoped3A : memref<!tpu.dma_semaphore, #tpu.memory_space<semaphore_mem>>)
      %dma_wait3A = arith.constant 0 : i32
      %dma_wait3A_228 = tpu.memref_slice %arg6[%add3A_184, %dma_wait3A] : memref<40960x128xf32, #tpu.memory_space<hbm>> -> memref<128x128xf32, #tpu.memory_space<hbm>>
      %dma_wait3A_229 = arith.constant 0 : i32
      %dma_wait3A_230 = tpu.memref_slice %arg6[%add3A_184, %dma_wait3A_229] : memref<40960x128xf32, #tpu.memory_space<hbm>> -> memref<128x128xf32, #tpu.memory_space<hbm>>
      tpu.wait_dma2 semaphore(%run_scoped3A : memref<!tpu.dma_semaphore, #tpu.memory_space<semaphore_mem>>) src(%arg9 : memref<128x128xf32, #tpu.memory_space<vmem>>) dst(%dma_wait3A_230 : memref<128x128xf32, #tpu.memory_space<hbm>>)
      tpu.yield
    }) : () -> ()
    %mul3A_185 = arith.constant 640 : i32
    %mul3A_186 = arith.muli %arg1, %mul3A_185 : i32
    %add3A_187 = arith.constant 256 : i32
    %add3A_188 = arith.addi %mul3A_186, %add3A_187 : i32
    "tpu.region"() ({
      %run_scoped3A = tpu.sem_alloc : memref<!tpu.dma_semaphore, #tpu.memory_space<semaphore_mem>>
      %dma_start3A_224 = arith.constant 0 : i32
      %dma_start3A_225 = tpu.memref_slice %arg11[%add3A_188, %dma_start3A_224] : memref<10240x128xf32, #tpu.memory_space<vmem_shared>> -> memref<128x128xf32, #tpu.memory_space<vmem_shared>>
      %dma_start3A_226 = arith.constant 0 : i32
      %dma_start3A_227 = tpu.memref_slice %arg11[%add3A_188, %dma_start3A_226] : memref<10240x128xf32, #tpu.memory_space<vmem_shared>> -> memref<128x128xf32, #tpu.memory_space<vmem_shared>>
      tpu.enqueue_dma source(%dma_start3A_227 : memref<128x128xf32, #tpu.memory_space<vmem_shared>>) target(%arg9 : memref<128x128xf32, #tpu.memory_space<vmem>>) target_semaphore(%run_scoped3A : memref<!tpu.dma_semaphore, #tpu.memory_space<semaphore_mem>>)
      %dma_wait3A = arith.constant 0 : i32
      %dma_wait3A_228 = tpu.memref_slice %arg11[%add3A_188, %dma_wait3A] : memref<10240x128xf32, #tpu.memory_space<vmem_shared>> -> memref<128x128xf32, #tpu.memory_space<vmem_shared>>
      %dma_wait3A_229 = arith.constant 0 : i32
      %dma_wait3A_230 = tpu.memref_slice %arg11[%add3A_188, %dma_wait3A_229] : memref<10240x128xf32, #tpu.memory_space<vmem_shared>> -> memref<128x128xf32, #tpu.memory_space<vmem_shared>>
      tpu.wait_dma2 semaphore(%run_scoped3A : memref<!tpu.dma_semaphore, #tpu.memory_space<semaphore_mem>>) src(%dma_wait3A_230 : memref<128x128xf32, #tpu.memory_space<vmem_shared>>) dst(%arg9 : memref<128x128xf32, #tpu.memory_space<vmem>>)
      tpu.yield
    }) : () -> ()
    %mul3A_189 = arith.constant 10240 : i32
    %mul3A_190 = arith.muli %arg0, %mul3A_189 : i32
    %add3A_191 = arith.constant 20480 : i32
    %add3A_192 = arith.addi %add3A_191, %mul3A_190 : i32
    %mul3A_193 = arith.constant 640 : i32
    %mul3A_194 = arith.muli %arg1, %mul3A_193 : i32
    %add3A_195 = arith.addi %add3A_192, %mul3A_194 : i32
    %add3A_196 = arith.constant 256 : i32
    %add3A_197 = arith.addi %add3A_195, %add3A_196 : i32
    "tpu.region"() ({
      %run_scoped3A = tpu.sem_alloc : memref<!tpu.dma_semaphore, #tpu.memory_space<semaphore_mem>>
      %dma_start3A_224 = arith.constant 0 : i32
      %dma_start3A_225 = tpu.memref_slice %arg6[%add3A_197, %dma_start3A_224] : memref<40960x128xf32, #tpu.memory_space<hbm>> -> memref<128x128xf32, #tpu.memory_space<hbm>>
      %dma_start3A_226 = arith.constant 0 : i32
      %dma_start3A_227 = tpu.memref_slice %arg6[%add3A_197, %dma_start3A_226] : memref<40960x128xf32, #tpu.memory_space<hbm>> -> memref<128x128xf32, #tpu.memory_space<hbm>>
      tpu.enqueue_dma source(%arg9 : memref<128x128xf32, #tpu.memory_space<vmem>>) target(%dma_start3A_227 : memref<128x128xf32, #tpu.memory_space<hbm>>) target_semaphore(%run_scoped3A : memref<!tpu.dma_semaphore, #tpu.memory_space<semaphore_mem>>)
      %dma_wait3A = arith.constant 0 : i32
      %dma_wait3A_228 = tpu.memref_slice %arg6[%add3A_197, %dma_wait3A] : memref<40960x128xf32, #tpu.memory_space<hbm>> -> memref<128x128xf32, #tpu.memory_space<hbm>>
      %dma_wait3A_229 = arith.constant 0 : i32
      %dma_wait3A_230 = tpu.memref_slice %arg6[%add3A_197, %dma_wait3A_229] : memref<40960x128xf32, #tpu.memory_space<hbm>> -> memref<128x128xf32, #tpu.memory_space<hbm>>
      tpu.wait_dma2 semaphore(%run_scoped3A : memref<!tpu.dma_semaphore, #tpu.memory_space<semaphore_mem>>) src(%arg9 : memref<128x128xf32, #tpu.memory_space<vmem>>) dst(%dma_wait3A_230 : memref<128x128xf32, #tpu.memory_space<hbm>>)
      tpu.yield
    }) : () -> ()
    %mul3A_198 = arith.constant 640 : i32
    %mul3A_199 = arith.muli %arg1, %mul3A_198 : i32
    %add3A_200 = arith.constant 384 : i32
    %add3A_201 = arith.addi %mul3A_199, %add3A_200 : i32
    "tpu.region"() ({
      %run_scoped3A = tpu.sem_alloc : memref<!tpu.dma_semaphore, #tpu.memory_space<semaphore_mem>>
      %dma_start3A_224 = arith.constant 0 : i32
      %dma_start3A_225 = tpu.memref_slice %arg11[%add3A_201, %dma_start3A_224] : memref<10240x128xf32, #tpu.memory_space<vmem_shared>> -> memref<128x128xf32, #tpu.memory_space<vmem_shared>>
      %dma_start3A_226 = arith.constant 0 : i32
      %dma_start3A_227 = tpu.memref_slice %arg11[%add3A_201, %dma_start3A_226] : memref<10240x128xf32, #tpu.memory_space<vmem_shared>> -> memref<128x128xf32, #tpu.memory_space<vmem_shared>>
      tpu.enqueue_dma source(%dma_start3A_227 : memref<128x128xf32, #tpu.memory_space<vmem_shared>>) target(%arg9 : memref<128x128xf32, #tpu.memory_space<vmem>>) target_semaphore(%run_scoped3A : memref<!tpu.dma_semaphore, #tpu.memory_space<semaphore_mem>>)
      %dma_wait3A = arith.constant 0 : i32
      %dma_wait3A_228 = tpu.memref_slice %arg11[%add3A_201, %dma_wait3A] : memref<10240x128xf32, #tpu.memory_space<vmem_shared>> -> memref<128x128xf32, #tpu.memory_space<vmem_shared>>
      %dma_wait3A_229 = arith.constant 0 : i32
      %dma_wait3A_230 = tpu.memref_slice %arg11[%add3A_201, %dma_wait3A_229] : memref<10240x128xf32, #tpu.memory_space<vmem_shared>> -> memref<128x128xf32, #tpu.memory_space<vmem_shared>>
      tpu.wait_dma2 semaphore(%run_scoped3A : memref<!tpu.dma_semaphore, #tpu.memory_space<semaphore_mem>>) src(%dma_wait3A_230 : memref<128x128xf32, #tpu.memory_space<vmem_shared>>) dst(%arg9 : memref<128x128xf32, #tpu.memory_space<vmem>>)
      tpu.yield
    }) : () -> ()
    %mul3A_202 = arith.constant 10240 : i32
    %mul3A_203 = arith.muli %arg0, %mul3A_202 : i32
    %add3A_204 = arith.constant 20480 : i32
    %add3A_205 = arith.addi %add3A_204, %mul3A_203 : i32
    %mul3A_206 = arith.constant 640 : i32
    %mul3A_207 = arith.muli %arg1, %mul3A_206 : i32
    %add3A_208 = arith.addi %add3A_205, %mul3A_207 : i32
    %add3A_209 = arith.constant 384 : i32
    %add3A_210 = arith.addi %add3A_208, %add3A_209 : i32
    "tpu.region"() ({
      %run_scoped3A = tpu.sem_alloc : memref<!tpu.dma_semaphore, #tpu.memory_space<semaphore_mem>>
      %dma_start3A_224 = arith.constant 0 : i32
      %dma_start3A_225 = tpu.memref_slice %arg6[%add3A_210, %dma_start3A_224] : memref<40960x128xf32, #tpu.memory_space<hbm>> -> memref<128x128xf32, #tpu.memory_space<hbm>>
      %dma_start3A_226 = arith.constant 0 : i32
      %dma_start3A_227 = tpu.memref_slice %arg6[%add3A_210, %dma_start3A_226] : memref<40960x128xf32, #tpu.memory_space<hbm>> -> memref<128x128xf32, #tpu.memory_space<hbm>>
      tpu.enqueue_dma source(%arg9 : memref<128x128xf32, #tpu.memory_space<vmem>>) target(%dma_start3A_227 : memref<128x128xf32, #tpu.memory_space<hbm>>) target_semaphore(%run_scoped3A : memref<!tpu.dma_semaphore, #tpu.memory_space<semaphore_mem>>)
      %dma_wait3A = arith.constant 0 : i32
      %dma_wait3A_228 = tpu.memref_slice %arg6[%add3A_210, %dma_wait3A] : memref<40960x128xf32, #tpu.memory_space<hbm>> -> memref<128x128xf32, #tpu.memory_space<hbm>>
      %dma_wait3A_229 = arith.constant 0 : i32
      %dma_wait3A_230 = tpu.memref_slice %arg6[%add3A_210, %dma_wait3A_229] : memref<40960x128xf32, #tpu.memory_space<hbm>> -> memref<128x128xf32, #tpu.memory_space<hbm>>
      tpu.wait_dma2 semaphore(%run_scoped3A : memref<!tpu.dma_semaphore, #tpu.memory_space<semaphore_mem>>) src(%arg9 : memref<128x128xf32, #tpu.memory_space<vmem>>) dst(%dma_wait3A_230 : memref<128x128xf32, #tpu.memory_space<hbm>>)
      tpu.yield
    }) : () -> ()
    %mul3A_211 = arith.constant 640 : i32
    %mul3A_212 = arith.muli %arg1, %mul3A_211 : i32
    %add3A_213 = arith.constant 512 : i32
    %add3A_214 = arith.addi %mul3A_212, %add3A_213 : i32
    "tpu.region"() ({
      %run_scoped3A = tpu.sem_alloc : memref<!tpu.dma_semaphore, #tpu.memory_space<semaphore_mem>>
      %dma_start3A_224 = arith.constant 0 : i32
      %dma_start3A_225 = tpu.memref_slice %arg11[%add3A_214, %dma_start3A_224] : memref<10240x128xf32, #tpu.memory_space<vmem_shared>> -> memref<128x128xf32, #tpu.memory_space<vmem_shared>>
      %dma_start3A_226 = arith.constant 0 : i32
      %dma_start3A_227 = tpu.memref_slice %arg11[%add3A_214, %dma_start3A_226] : memref<10240x128xf32, #tpu.memory_space<vmem_shared>> -> memref<128x128xf32, #tpu.memory_space<vmem_shared>>
      tpu.enqueue_dma source(%dma_start3A_227 : memref<128x128xf32, #tpu.memory_space<vmem_shared>>) target(%arg9 : memref<128x128xf32, #tpu.memory_space<vmem>>) target_semaphore(%run_scoped3A : memref<!tpu.dma_semaphore, #tpu.memory_space<semaphore_mem>>)
      %dma_wait3A = arith.constant 0 : i32
      %dma_wait3A_228 = tpu.memref_slice %arg11[%add3A_214, %dma_wait3A] : memref<10240x128xf32, #tpu.memory_space<vmem_shared>> -> memref<128x128xf32, #tpu.memory_space<vmem_shared>>
      %dma_wait3A_229 = arith.constant 0 : i32
      %dma_wait3A_230 = tpu.memref_slice %arg11[%add3A_214, %dma_wait3A_229] : memref<10240x128xf32, #tpu.memory_space<vmem_shared>> -> memref<128x128xf32, #tpu.memory_space<vmem_shared>>
      tpu.wait_dma2 semaphore(%run_scoped3A : memref<!tpu.dma_semaphore, #tpu.memory_space<semaphore_mem>>) src(%dma_wait3A_230 : memref<128x128xf32, #tpu.memory_space<vmem_shared>>) dst(%arg9 : memref<128x128xf32, #tpu.memory_space<vmem>>)
      tpu.yield
    }) : () -> ()
    %mul3A_215 = arith.constant 10240 : i32
    %mul3A_216 = arith.muli %arg0, %mul3A_215 : i32
    %add3A_217 = arith.constant 20480 : i32
    %add3A_218 = arith.addi %add3A_217, %mul3A_216 : i32
    %mul3A_219 = arith.constant 640 : i32
    %mul3A_220 = arith.muli %arg1, %mul3A_219 : i32
    %add3A_221 = arith.addi %add3A_218, %mul3A_220 : i32
    %add3A_222 = arith.constant 512 : i32
    %add3A_223 = arith.addi %add3A_221, %add3A_222 : i32
    "tpu.region"() ({
      %run_scoped3A = tpu.sem_alloc : memref<!tpu.dma_semaphore, #tpu.memory_space<semaphore_mem>>
      %dma_start3A_224 = arith.constant 0 : i32
      %dma_start3A_225 = tpu.memref_slice %arg6[%add3A_223, %dma_start3A_224] : memref<40960x128xf32, #tpu.memory_space<hbm>> -> memref<128x128xf32, #tpu.memory_space<hbm>>
      %dma_start3A_226 = arith.constant 0 : i32
      %dma_start3A_227 = tpu.memref_slice %arg6[%add3A_223, %dma_start3A_226] : memref<40960x128xf32, #tpu.memory_space<hbm>> -> memref<128x128xf32, #tpu.memory_space<hbm>>
      tpu.enqueue_dma source(%arg9 : memref<128x128xf32, #tpu.memory_space<vmem>>) target(%dma_start3A_227 : memref<128x128xf32, #tpu.memory_space<hbm>>) target_semaphore(%run_scoped3A : memref<!tpu.dma_semaphore, #tpu.memory_space<semaphore_mem>>)
      %dma_wait3A = arith.constant 0 : i32
      %dma_wait3A_228 = tpu.memref_slice %arg6[%add3A_223, %dma_wait3A] : memref<40960x128xf32, #tpu.memory_space<hbm>> -> memref<128x128xf32, #tpu.memory_space<hbm>>
      %dma_wait3A_229 = arith.constant 0 : i32
      %dma_wait3A_230 = tpu.memref_slice %arg6[%add3A_223, %dma_wait3A_229] : memref<40960x128xf32, #tpu.memory_space<hbm>> -> memref<128x128xf32, #tpu.memory_space<hbm>>
      tpu.wait_dma2 semaphore(%run_scoped3A : memref<!tpu.dma_semaphore, #tpu.memory_space<semaphore_mem>>) src(%arg9 : memref<128x128xf32, #tpu.memory_space<vmem>>) dst(%dma_wait3A_230 : memref<128x128xf32, #tpu.memory_space<hbm>>)
      tpu.yield
    }) : () -> ()
    return
  }
}

#map = affine_map<(d0, d1) -> (0)>
#map1 = affine_map<(d0, d1) -> (0, 0)>
module attributes {stable_mosaic.version = 14 : i64} {
  func.func @_deg(%arg0: i32, %arg1: i32, %arg2: memref<163840xi32, #tpu.memory_space<hbm>>, %arg3: memref<20480x128xf32, #tpu.memory_space<hbm>>, %arg4: memref<128x128xf32, #tpu.memory_space<vmem>>, %arg5: memref<40x128xi32, #tpu.memory_space<vmem>>, %arg6: memref<10240x128xf32, #tpu.memory_space<vmem_shared>>) attributes {dimension_semantics = [#tpu.dimension_semantics<core_parallel>, #tpu.dimension_semantics<subcore_parallel>], iteration_bounds = array<i64: 2, 16>, scalar_prefetch = 0 : i64, scratch_operands = 3 : i64, tpu.core_type = #tpu.core_type<sc_vector_subcore>, window_params = [{transform_indices = #map}, {transform_indices = #map1}]} {
    %mul3A = arith.constant 2 : i32
    %mul3A_0 = arith.muli %arg1, %mul3A : i32
    %add3A = arith.addi %mul3A_0, %arg0 : i32
    %scan3A = arith.constant 0 : i32
    %scan3A_1 = arith.constant 0 : i32
    %scan3A_2 = arith.constant 128 : i32
    %scan3A_3 = arith.addi %scan3A_1, %scan3A_2 : i32
    %scan3A_4 = arith.constant 1 : i32
    %scan3A_5 = scf.for %scan3A_106 = %scan3A_1 to %scan3A_3 step %scan3A_4 iter_args(%scan3A_107 = %scan3A) -> (i32)  : i32 {
      %broadcast_in_dim3A = arith.constant 0.000000e+00 : f32
      %broadcast_in_dim3A_108 = vector.broadcast %broadcast_in_dim3A : f32 to vector<16xf32>
      %swap3A = arith.index_cast %scan3A_106 : i32 to index
      %swap3A_109 = arith.constant 0 : index
      %swap3A_110 = tpu.vector_load %arg4[%swap3A, %swap3A_109] {strides = array<i32>} : memref<128x128xf32, #tpu.memory_space<vmem>>, vector<1x16xf32>,
      %swap3A_111 = vector.shape_cast %swap3A_110 : vector<1x16xf32> to vector<16xf32>
      %swap3A_112 = vector.shape_cast %broadcast_in_dim3A_108 : vector<16xf32> to vector<1x16xf32>
      tpu.vector_store %arg4[%swap3A, %swap3A_109], %swap3A_112 {strides = array<i32>} : memref<128x128xf32, #tpu.memory_space<vmem>>, vector<1x16xf32>,
      %broadcast_in_dim3A_113 = arith.constant 0.000000e+00 : f32
      %broadcast_in_dim3A_114 = vector.broadcast %broadcast_in_dim3A_113 : f32 to vector<16xf32>
      %swap3A_115 = arith.index_cast %scan3A_106 : i32 to index
      %swap3A_116 = arith.constant 16 : index
      %swap3A_117 = tpu.vector_load %arg4[%swap3A_115, %swap3A_116] {strides = array<i32>} : memref<128x128xf32, #tpu.memory_space<vmem>>, vector<1x16xf32>,
      %swap3A_118 = vector.shape_cast %swap3A_117 : vector<1x16xf32> to vector<16xf32>
      %swap3A_119 = vector.shape_cast %broadcast_in_dim3A_114 : vector<16xf32> to vector<1x16xf32>
      tpu.vector_store %arg4[%swap3A_115, %swap3A_116], %swap3A_119 {strides = array<i32>} : memref<128x128xf32, #tpu.memory_space<vmem>>, vector<1x16xf32>,
      %broadcast_in_dim3A_120 = arith.constant 0.000000e+00 : f32
      %broadcast_in_dim3A_121 = vector.broadcast %broadcast_in_dim3A_120 : f32 to vector<16xf32>
      %swap3A_122 = arith.index_cast %scan3A_106 : i32 to index
      %swap3A_123 = arith.constant 32 : index
      %swap3A_124 = tpu.vector_load %arg4[%swap3A_122, %swap3A_123] {strides = array<i32>} : memref<128x128xf32, #tpu.memory_space<vmem>>, vector<1x16xf32>,
      %swap3A_125 = vector.shape_cast %swap3A_124 : vector<1x16xf32> to vector<16xf32>
      %swap3A_126 = vector.shape_cast %broadcast_in_dim3A_121 : vector<16xf32> to vector<1x16xf32>
      tpu.vector_store %arg4[%swap3A_122, %swap3A_123], %swap3A_126 {strides = array<i32>} : memref<128x128xf32, #tpu.memory_space<vmem>>, vector<1x16xf32>,
      %broadcast_in_dim3A_127 = arith.constant 0.000000e+00 : f32
      %broadcast_in_dim3A_128 = vector.broadcast %broadcast_in_dim3A_127 : f32 to vector<16xf32>
      %swap3A_129 = arith.index_cast %scan3A_106 : i32 to index
      %swap3A_130 = arith.constant 48 : index
      %swap3A_131 = tpu.vector_load %arg4[%swap3A_129, %swap3A_130] {strides = array<i32>} : memref<128x128xf32, #tpu.memory_space<vmem>>, vector<1x16xf32>,
      %swap3A_132 = vector.shape_cast %swap3A_131 : vector<1x16xf32> to vector<16xf32>
      %swap3A_133 = vector.shape_cast %broadcast_in_dim3A_128 : vector<16xf32> to vector<1x16xf32>
      tpu.vector_store %arg4[%swap3A_129, %swap3A_130], %swap3A_133 {strides = array<i32>} : memref<128x128xf32, #tpu.memory_space<vmem>>, vector<1x16xf32>,
      %broadcast_in_dim3A_134 = arith.constant 0.000000e+00 : f32
      %broadcast_in_dim3A_135 = vector.broadcast %broadcast_in_dim3A_134 : f32 to vector<16xf32>
      %swap3A_136 = arith.index_cast %scan3A_106 : i32 to index
      %swap3A_137 = arith.constant 64 : index
      %swap3A_138 = tpu.vector_load %arg4[%swap3A_136, %swap3A_137] {strides = array<i32>} : memref<128x128xf32, #tpu.memory_space<vmem>>, vector<1x16xf32>,
      %swap3A_139 = vector.shape_cast %swap3A_138 : vector<1x16xf32> to vector<16xf32>
      %swap3A_140 = vector.shape_cast %broadcast_in_dim3A_135 : vector<16xf32> to vector<1x16xf32>
      tpu.vector_store %arg4[%swap3A_136, %swap3A_137], %swap3A_140 {strides = array<i32>} : memref<128x128xf32, #tpu.memory_space<vmem>>, vector<1x16xf32>,
      %broadcast_in_dim3A_141 = arith.constant 0.000000e+00 : f32
      %broadcast_in_dim3A_142 = vector.broadcast %broadcast_in_dim3A_141 : f32 to vector<16xf32>
      %swap3A_143 = arith.index_cast %scan3A_106 : i32 to index
      %swap3A_144 = arith.constant 80 : index
      %swap3A_145 = tpu.vector_load %arg4[%swap3A_143, %swap3A_144] {strides = array<i32>} : memref<128x128xf32, #tpu.memory_space<vmem>>, vector<1x16xf32>,
      %swap3A_146 = vector.shape_cast %swap3A_145 : vector<1x16xf32> to vector<16xf32>
      %swap3A_147 = vector.shape_cast %broadcast_in_dim3A_142 : vector<16xf32> to vector<1x16xf32>
      tpu.vector_store %arg4[%swap3A_143, %swap3A_144], %swap3A_147 {strides = array<i32>} : memref<128x128xf32, #tpu.memory_space<vmem>>, vector<1x16xf32>,
      %broadcast_in_dim3A_148 = arith.constant 0.000000e+00 : f32
      %broadcast_in_dim3A_149 = vector.broadcast %broadcast_in_dim3A_148 : f32 to vector<16xf32>
      %swap3A_150 = arith.index_cast %scan3A_106 : i32 to index
      %swap3A_151 = arith.constant 96 : index
      %swap3A_152 = tpu.vector_load %arg4[%swap3A_150, %swap3A_151] {strides = array<i32>} : memref<128x128xf32, #tpu.memory_space<vmem>>, vector<1x16xf32>,
      %swap3A_153 = vector.shape_cast %swap3A_152 : vector<1x16xf32> to vector<16xf32>
      %swap3A_154 = vector.shape_cast %broadcast_in_dim3A_149 : vector<16xf32> to vector<1x16xf32>
      tpu.vector_store %arg4[%swap3A_150, %swap3A_151], %swap3A_154 {strides = array<i32>} : memref<128x128xf32, #tpu.memory_space<vmem>>, vector<1x16xf32>,
      %broadcast_in_dim3A_155 = arith.constant 0.000000e+00 : f32
      %broadcast_in_dim3A_156 = vector.broadcast %broadcast_in_dim3A_155 : f32 to vector<16xf32>
      %swap3A_157 = arith.index_cast %scan3A_106 : i32 to index
      %swap3A_158 = arith.constant 112 : index
      %swap3A_159 = tpu.vector_load %arg4[%swap3A_157, %swap3A_158] {strides = array<i32>} : memref<128x128xf32, #tpu.memory_space<vmem>>, vector<1x16xf32>,
      %swap3A_160 = vector.shape_cast %swap3A_159 : vector<1x16xf32> to vector<16xf32>
      %swap3A_161 = vector.shape_cast %broadcast_in_dim3A_156 : vector<16xf32> to vector<1x16xf32>
      tpu.vector_store %arg4[%swap3A_157, %swap3A_158], %swap3A_161 {strides = array<i32>} : memref<128x128xf32, #tpu.memory_space<vmem>>, vector<1x16xf32>,
      %scan3A_162 = arith.constant 0 : i32
      scf.yield %scan3A_162 : i32
    }
    %scan3A_6 = arith.constant 128 : i32
    %mul3A_7 = arith.constant 640 : i32
    %mul3A_8 = arith.muli %arg1, %mul3A_7 : i32
    %add3A_9 = arith.constant 0 : i32
    %add3A_10 = arith.addi %mul3A_8, %add3A_9 : i32
    "tpu.region"() ({
      %run_scoped3A = tpu.sem_alloc : memref<!tpu.dma_semaphore, #tpu.memory_space<semaphore_mem>>
      %dma_start3A = arith.constant 0 : i32
      %dma_start3A_106 = tpu.memref_slice %arg6[%add3A_10, %dma_start3A] : memref<10240x128xf32, #tpu.memory_space<vmem_shared>> -> memref<128x128xf32, #tpu.memory_space<vmem_shared>>
      %dma_start3A_107 = arith.constant 0 : i32
      %dma_start3A_108 = tpu.memref_slice %arg6[%add3A_10, %dma_start3A_107] : memref<10240x128xf32, #tpu.memory_space<vmem_shared>> -> memref<128x128xf32, #tpu.memory_space<vmem_shared>>
      tpu.enqueue_dma source(%arg4 : memref<128x128xf32, #tpu.memory_space<vmem>>) target(%dma_start3A_108 : memref<128x128xf32, #tpu.memory_space<vmem_shared>>) target_semaphore(%run_scoped3A : memref<!tpu.dma_semaphore, #tpu.memory_space<semaphore_mem>>)
      %dma_wait3A = arith.constant 0 : i32
      %dma_wait3A_109 = tpu.memref_slice %arg6[%add3A_10, %dma_wait3A] : memref<10240x128xf32, #tpu.memory_space<vmem_shared>> -> memref<128x128xf32, #tpu.memory_space<vmem_shared>>
      %dma_wait3A_110 = arith.constant 0 : i32
      %dma_wait3A_111 = tpu.memref_slice %arg6[%add3A_10, %dma_wait3A_110] : memref<10240x128xf32, #tpu.memory_space<vmem_shared>> -> memref<128x128xf32, #tpu.memory_space<vmem_shared>>
      tpu.wait_dma2 semaphore(%run_scoped3A : memref<!tpu.dma_semaphore, #tpu.memory_space<semaphore_mem>>) src(%arg4 : memref<128x128xf32, #tpu.memory_space<vmem>>) dst(%dma_wait3A_111 : memref<128x128xf32, #tpu.memory_space<vmem_shared>>)
      tpu.yield
    }) : () -> ()
    %mul3A_11 = arith.constant 640 : i32
    %mul3A_12 = arith.muli %arg1, %mul3A_11 : i32
    %add3A_13 = arith.constant 128 : i32
    %add3A_14 = arith.addi %mul3A_12, %add3A_13 : i32
    "tpu.region"() ({
      %run_scoped3A = tpu.sem_alloc : memref<!tpu.dma_semaphore, #tpu.memory_space<semaphore_mem>>
      %dma_start3A = arith.constant 0 : i32
      %dma_start3A_106 = tpu.memref_slice %arg6[%add3A_14, %dma_start3A] : memref<10240x128xf32, #tpu.memory_space<vmem_shared>> -> memref<128x128xf32, #tpu.memory_space<vmem_shared>>
      %dma_start3A_107 = arith.constant 0 : i32
      %dma_start3A_108 = tpu.memref_slice %arg6[%add3A_14, %dma_start3A_107] : memref<10240x128xf32, #tpu.memory_space<vmem_shared>> -> memref<128x128xf32, #tpu.memory_space<vmem_shared>>
      tpu.enqueue_dma source(%arg4 : memref<128x128xf32, #tpu.memory_space<vmem>>) target(%dma_start3A_108 : memref<128x128xf32, #tpu.memory_space<vmem_shared>>) target_semaphore(%run_scoped3A : memref<!tpu.dma_semaphore, #tpu.memory_space<semaphore_mem>>)
      %dma_wait3A = arith.constant 0 : i32
      %dma_wait3A_109 = tpu.memref_slice %arg6[%add3A_14, %dma_wait3A] : memref<10240x128xf32, #tpu.memory_space<vmem_shared>> -> memref<128x128xf32, #tpu.memory_space<vmem_shared>>
      %dma_wait3A_110 = arith.constant 0 : i32
      %dma_wait3A_111 = tpu.memref_slice %arg6[%add3A_14, %dma_wait3A_110] : memref<10240x128xf32, #tpu.memory_space<vmem_shared>> -> memref<128x128xf32, #tpu.memory_space<vmem_shared>>
      tpu.wait_dma2 semaphore(%run_scoped3A : memref<!tpu.dma_semaphore, #tpu.memory_space<semaphore_mem>>) src(%arg4 : memref<128x128xf32, #tpu.memory_space<vmem>>) dst(%dma_wait3A_111 : memref<128x128xf32, #tpu.memory_space<vmem_shared>>)
      tpu.yield
    }) : () -> ()
    %mul3A_15 = arith.constant 640 : i32
    %mul3A_16 = arith.muli %arg1, %mul3A_15 : i32
    %add3A_17 = arith.constant 256 : i32
    %add3A_18 = arith.addi %mul3A_16, %add3A_17 : i32
    "tpu.region"() ({
      %run_scoped3A = tpu.sem_alloc : memref<!tpu.dma_semaphore, #tpu.memory_space<semaphore_mem>>
      %dma_start3A = arith.constant 0 : i32
      %dma_start3A_106 = tpu.memref_slice %arg6[%add3A_18, %dma_start3A] : memref<10240x128xf32, #tpu.memory_space<vmem_shared>> -> memref<128x128xf32, #tpu.memory_space<vmem_shared>>
      %dma_start3A_107 = arith.constant 0 : i32
      %dma_start3A_108 = tpu.memref_slice %arg6[%add3A_18, %dma_start3A_107] : memref<10240x128xf32, #tpu.memory_space<vmem_shared>> -> memref<128x128xf32, #tpu.memory_space<vmem_shared>>
      tpu.enqueue_dma source(%arg4 : memref<128x128xf32, #tpu.memory_space<vmem>>) target(%dma_start3A_108 : memref<128x128xf32, #tpu.memory_space<vmem_shared>>) target_semaphore(%run_scoped3A : memref<!tpu.dma_semaphore, #tpu.memory_space<semaphore_mem>>)
      %dma_wait3A = arith.constant 0 : i32
      %dma_wait3A_109 = tpu.memref_slice %arg6[%add3A_18, %dma_wait3A] : memref<10240x128xf32, #tpu.memory_space<vmem_shared>> -> memref<128x128xf32, #tpu.memory_space<vmem_shared>>
      %dma_wait3A_110 = arith.constant 0 : i32
      %dma_wait3A_111 = tpu.memref_slice %arg6[%add3A_18, %dma_wait3A_110] : memref<10240x128xf32, #tpu.memory_space<vmem_shared>> -> memref<128x128xf32, #tpu.memory_space<vmem_shared>>
      tpu.wait_dma2 semaphore(%run_scoped3A : memref<!tpu.dma_semaphore, #tpu.memory_space<semaphore_mem>>) src(%arg4 : memref<128x128xf32, #tpu.memory_space<vmem>>) dst(%dma_wait3A_111 : memref<128x128xf32, #tpu.memory_space<vmem_shared>>)
      tpu.yield
    }) : () -> ()
    %mul3A_19 = arith.constant 640 : i32
    %mul3A_20 = arith.muli %arg1, %mul3A_19 : i32
    %add3A_21 = arith.constant 384 : i32
    %add3A_22 = arith.addi %mul3A_20, %add3A_21 : i32
    "tpu.region"() ({
      %run_scoped3A = tpu.sem_alloc : memref<!tpu.dma_semaphore, #tpu.memory_space<semaphore_mem>>
      %dma_start3A = arith.constant 0 : i32
      %dma_start3A_106 = tpu.memref_slice %arg6[%add3A_22, %dma_start3A] : memref<10240x128xf32, #tpu.memory_space<vmem_shared>> -> memref<128x128xf32, #tpu.memory_space<vmem_shared>>
      %dma_start3A_107 = arith.constant 0 : i32
      %dma_start3A_108 = tpu.memref_slice %arg6[%add3A_22, %dma_start3A_107] : memref<10240x128xf32, #tpu.memory_space<vmem_shared>> -> memref<128x128xf32, #tpu.memory_space<vmem_shared>>
      tpu.enqueue_dma source(%arg4 : memref<128x128xf32, #tpu.memory_space<vmem>>) target(%dma_start3A_108 : memref<128x128xf32, #tpu.memory_space<vmem_shared>>) target_semaphore(%run_scoped3A : memref<!tpu.dma_semaphore, #tpu.memory_space<semaphore_mem>>)
      %dma_wait3A = arith.constant 0 : i32
      %dma_wait3A_109 = tpu.memref_slice %arg6[%add3A_22, %dma_wait3A] : memref<10240x128xf32, #tpu.memory_space<vmem_shared>> -> memref<128x128xf32, #tpu.memory_space<vmem_shared>>
      %dma_wait3A_110 = arith.constant 0 : i32
      %dma_wait3A_111 = tpu.memref_slice %arg6[%add3A_22, %dma_wait3A_110] : memref<10240x128xf32, #tpu.memory_space<vmem_shared>> -> memref<128x128xf32, #tpu.memory_space<vmem_shared>>
      tpu.wait_dma2 semaphore(%run_scoped3A : memref<!tpu.dma_semaphore, #tpu.memory_space<semaphore_mem>>) src(%arg4 : memref<128x128xf32, #tpu.memory_space<vmem>>) dst(%dma_wait3A_111 : memref<128x128xf32, #tpu.memory_space<vmem_shared>>)
      tpu.yield
    }) : () -> ()
    %mul3A_23 = arith.constant 640 : i32
    %mul3A_24 = arith.muli %arg1, %mul3A_23 : i32
    %add3A_25 = arith.constant 512 : i32
    %add3A_26 = arith.addi %mul3A_24, %add3A_25 : i32
    "tpu.region"() ({
      %run_scoped3A = tpu.sem_alloc : memref<!tpu.dma_semaphore, #tpu.memory_space<semaphore_mem>>
      %dma_start3A = arith.constant 0 : i32
      %dma_start3A_106 = tpu.memref_slice %arg6[%add3A_26, %dma_start3A] : memref<10240x128xf32, #tpu.memory_space<vmem_shared>> -> memref<128x128xf32, #tpu.memory_space<vmem_shared>>
      %dma_start3A_107 = arith.constant 0 : i32
      %dma_start3A_108 = tpu.memref_slice %arg6[%add3A_26, %dma_start3A_107] : memref<10240x128xf32, #tpu.memory_space<vmem_shared>> -> memref<128x128xf32, #tpu.memory_space<vmem_shared>>
      tpu.enqueue_dma source(%arg4 : memref<128x128xf32, #tpu.memory_space<vmem>>) target(%dma_start3A_108 : memref<128x128xf32, #tpu.memory_space<vmem_shared>>) target_semaphore(%run_scoped3A : memref<!tpu.dma_semaphore, #tpu.memory_space<semaphore_mem>>)
      %dma_wait3A = arith.constant 0 : i32
      %dma_wait3A_109 = tpu.memref_slice %arg6[%add3A_26, %dma_wait3A] : memref<10240x128xf32, #tpu.memory_space<vmem_shared>> -> memref<128x128xf32, #tpu.memory_space<vmem_shared>>
      %dma_wait3A_110 = arith.constant 0 : i32
      %dma_wait3A_111 = tpu.memref_slice %arg6[%add3A_26, %dma_wait3A_110] : memref<10240x128xf32, #tpu.memory_space<vmem_shared>> -> memref<128x128xf32, #tpu.memory_space<vmem_shared>>
      tpu.wait_dma2 semaphore(%run_scoped3A : memref<!tpu.dma_semaphore, #tpu.memory_space<semaphore_mem>>) src(%arg4 : memref<128x128xf32, #tpu.memory_space<vmem>>) dst(%dma_wait3A_111 : memref<128x128xf32, #tpu.memory_space<vmem_shared>>)
      tpu.yield
    }) : () -> ()
    %scan3A_27 = arith.constant 0 : i32
    %scan3A_28 = arith.constant 0 : i32
    %scan3A_29 = arith.constant 128 : i32
    %scan3A_30 = arith.addi %scan3A_28, %scan3A_29 : i32
    %scan3A_31 = arith.constant 1 : i32
    %scan3A_32 = scf.for %scan3A_106 = %scan3A_28 to %scan3A_30 step %scan3A_31 iter_args(%scan3A_107 = %scan3A_27) -> (i32)  : i32 {
      %broadcast_in_dim3A = arith.constant 1.000000e+00 : f32
      %broadcast_in_dim3A_108 = vector.broadcast %broadcast_in_dim3A : f32 to vector<16xf32>
      %swap3A = arith.index_cast %scan3A_106 : i32 to index
      %swap3A_109 = arith.constant 0 : index
      %swap3A_110 = tpu.vector_load %arg4[%swap3A, %swap3A_109] {strides = array<i32>} : memref<128x128xf32, #tpu.memory_space<vmem>>, vector<1x16xf32>,
      %swap3A_111 = vector.shape_cast %swap3A_110 : vector<1x16xf32> to vector<16xf32>
      %swap3A_112 = vector.shape_cast %broadcast_in_dim3A_108 : vector<16xf32> to vector<1x16xf32>
      tpu.vector_store %arg4[%swap3A, %swap3A_109], %swap3A_112 {strides = array<i32>} : memref<128x128xf32, #tpu.memory_space<vmem>>, vector<1x16xf32>,
      %broadcast_in_dim3A_113 = arith.constant 1.000000e+00 : f32
      %broadcast_in_dim3A_114 = vector.broadcast %broadcast_in_dim3A_113 : f32 to vector<16xf32>
      %swap3A_115 = arith.index_cast %scan3A_106 : i32 to index
      %swap3A_116 = arith.constant 16 : index
      %swap3A_117 = tpu.vector_load %arg4[%swap3A_115, %swap3A_116] {strides = array<i32>} : memref<128x128xf32, #tpu.memory_space<vmem>>, vector<1x16xf32>,
      %swap3A_118 = vector.shape_cast %swap3A_117 : vector<1x16xf32> to vector<16xf32>
      %swap3A_119 = vector.shape_cast %broadcast_in_dim3A_114 : vector<16xf32> to vector<1x16xf32>
      tpu.vector_store %arg4[%swap3A_115, %swap3A_116], %swap3A_119 {strides = array<i32>} : memref<128x128xf32, #tpu.memory_space<vmem>>, vector<1x16xf32>,
      %broadcast_in_dim3A_120 = arith.constant 1.000000e+00 : f32
      %broadcast_in_dim3A_121 = vector.broadcast %broadcast_in_dim3A_120 : f32 to vector<16xf32>
      %swap3A_122 = arith.index_cast %scan3A_106 : i32 to index
      %swap3A_123 = arith.constant 32 : index
      %swap3A_124 = tpu.vector_load %arg4[%swap3A_122, %swap3A_123] {strides = array<i32>} : memref<128x128xf32, #tpu.memory_space<vmem>>, vector<1x16xf32>,
      %swap3A_125 = vector.shape_cast %swap3A_124 : vector<1x16xf32> to vector<16xf32>
      %swap3A_126 = vector.shape_cast %broadcast_in_dim3A_121 : vector<16xf32> to vector<1x16xf32>
      tpu.vector_store %arg4[%swap3A_122, %swap3A_123], %swap3A_126 {strides = array<i32>} : memref<128x128xf32, #tpu.memory_space<vmem>>, vector<1x16xf32>,
      %broadcast_in_dim3A_127 = arith.constant 1.000000e+00 : f32
      %broadcast_in_dim3A_128 = vector.broadcast %broadcast_in_dim3A_127 : f32 to vector<16xf32>
      %swap3A_129 = arith.index_cast %scan3A_106 : i32 to index
      %swap3A_130 = arith.constant 48 : index
      %swap3A_131 = tpu.vector_load %arg4[%swap3A_129, %swap3A_130] {strides = array<i32>} : memref<128x128xf32, #tpu.memory_space<vmem>>, vector<1x16xf32>,
      %swap3A_132 = vector.shape_cast %swap3A_131 : vector<1x16xf32> to vector<16xf32>
      %swap3A_133 = vector.shape_cast %broadcast_in_dim3A_128 : vector<16xf32> to vector<1x16xf32>
      tpu.vector_store %arg4[%swap3A_129, %swap3A_130], %swap3A_133 {strides = array<i32>} : memref<128x128xf32, #tpu.memory_space<vmem>>, vector<1x16xf32>,
      %broadcast_in_dim3A_134 = arith.constant 1.000000e+00 : f32
      %broadcast_in_dim3A_135 = vector.broadcast %broadcast_in_dim3A_134 : f32 to vector<16xf32>
      %swap3A_136 = arith.index_cast %scan3A_106 : i32 to index
      %swap3A_137 = arith.constant 64 : index
      %swap3A_138 = tpu.vector_load %arg4[%swap3A_136, %swap3A_137] {strides = array<i32>} : memref<128x128xf32, #tpu.memory_space<vmem>>, vector<1x16xf32>,
      %swap3A_139 = vector.shape_cast %swap3A_138 : vector<1x16xf32> to vector<16xf32>
      %swap3A_140 = vector.shape_cast %broadcast_in_dim3A_135 : vector<16xf32> to vector<1x16xf32>
      tpu.vector_store %arg4[%swap3A_136, %swap3A_137], %swap3A_140 {strides = array<i32>} : memref<128x128xf32, #tpu.memory_space<vmem>>, vector<1x16xf32>,
      %broadcast_in_dim3A_141 = arith.constant 1.000000e+00 : f32
      %broadcast_in_dim3A_142 = vector.broadcast %broadcast_in_dim3A_141 : f32 to vector<16xf32>
      %swap3A_143 = arith.index_cast %scan3A_106 : i32 to index
      %swap3A_144 = arith.constant 80 : index
      %swap3A_145 = tpu.vector_load %arg4[%swap3A_143, %swap3A_144] {strides = array<i32>} : memref<128x128xf32, #tpu.memory_space<vmem>>, vector<1x16xf32>,
      %swap3A_146 = vector.shape_cast %swap3A_145 : vector<1x16xf32> to vector<16xf32>
      %swap3A_147 = vector.shape_cast %broadcast_in_dim3A_142 : vector<16xf32> to vector<1x16xf32>
      tpu.vector_store %arg4[%swap3A_143, %swap3A_144], %swap3A_147 {strides = array<i32>} : memref<128x128xf32, #tpu.memory_space<vmem>>, vector<1x16xf32>,
      %broadcast_in_dim3A_148 = arith.constant 1.000000e+00 : f32
      %broadcast_in_dim3A_149 = vector.broadcast %broadcast_in_dim3A_148 : f32 to vector<16xf32>
      %swap3A_150 = arith.index_cast %scan3A_106 : i32 to index
      %swap3A_151 = arith.constant 96 : index
      %swap3A_152 = tpu.vector_load %arg4[%swap3A_150, %swap3A_151] {strides = array<i32>} : memref<128x128xf32, #tpu.memory_space<vmem>>, vector<1x16xf32>,
      %swap3A_153 = vector.shape_cast %swap3A_152 : vector<1x16xf32> to vector<16xf32>
      %swap3A_154 = vector.shape_cast %broadcast_in_dim3A_149 : vector<16xf32> to vector<1x16xf32>
      tpu.vector_store %arg4[%swap3A_150, %swap3A_151], %swap3A_154 {strides = array<i32>} : memref<128x128xf32, #tpu.memory_space<vmem>>, vector<1x16xf32>,
      %broadcast_in_dim3A_155 = arith.constant 1.000000e+00 : f32
      %broadcast_in_dim3A_156 = vector.broadcast %broadcast_in_dim3A_155 : f32 to vector<16xf32>
      %swap3A_157 = arith.index_cast %scan3A_106 : i32 to index
      %swap3A_158 = arith.constant 112 : index
      %swap3A_159 = tpu.vector_load %arg4[%swap3A_157, %swap3A_158] {strides = array<i32>} : memref<128x128xf32, #tpu.memory_space<vmem>>, vector<1x16xf32>,
      %swap3A_160 = vector.shape_cast %swap3A_159 : vector<1x16xf32> to vector<16xf32>
      %swap3A_161 = vector.shape_cast %broadcast_in_dim3A_156 : vector<16xf32> to vector<1x16xf32>
      tpu.vector_store %arg4[%swap3A_157, %swap3A_158], %swap3A_161 {strides = array<i32>} : memref<128x128xf32, #tpu.memory_space<vmem>>, vector<1x16xf32>,
      %scan3A_162 = arith.constant 0 : i32
      scf.yield %scan3A_162 : i32
    }
    %scan3A_33 = arith.constant 128 : i32
    %mul3A_34 = arith.constant 5120 : i32
    %mul3A_35 = arith.muli %add3A, %mul3A_34 : i32
    %scan3A_36 = arith.constant 0 : i32
    %scan3A_37 = arith.constant 0 : i32
    %scan3A_38 = arith.constant 40 : i32
    %scan3A_39 = arith.addi %scan3A_37, %scan3A_38 : i32
    %scan3A_40 = arith.constant 1 : i32
    %scan3A_41 = scf.for %scan3A_106 = %scan3A_37 to %scan3A_39 step %scan3A_40 iter_args(%scan3A_107 = %scan3A_36) -> (i32)  : i32 {
      %mul3A_108 = arith.constant 128 : i32
      %mul3A_109 = arith.muli %scan3A_106, %mul3A_108 : i32
      %add3A_110 = arith.addi %mul3A_35, %mul3A_109 : i32
      "tpu.region"() ({
        %run_scoped3A = tpu.sem_alloc : memref<!tpu.dma_semaphore, #tpu.memory_space<semaphore_mem>>
        %dma_start3A = arith.constant 0 : i32
        %dma_start3A_112 = tpu.memref_slice %arg5[%scan3A_106, %dma_start3A] : memref<40x128xi32, #tpu.memory_space<vmem>> -> memref<1x128xi32, #tpu.memory_space<vmem>>
        %dma_start3A_113 = tpu.memref_squeeze %dma_start3A_112 : memref<1x128xi32, #tpu.memory_space<vmem>> -> memref<128xi32, #tpu.memory_space<vmem>>
        %dma_start3A_114 = tpu.memref_slice %arg2[%add3A_110] : memref<163840xi32, #tpu.memory_space<hbm>> -> memref<128xi32, #tpu.memory_space<hbm>>
        %dma_start3A_115 = arith.constant 0 : i32
        %dma_start3A_116 = tpu.memref_slice %arg5[%scan3A_106, %dma_start3A_115] : memref<40x128xi32, #tpu.memory_space<vmem>> -> memref<1x128xi32, #tpu.memory_space<vmem>>
        %dma_start3A_117 = tpu.memref_squeeze %dma_start3A_116 : memref<1x128xi32, #tpu.memory_space<vmem>> -> memref<128xi32, #tpu.memory_space<vmem>>
        %dma_start3A_118 = tpu.memref_slice %arg2[%add3A_110] : memref<163840xi32, #tpu.memory_space<hbm>> -> memref<128xi32, #tpu.memory_space<hbm>>
        tpu.enqueue_dma source(%dma_start3A_118 : memref<128xi32, #tpu.memory_space<hbm>>) target(%dma_start3A_117 : memref<128xi32, #tpu.memory_space<vmem>>) target_semaphore(%run_scoped3A : memref<!tpu.dma_semaphore, #tpu.memory_space<semaphore_mem>>)
        %dma_wait3A = arith.constant 0 : i32
        %dma_wait3A_119 = tpu.memref_slice %arg5[%scan3A_106, %dma_wait3A] : memref<40x128xi32, #tpu.memory_space<vmem>> -> memref<1x128xi32, #tpu.memory_space<vmem>>
        %dma_wait3A_120 = tpu.memref_squeeze %dma_wait3A_119 : memref<1x128xi32, #tpu.memory_space<vmem>> -> memref<128xi32, #tpu.memory_space<vmem>>
        %dma_wait3A_121 = tpu.memref_slice %arg2[%add3A_110] : memref<163840xi32, #tpu.memory_space<hbm>> -> memref<128xi32, #tpu.memory_space<hbm>>
        %dma_wait3A_122 = arith.constant 0 : i32
        %dma_wait3A_123 = tpu.memref_slice %arg5[%scan3A_106, %dma_wait3A_122] : memref<40x128xi32, #tpu.memory_space<vmem>> -> memref<1x128xi32, #tpu.memory_space<vmem>>
        %dma_wait3A_124 = tpu.memref_squeeze %dma_wait3A_123 : memref<1x128xi32, #tpu.memory_space<vmem>> -> memref<128xi32, #tpu.memory_space<vmem>>
        %dma_wait3A_125 = tpu.memref_slice %arg2[%add3A_110] : memref<163840xi32, #tpu.memory_space<hbm>> -> memref<128xi32, #tpu.memory_space<hbm>>
        tpu.wait_dma2 semaphore(%run_scoped3A : memref<!tpu.dma_semaphore, #tpu.memory_space<semaphore_mem>>) src(%dma_wait3A_125 : memref<128xi32, #tpu.memory_space<hbm>>) dst(%dma_wait3A_124 : memref<128xi32, #tpu.memory_space<vmem>>)
        tpu.yield
      }) : () -> ()
      %scan3A_111 = arith.constant 0 : i32
      scf.yield %scan3A_111 : i32
    }
    %scan3A_42 = arith.constant 40 : i32
    %barrier3A = arith.constant 0 : index
    tpu.barrier barrier_id(%barrier3A)
    %scan3A_43 = arith.constant 0 : i32
    %scan3A_44 = arith.constant 0 : i32
    %scan3A_45 = arith.constant 40 : i32
    %scan3A_46 = arith.addi %scan3A_44, %scan3A_45 : i32
    %scan3A_47 = arith.constant 1 : i32
    %scan3A_48 = scf.for %scan3A_106 = %scan3A_44 to %scan3A_46 step %scan3A_47 iter_args(%scan3A_107 = %scan3A_43) -> (i32)  : i32 {
      "tpu.region"() ({
        %run_scoped3A = tpu.sem_alloc : memref<!tpu.dma_semaphore, #tpu.memory_space<semaphore_mem>>
        %dma_start3A = arith.constant 0 : i32
        %dma_start3A_109 = tpu.memref_slice %arg5[%scan3A_106, %dma_start3A] : memref<40x128xi32, #tpu.memory_space<vmem>> -> memref<1x128xi32, #tpu.memory_space<vmem>>
        %dma_start3A_110 = tpu.memref_squeeze %dma_start3A_109 : memref<1x128xi32, #tpu.memory_space<vmem>> -> memref<128xi32, #tpu.memory_space<vmem>>
        %dma_start3A_111 = arith.constant 0 : i32
        %dma_start3A_112 = arith.constant 0 : i32
        %dma_start3A_113 = tpu.memref_slice %arg6[%dma_start3A_111, %dma_start3A_112] : memref<10240x128xf32, #tpu.memory_space<vmem_shared>> -> memref<10240x128xf32, #tpu.memory_space<vmem_shared>>
        tpu.enqueue_indirect_dma source(%arg4 : memref<128x128xf32, #tpu.memory_space<vmem>>) target(%dma_start3A_113 : memref<10240x128xf32, #tpu.memory_space<vmem_shared>>) offsets(%dma_start3A_110 : memref<128xi32, #tpu.memory_space<vmem>>) semaphore(%run_scoped3A : memref<!tpu.dma_semaphore, #tpu.memory_space<semaphore_mem>>) {add = true}
        %dma_wait3A = arith.constant 0 : i32
        %dma_wait3A_114 = tpu.memref_slice %arg5[%scan3A_106, %dma_wait3A] : memref<40x128xi32, #tpu.memory_space<vmem>> -> memref<1x128xi32, #tpu.memory_space<vmem>>
        %dma_wait3A_115 = tpu.memref_squeeze %dma_wait3A_114 : memref<1x128xi32, #tpu.memory_space<vmem>> -> memref<128xi32, #tpu.memory_space<vmem>>
        %dma_wait3A_116 = arith.constant 0 : i32
        %dma_wait3A_117 = arith.constant 0 : i32
        %dma_wait3A_118 = tpu.memref_slice %arg6[%dma_wait3A_116, %dma_wait3A_117] : memref<10240x128xf32, #tpu.memory_space<vmem_shared>> -> memref<10240x128xf32, #tpu.memory_space<vmem_shared>>
        tpu.wait_indirect_dma semaphore(%run_scoped3A : memref<!tpu.dma_semaphore, #tpu.memory_space<semaphore_mem>>) src(%arg4 : memref<128x128xf32, #tpu.memory_space<vmem>>) dst(%dma_wait3A_118 : memref<10240x128xf32, #tpu.memory_space<vmem_shared>>)
        tpu.yield
      }) : () -> ()
      %scan3A_108 = arith.constant 0 : i32
      scf.yield %scan3A_108 : i32
    }
    %scan3A_49 = arith.constant 40 : i32
    %barrier3A_50 = arith.constant 0 : index
    tpu.barrier barrier_id(%barrier3A_50)
    %mul3A_51 = arith.constant 640 : i32
    %mul3A_52 = arith.muli %arg1, %mul3A_51 : i32
    %add3A_53 = arith.constant 0 : i32
    %add3A_54 = arith.addi %mul3A_52, %add3A_53 : i32
    "tpu.region"() ({
      %run_scoped3A = tpu.sem_alloc : memref<!tpu.dma_semaphore, #tpu.memory_space<semaphore_mem>>
      %dma_start3A = arith.constant 0 : i32
      %dma_start3A_106 = tpu.memref_slice %arg6[%add3A_54, %dma_start3A] : memref<10240x128xf32, #tpu.memory_space<vmem_shared>> -> memref<128x128xf32, #tpu.memory_space<vmem_shared>>
      %dma_start3A_107 = arith.constant 0 : i32
      %dma_start3A_108 = tpu.memref_slice %arg6[%add3A_54, %dma_start3A_107] : memref<10240x128xf32, #tpu.memory_space<vmem_shared>> -> memref<128x128xf32, #tpu.memory_space<vmem_shared>>
      tpu.enqueue_dma source(%dma_start3A_108 : memref<128x128xf32, #tpu.memory_space<vmem_shared>>) target(%arg4 : memref<128x128xf32, #tpu.memory_space<vmem>>) target_semaphore(%run_scoped3A : memref<!tpu.dma_semaphore, #tpu.memory_space<semaphore_mem>>)
      %dma_wait3A = arith.constant 0 : i32
      %dma_wait3A_109 = tpu.memref_slice %arg6[%add3A_54, %dma_wait3A] : memref<10240x128xf32, #tpu.memory_space<vmem_shared>> -> memref<128x128xf32, #tpu.memory_space<vmem_shared>>
      %dma_wait3A_110 = arith.constant 0 : i32
      %dma_wait3A_111 = tpu.memref_slice %arg6[%add3A_54, %dma_wait3A_110] : memref<10240x128xf32, #tpu.memory_space<vmem_shared>> -> memref<128x128xf32, #tpu.memory_space<vmem_shared>>
      tpu.wait_dma2 semaphore(%run_scoped3A : memref<!tpu.dma_semaphore, #tpu.memory_space<semaphore_mem>>) src(%dma_wait3A_111 : memref<128x128xf32, #tpu.memory_space<vmem_shared>>) dst(%arg4 : memref<128x128xf32, #tpu.memory_space<vmem>>)
      tpu.yield
    }) : () -> ()
    %mul3A_55 = arith.constant 10240 : i32
    %mul3A_56 = arith.muli %arg0, %mul3A_55 : i32
    %mul3A_57 = arith.constant 640 : i32
    %mul3A_58 = arith.muli %arg1, %mul3A_57 : i32
    %add3A_59 = arith.addi %mul3A_56, %mul3A_58 : i32
    %add3A_60 = arith.constant 0 : i32
    %add3A_61 = arith.addi %add3A_59, %add3A_60 : i32
    "tpu.region"() ({
      %run_scoped3A = tpu.sem_alloc : memref<!tpu.dma_semaphore, #tpu.memory_space<semaphore_mem>>
      %dma_start3A = arith.constant 0 : i32
      %dma_start3A_106 = tpu.memref_slice %arg3[%add3A_61, %dma_start3A] : memref<20480x128xf32, #tpu.memory_space<hbm>> -> memref<128x128xf32, #tpu.memory_space<hbm>>
      %dma_start3A_107 = arith.constant 0 : i32
      %dma_start3A_108 = tpu.memref_slice %arg3[%add3A_61, %dma_start3A_107] : memref<20480x128xf32, #tpu.memory_space<hbm>> -> memref<128x128xf32, #tpu.memory_space<hbm>>
      tpu.enqueue_dma source(%arg4 : memref<128x128xf32, #tpu.memory_space<vmem>>) target(%dma_start3A_108 : memref<128x128xf32, #tpu.memory_space<hbm>>) target_semaphore(%run_scoped3A : memref<!tpu.dma_semaphore, #tpu.memory_space<semaphore_mem>>)
      %dma_wait3A = arith.constant 0 : i32
      %dma_wait3A_109 = tpu.memref_slice %arg3[%add3A_61, %dma_wait3A] : memref<20480x128xf32, #tpu.memory_space<hbm>> -> memref<128x128xf32, #tpu.memory_space<hbm>>
      %dma_wait3A_110 = arith.constant 0 : i32
      %dma_wait3A_111 = tpu.memref_slice %arg3[%add3A_61, %dma_wait3A_110] : memref<20480x128xf32, #tpu.memory_space<hbm>> -> memref<128x128xf32, #tpu.memory_space<hbm>>
      tpu.wait_dma2 semaphore(%run_scoped3A : memref<!tpu.dma_semaphore, #tpu.memory_space<semaphore_mem>>) src(%arg4 : memref<128x128xf32, #tpu.memory_space<vmem>>) dst(%dma_wait3A_111 : memref<128x128xf32, #tpu.memory_space<hbm>>)
      tpu.yield
    }) : () -> ()
    %mul3A_62 = arith.constant 640 : i32
    %mul3A_63 = arith.muli %arg1, %mul3A_62 : i32
    %add3A_64 = arith.constant 128 : i32
    %add3A_65 = arith.addi %mul3A_63, %add3A_64 : i32
    "tpu.region"() ({
      %run_scoped3A = tpu.sem_alloc : memref<!tpu.dma_semaphore, #tpu.memory_space<semaphore_mem>>
      %dma_start3A = arith.constant 0 : i32
      %dma_start3A_106 = tpu.memref_slice %arg6[%add3A_65, %dma_start3A] : memref<10240x128xf32, #tpu.memory_space<vmem_shared>> -> memref<128x128xf32, #tpu.memory_space<vmem_shared>>
      %dma_start3A_107 = arith.constant 0 : i32
      %dma_start3A_108 = tpu.memref_slice %arg6[%add3A_65, %dma_start3A_107] : memref<10240x128xf32, #tpu.memory_space<vmem_shared>> -> memref<128x128xf32, #tpu.memory_space<vmem_shared>>
      tpu.enqueue_dma source(%dma_start3A_108 : memref<128x128xf32, #tpu.memory_space<vmem_shared>>) target(%arg4 : memref<128x128xf32, #tpu.memory_space<vmem>>) target_semaphore(%run_scoped3A : memref<!tpu.dma_semaphore, #tpu.memory_space<semaphore_mem>>)
      %dma_wait3A = arith.constant 0 : i32
      %dma_wait3A_109 = tpu.memref_slice %arg6[%add3A_65, %dma_wait3A] : memref<10240x128xf32, #tpu.memory_space<vmem_shared>> -> memref<128x128xf32, #tpu.memory_space<vmem_shared>>
      %dma_wait3A_110 = arith.constant 0 : i32
      %dma_wait3A_111 = tpu.memref_slice %arg6[%add3A_65, %dma_wait3A_110] : memref<10240x128xf32, #tpu.memory_space<vmem_shared>> -> memref<128x128xf32, #tpu.memory_space<vmem_shared>>
      tpu.wait_dma2 semaphore(%run_scoped3A : memref<!tpu.dma_semaphore, #tpu.memory_space<semaphore_mem>>) src(%dma_wait3A_111 : memref<128x128xf32, #tpu.memory_space<vmem_shared>>) dst(%arg4 : memref<128x128xf32, #tpu.memory_space<vmem>>)
      tpu.yield
    }) : () -> ()
    %mul3A_66 = arith.constant 10240 : i32
    %mul3A_67 = arith.muli %arg0, %mul3A_66 : i32
    %mul3A_68 = arith.constant 640 : i32
    %mul3A_69 = arith.muli %arg1, %mul3A_68 : i32
    %add3A_70 = arith.addi %mul3A_67, %mul3A_69 : i32
    %add3A_71 = arith.constant 128 : i32
    %add3A_72 = arith.addi %add3A_70, %add3A_71 : i32
    "tpu.region"() ({
      %run_scoped3A = tpu.sem_alloc : memref<!tpu.dma_semaphore, #tpu.memory_space<semaphore_mem>>
      %dma_start3A = arith.constant 0 : i32
      %dma_start3A_106 = tpu.memref_slice %arg3[%add3A_72, %dma_start3A] : memref<20480x128xf32, #tpu.memory_space<hbm>> -> memref<128x128xf32, #tpu.memory_space<hbm>>
      %dma_start3A_107 = arith.constant 0 : i32
      %dma_start3A_108 = tpu.memref_slice %arg3[%add3A_72, %dma_start3A_107] : memref<20480x128xf32, #tpu.memory_space<hbm>> -> memref<128x128xf32, #tpu.memory_space<hbm>>
      tpu.enqueue_dma source(%arg4 : memref<128x128xf32, #tpu.memory_space<vmem>>) target(%dma_start3A_108 : memref<128x128xf32, #tpu.memory_space<hbm>>) target_semaphore(%run_scoped3A : memref<!tpu.dma_semaphore, #tpu.memory_space<semaphore_mem>>)
      %dma_wait3A = arith.constant 0 : i32
      %dma_wait3A_109 = tpu.memref_slice %arg3[%add3A_72, %dma_wait3A] : memref<20480x128xf32, #tpu.memory_space<hbm>> -> memref<128x128xf32, #tpu.memory_space<hbm>>
      %dma_wait3A_110 = arith.constant 0 : i32
      %dma_wait3A_111 = tpu.memref_slice %arg3[%add3A_72, %dma_wait3A_110] : memref<20480x128xf32, #tpu.memory_space<hbm>> -> memref<128x128xf32, #tpu.memory_space<hbm>>
      tpu.wait_dma2 semaphore(%run_scoped3A : memref<!tpu.dma_semaphore, #tpu.memory_space<semaphore_mem>>) src(%arg4 : memref<128x128xf32, #tpu.memory_space<vmem>>) dst(%dma_wait3A_111 : memref<128x128xf32, #tpu.memory_space<hbm>>)
      tpu.yield
    }) : () -> ()
    %mul3A_73 = arith.constant 640 : i32
    %mul3A_74 = arith.muli %arg1, %mul3A_73 : i32
    %add3A_75 = arith.constant 256 : i32
    %add3A_76 = arith.addi %mul3A_74, %add3A_75 : i32
    "tpu.region"() ({
      %run_scoped3A = tpu.sem_alloc : memref<!tpu.dma_semaphore, #tpu.memory_space<semaphore_mem>>
      %dma_start3A = arith.constant 0 : i32
      %dma_start3A_106 = tpu.memref_slice %arg6[%add3A_76, %dma_start3A] : memref<10240x128xf32, #tpu.memory_space<vmem_shared>> -> memref<128x128xf32, #tpu.memory_space<vmem_shared>>
      %dma_start3A_107 = arith.constant 0 : i32
      %dma_start3A_108 = tpu.memref_slice %arg6[%add3A_76, %dma_start3A_107] : memref<10240x128xf32, #tpu.memory_space<vmem_shared>> -> memref<128x128xf32, #tpu.memory_space<vmem_shared>>
      tpu.enqueue_dma source(%dma_start3A_108 : memref<128x128xf32, #tpu.memory_space<vmem_shared>>) target(%arg4 : memref<128x128xf32, #tpu.memory_space<vmem>>) target_semaphore(%run_scoped3A : memref<!tpu.dma_semaphore, #tpu.memory_space<semaphore_mem>>)
      %dma_wait3A = arith.constant 0 : i32
      %dma_wait3A_109 = tpu.memref_slice %arg6[%add3A_76, %dma_wait3A] : memref<10240x128xf32, #tpu.memory_space<vmem_shared>> -> memref<128x128xf32, #tpu.memory_space<vmem_shared>>
      %dma_wait3A_110 = arith.constant 0 : i32
      %dma_wait3A_111 = tpu.memref_slice %arg6[%add3A_76, %dma_wait3A_110] : memref<10240x128xf32, #tpu.memory_space<vmem_shared>> -> memref<128x128xf32, #tpu.memory_space<vmem_shared>>
      tpu.wait_dma2 semaphore(%run_scoped3A : memref<!tpu.dma_semaphore, #tpu.memory_space<semaphore_mem>>) src(%dma_wait3A_111 : memref<128x128xf32, #tpu.memory_space<vmem_shared>>) dst(%arg4 : memref<128x128xf32, #tpu.memory_space<vmem>>)
      tpu.yield
    }) : () -> ()
    %mul3A_77 = arith.constant 10240 : i32
    %mul3A_78 = arith.muli %arg0, %mul3A_77 : i32
    %mul3A_79 = arith.constant 640 : i32
    %mul3A_80 = arith.muli %arg1, %mul3A_79 : i32
    %add3A_81 = arith.addi %mul3A_78, %mul3A_80 : i32
    %add3A_82 = arith.constant 256 : i32
    %add3A_83 = arith.addi %add3A_81, %add3A_82 : i32
    "tpu.region"() ({
      %run_scoped3A = tpu.sem_alloc : memref<!tpu.dma_semaphore, #tpu.memory_space<semaphore_mem>>
      %dma_start3A = arith.constant 0 : i32
      %dma_start3A_106 = tpu.memref_slice %arg3[%add3A_83, %dma_start3A] : memref<20480x128xf32, #tpu.memory_space<hbm>> -> memref<128x128xf32, #tpu.memory_space<hbm>>
      %dma_start3A_107 = arith.constant 0 : i32
      %dma_start3A_108 = tpu.memref_slice %arg3[%add3A_83, %dma_start3A_107] : memref<20480x128xf32, #tpu.memory_space<hbm>> -> memref<128x128xf32, #tpu.memory_space<hbm>>
      tpu.enqueue_dma source(%arg4 : memref<128x128xf32, #tpu.memory_space<vmem>>) target(%dma_start3A_108 : memref<128x128xf32, #tpu.memory_space<hbm>>) target_semaphore(%run_scoped3A : memref<!tpu.dma_semaphore, #tpu.memory_space<semaphore_mem>>)
      %dma_wait3A = arith.constant 0 : i32
      %dma_wait3A_109 = tpu.memref_slice %arg3[%add3A_83, %dma_wait3A] : memref<20480x128xf32, #tpu.memory_space<hbm>> -> memref<128x128xf32, #tpu.memory_space<hbm>>
      %dma_wait3A_110 = arith.constant 0 : i32
      %dma_wait3A_111 = tpu.memref_slice %arg3[%add3A_83, %dma_wait3A_110] : memref<20480x128xf32, #tpu.memory_space<hbm>> -> memref<128x128xf32, #tpu.memory_space<hbm>>
      tpu.wait_dma2 semaphore(%run_scoped3A : memref<!tpu.dma_semaphore, #tpu.memory_space<semaphore_mem>>) src(%arg4 : memref<128x128xf32, #tpu.memory_space<vmem>>) dst(%dma_wait3A_111 : memref<128x128xf32, #tpu.memory_space<hbm>>)
      tpu.yield
    }) : () -> ()
    %mul3A_84 = arith.constant 640 : i32
    %mul3A_85 = arith.muli %arg1, %mul3A_84 : i32
    %add3A_86 = arith.constant 384 : i32
    %add3A_87 = arith.addi %mul3A_85, %add3A_86 : i32
    "tpu.region"() ({
      %run_scoped3A = tpu.sem_alloc : memref<!tpu.dma_semaphore, #tpu.memory_space<semaphore_mem>>
      %dma_start3A = arith.constant 0 : i32
      %dma_start3A_106 = tpu.memref_slice %arg6[%add3A_87, %dma_start3A] : memref<10240x128xf32, #tpu.memory_space<vmem_shared>> -> memref<128x128xf32, #tpu.memory_space<vmem_shared>>
      %dma_start3A_107 = arith.constant 0 : i32
      %dma_start3A_108 = tpu.memref_slice %arg6[%add3A_87, %dma_start3A_107] : memref<10240x128xf32, #tpu.memory_space<vmem_shared>> -> memref<128x128xf32, #tpu.memory_space<vmem_shared>>
      tpu.enqueue_dma source(%dma_start3A_108 : memref<128x128xf32, #tpu.memory_space<vmem_shared>>) target(%arg4 : memref<128x128xf32, #tpu.memory_space<vmem>>) target_semaphore(%run_scoped3A : memref<!tpu.dma_semaphore, #tpu.memory_space<semaphore_mem>>)
      %dma_wait3A = arith.constant 0 : i32
      %dma_wait3A_109 = tpu.memref_slice %arg6[%add3A_87, %dma_wait3A] : memref<10240x128xf32, #tpu.memory_space<vmem_shared>> -> memref<128x128xf32, #tpu.memory_space<vmem_shared>>
      %dma_wait3A_110 = arith.constant 0 : i32
      %dma_wait3A_111 = tpu.memref_slice %arg6[%add3A_87, %dma_wait3A_110] : memref<10240x128xf32, #tpu.memory_space<vmem_shared>> -> memref<128x128xf32, #tpu.memory_space<vmem_shared>>
      tpu.wait_dma2 semaphore(%run_scoped3A : memref<!tpu.dma_semaphore, #tpu.memory_space<semaphore_mem>>) src(%dma_wait3A_111 : memref<128x128xf32, #tpu.memory_space<vmem_shared>>) dst(%arg4 : memref<128x128xf32, #tpu.memory_space<vmem>>)
      tpu.yield
    }) : () -> ()
    %mul3A_88 = arith.constant 10240 : i32
    %mul3A_89 = arith.muli %arg0, %mul3A_88 : i32
    %mul3A_90 = arith.constant 640 : i32
    %mul3A_91 = arith.muli %arg1, %mul3A_90 : i32
    %add3A_92 = arith.addi %mul3A_89, %mul3A_91 : i32
    %add3A_93 = arith.constant 384 : i32
    %add3A_94 = arith.addi %add3A_92, %add3A_93 : i32
    "tpu.region"() ({
      %run_scoped3A = tpu.sem_alloc : memref<!tpu.dma_semaphore, #tpu.memory_space<semaphore_mem>>
      %dma_start3A = arith.constant 0 : i32
      %dma_start3A_106 = tpu.memref_slice %arg3[%add3A_94, %dma_start3A] : memref<20480x128xf32, #tpu.memory_space<hbm>> -> memref<128x128xf32, #tpu.memory_space<hbm>>
      %dma_start3A_107 = arith.constant 0 : i32
      %dma_start3A_108 = tpu.memref_slice %arg3[%add3A_94, %dma_start3A_107] : memref<20480x128xf32, #tpu.memory_space<hbm>> -> memref<128x128xf32, #tpu.memory_space<hbm>>
      tpu.enqueue_dma source(%arg4 : memref<128x128xf32, #tpu.memory_space<vmem>>) target(%dma_start3A_108 : memref<128x128xf32, #tpu.memory_space<hbm>>) target_semaphore(%run_scoped3A : memref<!tpu.dma_semaphore, #tpu.memory_space<semaphore_mem>>)
      %dma_wait3A = arith.constant 0 : i32
      %dma_wait3A_109 = tpu.memref_slice %arg3[%add3A_94, %dma_wait3A] : memref<20480x128xf32, #tpu.memory_space<hbm>> -> memref<128x128xf32, #tpu.memory_space<hbm>>
      %dma_wait3A_110 = arith.constant 0 : i32
      %dma_wait3A_111 = tpu.memref_slice %arg3[%add3A_94, %dma_wait3A_110] : memref<20480x128xf32, #tpu.memory_space<hbm>> -> memref<128x128xf32, #tpu.memory_space<hbm>>
      tpu.wait_dma2 semaphore(%run_scoped3A : memref<!tpu.dma_semaphore, #tpu.memory_space<semaphore_mem>>) src(%arg4 : memref<128x128xf32, #tpu.memory_space<vmem>>) dst(%dma_wait3A_111 : memref<128x128xf32, #tpu.memory_space<hbm>>)
      tpu.yield
    }) : () -> ()
    %mul3A_95 = arith.constant 640 : i32
    %mul3A_96 = arith.muli %arg1, %mul3A_95 : i32
    %add3A_97 = arith.constant 512 : i32
    %add3A_98 = arith.addi %mul3A_96, %add3A_97 : i32
    "tpu.region"() ({
      %run_scoped3A = tpu.sem_alloc : memref<!tpu.dma_semaphore, #tpu.memory_space<semaphore_mem>>
      %dma_start3A = arith.constant 0 : i32
      %dma_start3A_106 = tpu.memref_slice %arg6[%add3A_98, %dma_start3A] : memref<10240x128xf32, #tpu.memory_space<vmem_shared>> -> memref<128x128xf32, #tpu.memory_space<vmem_shared>>
      %dma_start3A_107 = arith.constant 0 : i32
      %dma_start3A_108 = tpu.memref_slice %arg6[%add3A_98, %dma_start3A_107] : memref<10240x128xf32, #tpu.memory_space<vmem_shared>> -> memref<128x128xf32, #tpu.memory_space<vmem_shared>>
      tpu.enqueue_dma source(%dma_start3A_108 : memref<128x128xf32, #tpu.memory_space<vmem_shared>>) target(%arg4 : memref<128x128xf32, #tpu.memory_space<vmem>>) target_semaphore(%run_scoped3A : memref<!tpu.dma_semaphore, #tpu.memory_space<semaphore_mem>>)
      %dma_wait3A = arith.constant 0 : i32
      %dma_wait3A_109 = tpu.memref_slice %arg6[%add3A_98, %dma_wait3A] : memref<10240x128xf32, #tpu.memory_space<vmem_shared>> -> memref<128x128xf32, #tpu.memory_space<vmem_shared>>
      %dma_wait3A_110 = arith.constant 0 : i32
      %dma_wait3A_111 = tpu.memref_slice %arg6[%add3A_98, %dma_wait3A_110] : memref<10240x128xf32, #tpu.memory_space<vmem_shared>> -> memref<128x128xf32, #tpu.memory_space<vmem_shared>>
      tpu.wait_dma2 semaphore(%run_scoped3A : memref<!tpu.dma_semaphore, #tpu.memory_space<semaphore_mem>>) src(%dma_wait3A_111 : memref<128x128xf32, #tpu.memory_space<vmem_shared>>) dst(%arg4 : memref<128x128xf32, #tpu.memory_space<vmem>>)
      tpu.yield
    }) : () -> ()
    %mul3A_99 = arith.constant 10240 : i32
    %mul3A_100 = arith.muli %arg0, %mul3A_99 : i32
    %mul3A_101 = arith.constant 640 : i32
    %mul3A_102 = arith.muli %arg1, %mul3A_101 : i32
    %add3A_103 = arith.addi %mul3A_100, %mul3A_102 : i32
    %add3A_104 = arith.constant 512 : i32
    %add3A_105 = arith.addi %add3A_103, %add3A_104 : i32
    "tpu.region"() ({
      %run_scoped3A = tpu.sem_alloc : memref<!tpu.dma_semaphore, #tpu.memory_space<semaphore_mem>>
      %dma_start3A = arith.constant 0 : i32
      %dma_start3A_106 = tpu.memref_slice %arg3[%add3A_105, %dma_start3A] : memref<20480x128xf32, #tpu.memory_space<hbm>> -> memref<128x128xf32, #tpu.memory_space<hbm>>
      %dma_start3A_107 = arith.constant 0 : i32
      %dma_start3A_108 = tpu.memref_slice %arg3[%add3A_105, %dma_start3A_107] : memref<20480x128xf32, #tpu.memory_space<hbm>> -> memref<128x128xf32, #tpu.memory_space<hbm>>
      tpu.enqueue_dma source(%arg4 : memref<128x128xf32, #tpu.memory_space<vmem>>) target(%dma_start3A_108 : memref<128x128xf32, #tpu.memory_space<hbm>>) target_semaphore(%run_scoped3A : memref<!tpu.dma_semaphore, #tpu.memory_space<semaphore_mem>>)
      %dma_wait3A = arith.constant 0 : i32
      %dma_wait3A_109 = tpu.memref_slice %arg3[%add3A_105, %dma_wait3A] : memref<20480x128xf32, #tpu.memory_space<hbm>> -> memref<128x128xf32, #tpu.memory_space<hbm>>
      %dma_wait3A_110 = arith.constant 0 : i32
      %dma_wait3A_111 = tpu.memref_slice %arg3[%add3A_105, %dma_wait3A_110] : memref<20480x128xf32, #tpu.memory_space<hbm>> -> memref<128x128xf32, #tpu.memory_space<hbm>>
      tpu.wait_dma2 semaphore(%run_scoped3A : memref<!tpu.dma_semaphore, #tpu.memory_space<semaphore_mem>>) src(%arg4 : memref<128x128xf32, #tpu.memory_space<vmem>>) dst(%dma_wait3A_111 : memref<128x128xf32, #tpu.memory_space<hbm>>)
      tpu.yield
    }) : () -> ()
    return
  }
}

#map = affine_map<(d0, d1) -> (0)>
#map1 = affine_map<(d0, d1) -> (0, 0)>
module attributes {stable_mosaic.version = 14 : i64} {
  func.func @_agg(%arg0: i32, %arg1: i32, %arg2: memref<163840xi32, #tpu.memory_space<hbm>>, %arg3: memref<163840xi32, #tpu.memory_space<hbm>>, %arg4: memref<10240x128xf32, #tpu.memory_space<hbm>>, %arg5: memref<10240x128xf32, #tpu.memory_space<hbm>>, %arg6: memref<10240x128xf32, #tpu.memory_space<hbm>>, %arg7: memref<10240x128xf32, #tpu.memory_space<hbm>>, %arg8: memref<81920x128xf32, #tpu.memory_space<hbm>>, %arg9: memref<40x128xi32, #tpu.memory_space<vmem>>, %arg10: memref<40x128xi32, #tpu.memory_space<vmem>>, %arg11: memref<128x128xf32, #tpu.memory_space<vmem>>, %arg12: memref<128x128xf32, #tpu.memory_space<vmem>>, %arg13: memref<10240x128xf32, #tpu.memory_space<vmem_shared>>, %arg14: memref<!tpu.dma_semaphore, #tpu.memory_space<semaphore_mem>>, %arg15: memref<!tpu.dma_semaphore, #tpu.memory_space<semaphore_mem>>) attributes {dimension_semantics = [#tpu.dimension_semantics<core_parallel>, #tpu.dimension_semantics<subcore_parallel>], iteration_bounds = array<i64: 2, 16>, scalar_prefetch = 0 : i64, scratch_operands = 7 : i64, tpu.core_type = #tpu.core_type<sc_vector_subcore>, window_params = [{transform_indices = #map}, {transform_indices = #map}, {transform_indices = #map1}, {transform_indices = #map1}, {transform_indices = #map1}, {transform_indices = #map1}, {transform_indices = #map1}]} {
    %mul3A = arith.constant 2 : i32
    %mul3A_0 = arith.muli %arg1, %mul3A : i32
    %add3A = arith.addi %mul3A_0, %arg0 : i32
    %mul3A_1 = arith.constant 5120 : i32
    %mul3A_2 = arith.muli %add3A, %mul3A_1 : i32
    %scan3A = arith.constant 0 : i32
    %scan3A_3 = arith.constant 0 : i32
    %scan3A_4 = arith.constant 40 : i32
    %scan3A_5 = arith.addi %scan3A_3, %scan3A_4 : i32
    %scan3A_6 = arith.constant 1 : i32
    %scan3A_7 = scf.for %scan3A_442 = %scan3A_3 to %scan3A_5 step %scan3A_6 iter_args(%scan3A_443 = %scan3A) -> (i32)  : i32 {
      %mul3A_444 = arith.constant 128 : i32
      %mul3A_445 = arith.muli %scan3A_442, %mul3A_444 : i32
      %add3A_446 = arith.addi %mul3A_2, %mul3A_445 : i32
      "tpu.region"() ({
        %run_scoped3A = tpu.sem_alloc : memref<!tpu.dma_semaphore, #tpu.memory_space<semaphore_mem>>
        %dma_start3A_451 = arith.constant 0 : i32
        %dma_start3A_452 = tpu.memref_slice %arg9[%scan3A_442, %dma_start3A_451] : memref<40x128xi32, #tpu.memory_space<vmem>> -> memref<1x128xi32, #tpu.memory_space<vmem>>
        %dma_start3A_453 = tpu.memref_squeeze %dma_start3A_452 : memref<1x128xi32, #tpu.memory_space<vmem>> -> memref<128xi32, #tpu.memory_space<vmem>>
        %dma_start3A_454 = tpu.memref_slice %arg2[%add3A_446] : memref<163840xi32, #tpu.memory_space<hbm>> -> memref<128xi32, #tpu.memory_space<hbm>>
        %dma_start3A_455 = arith.constant 0 : i32
        %dma_start3A_456 = tpu.memref_slice %arg9[%scan3A_442, %dma_start3A_455] : memref<40x128xi32, #tpu.memory_space<vmem>> -> memref<1x128xi32, #tpu.memory_space<vmem>>
        %dma_start3A_457 = tpu.memref_squeeze %dma_start3A_456 : memref<1x128xi32, #tpu.memory_space<vmem>> -> memref<128xi32, #tpu.memory_space<vmem>>
        %dma_start3A_458 = tpu.memref_slice %arg2[%add3A_446] : memref<163840xi32, #tpu.memory_space<hbm>> -> memref<128xi32, #tpu.memory_space<hbm>>
        tpu.enqueue_dma source(%dma_start3A_458 : memref<128xi32, #tpu.memory_space<hbm>>) target(%dma_start3A_457 : memref<128xi32, #tpu.memory_space<vmem>>) target_semaphore(%run_scoped3A : memref<!tpu.dma_semaphore, #tpu.memory_space<semaphore_mem>>)
        %dma_wait3A = arith.constant 0 : i32
        %dma_wait3A_459 = tpu.memref_slice %arg9[%scan3A_442, %dma_wait3A] : memref<40x128xi32, #tpu.memory_space<vmem>> -> memref<1x128xi32, #tpu.memory_space<vmem>>
        %dma_wait3A_460 = tpu.memref_squeeze %dma_wait3A_459 : memref<1x128xi32, #tpu.memory_space<vmem>> -> memref<128xi32, #tpu.memory_space<vmem>>
        %dma_wait3A_461 = tpu.memref_slice %arg2[%add3A_446] : memref<163840xi32, #tpu.memory_space<hbm>> -> memref<128xi32, #tpu.memory_space<hbm>>
        %dma_wait3A_462 = arith.constant 0 : i32
        %dma_wait3A_463 = tpu.memref_slice %arg9[%scan3A_442, %dma_wait3A_462] : memref<40x128xi32, #tpu.memory_space<vmem>> -> memref<1x128xi32, #tpu.memory_space<vmem>>
        %dma_wait3A_464 = tpu.memref_squeeze %dma_wait3A_463 : memref<1x128xi32, #tpu.memory_space<vmem>> -> memref<128xi32, #tpu.memory_space<vmem>>
        %dma_wait3A_465 = tpu.memref_slice %arg2[%add3A_446] : memref<163840xi32, #tpu.memory_space<hbm>> -> memref<128xi32, #tpu.memory_space<hbm>>
        tpu.wait_dma2 semaphore(%run_scoped3A : memref<!tpu.dma_semaphore, #tpu.memory_space<semaphore_mem>>) src(%dma_wait3A_465 : memref<128xi32, #tpu.memory_space<hbm>>) dst(%dma_wait3A_464 : memref<128xi32, #tpu.memory_space<vmem>>)
        tpu.yield
      }) : () -> ()
      %mul3A_447 = arith.constant 128 : i32
      %mul3A_448 = arith.muli %scan3A_442, %mul3A_447 : i32
      %add3A_449 = arith.addi %mul3A_2, %mul3A_448 : i32
      "tpu.region"() ({
        %run_scoped3A = tpu.sem_alloc : memref<!tpu.dma_semaphore, #tpu.memory_space<semaphore_mem>>
        %dma_start3A_451 = arith.constant 0 : i32
        %dma_start3A_452 = tpu.memref_slice %arg10[%scan3A_442, %dma_start3A_451] : memref<40x128xi32, #tpu.memory_space<vmem>> -> memref<1x128xi32, #tpu.memory_space<vmem>>
        %dma_start3A_453 = tpu.memref_squeeze %dma_start3A_452 : memref<1x128xi32, #tpu.memory_space<vmem>> -> memref<128xi32, #tpu.memory_space<vmem>>
        %dma_start3A_454 = tpu.memref_slice %arg3[%add3A_449] : memref<163840xi32, #tpu.memory_space<hbm>> -> memref<128xi32, #tpu.memory_space<hbm>>
        %dma_start3A_455 = arith.constant 0 : i32
        %dma_start3A_456 = tpu.memref_slice %arg10[%scan3A_442, %dma_start3A_455] : memref<40x128xi32, #tpu.memory_space<vmem>> -> memref<1x128xi32, #tpu.memory_space<vmem>>
        %dma_start3A_457 = tpu.memref_squeeze %dma_start3A_456 : memref<1x128xi32, #tpu.memory_space<vmem>> -> memref<128xi32, #tpu.memory_space<vmem>>
        %dma_start3A_458 = tpu.memref_slice %arg3[%add3A_449] : memref<163840xi32, #tpu.memory_space<hbm>> -> memref<128xi32, #tpu.memory_space<hbm>>
        tpu.enqueue_dma source(%dma_start3A_458 : memref<128xi32, #tpu.memory_space<hbm>>) target(%dma_start3A_457 : memref<128xi32, #tpu.memory_space<vmem>>) target_semaphore(%run_scoped3A : memref<!tpu.dma_semaphore, #tpu.memory_space<semaphore_mem>>)
        %dma_wait3A = arith.constant 0 : i32
        %dma_wait3A_459 = tpu.memref_slice %arg10[%scan3A_442, %dma_wait3A] : memref<40x128xi32, #tpu.memory_space<vmem>> -> memref<1x128xi32, #tpu.memory_space<vmem>>
        %dma_wait3A_460 = tpu.memref_squeeze %dma_wait3A_459 : memref<1x128xi32, #tpu.memory_space<vmem>> -> memref<128xi32, #tpu.memory_space<vmem>>
        %dma_wait3A_461 = tpu.memref_slice %arg3[%add3A_449] : memref<163840xi32, #tpu.memory_space<hbm>> -> memref<128xi32, #tpu.memory_space<hbm>>
        %dma_wait3A_462 = arith.constant 0 : i32
        %dma_wait3A_463 = tpu.memref_slice %arg10[%scan3A_442, %dma_wait3A_462] : memref<40x128xi32, #tpu.memory_space<vmem>> -> memref<1x128xi32, #tpu.memory_space<vmem>>
        %dma_wait3A_464 = tpu.memref_squeeze %dma_wait3A_463 : memref<1x128xi32, #tpu.memory_space<vmem>> -> memref<128xi32, #tpu.memory_space<vmem>>
        %dma_wait3A_465 = tpu.memref_slice %arg3[%add3A_449] : memref<163840xi32, #tpu.memory_space<hbm>> -> memref<128xi32, #tpu.memory_space<hbm>>
        tpu.wait_dma2 semaphore(%run_scoped3A : memref<!tpu.dma_semaphore, #tpu.memory_space<semaphore_mem>>) src(%dma_wait3A_465 : memref<128xi32, #tpu.memory_space<hbm>>) dst(%dma_wait3A_464 : memref<128xi32, #tpu.memory_space<vmem>>)
        tpu.yield
      }) : () -> ()
      %scan3A_450 = arith.constant 0 : i32
      scf.yield %scan3A_450 : i32
    }
    %scan3A_8 = arith.constant 40 : i32
    %scan3A_9 = arith.constant 0 : i32
    %scan3A_10 = arith.constant 0 : i32
    %scan3A_11 = arith.constant 128 : i32
    %scan3A_12 = arith.addi %scan3A_10, %scan3A_11 : i32
    %scan3A_13 = arith.constant 1 : i32
    %scan3A_14 = scf.for %scan3A_442 = %scan3A_10 to %scan3A_12 step %scan3A_13 iter_args(%scan3A_443 = %scan3A_9) -> (i32)  : i32 {
      %broadcast_in_dim3A = arith.constant 0.000000e+00 : f32
      %broadcast_in_dim3A_444 = vector.broadcast %broadcast_in_dim3A : f32 to vector<16xf32>
      %swap3A = arith.index_cast %scan3A_442 : i32 to index
      %swap3A_445 = arith.constant 0 : index
      %swap3A_446 = tpu.vector_load %arg11[%swap3A, %swap3A_445] {strides = array<i32>} : memref<128x128xf32, #tpu.memory_space<vmem>>, vector<1x16xf32>,
      %swap3A_447 = vector.shape_cast %swap3A_446 : vector<1x16xf32> to vector<16xf32>
      %swap3A_448 = vector.shape_cast %broadcast_in_dim3A_444 : vector<16xf32> to vector<1x16xf32>
      tpu.vector_store %arg11[%swap3A, %swap3A_445], %swap3A_448 {strides = array<i32>} : memref<128x128xf32, #tpu.memory_space<vmem>>, vector<1x16xf32>,
      %broadcast_in_dim3A_449 = arith.constant 0.000000e+00 : f32
      %broadcast_in_dim3A_450 = vector.broadcast %broadcast_in_dim3A_449 : f32 to vector<16xf32>
      %swap3A_451 = arith.index_cast %scan3A_442 : i32 to index
      %swap3A_452 = arith.constant 16 : index
      %swap3A_453 = tpu.vector_load %arg11[%swap3A_451, %swap3A_452] {strides = array<i32>} : memref<128x128xf32, #tpu.memory_space<vmem>>, vector<1x16xf32>,
      %swap3A_454 = vector.shape_cast %swap3A_453 : vector<1x16xf32> to vector<16xf32>
      %swap3A_455 = vector.shape_cast %broadcast_in_dim3A_450 : vector<16xf32> to vector<1x16xf32>
      tpu.vector_store %arg11[%swap3A_451, %swap3A_452], %swap3A_455 {strides = array<i32>} : memref<128x128xf32, #tpu.memory_space<vmem>>, vector<1x16xf32>,
      %broadcast_in_dim3A_456 = arith.constant 0.000000e+00 : f32
      %broadcast_in_dim3A_457 = vector.broadcast %broadcast_in_dim3A_456 : f32 to vector<16xf32>
      %swap3A_458 = arith.index_cast %scan3A_442 : i32 to index
      %swap3A_459 = arith.constant 32 : index
      %swap3A_460 = tpu.vector_load %arg11[%swap3A_458, %swap3A_459] {strides = array<i32>} : memref<128x128xf32, #tpu.memory_space<vmem>>, vector<1x16xf32>,
      %swap3A_461 = vector.shape_cast %swap3A_460 : vector<1x16xf32> to vector<16xf32>
      %swap3A_462 = vector.shape_cast %broadcast_in_dim3A_457 : vector<16xf32> to vector<1x16xf32>
      tpu.vector_store %arg11[%swap3A_458, %swap3A_459], %swap3A_462 {strides = array<i32>} : memref<128x128xf32, #tpu.memory_space<vmem>>, vector<1x16xf32>,
      %broadcast_in_dim3A_463 = arith.constant 0.000000e+00 : f32
      %broadcast_in_dim3A_464 = vector.broadcast %broadcast_in_dim3A_463 : f32 to vector<16xf32>
      %swap3A_465 = arith.index_cast %scan3A_442 : i32 to index
      %swap3A_466 = arith.constant 48 : index
      %swap3A_467 = tpu.vector_load %arg11[%swap3A_465, %swap3A_466] {strides = array<i32>} : memref<128x128xf32, #tpu.memory_space<vmem>>, vector<1x16xf32>,
      %swap3A_468 = vector.shape_cast %swap3A_467 : vector<1x16xf32> to vector<16xf32>
      %swap3A_469 = vector.shape_cast %broadcast_in_dim3A_464 : vector<16xf32> to vector<1x16xf32>
      tpu.vector_store %arg11[%swap3A_465, %swap3A_466], %swap3A_469 {strides = array<i32>} : memref<128x128xf32, #tpu.memory_space<vmem>>, vector<1x16xf32>,
      %broadcast_in_dim3A_470 = arith.constant 0.000000e+00 : f32
      %broadcast_in_dim3A_471 = vector.broadcast %broadcast_in_dim3A_470 : f32 to vector<16xf32>
      %swap3A_472 = arith.index_cast %scan3A_442 : i32 to index
      %swap3A_473 = arith.constant 64 : index
      %swap3A_474 = tpu.vector_load %arg11[%swap3A_472, %swap3A_473] {strides = array<i32>} : memref<128x128xf32, #tpu.memory_space<vmem>>, vector<1x16xf32>,
      %swap3A_475 = vector.shape_cast %swap3A_474 : vector<1x16xf32> to vector<16xf32>
      %swap3A_476 = vector.shape_cast %broadcast_in_dim3A_471 : vector<16xf32> to vector<1x16xf32>
      tpu.vector_store %arg11[%swap3A_472, %swap3A_473], %swap3A_476 {strides = array<i32>} : memref<128x128xf32, #tpu.memory_space<vmem>>, vector<1x16xf32>,
      %broadcast_in_dim3A_477 = arith.constant 0.000000e+00 : f32
      %broadcast_in_dim3A_478 = vector.broadcast %broadcast_in_dim3A_477 : f32 to vector<16xf32>
      %swap3A_479 = arith.index_cast %scan3A_442 : i32 to index
      %swap3A_480 = arith.constant 80 : index
      %swap3A_481 = tpu.vector_load %arg11[%swap3A_479, %swap3A_480] {strides = array<i32>} : memref<128x128xf32, #tpu.memory_space<vmem>>, vector<1x16xf32>,
      %swap3A_482 = vector.shape_cast %swap3A_481 : vector<1x16xf32> to vector<16xf32>
      %swap3A_483 = vector.shape_cast %broadcast_in_dim3A_478 : vector<16xf32> to vector<1x16xf32>
      tpu.vector_store %arg11[%swap3A_479, %swap3A_480], %swap3A_483 {strides = array<i32>} : memref<128x128xf32, #tpu.memory_space<vmem>>, vector<1x16xf32>,
      %broadcast_in_dim3A_484 = arith.constant 0.000000e+00 : f32
      %broadcast_in_dim3A_485 = vector.broadcast %broadcast_in_dim3A_484 : f32 to vector<16xf32>
      %swap3A_486 = arith.index_cast %scan3A_442 : i32 to index
      %swap3A_487 = arith.constant 96 : index
      %swap3A_488 = tpu.vector_load %arg11[%swap3A_486, %swap3A_487] {strides = array<i32>} : memref<128x128xf32, #tpu.memory_space<vmem>>, vector<1x16xf32>,
      %swap3A_489 = vector.shape_cast %swap3A_488 : vector<1x16xf32> to vector<16xf32>
      %swap3A_490 = vector.shape_cast %broadcast_in_dim3A_485 : vector<16xf32> to vector<1x16xf32>
      tpu.vector_store %arg11[%swap3A_486, %swap3A_487], %swap3A_490 {strides = array<i32>} : memref<128x128xf32, #tpu.memory_space<vmem>>, vector<1x16xf32>,
      %broadcast_in_dim3A_491 = arith.constant 0.000000e+00 : f32
      %broadcast_in_dim3A_492 = vector.broadcast %broadcast_in_dim3A_491 : f32 to vector<16xf32>
      %swap3A_493 = arith.index_cast %scan3A_442 : i32 to index
      %swap3A_494 = arith.constant 112 : index
      %swap3A_495 = tpu.vector_load %arg11[%swap3A_493, %swap3A_494] {strides = array<i32>} : memref<128x128xf32, #tpu.memory_space<vmem>>, vector<1x16xf32>,
      %swap3A_496 = vector.shape_cast %swap3A_495 : vector<1x16xf32> to vector<16xf32>
      %swap3A_497 = vector.shape_cast %broadcast_in_dim3A_492 : vector<16xf32> to vector<1x16xf32>
      tpu.vector_store %arg11[%swap3A_493, %swap3A_494], %swap3A_497 {strides = array<i32>} : memref<128x128xf32, #tpu.memory_space<vmem>>, vector<1x16xf32>,
      %scan3A_498 = arith.constant 0 : i32
      scf.yield %scan3A_498 : i32
    }
    %scan3A_15 = arith.constant 128 : i32
    %mul3A_16 = arith.constant 640 : i32
    %mul3A_17 = arith.muli %arg1, %mul3A_16 : i32
    %add3A_18 = arith.constant 0 : i32
    %add3A_19 = arith.addi %mul3A_17, %add3A_18 : i32
    "tpu.region"() ({
      %run_scoped3A = tpu.sem_alloc : memref<!tpu.dma_semaphore, #tpu.memory_space<semaphore_mem>>
      %dma_start3A_442 = arith.constant 0 : i32
      %dma_start3A_443 = tpu.memref_slice %arg13[%add3A_19, %dma_start3A_442] : memref<10240x128xf32, #tpu.memory_space<vmem_shared>> -> memref<128x128xf32, #tpu.memory_space<vmem_shared>>
      %dma_start3A_444 = arith.constant 0 : i32
      %dma_start3A_445 = tpu.memref_slice %arg13[%add3A_19, %dma_start3A_444] : memref<10240x128xf32, #tpu.memory_space<vmem_shared>> -> memref<128x128xf32, #tpu.memory_space<vmem_shared>>
      tpu.enqueue_dma source(%arg11 : memref<128x128xf32, #tpu.memory_space<vmem>>) target(%dma_start3A_445 : memref<128x128xf32, #tpu.memory_space<vmem_shared>>) target_semaphore(%run_scoped3A : memref<!tpu.dma_semaphore, #tpu.memory_space<semaphore_mem>>)
      %dma_wait3A = arith.constant 0 : i32
      %dma_wait3A_446 = tpu.memref_slice %arg13[%add3A_19, %dma_wait3A] : memref<10240x128xf32, #tpu.memory_space<vmem_shared>> -> memref<128x128xf32, #tpu.memory_space<vmem_shared>>
      %dma_wait3A_447 = arith.constant 0 : i32
      %dma_wait3A_448 = tpu.memref_slice %arg13[%add3A_19, %dma_wait3A_447] : memref<10240x128xf32, #tpu.memory_space<vmem_shared>> -> memref<128x128xf32, #tpu.memory_space<vmem_shared>>
      tpu.wait_dma2 semaphore(%run_scoped3A : memref<!tpu.dma_semaphore, #tpu.memory_space<semaphore_mem>>) src(%arg11 : memref<128x128xf32, #tpu.memory_space<vmem>>) dst(%dma_wait3A_448 : memref<128x128xf32, #tpu.memory_space<vmem_shared>>)
      tpu.yield
    }) : () -> ()
    %mul3A_20 = arith.constant 640 : i32
    %mul3A_21 = arith.muli %arg1, %mul3A_20 : i32
    %add3A_22 = arith.constant 128 : i32
    %add3A_23 = arith.addi %mul3A_21, %add3A_22 : i32
    "tpu.region"() ({
      %run_scoped3A = tpu.sem_alloc : memref<!tpu.dma_semaphore, #tpu.memory_space<semaphore_mem>>
      %dma_start3A_442 = arith.constant 0 : i32
      %dma_start3A_443 = tpu.memref_slice %arg13[%add3A_23, %dma_start3A_442] : memref<10240x128xf32, #tpu.memory_space<vmem_shared>> -> memref<128x128xf32, #tpu.memory_space<vmem_shared>>
      %dma_start3A_444 = arith.constant 0 : i32
      %dma_start3A_445 = tpu.memref_slice %arg13[%add3A_23, %dma_start3A_444] : memref<10240x128xf32, #tpu.memory_space<vmem_shared>> -> memref<128x128xf32, #tpu.memory_space<vmem_shared>>
      tpu.enqueue_dma source(%arg11 : memref<128x128xf32, #tpu.memory_space<vmem>>) target(%dma_start3A_445 : memref<128x128xf32, #tpu.memory_space<vmem_shared>>) target_semaphore(%run_scoped3A : memref<!tpu.dma_semaphore, #tpu.memory_space<semaphore_mem>>)
      %dma_wait3A = arith.constant 0 : i32
      %dma_wait3A_446 = tpu.memref_slice %arg13[%add3A_23, %dma_wait3A] : memref<10240x128xf32, #tpu.memory_space<vmem_shared>> -> memref<128x128xf32, #tpu.memory_space<vmem_shared>>
      %dma_wait3A_447 = arith.constant 0 : i32
      %dma_wait3A_448 = tpu.memref_slice %arg13[%add3A_23, %dma_wait3A_447] : memref<10240x128xf32, #tpu.memory_space<vmem_shared>> -> memref<128x128xf32, #tpu.memory_space<vmem_shared>>
      tpu.wait_dma2 semaphore(%run_scoped3A : memref<!tpu.dma_semaphore, #tpu.memory_space<semaphore_mem>>) src(%arg11 : memref<128x128xf32, #tpu.memory_space<vmem>>) dst(%dma_wait3A_448 : memref<128x128xf32, #tpu.memory_space<vmem_shared>>)
      tpu.yield
    }) : () -> ()
    %mul3A_24 = arith.constant 640 : i32
    %mul3A_25 = arith.muli %arg1, %mul3A_24 : i32
    %add3A_26 = arith.constant 256 : i32
    %add3A_27 = arith.addi %mul3A_25, %add3A_26 : i32
    "tpu.region"() ({
      %run_scoped3A = tpu.sem_alloc : memref<!tpu.dma_semaphore, #tpu.memory_space<semaphore_mem>>
      %dma_start3A_442 = arith.constant 0 : i32
      %dma_start3A_443 = tpu.memref_slice %arg13[%add3A_27, %dma_start3A_442] : memref<10240x128xf32, #tpu.memory_space<vmem_shared>> -> memref<128x128xf32, #tpu.memory_space<vmem_shared>>
      %dma_start3A_444 = arith.constant 0 : i32
      %dma_start3A_445 = tpu.memref_slice %arg13[%add3A_27, %dma_start3A_444] : memref<10240x128xf32, #tpu.memory_space<vmem_shared>> -> memref<128x128xf32, #tpu.memory_space<vmem_shared>>
      tpu.enqueue_dma source(%arg11 : memref<128x128xf32, #tpu.memory_space<vmem>>) target(%dma_start3A_445 : memref<128x128xf32, #tpu.memory_space<vmem_shared>>) target_semaphore(%run_scoped3A : memref<!tpu.dma_semaphore, #tpu.memory_space<semaphore_mem>>)
      %dma_wait3A = arith.constant 0 : i32
      %dma_wait3A_446 = tpu.memref_slice %arg13[%add3A_27, %dma_wait3A] : memref<10240x128xf32, #tpu.memory_space<vmem_shared>> -> memref<128x128xf32, #tpu.memory_space<vmem_shared>>
      %dma_wait3A_447 = arith.constant 0 : i32
      %dma_wait3A_448 = tpu.memref_slice %arg13[%add3A_27, %dma_wait3A_447] : memref<10240x128xf32, #tpu.memory_space<vmem_shared>> -> memref<128x128xf32, #tpu.memory_space<vmem_shared>>
      tpu.wait_dma2 semaphore(%run_scoped3A : memref<!tpu.dma_semaphore, #tpu.memory_space<semaphore_mem>>) src(%arg11 : memref<128x128xf32, #tpu.memory_space<vmem>>) dst(%dma_wait3A_448 : memref<128x128xf32, #tpu.memory_space<vmem_shared>>)
      tpu.yield
    }) : () -> ()
    %mul3A_28 = arith.constant 640 : i32
    %mul3A_29 = arith.muli %arg1, %mul3A_28 : i32
    %add3A_30 = arith.constant 384 : i32
    %add3A_31 = arith.addi %mul3A_29, %add3A_30 : i32
    "tpu.region"() ({
      %run_scoped3A = tpu.sem_alloc : memref<!tpu.dma_semaphore, #tpu.memory_space<semaphore_mem>>
      %dma_start3A_442 = arith.constant 0 : i32
      %dma_start3A_443 = tpu.memref_slice %arg13[%add3A_31, %dma_start3A_442] : memref<10240x128xf32, #tpu.memory_space<vmem_shared>> -> memref<128x128xf32, #tpu.memory_space<vmem_shared>>
      %dma_start3A_444 = arith.constant 0 : i32
      %dma_start3A_445 = tpu.memref_slice %arg13[%add3A_31, %dma_start3A_444] : memref<10240x128xf32, #tpu.memory_space<vmem_shared>> -> memref<128x128xf32, #tpu.memory_space<vmem_shared>>
      tpu.enqueue_dma source(%arg11 : memref<128x128xf32, #tpu.memory_space<vmem>>) target(%dma_start3A_445 : memref<128x128xf32, #tpu.memory_space<vmem_shared>>) target_semaphore(%run_scoped3A : memref<!tpu.dma_semaphore, #tpu.memory_space<semaphore_mem>>)
      %dma_wait3A = arith.constant 0 : i32
      %dma_wait3A_446 = tpu.memref_slice %arg13[%add3A_31, %dma_wait3A] : memref<10240x128xf32, #tpu.memory_space<vmem_shared>> -> memref<128x128xf32, #tpu.memory_space<vmem_shared>>
      %dma_wait3A_447 = arith.constant 0 : i32
      %dma_wait3A_448 = tpu.memref_slice %arg13[%add3A_31, %dma_wait3A_447] : memref<10240x128xf32, #tpu.memory_space<vmem_shared>> -> memref<128x128xf32, #tpu.memory_space<vmem_shared>>
      tpu.wait_dma2 semaphore(%run_scoped3A : memref<!tpu.dma_semaphore, #tpu.memory_space<semaphore_mem>>) src(%arg11 : memref<128x128xf32, #tpu.memory_space<vmem>>) dst(%dma_wait3A_448 : memref<128x128xf32, #tpu.memory_space<vmem_shared>>)
      tpu.yield
    }) : () -> ()
    %mul3A_32 = arith.constant 640 : i32
    %mul3A_33 = arith.muli %arg1, %mul3A_32 : i32
    %add3A_34 = arith.constant 512 : i32
    %add3A_35 = arith.addi %mul3A_33, %add3A_34 : i32
    "tpu.region"() ({
      %run_scoped3A = tpu.sem_alloc : memref<!tpu.dma_semaphore, #tpu.memory_space<semaphore_mem>>
      %dma_start3A_442 = arith.constant 0 : i32
      %dma_start3A_443 = tpu.memref_slice %arg13[%add3A_35, %dma_start3A_442] : memref<10240x128xf32, #tpu.memory_space<vmem_shared>> -> memref<128x128xf32, #tpu.memory_space<vmem_shared>>
      %dma_start3A_444 = arith.constant 0 : i32
      %dma_start3A_445 = tpu.memref_slice %arg13[%add3A_35, %dma_start3A_444] : memref<10240x128xf32, #tpu.memory_space<vmem_shared>> -> memref<128x128xf32, #tpu.memory_space<vmem_shared>>
      tpu.enqueue_dma source(%arg11 : memref<128x128xf32, #tpu.memory_space<vmem>>) target(%dma_start3A_445 : memref<128x128xf32, #tpu.memory_space<vmem_shared>>) target_semaphore(%run_scoped3A : memref<!tpu.dma_semaphore, #tpu.memory_space<semaphore_mem>>)
      %dma_wait3A = arith.constant 0 : i32
      %dma_wait3A_446 = tpu.memref_slice %arg13[%add3A_35, %dma_wait3A] : memref<10240x128xf32, #tpu.memory_space<vmem_shared>> -> memref<128x128xf32, #tpu.memory_space<vmem_shared>>
      %dma_wait3A_447 = arith.constant 0 : i32
      %dma_wait3A_448 = tpu.memref_slice %arg13[%add3A_35, %dma_wait3A_447] : memref<10240x128xf32, #tpu.memory_space<vmem_shared>> -> memref<128x128xf32, #tpu.memory_space<vmem_shared>>
      tpu.wait_dma2 semaphore(%run_scoped3A : memref<!tpu.dma_semaphore, #tpu.memory_space<semaphore_mem>>) src(%arg11 : memref<128x128xf32, #tpu.memory_space<vmem>>) dst(%dma_wait3A_448 : memref<128x128xf32, #tpu.memory_space<vmem_shared>>)
      tpu.yield
    }) : () -> ()
    %barrier3A = arith.constant 0 : index
    tpu.barrier barrier_id(%barrier3A)
    %dma_start3A = arith.constant 0 : i32
    %dma_start3A_36 = arith.constant 0 : i32
    %dma_start3A_37 = tpu.memref_slice %arg9[%dma_start3A, %dma_start3A_36] : memref<40x128xi32, #tpu.memory_space<vmem>> -> memref<1x128xi32, #tpu.memory_space<vmem>>
    %dma_start3A_38 = tpu.memref_squeeze %dma_start3A_37 : memref<1x128xi32, #tpu.memory_space<vmem>> -> memref<128xi32, #tpu.memory_space<vmem>>
    %dma_start3A_39 = arith.constant 0 : i32
    %dma_start3A_40 = arith.constant 0 : i32
    %dma_start3A_41 = tpu.memref_slice %arg4[%dma_start3A_39, %dma_start3A_40] : memref<10240x128xf32, #tpu.memory_space<hbm>> -> memref<10240x128xf32, #tpu.memory_space<hbm>>
    tpu.enqueue_indirect_dma source(%dma_start3A_41 : memref<10240x128xf32, #tpu.memory_space<hbm>>) target(%arg11 : memref<128x128xf32, #tpu.memory_space<vmem>>) offsets(%dma_start3A_38 : memref<128xi32, #tpu.memory_space<vmem>>) semaphore(%arg14 : memref<!tpu.dma_semaphore, #tpu.memory_space<semaphore_mem>>)
    %scan3A_42 = arith.constant 0 : i32
    %scan3A_43 = arith.constant 0 : i32
    %scan3A_44 = arith.constant 20 : i32
    %scan3A_45 = arith.addi %scan3A_43, %scan3A_44 : i32
    %scan3A_46 = arith.constant 1 : i32
    %scan3A_47 = scf.for %scan3A_442 = %scan3A_43 to %scan3A_45 step %scan3A_46 iter_args(%scan3A_443 = %scan3A_42) -> (i32)  : i32 {
      %mul3A_444 = arith.constant 2 : i32
      %mul3A_445 = arith.muli %mul3A_444, %scan3A_442 : i32
      %add3A_446 = arith.constant 1 : i32
      %add3A_447 = arith.addi %mul3A_445, %add3A_446 : i32
      %dma_start3A_448 = arith.constant 0 : i32
      %dma_start3A_449 = tpu.memref_slice %arg9[%add3A_447, %dma_start3A_448] : memref<40x128xi32, #tpu.memory_space<vmem>> -> memref<1x128xi32, #tpu.memory_space<vmem>>
      %dma_start3A_450 = tpu.memref_squeeze %dma_start3A_449 : memref<1x128xi32, #tpu.memory_space<vmem>> -> memref<128xi32, #tpu.memory_space<vmem>>
      %dma_start3A_451 = arith.constant 0 : i32
      %dma_start3A_452 = arith.constant 0 : i32
      %dma_start3A_453 = tpu.memref_slice %arg4[%dma_start3A_451, %dma_start3A_452] : memref<10240x128xf32, #tpu.memory_space<hbm>> -> memref<10240x128xf32, #tpu.memory_space<hbm>>
      tpu.enqueue_indirect_dma source(%dma_start3A_453 : memref<10240x128xf32, #tpu.memory_space<hbm>>) target(%arg12 : memref<128x128xf32, #tpu.memory_space<vmem>>) offsets(%dma_start3A_450 : memref<128xi32, #tpu.memory_space<vmem>>) semaphore(%arg15 : memref<!tpu.dma_semaphore, #tpu.memory_space<semaphore_mem>>)
      %dma_wait3A = arith.constant 0 : i32
      %dma_wait3A_454 = tpu.memref_slice %arg9[%mul3A_445, %dma_wait3A] : memref<40x128xi32, #tpu.memory_space<vmem>> -> memref<1x128xi32, #tpu.memory_space<vmem>>
      %dma_wait3A_455 = tpu.memref_squeeze %dma_wait3A_454 : memref<1x128xi32, #tpu.memory_space<vmem>> -> memref<128xi32, #tpu.memory_space<vmem>>
      %dma_wait3A_456 = arith.constant 0 : i32
      %dma_wait3A_457 = arith.constant 0 : i32
      %dma_wait3A_458 = tpu.memref_slice %arg4[%dma_wait3A_456, %dma_wait3A_457] : memref<10240x128xf32, #tpu.memory_space<hbm>> -> memref<10240x128xf32, #tpu.memory_space<hbm>>
      tpu.wait_indirect_dma semaphore(%arg14 : memref<!tpu.dma_semaphore, #tpu.memory_space<semaphore_mem>>) src(%dma_wait3A_458 : memref<10240x128xf32, #tpu.memory_space<hbm>>) dst(%arg11 : memref<128x128xf32, #tpu.memory_space<vmem>>)
      "tpu.region"() ({
        %run_scoped3A = tpu.sem_alloc : memref<!tpu.dma_semaphore, #tpu.memory_space<semaphore_mem>>
        %dma_start3A_474 = arith.constant 0 : i32
        %dma_start3A_475 = tpu.memref_slice %arg10[%mul3A_445, %dma_start3A_474] : memref<40x128xi32, #tpu.memory_space<vmem>> -> memref<1x128xi32, #tpu.memory_space<vmem>>
        %dma_start3A_476 = tpu.memref_squeeze %dma_start3A_475 : memref<1x128xi32, #tpu.memory_space<vmem>> -> memref<128xi32, #tpu.memory_space<vmem>>
        %dma_start3A_477 = arith.constant 0 : i32
        %dma_start3A_478 = arith.constant 0 : i32
        %dma_start3A_479 = tpu.memref_slice %arg13[%dma_start3A_477, %dma_start3A_478] : memref<10240x128xf32, #tpu.memory_space<vmem_shared>> -> memref<10240x128xf32, #tpu.memory_space<vmem_shared>>
        tpu.enqueue_indirect_dma source(%arg11 : memref<128x128xf32, #tpu.memory_space<vmem>>) target(%dma_start3A_479 : memref<10240x128xf32, #tpu.memory_space<vmem_shared>>) offsets(%dma_start3A_476 : memref<128xi32, #tpu.memory_space<vmem>>) semaphore(%run_scoped3A : memref<!tpu.dma_semaphore, #tpu.memory_space<semaphore_mem>>) {add = true}
        %dma_wait3A_480 = arith.constant 0 : i32
        %dma_wait3A_481 = tpu.memref_slice %arg10[%mul3A_445, %dma_wait3A_480] : memref<40x128xi32, #tpu.memory_space<vmem>> -> memref<1x128xi32, #tpu.memory_space<vmem>>
        %dma_wait3A_482 = tpu.memref_squeeze %dma_wait3A_481 : memref<1x128xi32, #tpu.memory_space<vmem>> -> memref<128xi32, #tpu.memory_space<vmem>>
        %dma_wait3A_483 = arith.constant 0 : i32
        %dma_wait3A_484 = arith.constant 0 : i32
        %dma_wait3A_485 = tpu.memref_slice %arg13[%dma_wait3A_483, %dma_wait3A_484] : memref<10240x128xf32, #tpu.memory_space<vmem_shared>> -> memref<10240x128xf32, #tpu.memory_space<vmem_shared>>
        tpu.wait_indirect_dma semaphore(%run_scoped3A : memref<!tpu.dma_semaphore, #tpu.memory_space<semaphore_mem>>) src(%arg11 : memref<128x128xf32, #tpu.memory_space<vmem>>) dst(%dma_wait3A_485 : memref<10240x128xf32, #tpu.memory_space<vmem_shared>>)
        tpu.yield
      }) : () -> ()
      %add3A_459 = arith.constant 1 : i32
      %add3A_460 = arith.addi %scan3A_442, %add3A_459 : i32
      %lt3A = arith.constant 20 : i32
      %lt3A_461 = arith.cmpi slt, %add3A_460, %lt3A : i32
      %convert_element_type3A = arith.extui %lt3A_461 : i1 to i32
      %cond3A = arith.constant 0 : i32
      %cond3A_462 = arith.cmpi ne, %convert_element_type3A, %cond3A : i32
      scf.if %cond3A_462 {
        %add3A_474 = arith.constant 2 : i32
        %add3A_475 = arith.addi %mul3A_445, %add3A_474 : i32
        %dma_start3A_476 = arith.constant 0 : i32
        %dma_start3A_477 = tpu.memref_slice %arg9[%add3A_475, %dma_start3A_476] : memref<40x128xi32, #tpu.memory_space<vmem>> -> memref<1x128xi32, #tpu.memory_space<vmem>>
        %dma_start3A_478 = tpu.memref_squeeze %dma_start3A_477 : memref<1x128xi32, #tpu.memory_space<vmem>> -> memref<128xi32, #tpu.memory_space<vmem>>
        %dma_start3A_479 = arith.constant 0 : i32
        %dma_start3A_480 = arith.constant 0 : i32
        %dma_start3A_481 = tpu.memref_slice %arg4[%dma_start3A_479, %dma_start3A_480] : memref<10240x128xf32, #tpu.memory_space<hbm>> -> memref<10240x128xf32, #tpu.memory_space<hbm>>
        tpu.enqueue_indirect_dma source(%dma_start3A_481 : memref<10240x128xf32, #tpu.memory_space<hbm>>) target(%arg11 : memref<128x128xf32, #tpu.memory_space<vmem>>) offsets(%dma_start3A_478 : memref<128xi32, #tpu.memory_space<vmem>>) semaphore(%arg14 : memref<!tpu.dma_semaphore, #tpu.memory_space<semaphore_mem>>)
      } else {
      }
      %add3A_463 = arith.constant 1 : i32
      %add3A_464 = arith.addi %mul3A_445, %add3A_463 : i32
      %dma_wait3A_465 = arith.constant 0 : i32
      %dma_wait3A_466 = tpu.memref_slice %arg9[%add3A_464, %dma_wait3A_465] : memref<40x128xi32, #tpu.memory_space<vmem>> -> memref<1x128xi32, #tpu.memory_space<vmem>>
      %dma_wait3A_467 = tpu.memref_squeeze %dma_wait3A_466 : memref<1x128xi32, #tpu.memory_space<vmem>> -> memref<128xi32, #tpu.memory_space<vmem>>
      %dma_wait3A_468 = arith.constant 0 : i32
      %dma_wait3A_469 = arith.constant 0 : i32
      %dma_wait3A_470 = tpu.memref_slice %arg4[%dma_wait3A_468, %dma_wait3A_469] : memref<10240x128xf32, #tpu.memory_space<hbm>> -> memref<10240x128xf32, #tpu.memory_space<hbm>>
      tpu.wait_indirect_dma semaphore(%arg15 : memref<!tpu.dma_semaphore, #tpu.memory_space<semaphore_mem>>) src(%dma_wait3A_470 : memref<10240x128xf32, #tpu.memory_space<hbm>>) dst(%arg12 : memref<128x128xf32, #tpu.memory_space<vmem>>)
      %add3A_471 = arith.constant 1 : i32
      %add3A_472 = arith.addi %mul3A_445, %add3A_471 : i32
      "tpu.region"() ({
        %run_scoped3A = tpu.sem_alloc : memref<!tpu.dma_semaphore, #tpu.memory_space<semaphore_mem>>
        %dma_start3A_474 = arith.constant 0 : i32
        %dma_start3A_475 = tpu.memref_slice %arg10[%add3A_472, %dma_start3A_474] : memref<40x128xi32, #tpu.memory_space<vmem>> -> memref<1x128xi32, #tpu.memory_space<vmem>>
        %dma_start3A_476 = tpu.memref_squeeze %dma_start3A_475 : memref<1x128xi32, #tpu.memory_space<vmem>> -> memref<128xi32, #tpu.memory_space<vmem>>
        %dma_start3A_477 = arith.constant 0 : i32
        %dma_start3A_478 = arith.constant 0 : i32
        %dma_start3A_479 = tpu.memref_slice %arg13[%dma_start3A_477, %dma_start3A_478] : memref<10240x128xf32, #tpu.memory_space<vmem_shared>> -> memref<10240x128xf32, #tpu.memory_space<vmem_shared>>
        tpu.enqueue_indirect_dma source(%arg12 : memref<128x128xf32, #tpu.memory_space<vmem>>) target(%dma_start3A_479 : memref<10240x128xf32, #tpu.memory_space<vmem_shared>>) offsets(%dma_start3A_476 : memref<128xi32, #tpu.memory_space<vmem>>) semaphore(%run_scoped3A : memref<!tpu.dma_semaphore, #tpu.memory_space<semaphore_mem>>) {add = true}
        %dma_wait3A_480 = arith.constant 0 : i32
        %dma_wait3A_481 = tpu.memref_slice %arg10[%add3A_472, %dma_wait3A_480] : memref<40x128xi32, #tpu.memory_space<vmem>> -> memref<1x128xi32, #tpu.memory_space<vmem>>
        %dma_wait3A_482 = tpu.memref_squeeze %dma_wait3A_481 : memref<1x128xi32, #tpu.memory_space<vmem>> -> memref<128xi32, #tpu.memory_space<vmem>>
        %dma_wait3A_483 = arith.constant 0 : i32
        %dma_wait3A_484 = arith.constant 0 : i32
        %dma_wait3A_485 = tpu.memref_slice %arg13[%dma_wait3A_483, %dma_wait3A_484] : memref<10240x128xf32, #tpu.memory_space<vmem_shared>> -> memref<10240x128xf32, #tpu.memory_space<vmem_shared>>
        tpu.wait_indirect_dma semaphore(%run_scoped3A : memref<!tpu.dma_semaphore, #tpu.memory_space<semaphore_mem>>) src(%arg12 : memref<128x128xf32, #tpu.memory_space<vmem>>) dst(%dma_wait3A_485 : memref<10240x128xf32, #tpu.memory_space<vmem_shared>>)
        tpu.yield
      }) : () -> ()
      %scan3A_473 = arith.constant 0 : i32
      scf.yield %scan3A_473 : i32
    }
    %scan3A_48 = arith.constant 20 : i32
    %barrier3A_49 = arith.constant 0 : index
    tpu.barrier barrier_id(%barrier3A_49)
    %mul3A_50 = arith.constant 640 : i32
    %mul3A_51 = arith.muli %arg1, %mul3A_50 : i32
    %add3A_52 = arith.constant 0 : i32
    %add3A_53 = arith.addi %mul3A_51, %add3A_52 : i32
    "tpu.region"() ({
      %run_scoped3A = tpu.sem_alloc : memref<!tpu.dma_semaphore, #tpu.memory_space<semaphore_mem>>
      %dma_start3A_442 = arith.constant 0 : i32
      %dma_start3A_443 = tpu.memref_slice %arg13[%add3A_53, %dma_start3A_442] : memref<10240x128xf32, #tpu.memory_space<vmem_shared>> -> memref<128x128xf32, #tpu.memory_space<vmem_shared>>
      %dma_start3A_444 = arith.constant 0 : i32
      %dma_start3A_445 = tpu.memref_slice %arg13[%add3A_53, %dma_start3A_444] : memref<10240x128xf32, #tpu.memory_space<vmem_shared>> -> memref<128x128xf32, #tpu.memory_space<vmem_shared>>
      tpu.enqueue_dma source(%dma_start3A_445 : memref<128x128xf32, #tpu.memory_space<vmem_shared>>) target(%arg11 : memref<128x128xf32, #tpu.memory_space<vmem>>) target_semaphore(%run_scoped3A : memref<!tpu.dma_semaphore, #tpu.memory_space<semaphore_mem>>)
      %dma_wait3A = arith.constant 0 : i32
      %dma_wait3A_446 = tpu.memref_slice %arg13[%add3A_53, %dma_wait3A] : memref<10240x128xf32, #tpu.memory_space<vmem_shared>> -> memref<128x128xf32, #tpu.memory_space<vmem_shared>>
      %dma_wait3A_447 = arith.constant 0 : i32
      %dma_wait3A_448 = tpu.memref_slice %arg13[%add3A_53, %dma_wait3A_447] : memref<10240x128xf32, #tpu.memory_space<vmem_shared>> -> memref<128x128xf32, #tpu.memory_space<vmem_shared>>
      tpu.wait_dma2 semaphore(%run_scoped3A : memref<!tpu.dma_semaphore, #tpu.memory_space<semaphore_mem>>) src(%dma_wait3A_448 : memref<128x128xf32, #tpu.memory_space<vmem_shared>>) dst(%arg11 : memref<128x128xf32, #tpu.memory_space<vmem>>)
      tpu.yield
    }) : () -> ()
    %mul3A_54 = arith.constant 10240 : i32
    %mul3A_55 = arith.muli %arg0, %mul3A_54 : i32
    %add3A_56 = arith.constant 0 : i32
    %add3A_57 = arith.addi %add3A_56, %mul3A_55 : i32
    %mul3A_58 = arith.constant 640 : i32
    %mul3A_59 = arith.muli %arg1, %mul3A_58 : i32
    %add3A_60 = arith.addi %add3A_57, %mul3A_59 : i32
    %add3A_61 = arith.constant 0 : i32
    %add3A_62 = arith.addi %add3A_60, %add3A_61 : i32
    "tpu.region"() ({
      %run_scoped3A = tpu.sem_alloc : memref<!tpu.dma_semaphore, #tpu.memory_space<semaphore_mem>>
      %dma_start3A_442 = arith.constant 0 : i32
      %dma_start3A_443 = tpu.memref_slice %arg8[%add3A_62, %dma_start3A_442] : memref<81920x128xf32, #tpu.memory_space<hbm>> -> memref<128x128xf32, #tpu.memory_space<hbm>>
      %dma_start3A_444 = arith.constant 0 : i32
      %dma_start3A_445 = tpu.memref_slice %arg8[%add3A_62, %dma_start3A_444] : memref<81920x128xf32, #tpu.memory_space<hbm>> -> memref<128x128xf32, #tpu.memory_space<hbm>>
      tpu.enqueue_dma source(%arg11 : memref<128x128xf32, #tpu.memory_space<vmem>>) target(%dma_start3A_445 : memref<128x128xf32, #tpu.memory_space<hbm>>) target_semaphore(%run_scoped3A : memref<!tpu.dma_semaphore, #tpu.memory_space<semaphore_mem>>)
      %dma_wait3A = arith.constant 0 : i32
      %dma_wait3A_446 = tpu.memref_slice %arg8[%add3A_62, %dma_wait3A] : memref<81920x128xf32, #tpu.memory_space<hbm>> -> memref<128x128xf32, #tpu.memory_space<hbm>>
      %dma_wait3A_447 = arith.constant 0 : i32
      %dma_wait3A_448 = tpu.memref_slice %arg8[%add3A_62, %dma_wait3A_447] : memref<81920x128xf32, #tpu.memory_space<hbm>> -> memref<128x128xf32, #tpu.memory_space<hbm>>
      tpu.wait_dma2 semaphore(%run_scoped3A : memref<!tpu.dma_semaphore, #tpu.memory_space<semaphore_mem>>) src(%arg11 : memref<128x128xf32, #tpu.memory_space<vmem>>) dst(%dma_wait3A_448 : memref<128x128xf32, #tpu.memory_space<hbm>>)
      tpu.yield
    }) : () -> ()
    %mul3A_63 = arith.constant 640 : i32
    %mul3A_64 = arith.muli %arg1, %mul3A_63 : i32
    %add3A_65 = arith.constant 128 : i32
    %add3A_66 = arith.addi %mul3A_64, %add3A_65 : i32
    "tpu.region"() ({
      %run_scoped3A = tpu.sem_alloc : memref<!tpu.dma_semaphore, #tpu.memory_space<semaphore_mem>>
      %dma_start3A_442 = arith.constant 0 : i32
      %dma_start3A_443 = tpu.memref_slice %arg13[%add3A_66, %dma_start3A_442] : memref<10240x128xf32, #tpu.memory_space<vmem_shared>> -> memref<128x128xf32, #tpu.memory_space<vmem_shared>>
      %dma_start3A_444 = arith.constant 0 : i32
      %dma_start3A_445 = tpu.memref_slice %arg13[%add3A_66, %dma_start3A_444] : memref<10240x128xf32, #tpu.memory_space<vmem_shared>> -> memref<128x128xf32, #tpu.memory_space<vmem_shared>>
      tpu.enqueue_dma source(%dma_start3A_445 : memref<128x128xf32, #tpu.memory_space<vmem_shared>>) target(%arg11 : memref<128x128xf32, #tpu.memory_space<vmem>>) target_semaphore(%run_scoped3A : memref<!tpu.dma_semaphore, #tpu.memory_space<semaphore_mem>>)
      %dma_wait3A = arith.constant 0 : i32
      %dma_wait3A_446 = tpu.memref_slice %arg13[%add3A_66, %dma_wait3A] : memref<10240x128xf32, #tpu.memory_space<vmem_shared>> -> memref<128x128xf32, #tpu.memory_space<vmem_shared>>
      %dma_wait3A_447 = arith.constant 0 : i32
      %dma_wait3A_448 = tpu.memref_slice %arg13[%add3A_66, %dma_wait3A_447] : memref<10240x128xf32, #tpu.memory_space<vmem_shared>> -> memref<128x128xf32, #tpu.memory_space<vmem_shared>>
      tpu.wait_dma2 semaphore(%run_scoped3A : memref<!tpu.dma_semaphore, #tpu.memory_space<semaphore_mem>>) src(%dma_wait3A_448 : memref<128x128xf32, #tpu.memory_space<vmem_shared>>) dst(%arg11 : memref<128x128xf32, #tpu.memory_space<vmem>>)
      tpu.yield
    }) : () -> ()
    %mul3A_67 = arith.constant 10240 : i32
    %mul3A_68 = arith.muli %arg0, %mul3A_67 : i32
    %add3A_69 = arith.constant 0 : i32
    %add3A_70 = arith.addi %add3A_69, %mul3A_68 : i32
    %mul3A_71 = arith.constant 640 : i32
    %mul3A_72 = arith.muli %arg1, %mul3A_71 : i32
    %add3A_73 = arith.addi %add3A_70, %mul3A_72 : i32
    %add3A_74 = arith.constant 128 : i32
    %add3A_75 = arith.addi %add3A_73, %add3A_74 : i32
    "tpu.region"() ({
      %run_scoped3A = tpu.sem_alloc : memref<!tpu.dma_semaphore, #tpu.memory_space<semaphore_mem>>
      %dma_start3A_442 = arith.constant 0 : i32
      %dma_start3A_443 = tpu.memref_slice %arg8[%add3A_75, %dma_start3A_442] : memref<81920x128xf32, #tpu.memory_space<hbm>> -> memref<128x128xf32, #tpu.memory_space<hbm>>
      %dma_start3A_444 = arith.constant 0 : i32
      %dma_start3A_445 = tpu.memref_slice %arg8[%add3A_75, %dma_start3A_444] : memref<81920x128xf32, #tpu.memory_space<hbm>> -> memref<128x128xf32, #tpu.memory_space<hbm>>
      tpu.enqueue_dma source(%arg11 : memref<128x128xf32, #tpu.memory_space<vmem>>) target(%dma_start3A_445 : memref<128x128xf32, #tpu.memory_space<hbm>>) target_semaphore(%run_scoped3A : memref<!tpu.dma_semaphore, #tpu.memory_space<semaphore_mem>>)
      %dma_wait3A = arith.constant 0 : i32
      %dma_wait3A_446 = tpu.memref_slice %arg8[%add3A_75, %dma_wait3A] : memref<81920x128xf32, #tpu.memory_space<hbm>> -> memref<128x128xf32, #tpu.memory_space<hbm>>
      %dma_wait3A_447 = arith.constant 0 : i32
      %dma_wait3A_448 = tpu.memref_slice %arg8[%add3A_75, %dma_wait3A_447] : memref<81920x128xf32, #tpu.memory_space<hbm>> -> memref<128x128xf32, #tpu.memory_space<hbm>>
      tpu.wait_dma2 semaphore(%run_scoped3A : memref<!tpu.dma_semaphore, #tpu.memory_space<semaphore_mem>>) src(%arg11 : memref<128x128xf32, #tpu.memory_space<vmem>>) dst(%dma_wait3A_448 : memref<128x128xf32, #tpu.memory_space<hbm>>)
      tpu.yield
    }) : () -> ()
    %mul3A_76 = arith.constant 640 : i32
    %mul3A_77 = arith.muli %arg1, %mul3A_76 : i32
    %add3A_78 = arith.constant 256 : i32
    %add3A_79 = arith.addi %mul3A_77, %add3A_78 : i32
    "tpu.region"() ({
      %run_scoped3A = tpu.sem_alloc : memref<!tpu.dma_semaphore, #tpu.memory_space<semaphore_mem>>
      %dma_start3A_442 = arith.constant 0 : i32
      %dma_start3A_443 = tpu.memref_slice %arg13[%add3A_79, %dma_start3A_442] : memref<10240x128xf32, #tpu.memory_space<vmem_shared>> -> memref<128x128xf32, #tpu.memory_space<vmem_shared>>
      %dma_start3A_444 = arith.constant 0 : i32
      %dma_start3A_445 = tpu.memref_slice %arg13[%add3A_79, %dma_start3A_444] : memref<10240x128xf32, #tpu.memory_space<vmem_shared>> -> memref<128x128xf32, #tpu.memory_space<vmem_shared>>
      tpu.enqueue_dma source(%dma_start3A_445 : memref<128x128xf32, #tpu.memory_space<vmem_shared>>) target(%arg11 : memref<128x128xf32, #tpu.memory_space<vmem>>) target_semaphore(%run_scoped3A : memref<!tpu.dma_semaphore, #tpu.memory_space<semaphore_mem>>)
      %dma_wait3A = arith.constant 0 : i32
      %dma_wait3A_446 = tpu.memref_slice %arg13[%add3A_79, %dma_wait3A] : memref<10240x128xf32, #tpu.memory_space<vmem_shared>> -> memref<128x128xf32, #tpu.memory_space<vmem_shared>>
      %dma_wait3A_447 = arith.constant 0 : i32
      %dma_wait3A_448 = tpu.memref_slice %arg13[%add3A_79, %dma_wait3A_447] : memref<10240x128xf32, #tpu.memory_space<vmem_shared>> -> memref<128x128xf32, #tpu.memory_space<vmem_shared>>
      tpu.wait_dma2 semaphore(%run_scoped3A : memref<!tpu.dma_semaphore, #tpu.memory_space<semaphore_mem>>) src(%dma_wait3A_448 : memref<128x128xf32, #tpu.memory_space<vmem_shared>>) dst(%arg11 : memref<128x128xf32, #tpu.memory_space<vmem>>)
      tpu.yield
    }) : () -> ()
    %mul3A_80 = arith.constant 10240 : i32
    %mul3A_81 = arith.muli %arg0, %mul3A_80 : i32
    %add3A_82 = arith.constant 0 : i32
    %add3A_83 = arith.addi %add3A_82, %mul3A_81 : i32
    %mul3A_84 = arith.constant 640 : i32
    %mul3A_85 = arith.muli %arg1, %mul3A_84 : i32
    %add3A_86 = arith.addi %add3A_83, %mul3A_85 : i32
    %add3A_87 = arith.constant 256 : i32
    %add3A_88 = arith.addi %add3A_86, %add3A_87 : i32
    "tpu.region"() ({
      %run_scoped3A = tpu.sem_alloc : memref<!tpu.dma_semaphore, #tpu.memory_space<semaphore_mem>>
      %dma_start3A_442 = arith.constant 0 : i32
      %dma_start3A_443 = tpu.memref_slice %arg8[%add3A_88, %dma_start3A_442] : memref<81920x128xf32, #tpu.memory_space<hbm>> -> memref<128x128xf32, #tpu.memory_space<hbm>>
      %dma_start3A_444 = arith.constant 0 : i32
      %dma_start3A_445 = tpu.memref_slice %arg8[%add3A_88, %dma_start3A_444] : memref<81920x128xf32, #tpu.memory_space<hbm>> -> memref<128x128xf32, #tpu.memory_space<hbm>>
      tpu.enqueue_dma source(%arg11 : memref<128x128xf32, #tpu.memory_space<vmem>>) target(%dma_start3A_445 : memref<128x128xf32, #tpu.memory_space<hbm>>) target_semaphore(%run_scoped3A : memref<!tpu.dma_semaphore, #tpu.memory_space<semaphore_mem>>)
      %dma_wait3A = arith.constant 0 : i32
      %dma_wait3A_446 = tpu.memref_slice %arg8[%add3A_88, %dma_wait3A] : memref<81920x128xf32, #tpu.memory_space<hbm>> -> memref<128x128xf32, #tpu.memory_space<hbm>>
      %dma_wait3A_447 = arith.constant 0 : i32
      %dma_wait3A_448 = tpu.memref_slice %arg8[%add3A_88, %dma_wait3A_447] : memref<81920x128xf32, #tpu.memory_space<hbm>> -> memref<128x128xf32, #tpu.memory_space<hbm>>
      tpu.wait_dma2 semaphore(%run_scoped3A : memref<!tpu.dma_semaphore, #tpu.memory_space<semaphore_mem>>) src(%arg11 : memref<128x128xf32, #tpu.memory_space<vmem>>) dst(%dma_wait3A_448 : memref<128x128xf32, #tpu.memory_space<hbm>>)
      tpu.yield
    }) : () -> ()
    %mul3A_89 = arith.constant 640 : i32
    %mul3A_90 = arith.muli %arg1, %mul3A_89 : i32
    %add3A_91 = arith.constant 384 : i32
    %add3A_92 = arith.addi %mul3A_90, %add3A_91 : i32
    "tpu.region"() ({
      %run_scoped3A = tpu.sem_alloc : memref<!tpu.dma_semaphore, #tpu.memory_space<semaphore_mem>>
      %dma_start3A_442 = arith.constant 0 : i32
      %dma_start3A_443 = tpu.memref_slice %arg13[%add3A_92, %dma_start3A_442] : memref<10240x128xf32, #tpu.memory_space<vmem_shared>> -> memref<128x128xf32, #tpu.memory_space<vmem_shared>>
      %dma_start3A_444 = arith.constant 0 : i32
      %dma_start3A_445 = tpu.memref_slice %arg13[%add3A_92, %dma_start3A_444] : memref<10240x128xf32, #tpu.memory_space<vmem_shared>> -> memref<128x128xf32, #tpu.memory_space<vmem_shared>>
      tpu.enqueue_dma source(%dma_start3A_445 : memref<128x128xf32, #tpu.memory_space<vmem_shared>>) target(%arg11 : memref<128x128xf32, #tpu.memory_space<vmem>>) target_semaphore(%run_scoped3A : memref<!tpu.dma_semaphore, #tpu.memory_space<semaphore_mem>>)
      %dma_wait3A = arith.constant 0 : i32
      %dma_wait3A_446 = tpu.memref_slice %arg13[%add3A_92, %dma_wait3A] : memref<10240x128xf32, #tpu.memory_space<vmem_shared>> -> memref<128x128xf32, #tpu.memory_space<vmem_shared>>
      %dma_wait3A_447 = arith.constant 0 : i32
      %dma_wait3A_448 = tpu.memref_slice %arg13[%add3A_92, %dma_wait3A_447] : memref<10240x128xf32, #tpu.memory_space<vmem_shared>> -> memref<128x128xf32, #tpu.memory_space<vmem_shared>>
      tpu.wait_dma2 semaphore(%run_scoped3A : memref<!tpu.dma_semaphore, #tpu.memory_space<semaphore_mem>>) src(%dma_wait3A_448 : memref<128x128xf32, #tpu.memory_space<vmem_shared>>) dst(%arg11 : memref<128x128xf32, #tpu.memory_space<vmem>>)
      tpu.yield
    }) : () -> ()
    %mul3A_93 = arith.constant 10240 : i32
    %mul3A_94 = arith.muli %arg0, %mul3A_93 : i32
    %add3A_95 = arith.constant 0 : i32
    %add3A_96 = arith.addi %add3A_95, %mul3A_94 : i32
    %mul3A_97 = arith.constant 640 : i32
    %mul3A_98 = arith.muli %arg1, %mul3A_97 : i32
    %add3A_99 = arith.addi %add3A_96, %mul3A_98 : i32
    %add3A_100 = arith.constant 384 : i32
    %add3A_101 = arith.addi %add3A_99, %add3A_100 : i32
    "tpu.region"() ({
      %run_scoped3A = tpu.sem_alloc : memref<!tpu.dma_semaphore, #tpu.memory_space<semaphore_mem>>
      %dma_start3A_442 = arith.constant 0 : i32
      %dma_start3A_443 = tpu.memref_slice %arg8[%add3A_101, %dma_start3A_442] : memref<81920x128xf32, #tpu.memory_space<hbm>> -> memref<128x128xf32, #tpu.memory_space<hbm>>
      %dma_start3A_444 = arith.constant 0 : i32
      %dma_start3A_445 = tpu.memref_slice %arg8[%add3A_101, %dma_start3A_444] : memref<81920x128xf32, #tpu.memory_space<hbm>> -> memref<128x128xf32, #tpu.memory_space<hbm>>
      tpu.enqueue_dma source(%arg11 : memref<128x128xf32, #tpu.memory_space<vmem>>) target(%dma_start3A_445 : memref<128x128xf32, #tpu.memory_space<hbm>>) target_semaphore(%run_scoped3A : memref<!tpu.dma_semaphore, #tpu.memory_space<semaphore_mem>>)
      %dma_wait3A = arith.constant 0 : i32
      %dma_wait3A_446 = tpu.memref_slice %arg8[%add3A_101, %dma_wait3A] : memref<81920x128xf32, #tpu.memory_space<hbm>> -> memref<128x128xf32, #tpu.memory_space<hbm>>
      %dma_wait3A_447 = arith.constant 0 : i32
      %dma_wait3A_448 = tpu.memref_slice %arg8[%add3A_101, %dma_wait3A_447] : memref<81920x128xf32, #tpu.memory_space<hbm>> -> memref<128x128xf32, #tpu.memory_space<hbm>>
      tpu.wait_dma2 semaphore(%run_scoped3A : memref<!tpu.dma_semaphore, #tpu.memory_space<semaphore_mem>>) src(%arg11 : memref<128x128xf32, #tpu.memory_space<vmem>>) dst(%dma_wait3A_448 : memref<128x128xf32, #tpu.memory_space<hbm>>)
      tpu.yield
    }) : () -> ()
    %mul3A_102 = arith.constant 640 : i32
    %mul3A_103 = arith.muli %arg1, %mul3A_102 : i32
    %add3A_104 = arith.constant 512 : i32
    %add3A_105 = arith.addi %mul3A_103, %add3A_104 : i32
    "tpu.region"() ({
      %run_scoped3A = tpu.sem_alloc : memref<!tpu.dma_semaphore, #tpu.memory_space<semaphore_mem>>
      %dma_start3A_442 = arith.constant 0 : i32
      %dma_start3A_443 = tpu.memref_slice %arg13[%add3A_105, %dma_start3A_442] : memref<10240x128xf32, #tpu.memory_space<vmem_shared>> -> memref<128x128xf32, #tpu.memory_space<vmem_shared>>
      %dma_start3A_444 = arith.constant 0 : i32
      %dma_start3A_445 = tpu.memref_slice %arg13[%add3A_105, %dma_start3A_444] : memref<10240x128xf32, #tpu.memory_space<vmem_shared>> -> memref<128x128xf32, #tpu.memory_space<vmem_shared>>
      tpu.enqueue_dma source(%dma_start3A_445 : memref<128x128xf32, #tpu.memory_space<vmem_shared>>) target(%arg11 : memref<128x128xf32, #tpu.memory_space<vmem>>) target_semaphore(%run_scoped3A : memref<!tpu.dma_semaphore, #tpu.memory_space<semaphore_mem>>)
      %dma_wait3A = arith.constant 0 : i32
      %dma_wait3A_446 = tpu.memref_slice %arg13[%add3A_105, %dma_wait3A] : memref<10240x128xf32, #tpu.memory_space<vmem_shared>> -> memref<128x128xf32, #tpu.memory_space<vmem_shared>>
      %dma_wait3A_447 = arith.constant 0 : i32
      %dma_wait3A_448 = tpu.memref_slice %arg13[%add3A_105, %dma_wait3A_447] : memref<10240x128xf32, #tpu.memory_space<vmem_shared>> -> memref<128x128xf32, #tpu.memory_space<vmem_shared>>
      tpu.wait_dma2 semaphore(%run_scoped3A : memref<!tpu.dma_semaphore, #tpu.memory_space<semaphore_mem>>) src(%dma_wait3A_448 : memref<128x128xf32, #tpu.memory_space<vmem_shared>>) dst(%arg11 : memref<128x128xf32, #tpu.memory_space<vmem>>)
      tpu.yield
    }) : () -> ()
    %mul3A_106 = arith.constant 10240 : i32
    %mul3A_107 = arith.muli %arg0, %mul3A_106 : i32
    %add3A_108 = arith.constant 0 : i32
    %add3A_109 = arith.addi %add3A_108, %mul3A_107 : i32
    %mul3A_110 = arith.constant 640 : i32
    %mul3A_111 = arith.muli %arg1, %mul3A_110 : i32
    %add3A_112 = arith.addi %add3A_109, %mul3A_111 : i32
    %add3A_113 = arith.constant 512 : i32
    %add3A_114 = arith.addi %add3A_112, %add3A_113 : i32
    "tpu.region"() ({
      %run_scoped3A = tpu.sem_alloc : memref<!tpu.dma_semaphore, #tpu.memory_space<semaphore_mem>>
      %dma_start3A_442 = arith.constant 0 : i32
      %dma_start3A_443 = tpu.memref_slice %arg8[%add3A_114, %dma_start3A_442] : memref<81920x128xf32, #tpu.memory_space<hbm>> -> memref<128x128xf32, #tpu.memory_space<hbm>>
      %dma_start3A_444 = arith.constant 0 : i32
      %dma_start3A_445 = tpu.memref_slice %arg8[%add3A_114, %dma_start3A_444] : memref<81920x128xf32, #tpu.memory_space<hbm>> -> memref<128x128xf32, #tpu.memory_space<hbm>>
      tpu.enqueue_dma source(%arg11 : memref<128x128xf32, #tpu.memory_space<vmem>>) target(%dma_start3A_445 : memref<128x128xf32, #tpu.memory_space<hbm>>) target_semaphore(%run_scoped3A : memref<!tpu.dma_semaphore, #tpu.memory_space<semaphore_mem>>)
      %dma_wait3A = arith.constant 0 : i32
      %dma_wait3A_446 = tpu.memref_slice %arg8[%add3A_114, %dma_wait3A] : memref<81920x128xf32, #tpu.memory_space<hbm>> -> memref<128x128xf32, #tpu.memory_space<hbm>>
      %dma_wait3A_447 = arith.constant 0 : i32
      %dma_wait3A_448 = tpu.memref_slice %arg8[%add3A_114, %dma_wait3A_447] : memref<81920x128xf32, #tpu.memory_space<hbm>> -> memref<128x128xf32, #tpu.memory_space<hbm>>
      tpu.wait_dma2 semaphore(%run_scoped3A : memref<!tpu.dma_semaphore, #tpu.memory_space<semaphore_mem>>) src(%arg11 : memref<128x128xf32, #tpu.memory_space<vmem>>) dst(%dma_wait3A_448 : memref<128x128xf32, #tpu.memory_space<hbm>>)
      tpu.yield
    }) : () -> ()
    %barrier3A_115 = arith.constant 0 : index
    tpu.barrier barrier_id(%barrier3A_115)
    %scan3A_116 = arith.constant 0 : i32
    %scan3A_117 = arith.constant 0 : i32
    %scan3A_118 = arith.constant 128 : i32
    %scan3A_119 = arith.addi %scan3A_117, %scan3A_118 : i32
    %scan3A_120 = arith.constant 1 : i32
    %scan3A_121 = scf.for %scan3A_442 = %scan3A_117 to %scan3A_119 step %scan3A_120 iter_args(%scan3A_443 = %scan3A_116) -> (i32)  : i32 {
      %broadcast_in_dim3A = arith.constant 0.000000e+00 : f32
      %broadcast_in_dim3A_444 = vector.broadcast %broadcast_in_dim3A : f32 to vector<16xf32>
      %swap3A = arith.index_cast %scan3A_442 : i32 to index
      %swap3A_445 = arith.constant 0 : index
      %swap3A_446 = tpu.vector_load %arg11[%swap3A, %swap3A_445] {strides = array<i32>} : memref<128x128xf32, #tpu.memory_space<vmem>>, vector<1x16xf32>,
      %swap3A_447 = vector.shape_cast %swap3A_446 : vector<1x16xf32> to vector<16xf32>
      %swap3A_448 = vector.shape_cast %broadcast_in_dim3A_444 : vector<16xf32> to vector<1x16xf32>
      tpu.vector_store %arg11[%swap3A, %swap3A_445], %swap3A_448 {strides = array<i32>} : memref<128x128xf32, #tpu.memory_space<vmem>>, vector<1x16xf32>,
      %broadcast_in_dim3A_449 = arith.constant 0.000000e+00 : f32
      %broadcast_in_dim3A_450 = vector.broadcast %broadcast_in_dim3A_449 : f32 to vector<16xf32>
      %swap3A_451 = arith.index_cast %scan3A_442 : i32 to index
      %swap3A_452 = arith.constant 16 : index
      %swap3A_453 = tpu.vector_load %arg11[%swap3A_451, %swap3A_452] {strides = array<i32>} : memref<128x128xf32, #tpu.memory_space<vmem>>, vector<1x16xf32>,
      %swap3A_454 = vector.shape_cast %swap3A_453 : vector<1x16xf32> to vector<16xf32>
      %swap3A_455 = vector.shape_cast %broadcast_in_dim3A_450 : vector<16xf32> to vector<1x16xf32>
      tpu.vector_store %arg11[%swap3A_451, %swap3A_452], %swap3A_455 {strides = array<i32>} : memref<128x128xf32, #tpu.memory_space<vmem>>, vector<1x16xf32>,
      %broadcast_in_dim3A_456 = arith.constant 0.000000e+00 : f32
      %broadcast_in_dim3A_457 = vector.broadcast %broadcast_in_dim3A_456 : f32 to vector<16xf32>
      %swap3A_458 = arith.index_cast %scan3A_442 : i32 to index
      %swap3A_459 = arith.constant 32 : index
      %swap3A_460 = tpu.vector_load %arg11[%swap3A_458, %swap3A_459] {strides = array<i32>} : memref<128x128xf32, #tpu.memory_space<vmem>>, vector<1x16xf32>,
      %swap3A_461 = vector.shape_cast %swap3A_460 : vector<1x16xf32> to vector<16xf32>
      %swap3A_462 = vector.shape_cast %broadcast_in_dim3A_457 : vector<16xf32> to vector<1x16xf32>
      tpu.vector_store %arg11[%swap3A_458, %swap3A_459], %swap3A_462 {strides = array<i32>} : memref<128x128xf32, #tpu.memory_space<vmem>>, vector<1x16xf32>,
      %broadcast_in_dim3A_463 = arith.constant 0.000000e+00 : f32
      %broadcast_in_dim3A_464 = vector.broadcast %broadcast_in_dim3A_463 : f32 to vector<16xf32>
      %swap3A_465 = arith.index_cast %scan3A_442 : i32 to index
      %swap3A_466 = arith.constant 48 : index
      %swap3A_467 = tpu.vector_load %arg11[%swap3A_465, %swap3A_466] {strides = array<i32>} : memref<128x128xf32, #tpu.memory_space<vmem>>, vector<1x16xf32>,
      %swap3A_468 = vector.shape_cast %swap3A_467 : vector<1x16xf32> to vector<16xf32>
      %swap3A_469 = vector.shape_cast %broadcast_in_dim3A_464 : vector<16xf32> to vector<1x16xf32>
      tpu.vector_store %arg11[%swap3A_465, %swap3A_466], %swap3A_469 {strides = array<i32>} : memref<128x128xf32, #tpu.memory_space<vmem>>, vector<1x16xf32>,
      %broadcast_in_dim3A_470 = arith.constant 0.000000e+00 : f32
      %broadcast_in_dim3A_471 = vector.broadcast %broadcast_in_dim3A_470 : f32 to vector<16xf32>
      %swap3A_472 = arith.index_cast %scan3A_442 : i32 to index
      %swap3A_473 = arith.constant 64 : index
      %swap3A_474 = tpu.vector_load %arg11[%swap3A_472, %swap3A_473] {strides = array<i32>} : memref<128x128xf32, #tpu.memory_space<vmem>>, vector<1x16xf32>,
      %swap3A_475 = vector.shape_cast %swap3A_474 : vector<1x16xf32> to vector<16xf32>
      %swap3A_476 = vector.shape_cast %broadcast_in_dim3A_471 : vector<16xf32> to vector<1x16xf32>
      tpu.vector_store %arg11[%swap3A_472, %swap3A_473], %swap3A_476 {strides = array<i32>} : memref<128x128xf32, #tpu.memory_space<vmem>>, vector<1x16xf32>,
      %broadcast_in_dim3A_477 = arith.constant 0.000000e+00 : f32
      %broadcast_in_dim3A_478 = vector.broadcast %broadcast_in_dim3A_477 : f32 to vector<16xf32>
      %swap3A_479 = arith.index_cast %scan3A_442 : i32 to index
      %swap3A_480 = arith.constant 80 : index
      %swap3A_481 = tpu.vector_load %arg11[%swap3A_479, %swap3A_480] {strides = array<i32>} : memref<128x128xf32, #tpu.memory_space<vmem>>, vector<1x16xf32>,
      %swap3A_482 = vector.shape_cast %swap3A_481 : vector<1x16xf32> to vector<16xf32>
      %swap3A_483 = vector.shape_cast %broadcast_in_dim3A_478 : vector<16xf32> to vector<1x16xf32>
      tpu.vector_store %arg11[%swap3A_479, %swap3A_480], %swap3A_483 {strides = array<i32>} : memref<128x128xf32, #tpu.memory_space<vmem>>, vector<1x16xf32>,
      %broadcast_in_dim3A_484 = arith.constant 0.000000e+00 : f32
      %broadcast_in_dim3A_485 = vector.broadcast %broadcast_in_dim3A_484 : f32 to vector<16xf32>
      %swap3A_486 = arith.index_cast %scan3A_442 : i32 to index
      %swap3A_487 = arith.constant 96 : index
      %swap3A_488 = tpu.vector_load %arg11[%swap3A_486, %swap3A_487] {strides = array<i32>} : memref<128x128xf32, #tpu.memory_space<vmem>>, vector<1x16xf32>,
      %swap3A_489 = vector.shape_cast %swap3A_488 : vector<1x16xf32> to vector<16xf32>
      %swap3A_490 = vector.shape_cast %broadcast_in_dim3A_485 : vector<16xf32> to vector<1x16xf32>
      tpu.vector_store %arg11[%swap3A_486, %swap3A_487], %swap3A_490 {strides = array<i32>} : memref<128x128xf32, #tpu.memory_space<vmem>>, vector<1x16xf32>,
      %broadcast_in_dim3A_491 = arith.constant 0.000000e+00 : f32
      %broadcast_in_dim3A_492 = vector.broadcast %broadcast_in_dim3A_491 : f32 to vector<16xf32>
      %swap3A_493 = arith.index_cast %scan3A_442 : i32 to index
      %swap3A_494 = arith.constant 112 : index
      %swap3A_495 = tpu.vector_load %arg11[%swap3A_493, %swap3A_494] {strides = array<i32>} : memref<128x128xf32, #tpu.memory_space<vmem>>, vector<1x16xf32>,
      %swap3A_496 = vector.shape_cast %swap3A_495 : vector<1x16xf32> to vector<16xf32>
      %swap3A_497 = vector.shape_cast %broadcast_in_dim3A_492 : vector<16xf32> to vector<1x16xf32>
      tpu.vector_store %arg11[%swap3A_493, %swap3A_494], %swap3A_497 {strides = array<i32>} : memref<128x128xf32, #tpu.memory_space<vmem>>, vector<1x16xf32>,
      %scan3A_498 = arith.constant 0 : i32
      scf.yield %scan3A_498 : i32
    }
    %scan3A_122 = arith.constant 128 : i32
    %mul3A_123 = arith.constant 640 : i32
    %mul3A_124 = arith.muli %arg1, %mul3A_123 : i32
    %add3A_125 = arith.constant 0 : i32
    %add3A_126 = arith.addi %mul3A_124, %add3A_125 : i32
    "tpu.region"() ({
      %run_scoped3A = tpu.sem_alloc : memref<!tpu.dma_semaphore, #tpu.memory_space<semaphore_mem>>
      %dma_start3A_442 = arith.constant 0 : i32
      %dma_start3A_443 = tpu.memref_slice %arg13[%add3A_126, %dma_start3A_442] : memref<10240x128xf32, #tpu.memory_space<vmem_shared>> -> memref<128x128xf32, #tpu.memory_space<vmem_shared>>
      %dma_start3A_444 = arith.constant 0 : i32
      %dma_start3A_445 = tpu.memref_slice %arg13[%add3A_126, %dma_start3A_444] : memref<10240x128xf32, #tpu.memory_space<vmem_shared>> -> memref<128x128xf32, #tpu.memory_space<vmem_shared>>
      tpu.enqueue_dma source(%arg11 : memref<128x128xf32, #tpu.memory_space<vmem>>) target(%dma_start3A_445 : memref<128x128xf32, #tpu.memory_space<vmem_shared>>) target_semaphore(%run_scoped3A : memref<!tpu.dma_semaphore, #tpu.memory_space<semaphore_mem>>)
      %dma_wait3A = arith.constant 0 : i32
      %dma_wait3A_446 = tpu.memref_slice %arg13[%add3A_126, %dma_wait3A] : memref<10240x128xf32, #tpu.memory_space<vmem_shared>> -> memref<128x128xf32, #tpu.memory_space<vmem_shared>>
      %dma_wait3A_447 = arith.constant 0 : i32
      %dma_wait3A_448 = tpu.memref_slice %arg13[%add3A_126, %dma_wait3A_447] : memref<10240x128xf32, #tpu.memory_space<vmem_shared>> -> memref<128x128xf32, #tpu.memory_space<vmem_shared>>
      tpu.wait_dma2 semaphore(%run_scoped3A : memref<!tpu.dma_semaphore, #tpu.memory_space<semaphore_mem>>) src(%arg11 : memref<128x128xf32, #tpu.memory_space<vmem>>) dst(%dma_wait3A_448 : memref<128x128xf32, #tpu.memory_space<vmem_shared>>)
      tpu.yield
    }) : () -> ()
    %mul3A_127 = arith.constant 640 : i32
    %mul3A_128 = arith.muli %arg1, %mul3A_127 : i32
    %add3A_129 = arith.constant 128 : i32
    %add3A_130 = arith.addi %mul3A_128, %add3A_129 : i32
    "tpu.region"() ({
      %run_scoped3A = tpu.sem_alloc : memref<!tpu.dma_semaphore, #tpu.memory_space<semaphore_mem>>
      %dma_start3A_442 = arith.constant 0 : i32
      %dma_start3A_443 = tpu.memref_slice %arg13[%add3A_130, %dma_start3A_442] : memref<10240x128xf32, #tpu.memory_space<vmem_shared>> -> memref<128x128xf32, #tpu.memory_space<vmem_shared>>
      %dma_start3A_444 = arith.constant 0 : i32
      %dma_start3A_445 = tpu.memref_slice %arg13[%add3A_130, %dma_start3A_444] : memref<10240x128xf32, #tpu.memory_space<vmem_shared>> -> memref<128x128xf32, #tpu.memory_space<vmem_shared>>
      tpu.enqueue_dma source(%arg11 : memref<128x128xf32, #tpu.memory_space<vmem>>) target(%dma_start3A_445 : memref<128x128xf32, #tpu.memory_space<vmem_shared>>) target_semaphore(%run_scoped3A : memref<!tpu.dma_semaphore, #tpu.memory_space<semaphore_mem>>)
      %dma_wait3A = arith.constant 0 : i32
      %dma_wait3A_446 = tpu.memref_slice %arg13[%add3A_130, %dma_wait3A] : memref<10240x128xf32, #tpu.memory_space<vmem_shared>> -> memref<128x128xf32, #tpu.memory_space<vmem_shared>>
      %dma_wait3A_447 = arith.constant 0 : i32
      %dma_wait3A_448 = tpu.memref_slice %arg13[%add3A_130, %dma_wait3A_447] : memref<10240x128xf32, #tpu.memory_space<vmem_shared>> -> memref<128x128xf32, #tpu.memory_space<vmem_shared>>
      tpu.wait_dma2 semaphore(%run_scoped3A : memref<!tpu.dma_semaphore, #tpu.memory_space<semaphore_mem>>) src(%arg11 : memref<128x128xf32, #tpu.memory_space<vmem>>) dst(%dma_wait3A_448 : memref<128x128xf32, #tpu.memory_space<vmem_shared>>)
      tpu.yield
    }) : () -> ()
    %mul3A_131 = arith.constant 640 : i32
    %mul3A_132 = arith.muli %arg1, %mul3A_131 : i32
    %add3A_133 = arith.constant 256 : i32
    %add3A_134 = arith.addi %mul3A_132, %add3A_133 : i32
    "tpu.region"() ({
      %run_scoped3A = tpu.sem_alloc : memref<!tpu.dma_semaphore, #tpu.memory_space<semaphore_mem>>
      %dma_start3A_442 = arith.constant 0 : i32
      %dma_start3A_443 = tpu.memref_slice %arg13[%add3A_134, %dma_start3A_442] : memref<10240x128xf32, #tpu.memory_space<vmem_shared>> -> memref<128x128xf32, #tpu.memory_space<vmem_shared>>
      %dma_start3A_444 = arith.constant 0 : i32
      %dma_start3A_445 = tpu.memref_slice %arg13[%add3A_134, %dma_start3A_444] : memref<10240x128xf32, #tpu.memory_space<vmem_shared>> -> memref<128x128xf32, #tpu.memory_space<vmem_shared>>
      tpu.enqueue_dma source(%arg11 : memref<128x128xf32, #tpu.memory_space<vmem>>) target(%dma_start3A_445 : memref<128x128xf32, #tpu.memory_space<vmem_shared>>) target_semaphore(%run_scoped3A : memref<!tpu.dma_semaphore, #tpu.memory_space<semaphore_mem>>)
      %dma_wait3A = arith.constant 0 : i32
      %dma_wait3A_446 = tpu.memref_slice %arg13[%add3A_134, %dma_wait3A] : memref<10240x128xf32, #tpu.memory_space<vmem_shared>> -> memref<128x128xf32, #tpu.memory_space<vmem_shared>>
      %dma_wait3A_447 = arith.constant 0 : i32
      %dma_wait3A_448 = tpu.memref_slice %arg13[%add3A_134, %dma_wait3A_447] : memref<10240x128xf32, #tpu.memory_space<vmem_shared>> -> memref<128x128xf32, #tpu.memory_space<vmem_shared>>
      tpu.wait_dma2 semaphore(%run_scoped3A : memref<!tpu.dma_semaphore, #tpu.memory_space<semaphore_mem>>) src(%arg11 : memref<128x128xf32, #tpu.memory_space<vmem>>) dst(%dma_wait3A_448 : memref<128x128xf32, #tpu.memory_space<vmem_shared>>)
      tpu.yield
    }) : () -> ()
    %mul3A_135 = arith.constant 640 : i32
    %mul3A_136 = arith.muli %arg1, %mul3A_135 : i32
    %add3A_137 = arith.constant 384 : i32
    %add3A_138 = arith.addi %mul3A_136, %add3A_137 : i32
    "tpu.region"() ({
      %run_scoped3A = tpu.sem_alloc : memref<!tpu.dma_semaphore, #tpu.memory_space<semaphore_mem>>
      %dma_start3A_442 = arith.constant 0 : i32
      %dma_start3A_443 = tpu.memref_slice %arg13[%add3A_138, %dma_start3A_442] : memref<10240x128xf32, #tpu.memory_space<vmem_shared>> -> memref<128x128xf32, #tpu.memory_space<vmem_shared>>
      %dma_start3A_444 = arith.constant 0 : i32
      %dma_start3A_445 = tpu.memref_slice %arg13[%add3A_138, %dma_start3A_444] : memref<10240x128xf32, #tpu.memory_space<vmem_shared>> -> memref<128x128xf32, #tpu.memory_space<vmem_shared>>
      tpu.enqueue_dma source(%arg11 : memref<128x128xf32, #tpu.memory_space<vmem>>) target(%dma_start3A_445 : memref<128x128xf32, #tpu.memory_space<vmem_shared>>) target_semaphore(%run_scoped3A : memref<!tpu.dma_semaphore, #tpu.memory_space<semaphore_mem>>)
      %dma_wait3A = arith.constant 0 : i32
      %dma_wait3A_446 = tpu.memref_slice %arg13[%add3A_138, %dma_wait3A] : memref<10240x128xf32, #tpu.memory_space<vmem_shared>> -> memref<128x128xf32, #tpu.memory_space<vmem_shared>>
      %dma_wait3A_447 = arith.constant 0 : i32
      %dma_wait3A_448 = tpu.memref_slice %arg13[%add3A_138, %dma_wait3A_447] : memref<10240x128xf32, #tpu.memory_space<vmem_shared>> -> memref<128x128xf32, #tpu.memory_space<vmem_shared>>
      tpu.wait_dma2 semaphore(%run_scoped3A : memref<!tpu.dma_semaphore, #tpu.memory_space<semaphore_mem>>) src(%arg11 : memref<128x128xf32, #tpu.memory_space<vmem>>) dst(%dma_wait3A_448 : memref<128x128xf32, #tpu.memory_space<vmem_shared>>)
      tpu.yield
    }) : () -> ()
    %mul3A_139 = arith.constant 640 : i32
    %mul3A_140 = arith.muli %arg1, %mul3A_139 : i32
    %add3A_141 = arith.constant 512 : i32
    %add3A_142 = arith.addi %mul3A_140, %add3A_141 : i32
    "tpu.region"() ({
      %run_scoped3A = tpu.sem_alloc : memref<!tpu.dma_semaphore, #tpu.memory_space<semaphore_mem>>
      %dma_start3A_442 = arith.constant 0 : i32
      %dma_start3A_443 = tpu.memref_slice %arg13[%add3A_142, %dma_start3A_442] : memref<10240x128xf32, #tpu.memory_space<vmem_shared>> -> memref<128x128xf32, #tpu.memory_space<vmem_shared>>
      %dma_start3A_444 = arith.constant 0 : i32
      %dma_start3A_445 = tpu.memref_slice %arg13[%add3A_142, %dma_start3A_444] : memref<10240x128xf32, #tpu.memory_space<vmem_shared>> -> memref<128x128xf32, #tpu.memory_space<vmem_shared>>
      tpu.enqueue_dma source(%arg11 : memref<128x128xf32, #tpu.memory_space<vmem>>) target(%dma_start3A_445 : memref<128x128xf32, #tpu.memory_space<vmem_shared>>) target_semaphore(%run_scoped3A : memref<!tpu.dma_semaphore, #tpu.memory_space<semaphore_mem>>)
      %dma_wait3A = arith.constant 0 : i32
      %dma_wait3A_446 = tpu.memref_slice %arg13[%add3A_142, %dma_wait3A] : memref<10240x128xf32, #tpu.memory_space<vmem_shared>> -> memref<128x128xf32, #tpu.memory_space<vmem_shared>>
      %dma_wait3A_447 = arith.constant 0 : i32
      %dma_wait3A_448 = tpu.memref_slice %arg13[%add3A_142, %dma_wait3A_447] : memref<10240x128xf32, #tpu.memory_space<vmem_shared>> -> memref<128x128xf32, #tpu.memory_space<vmem_shared>>
      tpu.wait_dma2 semaphore(%run_scoped3A : memref<!tpu.dma_semaphore, #tpu.memory_space<semaphore_mem>>) src(%arg11 : memref<128x128xf32, #tpu.memory_space<vmem>>) dst(%dma_wait3A_448 : memref<128x128xf32, #tpu.memory_space<vmem_shared>>)
      tpu.yield
    }) : () -> ()
    %barrier3A_143 = arith.constant 0 : index
    tpu.barrier barrier_id(%barrier3A_143)
    %dma_start3A_144 = arith.constant 0 : i32
    %dma_start3A_145 = arith.constant 0 : i32
    %dma_start3A_146 = tpu.memref_slice %arg9[%dma_start3A_144, %dma_start3A_145] : memref<40x128xi32, #tpu.memory_space<vmem>> -> memref<1x128xi32, #tpu.memory_space<vmem>>
    %dma_start3A_147 = tpu.memref_squeeze %dma_start3A_146 : memref<1x128xi32, #tpu.memory_space<vmem>> -> memref<128xi32, #tpu.memory_space<vmem>>
    %dma_start3A_148 = arith.constant 0 : i32
    %dma_start3A_149 = arith.constant 0 : i32
    %dma_start3A_150 = tpu.memref_slice %arg5[%dma_start3A_148, %dma_start3A_149] : memref<10240x128xf32, #tpu.memory_space<hbm>> -> memref<10240x128xf32, #tpu.memory_space<hbm>>
    tpu.enqueue_indirect_dma source(%dma_start3A_150 : memref<10240x128xf32, #tpu.memory_space<hbm>>) target(%arg11 : memref<128x128xf32, #tpu.memory_space<vmem>>) offsets(%dma_start3A_147 : memref<128xi32, #tpu.memory_space<vmem>>) semaphore(%arg14 : memref<!tpu.dma_semaphore, #tpu.memory_space<semaphore_mem>>)
    %scan3A_151 = arith.constant 0 : i32
    %scan3A_152 = arith.constant 0 : i32
    %scan3A_153 = arith.constant 20 : i32
    %scan3A_154 = arith.addi %scan3A_152, %scan3A_153 : i32
    %scan3A_155 = arith.constant 1 : i32
    %scan3A_156 = scf.for %scan3A_442 = %scan3A_152 to %scan3A_154 step %scan3A_155 iter_args(%scan3A_443 = %scan3A_151) -> (i32)  : i32 {
      %mul3A_444 = arith.constant 2 : i32
      %mul3A_445 = arith.muli %mul3A_444, %scan3A_442 : i32
      %add3A_446 = arith.constant 1 : i32
      %add3A_447 = arith.addi %mul3A_445, %add3A_446 : i32
      %dma_start3A_448 = arith.constant 0 : i32
      %dma_start3A_449 = tpu.memref_slice %arg9[%add3A_447, %dma_start3A_448] : memref<40x128xi32, #tpu.memory_space<vmem>> -> memref<1x128xi32, #tpu.memory_space<vmem>>
      %dma_start3A_450 = tpu.memref_squeeze %dma_start3A_449 : memref<1x128xi32, #tpu.memory_space<vmem>> -> memref<128xi32, #tpu.memory_space<vmem>>
      %dma_start3A_451 = arith.constant 0 : i32
      %dma_start3A_452 = arith.constant 0 : i32
      %dma_start3A_453 = tpu.memref_slice %arg5[%dma_start3A_451, %dma_start3A_452] : memref<10240x128xf32, #tpu.memory_space<hbm>> -> memref<10240x128xf32, #tpu.memory_space<hbm>>
      tpu.enqueue_indirect_dma source(%dma_start3A_453 : memref<10240x128xf32, #tpu.memory_space<hbm>>) target(%arg12 : memref<128x128xf32, #tpu.memory_space<vmem>>) offsets(%dma_start3A_450 : memref<128xi32, #tpu.memory_space<vmem>>) semaphore(%arg15 : memref<!tpu.dma_semaphore, #tpu.memory_space<semaphore_mem>>)
      %dma_wait3A = arith.constant 0 : i32
      %dma_wait3A_454 = tpu.memref_slice %arg9[%mul3A_445, %dma_wait3A] : memref<40x128xi32, #tpu.memory_space<vmem>> -> memref<1x128xi32, #tpu.memory_space<vmem>>
      %dma_wait3A_455 = tpu.memref_squeeze %dma_wait3A_454 : memref<1x128xi32, #tpu.memory_space<vmem>> -> memref<128xi32, #tpu.memory_space<vmem>>
      %dma_wait3A_456 = arith.constant 0 : i32
      %dma_wait3A_457 = arith.constant 0 : i32
      %dma_wait3A_458 = tpu.memref_slice %arg5[%dma_wait3A_456, %dma_wait3A_457] : memref<10240x128xf32, #tpu.memory_space<hbm>> -> memref<10240x128xf32, #tpu.memory_space<hbm>>
      tpu.wait_indirect_dma semaphore(%arg14 : memref<!tpu.dma_semaphore, #tpu.memory_space<semaphore_mem>>) src(%dma_wait3A_458 : memref<10240x128xf32, #tpu.memory_space<hbm>>) dst(%arg11 : memref<128x128xf32, #tpu.memory_space<vmem>>)
      "tpu.region"() ({
        %run_scoped3A = tpu.sem_alloc : memref<!tpu.dma_semaphore, #tpu.memory_space<semaphore_mem>>
        %dma_start3A_474 = arith.constant 0 : i32
        %dma_start3A_475 = tpu.memref_slice %arg10[%mul3A_445, %dma_start3A_474] : memref<40x128xi32, #tpu.memory_space<vmem>> -> memref<1x128xi32, #tpu.memory_space<vmem>>
        %dma_start3A_476 = tpu.memref_squeeze %dma_start3A_475 : memref<1x128xi32, #tpu.memory_space<vmem>> -> memref<128xi32, #tpu.memory_space<vmem>>
        %dma_start3A_477 = arith.constant 0 : i32
        %dma_start3A_478 = arith.constant 0 : i32
        %dma_start3A_479 = tpu.memref_slice %arg13[%dma_start3A_477, %dma_start3A_478] : memref<10240x128xf32, #tpu.memory_space<vmem_shared>> -> memref<10240x128xf32, #tpu.memory_space<vmem_shared>>
        tpu.enqueue_indirect_dma source(%arg11 : memref<128x128xf32, #tpu.memory_space<vmem>>) target(%dma_start3A_479 : memref<10240x128xf32, #tpu.memory_space<vmem_shared>>) offsets(%dma_start3A_476 : memref<128xi32, #tpu.memory_space<vmem>>) semaphore(%run_scoped3A : memref<!tpu.dma_semaphore, #tpu.memory_space<semaphore_mem>>) {add = true}
        %dma_wait3A_480 = arith.constant 0 : i32
        %dma_wait3A_481 = tpu.memref_slice %arg10[%mul3A_445, %dma_wait3A_480] : memref<40x128xi32, #tpu.memory_space<vmem>> -> memref<1x128xi32, #tpu.memory_space<vmem>>
        %dma_wait3A_482 = tpu.memref_squeeze %dma_wait3A_481 : memref<1x128xi32, #tpu.memory_space<vmem>> -> memref<128xi32, #tpu.memory_space<vmem>>
        %dma_wait3A_483 = arith.constant 0 : i32
        %dma_wait3A_484 = arith.constant 0 : i32
        %dma_wait3A_485 = tpu.memref_slice %arg13[%dma_wait3A_483, %dma_wait3A_484] : memref<10240x128xf32, #tpu.memory_space<vmem_shared>> -> memref<10240x128xf32, #tpu.memory_space<vmem_shared>>
        tpu.wait_indirect_dma semaphore(%run_scoped3A : memref<!tpu.dma_semaphore, #tpu.memory_space<semaphore_mem>>) src(%arg11 : memref<128x128xf32, #tpu.memory_space<vmem>>) dst(%dma_wait3A_485 : memref<10240x128xf32, #tpu.memory_space<vmem_shared>>)
        tpu.yield
      }) : () -> ()
      %add3A_459 = arith.constant 1 : i32
      %add3A_460 = arith.addi %scan3A_442, %add3A_459 : i32
      %lt3A = arith.constant 20 : i32
      %lt3A_461 = arith.cmpi slt, %add3A_460, %lt3A : i32
      %convert_element_type3A = arith.extui %lt3A_461 : i1 to i32
      %cond3A = arith.constant 0 : i32
      %cond3A_462 = arith.cmpi ne, %convert_element_type3A, %cond3A : i32
      scf.if %cond3A_462 {
        %add3A_474 = arith.constant 2 : i32
        %add3A_475 = arith.addi %mul3A_445, %add3A_474 : i32
        %dma_start3A_476 = arith.constant 0 : i32
        %dma_start3A_477 = tpu.memref_slice %arg9[%add3A_475, %dma_start3A_476] : memref<40x128xi32, #tpu.memory_space<vmem>> -> memref<1x128xi32, #tpu.memory_space<vmem>>
        %dma_start3A_478 = tpu.memref_squeeze %dma_start3A_477 : memref<1x128xi32, #tpu.memory_space<vmem>> -> memref<128xi32, #tpu.memory_space<vmem>>
        %dma_start3A_479 = arith.constant 0 : i32
        %dma_start3A_480 = arith.constant 0 : i32
        %dma_start3A_481 = tpu.memref_slice %arg5[%dma_start3A_479, %dma_start3A_480] : memref<10240x128xf32, #tpu.memory_space<hbm>> -> memref<10240x128xf32, #tpu.memory_space<hbm>>
        tpu.enqueue_indirect_dma source(%dma_start3A_481 : memref<10240x128xf32, #tpu.memory_space<hbm>>) target(%arg11 : memref<128x128xf32, #tpu.memory_space<vmem>>) offsets(%dma_start3A_478 : memref<128xi32, #tpu.memory_space<vmem>>) semaphore(%arg14 : memref<!tpu.dma_semaphore, #tpu.memory_space<semaphore_mem>>)
      } else {
      }
      %add3A_463 = arith.constant 1 : i32
      %add3A_464 = arith.addi %mul3A_445, %add3A_463 : i32
      %dma_wait3A_465 = arith.constant 0 : i32
      %dma_wait3A_466 = tpu.memref_slice %arg9[%add3A_464, %dma_wait3A_465] : memref<40x128xi32, #tpu.memory_space<vmem>> -> memref<1x128xi32, #tpu.memory_space<vmem>>
      %dma_wait3A_467 = tpu.memref_squeeze %dma_wait3A_466 : memref<1x128xi32, #tpu.memory_space<vmem>> -> memref<128xi32, #tpu.memory_space<vmem>>
      %dma_wait3A_468 = arith.constant 0 : i32
      %dma_wait3A_469 = arith.constant 0 : i32
      %dma_wait3A_470 = tpu.memref_slice %arg5[%dma_wait3A_468, %dma_wait3A_469] : memref<10240x128xf32, #tpu.memory_space<hbm>> -> memref<10240x128xf32, #tpu.memory_space<hbm>>
      tpu.wait_indirect_dma semaphore(%arg15 : memref<!tpu.dma_semaphore, #tpu.memory_space<semaphore_mem>>) src(%dma_wait3A_470 : memref<10240x128xf32, #tpu.memory_space<hbm>>) dst(%arg12 : memref<128x128xf32, #tpu.memory_space<vmem>>)
      %add3A_471 = arith.constant 1 : i32
      %add3A_472 = arith.addi %mul3A_445, %add3A_471 : i32
      "tpu.region"() ({
        %run_scoped3A = tpu.sem_alloc : memref<!tpu.dma_semaphore, #tpu.memory_space<semaphore_mem>>
        %dma_start3A_474 = arith.constant 0 : i32
        %dma_start3A_475 = tpu.memref_slice %arg10[%add3A_472, %dma_start3A_474] : memref<40x128xi32, #tpu.memory_space<vmem>> -> memref<1x128xi32, #tpu.memory_space<vmem>>
        %dma_start3A_476 = tpu.memref_squeeze %dma_start3A_475 : memref<1x128xi32, #tpu.memory_space<vmem>> -> memref<128xi32, #tpu.memory_space<vmem>>
        %dma_start3A_477 = arith.constant 0 : i32
        %dma_start3A_478 = arith.constant 0 : i32
        %dma_start3A_479 = tpu.memref_slice %arg13[%dma_start3A_477, %dma_start3A_478] : memref<10240x128xf32, #tpu.memory_space<vmem_shared>> -> memref<10240x128xf32, #tpu.memory_space<vmem_shared>>
        tpu.enqueue_indirect_dma source(%arg12 : memref<128x128xf32, #tpu.memory_space<vmem>>) target(%dma_start3A_479 : memref<10240x128xf32, #tpu.memory_space<vmem_shared>>) offsets(%dma_start3A_476 : memref<128xi32, #tpu.memory_space<vmem>>) semaphore(%run_scoped3A : memref<!tpu.dma_semaphore, #tpu.memory_space<semaphore_mem>>) {add = true}
        %dma_wait3A_480 = arith.constant 0 : i32
        %dma_wait3A_481 = tpu.memref_slice %arg10[%add3A_472, %dma_wait3A_480] : memref<40x128xi32, #tpu.memory_space<vmem>> -> memref<1x128xi32, #tpu.memory_space<vmem>>
        %dma_wait3A_482 = tpu.memref_squeeze %dma_wait3A_481 : memref<1x128xi32, #tpu.memory_space<vmem>> -> memref<128xi32, #tpu.memory_space<vmem>>
        %dma_wait3A_483 = arith.constant 0 : i32
        %dma_wait3A_484 = arith.constant 0 : i32
        %dma_wait3A_485 = tpu.memref_slice %arg13[%dma_wait3A_483, %dma_wait3A_484] : memref<10240x128xf32, #tpu.memory_space<vmem_shared>> -> memref<10240x128xf32, #tpu.memory_space<vmem_shared>>
        tpu.wait_indirect_dma semaphore(%run_scoped3A : memref<!tpu.dma_semaphore, #tpu.memory_space<semaphore_mem>>) src(%arg12 : memref<128x128xf32, #tpu.memory_space<vmem>>) dst(%dma_wait3A_485 : memref<10240x128xf32, #tpu.memory_space<vmem_shared>>)
        tpu.yield
      }) : () -> ()
      %scan3A_473 = arith.constant 0 : i32
      scf.yield %scan3A_473 : i32
    }
    %scan3A_157 = arith.constant 20 : i32
    %barrier3A_158 = arith.constant 0 : index
    tpu.barrier barrier_id(%barrier3A_158)
    %mul3A_159 = arith.constant 640 : i32
    %mul3A_160 = arith.muli %arg1, %mul3A_159 : i32
    %add3A_161 = arith.constant 0 : i32
    %add3A_162 = arith.addi %mul3A_160, %add3A_161 : i32
    "tpu.region"() ({
      %run_scoped3A = tpu.sem_alloc : memref<!tpu.dma_semaphore, #tpu.memory_space<semaphore_mem>>
      %dma_start3A_442 = arith.constant 0 : i32
      %dma_start3A_443 = tpu.memref_slice %arg13[%add3A_162, %dma_start3A_442] : memref<10240x128xf32, #tpu.memory_space<vmem_shared>> -> memref<128x128xf32, #tpu.memory_space<vmem_shared>>
      %dma_start3A_444 = arith.constant 0 : i32
      %dma_start3A_445 = tpu.memref_slice %arg13[%add3A_162, %dma_start3A_444] : memref<10240x128xf32, #tpu.memory_space<vmem_shared>> -> memref<128x128xf32, #tpu.memory_space<vmem_shared>>
      tpu.enqueue_dma source(%dma_start3A_445 : memref<128x128xf32, #tpu.memory_space<vmem_shared>>) target(%arg11 : memref<128x128xf32, #tpu.memory_space<vmem>>) target_semaphore(%run_scoped3A : memref<!tpu.dma_semaphore, #tpu.memory_space<semaphore_mem>>)
      %dma_wait3A = arith.constant 0 : i32
      %dma_wait3A_446 = tpu.memref_slice %arg13[%add3A_162, %dma_wait3A] : memref<10240x128xf32, #tpu.memory_space<vmem_shared>> -> memref<128x128xf32, #tpu.memory_space<vmem_shared>>
      %dma_wait3A_447 = arith.constant 0 : i32
      %dma_wait3A_448 = tpu.memref_slice %arg13[%add3A_162, %dma_wait3A_447] : memref<10240x128xf32, #tpu.memory_space<vmem_shared>> -> memref<128x128xf32, #tpu.memory_space<vmem_shared>>
      tpu.wait_dma2 semaphore(%run_scoped3A : memref<!tpu.dma_semaphore, #tpu.memory_space<semaphore_mem>>) src(%dma_wait3A_448 : memref<128x128xf32, #tpu.memory_space<vmem_shared>>) dst(%arg11 : memref<128x128xf32, #tpu.memory_space<vmem>>)
      tpu.yield
    }) : () -> ()
    %mul3A_163 = arith.constant 10240 : i32
    %mul3A_164 = arith.muli %arg0, %mul3A_163 : i32
    %add3A_165 = arith.constant 20480 : i32
    %add3A_166 = arith.addi %add3A_165, %mul3A_164 : i32
    %mul3A_167 = arith.constant 640 : i32
    %mul3A_168 = arith.muli %arg1, %mul3A_167 : i32
    %add3A_169 = arith.addi %add3A_166, %mul3A_168 : i32
    %add3A_170 = arith.constant 0 : i32
    %add3A_171 = arith.addi %add3A_169, %add3A_170 : i32
    "tpu.region"() ({
      %run_scoped3A = tpu.sem_alloc : memref<!tpu.dma_semaphore, #tpu.memory_space<semaphore_mem>>
      %dma_start3A_442 = arith.constant 0 : i32
      %dma_start3A_443 = tpu.memref_slice %arg8[%add3A_171, %dma_start3A_442] : memref<81920x128xf32, #tpu.memory_space<hbm>> -> memref<128x128xf32, #tpu.memory_space<hbm>>
      %dma_start3A_444 = arith.constant 0 : i32
      %dma_start3A_445 = tpu.memref_slice %arg8[%add3A_171, %dma_start3A_444] : memref<81920x128xf32, #tpu.memory_space<hbm>> -> memref<128x128xf32, #tpu.memory_space<hbm>>
      tpu.enqueue_dma source(%arg11 : memref<128x128xf32, #tpu.memory_space<vmem>>) target(%dma_start3A_445 : memref<128x128xf32, #tpu.memory_space<hbm>>) target_semaphore(%run_scoped3A : memref<!tpu.dma_semaphore, #tpu.memory_space<semaphore_mem>>)
      %dma_wait3A = arith.constant 0 : i32
      %dma_wait3A_446 = tpu.memref_slice %arg8[%add3A_171, %dma_wait3A] : memref<81920x128xf32, #tpu.memory_space<hbm>> -> memref<128x128xf32, #tpu.memory_space<hbm>>
      %dma_wait3A_447 = arith.constant 0 : i32
      %dma_wait3A_448 = tpu.memref_slice %arg8[%add3A_171, %dma_wait3A_447] : memref<81920x128xf32, #tpu.memory_space<hbm>> -> memref<128x128xf32, #tpu.memory_space<hbm>>
      tpu.wait_dma2 semaphore(%run_scoped3A : memref<!tpu.dma_semaphore, #tpu.memory_space<semaphore_mem>>) src(%arg11 : memref<128x128xf32, #tpu.memory_space<vmem>>) dst(%dma_wait3A_448 : memref<128x128xf32, #tpu.memory_space<hbm>>)
      tpu.yield
    }) : () -> ()
    %mul3A_172 = arith.constant 640 : i32
    %mul3A_173 = arith.muli %arg1, %mul3A_172 : i32
    %add3A_174 = arith.constant 128 : i32
    %add3A_175 = arith.addi %mul3A_173, %add3A_174 : i32
    "tpu.region"() ({
      %run_scoped3A = tpu.sem_alloc : memref<!tpu.dma_semaphore, #tpu.memory_space<semaphore_mem>>
      %dma_start3A_442 = arith.constant 0 : i32
      %dma_start3A_443 = tpu.memref_slice %arg13[%add3A_175, %dma_start3A_442] : memref<10240x128xf32, #tpu.memory_space<vmem_shared>> -> memref<128x128xf32, #tpu.memory_space<vmem_shared>>
      %dma_start3A_444 = arith.constant 0 : i32
      %dma_start3A_445 = tpu.memref_slice %arg13[%add3A_175, %dma_start3A_444] : memref<10240x128xf32, #tpu.memory_space<vmem_shared>> -> memref<128x128xf32, #tpu.memory_space<vmem_shared>>
      tpu.enqueue_dma source(%dma_start3A_445 : memref<128x128xf32, #tpu.memory_space<vmem_shared>>) target(%arg11 : memref<128x128xf32, #tpu.memory_space<vmem>>) target_semaphore(%run_scoped3A : memref<!tpu.dma_semaphore, #tpu.memory_space<semaphore_mem>>)
      %dma_wait3A = arith.constant 0 : i32
      %dma_wait3A_446 = tpu.memref_slice %arg13[%add3A_175, %dma_wait3A] : memref<10240x128xf32, #tpu.memory_space<vmem_shared>> -> memref<128x128xf32, #tpu.memory_space<vmem_shared>>
      %dma_wait3A_447 = arith.constant 0 : i32
      %dma_wait3A_448 = tpu.memref_slice %arg13[%add3A_175, %dma_wait3A_447] : memref<10240x128xf32, #tpu.memory_space<vmem_shared>> -> memref<128x128xf32, #tpu.memory_space<vmem_shared>>
      tpu.wait_dma2 semaphore(%run_scoped3A : memref<!tpu.dma_semaphore, #tpu.memory_space<semaphore_mem>>) src(%dma_wait3A_448 : memref<128x128xf32, #tpu.memory_space<vmem_shared>>) dst(%arg11 : memref<128x128xf32, #tpu.memory_space<vmem>>)
      tpu.yield
    }) : () -> ()
    %mul3A_176 = arith.constant 10240 : i32
    %mul3A_177 = arith.muli %arg0, %mul3A_176 : i32
    %add3A_178 = arith.constant 20480 : i32
    %add3A_179 = arith.addi %add3A_178, %mul3A_177 : i32
    %mul3A_180 = arith.constant 640 : i32
    %mul3A_181 = arith.muli %arg1, %mul3A_180 : i32
    %add3A_182 = arith.addi %add3A_179, %mul3A_181 : i32
    %add3A_183 = arith.constant 128 : i32
    %add3A_184 = arith.addi %add3A_182, %add3A_183 : i32
    "tpu.region"() ({
      %run_scoped3A = tpu.sem_alloc : memref<!tpu.dma_semaphore, #tpu.memory_space<semaphore_mem>>
      %dma_start3A_442 = arith.constant 0 : i32
      %dma_start3A_443 = tpu.memref_slice %arg8[%add3A_184, %dma_start3A_442] : memref<81920x128xf32, #tpu.memory_space<hbm>> -> memref<128x128xf32, #tpu.memory_space<hbm>>
      %dma_start3A_444 = arith.constant 0 : i32
      %dma_start3A_445 = tpu.memref_slice %arg8[%add3A_184, %dma_start3A_444] : memref<81920x128xf32, #tpu.memory_space<hbm>> -> memref<128x128xf32, #tpu.memory_space<hbm>>
      tpu.enqueue_dma source(%arg11 : memref<128x128xf32, #tpu.memory_space<vmem>>) target(%dma_start3A_445 : memref<128x128xf32, #tpu.memory_space<hbm>>) target_semaphore(%run_scoped3A : memref<!tpu.dma_semaphore, #tpu.memory_space<semaphore_mem>>)
      %dma_wait3A = arith.constant 0 : i32
      %dma_wait3A_446 = tpu.memref_slice %arg8[%add3A_184, %dma_wait3A] : memref<81920x128xf32, #tpu.memory_space<hbm>> -> memref<128x128xf32, #tpu.memory_space<hbm>>
      %dma_wait3A_447 = arith.constant 0 : i32
      %dma_wait3A_448 = tpu.memref_slice %arg8[%add3A_184, %dma_wait3A_447] : memref<81920x128xf32, #tpu.memory_space<hbm>> -> memref<128x128xf32, #tpu.memory_space<hbm>>
      tpu.wait_dma2 semaphore(%run_scoped3A : memref<!tpu.dma_semaphore, #tpu.memory_space<semaphore_mem>>) src(%arg11 : memref<128x128xf32, #tpu.memory_space<vmem>>) dst(%dma_wait3A_448 : memref<128x128xf32, #tpu.memory_space<hbm>>)
      tpu.yield
    }) : () -> ()
    %mul3A_185 = arith.constant 640 : i32
    %mul3A_186 = arith.muli %arg1, %mul3A_185 : i32
    %add3A_187 = arith.constant 256 : i32
    %add3A_188 = arith.addi %mul3A_186, %add3A_187 : i32
    "tpu.region"() ({
      %run_scoped3A = tpu.sem_alloc : memref<!tpu.dma_semaphore, #tpu.memory_space<semaphore_mem>>
      %dma_start3A_442 = arith.constant 0 : i32
      %dma_start3A_443 = tpu.memref_slice %arg13[%add3A_188, %dma_start3A_442] : memref<10240x128xf32, #tpu.memory_space<vmem_shared>> -> memref<128x128xf32, #tpu.memory_space<vmem_shared>>
      %dma_start3A_444 = arith.constant 0 : i32
      %dma_start3A_445 = tpu.memref_slice %arg13[%add3A_188, %dma_start3A_444] : memref<10240x128xf32, #tpu.memory_space<vmem_shared>> -> memref<128x128xf32, #tpu.memory_space<vmem_shared>>
      tpu.enqueue_dma source(%dma_start3A_445 : memref<128x128xf32, #tpu.memory_space<vmem_shared>>) target(%arg11 : memref<128x128xf32, #tpu.memory_space<vmem>>) target_semaphore(%run_scoped3A : memref<!tpu.dma_semaphore, #tpu.memory_space<semaphore_mem>>)
      %dma_wait3A = arith.constant 0 : i32
      %dma_wait3A_446 = tpu.memref_slice %arg13[%add3A_188, %dma_wait3A] : memref<10240x128xf32, #tpu.memory_space<vmem_shared>> -> memref<128x128xf32, #tpu.memory_space<vmem_shared>>
      %dma_wait3A_447 = arith.constant 0 : i32
      %dma_wait3A_448 = tpu.memref_slice %arg13[%add3A_188, %dma_wait3A_447] : memref<10240x128xf32, #tpu.memory_space<vmem_shared>> -> memref<128x128xf32, #tpu.memory_space<vmem_shared>>
      tpu.wait_dma2 semaphore(%run_scoped3A : memref<!tpu.dma_semaphore, #tpu.memory_space<semaphore_mem>>) src(%dma_wait3A_448 : memref<128x128xf32, #tpu.memory_space<vmem_shared>>) dst(%arg11 : memref<128x128xf32, #tpu.memory_space<vmem>>)
      tpu.yield
    }) : () -> ()
    %mul3A_189 = arith.constant 10240 : i32
    %mul3A_190 = arith.muli %arg0, %mul3A_189 : i32
    %add3A_191 = arith.constant 20480 : i32
    %add3A_192 = arith.addi %add3A_191, %mul3A_190 : i32
    %mul3A_193 = arith.constant 640 : i32
    %mul3A_194 = arith.muli %arg1, %mul3A_193 : i32
    %add3A_195 = arith.addi %add3A_192, %mul3A_194 : i32
    %add3A_196 = arith.constant 256 : i32
    %add3A_197 = arith.addi %add3A_195, %add3A_196 : i32
    "tpu.region"() ({
      %run_scoped3A = tpu.sem_alloc : memref<!tpu.dma_semaphore, #tpu.memory_space<semaphore_mem>>
      %dma_start3A_442 = arith.constant 0 : i32
      %dma_start3A_443 = tpu.memref_slice %arg8[%add3A_197, %dma_start3A_442] : memref<81920x128xf32, #tpu.memory_space<hbm>> -> memref<128x128xf32, #tpu.memory_space<hbm>>
      %dma_start3A_444 = arith.constant 0 : i32
      %dma_start3A_445 = tpu.memref_slice %arg8[%add3A_197, %dma_start3A_444] : memref<81920x128xf32, #tpu.memory_space<hbm>> -> memref<128x128xf32, #tpu.memory_space<hbm>>
      tpu.enqueue_dma source(%arg11 : memref<128x128xf32, #tpu.memory_space<vmem>>) target(%dma_start3A_445 : memref<128x128xf32, #tpu.memory_space<hbm>>) target_semaphore(%run_scoped3A : memref<!tpu.dma_semaphore, #tpu.memory_space<semaphore_mem>>)
      %dma_wait3A = arith.constant 0 : i32
      %dma_wait3A_446 = tpu.memref_slice %arg8[%add3A_197, %dma_wait3A] : memref<81920x128xf32, #tpu.memory_space<hbm>> -> memref<128x128xf32, #tpu.memory_space<hbm>>
      %dma_wait3A_447 = arith.constant 0 : i32
      %dma_wait3A_448 = tpu.memref_slice %arg8[%add3A_197, %dma_wait3A_447] : memref<81920x128xf32, #tpu.memory_space<hbm>> -> memref<128x128xf32, #tpu.memory_space<hbm>>
      tpu.wait_dma2 semaphore(%run_scoped3A : memref<!tpu.dma_semaphore, #tpu.memory_space<semaphore_mem>>) src(%arg11 : memref<128x128xf32, #tpu.memory_space<vmem>>) dst(%dma_wait3A_448 : memref<128x128xf32, #tpu.memory_space<hbm>>)
      tpu.yield
    }) : () -> ()
    %mul3A_198 = arith.constant 640 : i32
    %mul3A_199 = arith.muli %arg1, %mul3A_198 : i32
    %add3A_200 = arith.constant 384 : i32
    %add3A_201 = arith.addi %mul3A_199, %add3A_200 : i32
    "tpu.region"() ({
      %run_scoped3A = tpu.sem_alloc : memref<!tpu.dma_semaphore, #tpu.memory_space<semaphore_mem>>
      %dma_start3A_442 = arith.constant 0 : i32
      %dma_start3A_443 = tpu.memref_slice %arg13[%add3A_201, %dma_start3A_442] : memref<10240x128xf32, #tpu.memory_space<vmem_shared>> -> memref<128x128xf32, #tpu.memory_space<vmem_shared>>
      %dma_start3A_444 = arith.constant 0 : i32
      %dma_start3A_445 = tpu.memref_slice %arg13[%add3A_201, %dma_start3A_444] : memref<10240x128xf32, #tpu.memory_space<vmem_shared>> -> memref<128x128xf32, #tpu.memory_space<vmem_shared>>
      tpu.enqueue_dma source(%dma_start3A_445 : memref<128x128xf32, #tpu.memory_space<vmem_shared>>) target(%arg11 : memref<128x128xf32, #tpu.memory_space<vmem>>) target_semaphore(%run_scoped3A : memref<!tpu.dma_semaphore, #tpu.memory_space<semaphore_mem>>)
      %dma_wait3A = arith.constant 0 : i32
      %dma_wait3A_446 = tpu.memref_slice %arg13[%add3A_201, %dma_wait3A] : memref<10240x128xf32, #tpu.memory_space<vmem_shared>> -> memref<128x128xf32, #tpu.memory_space<vmem_shared>>
      %dma_wait3A_447 = arith.constant 0 : i32
      %dma_wait3A_448 = tpu.memref_slice %arg13[%add3A_201, %dma_wait3A_447] : memref<10240x128xf32, #tpu.memory_space<vmem_shared>> -> memref<128x128xf32, #tpu.memory_space<vmem_shared>>
      tpu.wait_dma2 semaphore(%run_scoped3A : memref<!tpu.dma_semaphore, #tpu.memory_space<semaphore_mem>>) src(%dma_wait3A_448 : memref<128x128xf32, #tpu.memory_space<vmem_shared>>) dst(%arg11 : memref<128x128xf32, #tpu.memory_space<vmem>>)
      tpu.yield
    }) : () -> ()
    %mul3A_202 = arith.constant 10240 : i32
    %mul3A_203 = arith.muli %arg0, %mul3A_202 : i32
    %add3A_204 = arith.constant 20480 : i32
    %add3A_205 = arith.addi %add3A_204, %mul3A_203 : i32
    %mul3A_206 = arith.constant 640 : i32
    %mul3A_207 = arith.muli %arg1, %mul3A_206 : i32
    %add3A_208 = arith.addi %add3A_205, %mul3A_207 : i32
    %add3A_209 = arith.constant 384 : i32
    %add3A_210 = arith.addi %add3A_208, %add3A_209 : i32
    "tpu.region"() ({
      %run_scoped3A = tpu.sem_alloc : memref<!tpu.dma_semaphore, #tpu.memory_space<semaphore_mem>>
      %dma_start3A_442 = arith.constant 0 : i32
      %dma_start3A_443 = tpu.memref_slice %arg8[%add3A_210, %dma_start3A_442] : memref<81920x128xf32, #tpu.memory_space<hbm>> -> memref<128x128xf32, #tpu.memory_space<hbm>>
      %dma_start3A_444 = arith.constant 0 : i32
      %dma_start3A_445 = tpu.memref_slice %arg8[%add3A_210, %dma_start3A_444] : memref<81920x128xf32, #tpu.memory_space<hbm>> -> memref<128x128xf32, #tpu.memory_space<hbm>>
      tpu.enqueue_dma source(%arg11 : memref<128x128xf32, #tpu.memory_space<vmem>>) target(%dma_start3A_445 : memref<128x128xf32, #tpu.memory_space<hbm>>) target_semaphore(%run_scoped3A : memref<!tpu.dma_semaphore, #tpu.memory_space<semaphore_mem>>)
      %dma_wait3A = arith.constant 0 : i32
      %dma_wait3A_446 = tpu.memref_slice %arg8[%add3A_210, %dma_wait3A] : memref<81920x128xf32, #tpu.memory_space<hbm>> -> memref<128x128xf32, #tpu.memory_space<hbm>>
      %dma_wait3A_447 = arith.constant 0 : i32
      %dma_wait3A_448 = tpu.memref_slice %arg8[%add3A_210, %dma_wait3A_447] : memref<81920x128xf32, #tpu.memory_space<hbm>> -> memref<128x128xf32, #tpu.memory_space<hbm>>
      tpu.wait_dma2 semaphore(%run_scoped3A : memref<!tpu.dma_semaphore, #tpu.memory_space<semaphore_mem>>) src(%arg11 : memref<128x128xf32, #tpu.memory_space<vmem>>) dst(%dma_wait3A_448 : memref<128x128xf32, #tpu.memory_space<hbm>>)
      tpu.yield
    }) : () -> ()
    %mul3A_211 = arith.constant 640 : i32
    %mul3A_212 = arith.muli %arg1, %mul3A_211 : i32
    %add3A_213 = arith.constant 512 : i32
    %add3A_214 = arith.addi %mul3A_212, %add3A_213 : i32
    "tpu.region"() ({
      %run_scoped3A = tpu.sem_alloc : memref<!tpu.dma_semaphore, #tpu.memory_space<semaphore_mem>>
      %dma_start3A_442 = arith.constant 0 : i32
      %dma_start3A_443 = tpu.memref_slice %arg13[%add3A_214, %dma_start3A_442] : memref<10240x128xf32, #tpu.memory_space<vmem_shared>> -> memref<128x128xf32, #tpu.memory_space<vmem_shared>>
      %dma_start3A_444 = arith.constant 0 : i32
      %dma_start3A_445 = tpu.memref_slice %arg13[%add3A_214, %dma_start3A_444] : memref<10240x128xf32, #tpu.memory_space<vmem_shared>> -> memref<128x128xf32, #tpu.memory_space<vmem_shared>>
      tpu.enqueue_dma source(%dma_start3A_445 : memref<128x128xf32, #tpu.memory_space<vmem_shared>>) target(%arg11 : memref<128x128xf32, #tpu.memory_space<vmem>>) target_semaphore(%run_scoped3A : memref<!tpu.dma_semaphore, #tpu.memory_space<semaphore_mem>>)
      %dma_wait3A = arith.constant 0 : i32
      %dma_wait3A_446 = tpu.memref_slice %arg13[%add3A_214, %dma_wait3A] : memref<10240x128xf32, #tpu.memory_space<vmem_shared>> -> memref<128x128xf32, #tpu.memory_space<vmem_shared>>
      %dma_wait3A_447 = arith.constant 0 : i32
      %dma_wait3A_448 = tpu.memref_slice %arg13[%add3A_214, %dma_wait3A_447] : memref<10240x128xf32, #tpu.memory_space<vmem_shared>> -> memref<128x128xf32, #tpu.memory_space<vmem_shared>>
      tpu.wait_dma2 semaphore(%run_scoped3A : memref<!tpu.dma_semaphore, #tpu.memory_space<semaphore_mem>>) src(%dma_wait3A_448 : memref<128x128xf32, #tpu.memory_space<vmem_shared>>) dst(%arg11 : memref<128x128xf32, #tpu.memory_space<vmem>>)
      tpu.yield
    }) : () -> ()
    %mul3A_215 = arith.constant 10240 : i32
    %mul3A_216 = arith.muli %arg0, %mul3A_215 : i32
    %add3A_217 = arith.constant 20480 : i32
    %add3A_218 = arith.addi %add3A_217, %mul3A_216 : i32
    %mul3A_219 = arith.constant 640 : i32
    %mul3A_220 = arith.muli %arg1, %mul3A_219 : i32
    %add3A_221 = arith.addi %add3A_218, %mul3A_220 : i32
    %add3A_222 = arith.constant 512 : i32
    %add3A_223 = arith.addi %add3A_221, %add3A_222 : i32
    "tpu.region"() ({
      %run_scoped3A = tpu.sem_alloc : memref<!tpu.dma_semaphore, #tpu.memory_space<semaphore_mem>>
      %dma_start3A_442 = arith.constant 0 : i32
      %dma_start3A_443 = tpu.memref_slice %arg8[%add3A_223, %dma_start3A_442] : memref<81920x128xf32, #tpu.memory_space<hbm>> -> memref<128x128xf32, #tpu.memory_space<hbm>>
      %dma_start3A_444 = arith.constant 0 : i32
      %dma_start3A_445 = tpu.memref_slice %arg8[%add3A_223, %dma_start3A_444] : memref<81920x128xf32, #tpu.memory_space<hbm>> -> memref<128x128xf32, #tpu.memory_space<hbm>>
      tpu.enqueue_dma source(%arg11 : memref<128x128xf32, #tpu.memory_space<vmem>>) target(%dma_start3A_445 : memref<128x128xf32, #tpu.memory_space<hbm>>) target_semaphore(%run_scoped3A : memref<!tpu.dma_semaphore, #tpu.memory_space<semaphore_mem>>)
      %dma_wait3A = arith.constant 0 : i32
      %dma_wait3A_446 = tpu.memref_slice %arg8[%add3A_223, %dma_wait3A] : memref<81920x128xf32, #tpu.memory_space<hbm>> -> memref<128x128xf32, #tpu.memory_space<hbm>>
      %dma_wait3A_447 = arith.constant 0 : i32
      %dma_wait3A_448 = tpu.memref_slice %arg8[%add3A_223, %dma_wait3A_447] : memref<81920x128xf32, #tpu.memory_space<hbm>> -> memref<128x128xf32, #tpu.memory_space<hbm>>
      tpu.wait_dma2 semaphore(%run_scoped3A : memref<!tpu.dma_semaphore, #tpu.memory_space<semaphore_mem>>) src(%arg11 : memref<128x128xf32, #tpu.memory_space<vmem>>) dst(%dma_wait3A_448 : memref<128x128xf32, #tpu.memory_space<hbm>>)
      tpu.yield
    }) : () -> ()
    %barrier3A_224 = arith.constant 0 : index
    tpu.barrier barrier_id(%barrier3A_224)
    %scan3A_225 = arith.constant 0 : i32
    %scan3A_226 = arith.constant 0 : i32
    %scan3A_227 = arith.constant 128 : i32
    %scan3A_228 = arith.addi %scan3A_226, %scan3A_227 : i32
    %scan3A_229 = arith.constant 1 : i32
    %scan3A_230 = scf.for %scan3A_442 = %scan3A_226 to %scan3A_228 step %scan3A_229 iter_args(%scan3A_443 = %scan3A_225) -> (i32)  : i32 {
      %broadcast_in_dim3A = arith.constant 0.000000e+00 : f32
      %broadcast_in_dim3A_444 = vector.broadcast %broadcast_in_dim3A : f32 to vector<16xf32>
      %swap3A = arith.index_cast %scan3A_442 : i32 to index
      %swap3A_445 = arith.constant 0 : index
      %swap3A_446 = tpu.vector_load %arg11[%swap3A, %swap3A_445] {strides = array<i32>} : memref<128x128xf32, #tpu.memory_space<vmem>>, vector<1x16xf32>,
      %swap3A_447 = vector.shape_cast %swap3A_446 : vector<1x16xf32> to vector<16xf32>
      %swap3A_448 = vector.shape_cast %broadcast_in_dim3A_444 : vector<16xf32> to vector<1x16xf32>
      tpu.vector_store %arg11[%swap3A, %swap3A_445], %swap3A_448 {strides = array<i32>} : memref<128x128xf32, #tpu.memory_space<vmem>>, vector<1x16xf32>,
      %broadcast_in_dim3A_449 = arith.constant 0.000000e+00 : f32
      %broadcast_in_dim3A_450 = vector.broadcast %broadcast_in_dim3A_449 : f32 to vector<16xf32>
      %swap3A_451 = arith.index_cast %scan3A_442 : i32 to index
      %swap3A_452 = arith.constant 16 : index
      %swap3A_453 = tpu.vector_load %arg11[%swap3A_451, %swap3A_452] {strides = array<i32>} : memref<128x128xf32, #tpu.memory_space<vmem>>, vector<1x16xf32>,
      %swap3A_454 = vector.shape_cast %swap3A_453 : vector<1x16xf32> to vector<16xf32>
      %swap3A_455 = vector.shape_cast %broadcast_in_dim3A_450 : vector<16xf32> to vector<1x16xf32>
      tpu.vector_store %arg11[%swap3A_451, %swap3A_452], %swap3A_455 {strides = array<i32>} : memref<128x128xf32, #tpu.memory_space<vmem>>, vector<1x16xf32>,
      %broadcast_in_dim3A_456 = arith.constant 0.000000e+00 : f32
      %broadcast_in_dim3A_457 = vector.broadcast %broadcast_in_dim3A_456 : f32 to vector<16xf32>
      %swap3A_458 = arith.index_cast %scan3A_442 : i32 to index
      %swap3A_459 = arith.constant 32 : index
      %swap3A_460 = tpu.vector_load %arg11[%swap3A_458, %swap3A_459] {strides = array<i32>} : memref<128x128xf32, #tpu.memory_space<vmem>>, vector<1x16xf32>,
      %swap3A_461 = vector.shape_cast %swap3A_460 : vector<1x16xf32> to vector<16xf32>
      %swap3A_462 = vector.shape_cast %broadcast_in_dim3A_457 : vector<16xf32> to vector<1x16xf32>
      tpu.vector_store %arg11[%swap3A_458, %swap3A_459], %swap3A_462 {strides = array<i32>} : memref<128x128xf32, #tpu.memory_space<vmem>>, vector<1x16xf32>,
      %broadcast_in_dim3A_463 = arith.constant 0.000000e+00 : f32
      %broadcast_in_dim3A_464 = vector.broadcast %broadcast_in_dim3A_463 : f32 to vector<16xf32>
      %swap3A_465 = arith.index_cast %scan3A_442 : i32 to index
      %swap3A_466 = arith.constant 48 : index
      %swap3A_467 = tpu.vector_load %arg11[%swap3A_465, %swap3A_466] {strides = array<i32>} : memref<128x128xf32, #tpu.memory_space<vmem>>, vector<1x16xf32>,
      %swap3A_468 = vector.shape_cast %swap3A_467 : vector<1x16xf32> to vector<16xf32>
      %swap3A_469 = vector.shape_cast %broadcast_in_dim3A_464 : vector<16xf32> to vector<1x16xf32>
      tpu.vector_store %arg11[%swap3A_465, %swap3A_466], %swap3A_469 {strides = array<i32>} : memref<128x128xf32, #tpu.memory_space<vmem>>, vector<1x16xf32>,
      %broadcast_in_dim3A_470 = arith.constant 0.000000e+00 : f32
      %broadcast_in_dim3A_471 = vector.broadcast %broadcast_in_dim3A_470 : f32 to vector<16xf32>
      %swap3A_472 = arith.index_cast %scan3A_442 : i32 to index
      %swap3A_473 = arith.constant 64 : index
      %swap3A_474 = tpu.vector_load %arg11[%swap3A_472, %swap3A_473] {strides = array<i32>} : memref<128x128xf32, #tpu.memory_space<vmem>>, vector<1x16xf32>,
      %swap3A_475 = vector.shape_cast %swap3A_474 : vector<1x16xf32> to vector<16xf32>
      %swap3A_476 = vector.shape_cast %broadcast_in_dim3A_471 : vector<16xf32> to vector<1x16xf32>
      tpu.vector_store %arg11[%swap3A_472, %swap3A_473], %swap3A_476 {strides = array<i32>} : memref<128x128xf32, #tpu.memory_space<vmem>>, vector<1x16xf32>,
      %broadcast_in_dim3A_477 = arith.constant 0.000000e+00 : f32
      %broadcast_in_dim3A_478 = vector.broadcast %broadcast_in_dim3A_477 : f32 to vector<16xf32>
      %swap3A_479 = arith.index_cast %scan3A_442 : i32 to index
      %swap3A_480 = arith.constant 80 : index
      %swap3A_481 = tpu.vector_load %arg11[%swap3A_479, %swap3A_480] {strides = array<i32>} : memref<128x128xf32, #tpu.memory_space<vmem>>, vector<1x16xf32>,
      %swap3A_482 = vector.shape_cast %swap3A_481 : vector<1x16xf32> to vector<16xf32>
      %swap3A_483 = vector.shape_cast %broadcast_in_dim3A_478 : vector<16xf32> to vector<1x16xf32>
      tpu.vector_store %arg11[%swap3A_479, %swap3A_480], %swap3A_483 {strides = array<i32>} : memref<128x128xf32, #tpu.memory_space<vmem>>, vector<1x16xf32>,
      %broadcast_in_dim3A_484 = arith.constant 0.000000e+00 : f32
      %broadcast_in_dim3A_485 = vector.broadcast %broadcast_in_dim3A_484 : f32 to vector<16xf32>
      %swap3A_486 = arith.index_cast %scan3A_442 : i32 to index
      %swap3A_487 = arith.constant 96 : index
      %swap3A_488 = tpu.vector_load %arg11[%swap3A_486, %swap3A_487] {strides = array<i32>} : memref<128x128xf32, #tpu.memory_space<vmem>>, vector<1x16xf32>,
      %swap3A_489 = vector.shape_cast %swap3A_488 : vector<1x16xf32> to vector<16xf32>
      %swap3A_490 = vector.shape_cast %broadcast_in_dim3A_485 : vector<16xf32> to vector<1x16xf32>
      tpu.vector_store %arg11[%swap3A_486, %swap3A_487], %swap3A_490 {strides = array<i32>} : memref<128x128xf32, #tpu.memory_space<vmem>>, vector<1x16xf32>,
      %broadcast_in_dim3A_491 = arith.constant 0.000000e+00 : f32
      %broadcast_in_dim3A_492 = vector.broadcast %broadcast_in_dim3A_491 : f32 to vector<16xf32>
      %swap3A_493 = arith.index_cast %scan3A_442 : i32 to index
      %swap3A_494 = arith.constant 112 : index
      %swap3A_495 = tpu.vector_load %arg11[%swap3A_493, %swap3A_494] {strides = array<i32>} : memref<128x128xf32, #tpu.memory_space<vmem>>, vector<1x16xf32>,
      %swap3A_496 = vector.shape_cast %swap3A_495 : vector<1x16xf32> to vector<16xf32>
      %swap3A_497 = vector.shape_cast %broadcast_in_dim3A_492 : vector<16xf32> to vector<1x16xf32>
      tpu.vector_store %arg11[%swap3A_493, %swap3A_494], %swap3A_497 {strides = array<i32>} : memref<128x128xf32, #tpu.memory_space<vmem>>, vector<1x16xf32>,
      %scan3A_498 = arith.constant 0 : i32
      scf.yield %scan3A_498 : i32
    }
    %scan3A_231 = arith.constant 128 : i32
    %mul3A_232 = arith.constant 640 : i32
    %mul3A_233 = arith.muli %arg1, %mul3A_232 : i32
    %add3A_234 = arith.constant 0 : i32
    %add3A_235 = arith.addi %mul3A_233, %add3A_234 : i32
    "tpu.region"() ({
      %run_scoped3A = tpu.sem_alloc : memref<!tpu.dma_semaphore, #tpu.memory_space<semaphore_mem>>
      %dma_start3A_442 = arith.constant 0 : i32
      %dma_start3A_443 = tpu.memref_slice %arg13[%add3A_235, %dma_start3A_442] : memref<10240x128xf32, #tpu.memory_space<vmem_shared>> -> memref<128x128xf32, #tpu.memory_space<vmem_shared>>
      %dma_start3A_444 = arith.constant 0 : i32
      %dma_start3A_445 = tpu.memref_slice %arg13[%add3A_235, %dma_start3A_444] : memref<10240x128xf32, #tpu.memory_space<vmem_shared>> -> memref<128x128xf32, #tpu.memory_space<vmem_shared>>
      tpu.enqueue_dma source(%arg11 : memref<128x128xf32, #tpu.memory_space<vmem>>) target(%dma_start3A_445 : memref<128x128xf32, #tpu.memory_space<vmem_shared>>) target_semaphore(%run_scoped3A : memref<!tpu.dma_semaphore, #tpu.memory_space<semaphore_mem>>)
      %dma_wait3A = arith.constant 0 : i32
      %dma_wait3A_446 = tpu.memref_slice %arg13[%add3A_235, %dma_wait3A] : memref<10240x128xf32, #tpu.memory_space<vmem_shared>> -> memref<128x128xf32, #tpu.memory_space<vmem_shared>>
      %dma_wait3A_447 = arith.constant 0 : i32
      %dma_wait3A_448 = tpu.memref_slice %arg13[%add3A_235, %dma_wait3A_447] : memref<10240x128xf32, #tpu.memory_space<vmem_shared>> -> memref<128x128xf32, #tpu.memory_space<vmem_shared>>
      tpu.wait_dma2 semaphore(%run_scoped3A : memref<!tpu.dma_semaphore, #tpu.memory_space<semaphore_mem>>) src(%arg11 : memref<128x128xf32, #tpu.memory_space<vmem>>) dst(%dma_wait3A_448 : memref<128x128xf32, #tpu.memory_space<vmem_shared>>)
      tpu.yield
    }) : () -> ()
    %mul3A_236 = arith.constant 640 : i32
    %mul3A_237 = arith.muli %arg1, %mul3A_236 : i32
    %add3A_238 = arith.constant 128 : i32
    %add3A_239 = arith.addi %mul3A_237, %add3A_238 : i32
    "tpu.region"() ({
      %run_scoped3A = tpu.sem_alloc : memref<!tpu.dma_semaphore, #tpu.memory_space<semaphore_mem>>
      %dma_start3A_442 = arith.constant 0 : i32
      %dma_start3A_443 = tpu.memref_slice %arg13[%add3A_239, %dma_start3A_442] : memref<10240x128xf32, #tpu.memory_space<vmem_shared>> -> memref<128x128xf32, #tpu.memory_space<vmem_shared>>
      %dma_start3A_444 = arith.constant 0 : i32
      %dma_start3A_445 = tpu.memref_slice %arg13[%add3A_239, %dma_start3A_444] : memref<10240x128xf32, #tpu.memory_space<vmem_shared>> -> memref<128x128xf32, #tpu.memory_space<vmem_shared>>
      tpu.enqueue_dma source(%arg11 : memref<128x128xf32, #tpu.memory_space<vmem>>) target(%dma_start3A_445 : memref<128x128xf32, #tpu.memory_space<vmem_shared>>) target_semaphore(%run_scoped3A : memref<!tpu.dma_semaphore, #tpu.memory_space<semaphore_mem>>)
      %dma_wait3A = arith.constant 0 : i32
      %dma_wait3A_446 = tpu.memref_slice %arg13[%add3A_239, %dma_wait3A] : memref<10240x128xf32, #tpu.memory_space<vmem_shared>> -> memref<128x128xf32, #tpu.memory_space<vmem_shared>>
      %dma_wait3A_447 = arith.constant 0 : i32
      %dma_wait3A_448 = tpu.memref_slice %arg13[%add3A_239, %dma_wait3A_447] : memref<10240x128xf32, #tpu.memory_space<vmem_shared>> -> memref<128x128xf32, #tpu.memory_space<vmem_shared>>
      tpu.wait_dma2 semaphore(%run_scoped3A : memref<!tpu.dma_semaphore, #tpu.memory_space<semaphore_mem>>) src(%arg11 : memref<128x128xf32, #tpu.memory_space<vmem>>) dst(%dma_wait3A_448 : memref<128x128xf32, #tpu.memory_space<vmem_shared>>)
      tpu.yield
    }) : () -> ()
    %mul3A_240 = arith.constant 640 : i32
    %mul3A_241 = arith.muli %arg1, %mul3A_240 : i32
    %add3A_242 = arith.constant 256 : i32
    %add3A_243 = arith.addi %mul3A_241, %add3A_242 : i32
    "tpu.region"() ({
      %run_scoped3A = tpu.sem_alloc : memref<!tpu.dma_semaphore, #tpu.memory_space<semaphore_mem>>
      %dma_start3A_442 = arith.constant 0 : i32
      %dma_start3A_443 = tpu.memref_slice %arg13[%add3A_243, %dma_start3A_442] : memref<10240x128xf32, #tpu.memory_space<vmem_shared>> -> memref<128x128xf32, #tpu.memory_space<vmem_shared>>
      %dma_start3A_444 = arith.constant 0 : i32
      %dma_start3A_445 = tpu.memref_slice %arg13[%add3A_243, %dma_start3A_444] : memref<10240x128xf32, #tpu.memory_space<vmem_shared>> -> memref<128x128xf32, #tpu.memory_space<vmem_shared>>
      tpu.enqueue_dma source(%arg11 : memref<128x128xf32, #tpu.memory_space<vmem>>) target(%dma_start3A_445 : memref<128x128xf32, #tpu.memory_space<vmem_shared>>) target_semaphore(%run_scoped3A : memref<!tpu.dma_semaphore, #tpu.memory_space<semaphore_mem>>)
      %dma_wait3A = arith.constant 0 : i32
      %dma_wait3A_446 = tpu.memref_slice %arg13[%add3A_243, %dma_wait3A] : memref<10240x128xf32, #tpu.memory_space<vmem_shared>> -> memref<128x128xf32, #tpu.memory_space<vmem_shared>>
      %dma_wait3A_447 = arith.constant 0 : i32
      %dma_wait3A_448 = tpu.memref_slice %arg13[%add3A_243, %dma_wait3A_447] : memref<10240x128xf32, #tpu.memory_space<vmem_shared>> -> memref<128x128xf32, #tpu.memory_space<vmem_shared>>
      tpu.wait_dma2 semaphore(%run_scoped3A : memref<!tpu.dma_semaphore, #tpu.memory_space<semaphore_mem>>) src(%arg11 : memref<128x128xf32, #tpu.memory_space<vmem>>) dst(%dma_wait3A_448 : memref<128x128xf32, #tpu.memory_space<vmem_shared>>)
      tpu.yield
    }) : () -> ()
    %mul3A_244 = arith.constant 640 : i32
    %mul3A_245 = arith.muli %arg1, %mul3A_244 : i32
    %add3A_246 = arith.constant 384 : i32
    %add3A_247 = arith.addi %mul3A_245, %add3A_246 : i32
    "tpu.region"() ({
      %run_scoped3A = tpu.sem_alloc : memref<!tpu.dma_semaphore, #tpu.memory_space<semaphore_mem>>
      %dma_start3A_442 = arith.constant 0 : i32
      %dma_start3A_443 = tpu.memref_slice %arg13[%add3A_247, %dma_start3A_442] : memref<10240x128xf32, #tpu.memory_space<vmem_shared>> -> memref<128x128xf32, #tpu.memory_space<vmem_shared>>
      %dma_start3A_444 = arith.constant 0 : i32
      %dma_start3A_445 = tpu.memref_slice %arg13[%add3A_247, %dma_start3A_444] : memref<10240x128xf32, #tpu.memory_space<vmem_shared>> -> memref<128x128xf32, #tpu.memory_space<vmem_shared>>
      tpu.enqueue_dma source(%arg11 : memref<128x128xf32, #tpu.memory_space<vmem>>) target(%dma_start3A_445 : memref<128x128xf32, #tpu.memory_space<vmem_shared>>) target_semaphore(%run_scoped3A : memref<!tpu.dma_semaphore, #tpu.memory_space<semaphore_mem>>)
      %dma_wait3A = arith.constant 0 : i32
      %dma_wait3A_446 = tpu.memref_slice %arg13[%add3A_247, %dma_wait3A] : memref<10240x128xf32, #tpu.memory_space<vmem_shared>> -> memref<128x128xf32, #tpu.memory_space<vmem_shared>>
      %dma_wait3A_447 = arith.constant 0 : i32
      %dma_wait3A_448 = tpu.memref_slice %arg13[%add3A_247, %dma_wait3A_447] : memref<10240x128xf32, #tpu.memory_space<vmem_shared>> -> memref<128x128xf32, #tpu.memory_space<vmem_shared>>
      tpu.wait_dma2 semaphore(%run_scoped3A : memref<!tpu.dma_semaphore, #tpu.memory_space<semaphore_mem>>) src(%arg11 : memref<128x128xf32, #tpu.memory_space<vmem>>) dst(%dma_wait3A_448 : memref<128x128xf32, #tpu.memory_space<vmem_shared>>)
      tpu.yield
    }) : () -> ()
    %mul3A_248 = arith.constant 640 : i32
    %mul3A_249 = arith.muli %arg1, %mul3A_248 : i32
    %add3A_250 = arith.constant 512 : i32
    %add3A_251 = arith.addi %mul3A_249, %add3A_250 : i32
    "tpu.region"() ({
      %run_scoped3A = tpu.sem_alloc : memref<!tpu.dma_semaphore, #tpu.memory_space<semaphore_mem>>
      %dma_start3A_442 = arith.constant 0 : i32
      %dma_start3A_443 = tpu.memref_slice %arg13[%add3A_251, %dma_start3A_442] : memref<10240x128xf32, #tpu.memory_space<vmem_shared>> -> memref<128x128xf32, #tpu.memory_space<vmem_shared>>
      %dma_start3A_444 = arith.constant 0 : i32
      %dma_start3A_445 = tpu.memref_slice %arg13[%add3A_251, %dma_start3A_444] : memref<10240x128xf32, #tpu.memory_space<vmem_shared>> -> memref<128x128xf32, #tpu.memory_space<vmem_shared>>
      tpu.enqueue_dma source(%arg11 : memref<128x128xf32, #tpu.memory_space<vmem>>) target(%dma_start3A_445 : memref<128x128xf32, #tpu.memory_space<vmem_shared>>) target_semaphore(%run_scoped3A : memref<!tpu.dma_semaphore, #tpu.memory_space<semaphore_mem>>)
      %dma_wait3A = arith.constant 0 : i32
      %dma_wait3A_446 = tpu.memref_slice %arg13[%add3A_251, %dma_wait3A] : memref<10240x128xf32, #tpu.memory_space<vmem_shared>> -> memref<128x128xf32, #tpu.memory_space<vmem_shared>>
      %dma_wait3A_447 = arith.constant 0 : i32
      %dma_wait3A_448 = tpu.memref_slice %arg13[%add3A_251, %dma_wait3A_447] : memref<10240x128xf32, #tpu.memory_space<vmem_shared>> -> memref<128x128xf32, #tpu.memory_space<vmem_shared>>
      tpu.wait_dma2 semaphore(%run_scoped3A : memref<!tpu.dma_semaphore, #tpu.memory_space<semaphore_mem>>) src(%arg11 : memref<128x128xf32, #tpu.memory_space<vmem>>) dst(%dma_wait3A_448 : memref<128x128xf32, #tpu.memory_space<vmem_shared>>)
      tpu.yield
    }) : () -> ()
    %barrier3A_252 = arith.constant 0 : index
    tpu.barrier barrier_id(%barrier3A_252)
    %dma_start3A_253 = arith.constant 0 : i32
    %dma_start3A_254 = arith.constant 0 : i32
    %dma_start3A_255 = tpu.memref_slice %arg9[%dma_start3A_253, %dma_start3A_254] : memref<40x128xi32, #tpu.memory_space<vmem>> -> memref<1x128xi32, #tpu.memory_space<vmem>>
    %dma_start3A_256 = tpu.memref_squeeze %dma_start3A_255 : memref<1x128xi32, #tpu.memory_space<vmem>> -> memref<128xi32, #tpu.memory_space<vmem>>
    %dma_start3A_257 = arith.constant 0 : i32
    %dma_start3A_258 = arith.constant 0 : i32
    %dma_start3A_259 = tpu.memref_slice %arg6[%dma_start3A_257, %dma_start3A_258] : memref<10240x128xf32, #tpu.memory_space<hbm>> -> memref<10240x128xf32, #tpu.memory_space<hbm>>
    tpu.enqueue_indirect_dma source(%dma_start3A_259 : memref<10240x128xf32, #tpu.memory_space<hbm>>) target(%arg11 : memref<128x128xf32, #tpu.memory_space<vmem>>) offsets(%dma_start3A_256 : memref<128xi32, #tpu.memory_space<vmem>>) semaphore(%arg14 : memref<!tpu.dma_semaphore, #tpu.memory_space<semaphore_mem>>)
    %scan3A_260 = arith.constant 0 : i32
    %scan3A_261 = arith.constant 0 : i32
    %scan3A_262 = arith.constant 20 : i32
    %scan3A_263 = arith.addi %scan3A_261, %scan3A_262 : i32
    %scan3A_264 = arith.constant 1 : i32
    %scan3A_265 = scf.for %scan3A_442 = %scan3A_261 to %scan3A_263 step %scan3A_264 iter_args(%scan3A_443 = %scan3A_260) -> (i32)  : i32 {
      %mul3A_444 = arith.constant 2 : i32
      %mul3A_445 = arith.muli %mul3A_444, %scan3A_442 : i32
      %add3A_446 = arith.constant 1 : i32
      %add3A_447 = arith.addi %mul3A_445, %add3A_446 : i32
      %dma_start3A_448 = arith.constant 0 : i32
      %dma_start3A_449 = tpu.memref_slice %arg9[%add3A_447, %dma_start3A_448] : memref<40x128xi32, #tpu.memory_space<vmem>> -> memref<1x128xi32, #tpu.memory_space<vmem>>
      %dma_start3A_450 = tpu.memref_squeeze %dma_start3A_449 : memref<1x128xi32, #tpu.memory_space<vmem>> -> memref<128xi32, #tpu.memory_space<vmem>>
      %dma_start3A_451 = arith.constant 0 : i32
      %dma_start3A_452 = arith.constant 0 : i32
      %dma_start3A_453 = tpu.memref_slice %arg6[%dma_start3A_451, %dma_start3A_452] : memref<10240x128xf32, #tpu.memory_space<hbm>> -> memref<10240x128xf32, #tpu.memory_space<hbm>>
      tpu.enqueue_indirect_dma source(%dma_start3A_453 : memref<10240x128xf32, #tpu.memory_space<hbm>>) target(%arg12 : memref<128x128xf32, #tpu.memory_space<vmem>>) offsets(%dma_start3A_450 : memref<128xi32, #tpu.memory_space<vmem>>) semaphore(%arg15 : memref<!tpu.dma_semaphore, #tpu.memory_space<semaphore_mem>>)
      %dma_wait3A = arith.constant 0 : i32
      %dma_wait3A_454 = tpu.memref_slice %arg9[%mul3A_445, %dma_wait3A] : memref<40x128xi32, #tpu.memory_space<vmem>> -> memref<1x128xi32, #tpu.memory_space<vmem>>
      %dma_wait3A_455 = tpu.memref_squeeze %dma_wait3A_454 : memref<1x128xi32, #tpu.memory_space<vmem>> -> memref<128xi32, #tpu.memory_space<vmem>>
      %dma_wait3A_456 = arith.constant 0 : i32
      %dma_wait3A_457 = arith.constant 0 : i32
      %dma_wait3A_458 = tpu.memref_slice %arg6[%dma_wait3A_456, %dma_wait3A_457] : memref<10240x128xf32, #tpu.memory_space<hbm>> -> memref<10240x128xf32, #tpu.memory_space<hbm>>
      tpu.wait_indirect_dma semaphore(%arg14 : memref<!tpu.dma_semaphore, #tpu.memory_space<semaphore_mem>>) src(%dma_wait3A_458 : memref<10240x128xf32, #tpu.memory_space<hbm>>) dst(%arg11 : memref<128x128xf32, #tpu.memory_space<vmem>>)
      "tpu.region"() ({
        %run_scoped3A = tpu.sem_alloc : memref<!tpu.dma_semaphore, #tpu.memory_space<semaphore_mem>>
        %dma_start3A_474 = arith.constant 0 : i32
        %dma_start3A_475 = tpu.memref_slice %arg10[%mul3A_445, %dma_start3A_474] : memref<40x128xi32, #tpu.memory_space<vmem>> -> memref<1x128xi32, #tpu.memory_space<vmem>>
        %dma_start3A_476 = tpu.memref_squeeze %dma_start3A_475 : memref<1x128xi32, #tpu.memory_space<vmem>> -> memref<128xi32, #tpu.memory_space<vmem>>
        %dma_start3A_477 = arith.constant 0 : i32
        %dma_start3A_478 = arith.constant 0 : i32
        %dma_start3A_479 = tpu.memref_slice %arg13[%dma_start3A_477, %dma_start3A_478] : memref<10240x128xf32, #tpu.memory_space<vmem_shared>> -> memref<10240x128xf32, #tpu.memory_space<vmem_shared>>
        tpu.enqueue_indirect_dma source(%arg11 : memref<128x128xf32, #tpu.memory_space<vmem>>) target(%dma_start3A_479 : memref<10240x128xf32, #tpu.memory_space<vmem_shared>>) offsets(%dma_start3A_476 : memref<128xi32, #tpu.memory_space<vmem>>) semaphore(%run_scoped3A : memref<!tpu.dma_semaphore, #tpu.memory_space<semaphore_mem>>) {add = true}
        %dma_wait3A_480 = arith.constant 0 : i32
        %dma_wait3A_481 = tpu.memref_slice %arg10[%mul3A_445, %dma_wait3A_480] : memref<40x128xi32, #tpu.memory_space<vmem>> -> memref<1x128xi32, #tpu.memory_space<vmem>>
        %dma_wait3A_482 = tpu.memref_squeeze %dma_wait3A_481 : memref<1x128xi32, #tpu.memory_space<vmem>> -> memref<128xi32, #tpu.memory_space<vmem>>
        %dma_wait3A_483 = arith.constant 0 : i32
        %dma_wait3A_484 = arith.constant 0 : i32
        %dma_wait3A_485 = tpu.memref_slice %arg13[%dma_wait3A_483, %dma_wait3A_484] : memref<10240x128xf32, #tpu.memory_space<vmem_shared>> -> memref<10240x128xf32, #tpu.memory_space<vmem_shared>>
        tpu.wait_indirect_dma semaphore(%run_scoped3A : memref<!tpu.dma_semaphore, #tpu.memory_space<semaphore_mem>>) src(%arg11 : memref<128x128xf32, #tpu.memory_space<vmem>>) dst(%dma_wait3A_485 : memref<10240x128xf32, #tpu.memory_space<vmem_shared>>)
        tpu.yield
      }) : () -> ()
      %add3A_459 = arith.constant 1 : i32
      %add3A_460 = arith.addi %scan3A_442, %add3A_459 : i32
      %lt3A = arith.constant 20 : i32
      %lt3A_461 = arith.cmpi slt, %add3A_460, %lt3A : i32
      %convert_element_type3A = arith.extui %lt3A_461 : i1 to i32
      %cond3A = arith.constant 0 : i32
      %cond3A_462 = arith.cmpi ne, %convert_element_type3A, %cond3A : i32
      scf.if %cond3A_462 {
        %add3A_474 = arith.constant 2 : i32
        %add3A_475 = arith.addi %mul3A_445, %add3A_474 : i32
        %dma_start3A_476 = arith.constant 0 : i32
        %dma_start3A_477 = tpu.memref_slice %arg9[%add3A_475, %dma_start3A_476] : memref<40x128xi32, #tpu.memory_space<vmem>> -> memref<1x128xi32, #tpu.memory_space<vmem>>
        %dma_start3A_478 = tpu.memref_squeeze %dma_start3A_477 : memref<1x128xi32, #tpu.memory_space<vmem>> -> memref<128xi32, #tpu.memory_space<vmem>>
        %dma_start3A_479 = arith.constant 0 : i32
        %dma_start3A_480 = arith.constant 0 : i32
        %dma_start3A_481 = tpu.memref_slice %arg6[%dma_start3A_479, %dma_start3A_480] : memref<10240x128xf32, #tpu.memory_space<hbm>> -> memref<10240x128xf32, #tpu.memory_space<hbm>>
        tpu.enqueue_indirect_dma source(%dma_start3A_481 : memref<10240x128xf32, #tpu.memory_space<hbm>>) target(%arg11 : memref<128x128xf32, #tpu.memory_space<vmem>>) offsets(%dma_start3A_478 : memref<128xi32, #tpu.memory_space<vmem>>) semaphore(%arg14 : memref<!tpu.dma_semaphore, #tpu.memory_space<semaphore_mem>>)
      } else {
      }
      %add3A_463 = arith.constant 1 : i32
      %add3A_464 = arith.addi %mul3A_445, %add3A_463 : i32
      %dma_wait3A_465 = arith.constant 0 : i32
      %dma_wait3A_466 = tpu.memref_slice %arg9[%add3A_464, %dma_wait3A_465] : memref<40x128xi32, #tpu.memory_space<vmem>> -> memref<1x128xi32, #tpu.memory_space<vmem>>
      %dma_wait3A_467 = tpu.memref_squeeze %dma_wait3A_466 : memref<1x128xi32, #tpu.memory_space<vmem>> -> memref<128xi32, #tpu.memory_space<vmem>>
      %dma_wait3A_468 = arith.constant 0 : i32
      %dma_wait3A_469 = arith.constant 0 : i32
      %dma_wait3A_470 = tpu.memref_slice %arg6[%dma_wait3A_468, %dma_wait3A_469] : memref<10240x128xf32, #tpu.memory_space<hbm>> -> memref<10240x128xf32, #tpu.memory_space<hbm>>
      tpu.wait_indirect_dma semaphore(%arg15 : memref<!tpu.dma_semaphore, #tpu.memory_space<semaphore_mem>>) src(%dma_wait3A_470 : memref<10240x128xf32, #tpu.memory_space<hbm>>) dst(%arg12 : memref<128x128xf32, #tpu.memory_space<vmem>>)
      %add3A_471 = arith.constant 1 : i32
      %add3A_472 = arith.addi %mul3A_445, %add3A_471 : i32
      "tpu.region"() ({
        %run_scoped3A = tpu.sem_alloc : memref<!tpu.dma_semaphore, #tpu.memory_space<semaphore_mem>>
        %dma_start3A_474 = arith.constant 0 : i32
        %dma_start3A_475 = tpu.memref_slice %arg10[%add3A_472, %dma_start3A_474] : memref<40x128xi32, #tpu.memory_space<vmem>> -> memref<1x128xi32, #tpu.memory_space<vmem>>
        %dma_start3A_476 = tpu.memref_squeeze %dma_start3A_475 : memref<1x128xi32, #tpu.memory_space<vmem>> -> memref<128xi32, #tpu.memory_space<vmem>>
        %dma_start3A_477 = arith.constant 0 : i32
        %dma_start3A_478 = arith.constant 0 : i32
        %dma_start3A_479 = tpu.memref_slice %arg13[%dma_start3A_477, %dma_start3A_478] : memref<10240x128xf32, #tpu.memory_space<vmem_shared>> -> memref<10240x128xf32, #tpu.memory_space<vmem_shared>>
        tpu.enqueue_indirect_dma source(%arg12 : memref<128x128xf32, #tpu.memory_space<vmem>>) target(%dma_start3A_479 : memref<10240x128xf32, #tpu.memory_space<vmem_shared>>) offsets(%dma_start3A_476 : memref<128xi32, #tpu.memory_space<vmem>>) semaphore(%run_scoped3A : memref<!tpu.dma_semaphore, #tpu.memory_space<semaphore_mem>>) {add = true}
        %dma_wait3A_480 = arith.constant 0 : i32
        %dma_wait3A_481 = tpu.memref_slice %arg10[%add3A_472, %dma_wait3A_480] : memref<40x128xi32, #tpu.memory_space<vmem>> -> memref<1x128xi32, #tpu.memory_space<vmem>>
        %dma_wait3A_482 = tpu.memref_squeeze %dma_wait3A_481 : memref<1x128xi32, #tpu.memory_space<vmem>> -> memref<128xi32, #tpu.memory_space<vmem>>
        %dma_wait3A_483 = arith.constant 0 : i32
        %dma_wait3A_484 = arith.constant 0 : i32
        %dma_wait3A_485 = tpu.memref_slice %arg13[%dma_wait3A_483, %dma_wait3A_484] : memref<10240x128xf32, #tpu.memory_space<vmem_shared>> -> memref<10240x128xf32, #tpu.memory_space<vmem_shared>>
        tpu.wait_indirect_dma semaphore(%run_scoped3A : memref<!tpu.dma_semaphore, #tpu.memory_space<semaphore_mem>>) src(%arg12 : memref<128x128xf32, #tpu.memory_space<vmem>>) dst(%dma_wait3A_485 : memref<10240x128xf32, #tpu.memory_space<vmem_shared>>)
        tpu.yield
      }) : () -> ()
      %scan3A_473 = arith.constant 0 : i32
      scf.yield %scan3A_473 : i32
    }
    %scan3A_266 = arith.constant 20 : i32
    %barrier3A_267 = arith.constant 0 : index
    tpu.barrier barrier_id(%barrier3A_267)
    %mul3A_268 = arith.constant 640 : i32
    %mul3A_269 = arith.muli %arg1, %mul3A_268 : i32
    %add3A_270 = arith.constant 0 : i32
    %add3A_271 = arith.addi %mul3A_269, %add3A_270 : i32
    "tpu.region"() ({
      %run_scoped3A = tpu.sem_alloc : memref<!tpu.dma_semaphore, #tpu.memory_space<semaphore_mem>>
      %dma_start3A_442 = arith.constant 0 : i32
      %dma_start3A_443 = tpu.memref_slice %arg13[%add3A_271, %dma_start3A_442] : memref<10240x128xf32, #tpu.memory_space<vmem_shared>> -> memref<128x128xf32, #tpu.memory_space<vmem_shared>>
      %dma_start3A_444 = arith.constant 0 : i32
      %dma_start3A_445 = tpu.memref_slice %arg13[%add3A_271, %dma_start3A_444] : memref<10240x128xf32, #tpu.memory_space<vmem_shared>> -> memref<128x128xf32, #tpu.memory_space<vmem_shared>>
      tpu.enqueue_dma source(%dma_start3A_445 : memref<128x128xf32, #tpu.memory_space<vmem_shared>>) target(%arg11 : memref<128x128xf32, #tpu.memory_space<vmem>>) target_semaphore(%run_scoped3A : memref<!tpu.dma_semaphore, #tpu.memory_space<semaphore_mem>>)
      %dma_wait3A = arith.constant 0 : i32
      %dma_wait3A_446 = tpu.memref_slice %arg13[%add3A_271, %dma_wait3A] : memref<10240x128xf32, #tpu.memory_space<vmem_shared>> -> memref<128x128xf32, #tpu.memory_space<vmem_shared>>
      %dma_wait3A_447 = arith.constant 0 : i32
      %dma_wait3A_448 = tpu.memref_slice %arg13[%add3A_271, %dma_wait3A_447] : memref<10240x128xf32, #tpu.memory_space<vmem_shared>> -> memref<128x128xf32, #tpu.memory_space<vmem_shared>>
      tpu.wait_dma2 semaphore(%run_scoped3A : memref<!tpu.dma_semaphore, #tpu.memory_space<semaphore_mem>>) src(%dma_wait3A_448 : memref<128x128xf32, #tpu.memory_space<vmem_shared>>) dst(%arg11 : memref<128x128xf32, #tpu.memory_space<vmem>>)
      tpu.yield
    }) : () -> ()
    %mul3A_272 = arith.constant 10240 : i32
    %mul3A_273 = arith.muli %arg0, %mul3A_272 : i32
    %add3A_274 = arith.constant 40960 : i32
    %add3A_275 = arith.addi %add3A_274, %mul3A_273 : i32
    %mul3A_276 = arith.constant 640 : i32
    %mul3A_277 = arith.muli %arg1, %mul3A_276 : i32
    %add3A_278 = arith.addi %add3A_275, %mul3A_277 : i32
    %add3A_279 = arith.constant 0 : i32
    %add3A_280 = arith.addi %add3A_278, %add3A_279 : i32
    "tpu.region"() ({
      %run_scoped3A = tpu.sem_alloc : memref<!tpu.dma_semaphore, #tpu.memory_space<semaphore_mem>>
      %dma_start3A_442 = arith.constant 0 : i32
      %dma_start3A_443 = tpu.memref_slice %arg8[%add3A_280, %dma_start3A_442] : memref<81920x128xf32, #tpu.memory_space<hbm>> -> memref<128x128xf32, #tpu.memory_space<hbm>>
      %dma_start3A_444 = arith.constant 0 : i32
      %dma_start3A_445 = tpu.memref_slice %arg8[%add3A_280, %dma_start3A_444] : memref<81920x128xf32, #tpu.memory_space<hbm>> -> memref<128x128xf32, #tpu.memory_space<hbm>>
      tpu.enqueue_dma source(%arg11 : memref<128x128xf32, #tpu.memory_space<vmem>>) target(%dma_start3A_445 : memref<128x128xf32, #tpu.memory_space<hbm>>) target_semaphore(%run_scoped3A : memref<!tpu.dma_semaphore, #tpu.memory_space<semaphore_mem>>)
      %dma_wait3A = arith.constant 0 : i32
      %dma_wait3A_446 = tpu.memref_slice %arg8[%add3A_280, %dma_wait3A] : memref<81920x128xf32, #tpu.memory_space<hbm>> -> memref<128x128xf32, #tpu.memory_space<hbm>>
      %dma_wait3A_447 = arith.constant 0 : i32
      %dma_wait3A_448 = tpu.memref_slice %arg8[%add3A_280, %dma_wait3A_447] : memref<81920x128xf32, #tpu.memory_space<hbm>> -> memref<128x128xf32, #tpu.memory_space<hbm>>
      tpu.wait_dma2 semaphore(%run_scoped3A : memref<!tpu.dma_semaphore, #tpu.memory_space<semaphore_mem>>) src(%arg11 : memref<128x128xf32, #tpu.memory_space<vmem>>) dst(%dma_wait3A_448 : memref<128x128xf32, #tpu.memory_space<hbm>>)
      tpu.yield
    }) : () -> ()
    %mul3A_281 = arith.constant 640 : i32
    %mul3A_282 = arith.muli %arg1, %mul3A_281 : i32
    %add3A_283 = arith.constant 128 : i32
    %add3A_284 = arith.addi %mul3A_282, %add3A_283 : i32
    "tpu.region"() ({
      %run_scoped3A = tpu.sem_alloc : memref<!tpu.dma_semaphore, #tpu.memory_space<semaphore_mem>>
      %dma_start3A_442 = arith.constant 0 : i32
      %dma_start3A_443 = tpu.memref_slice %arg13[%add3A_284, %dma_start3A_442] : memref<10240x128xf32, #tpu.memory_space<vmem_shared>> -> memref<128x128xf32, #tpu.memory_space<vmem_shared>>
      %dma_start3A_444 = arith.constant 0 : i32
      %dma_start3A_445 = tpu.memref_slice %arg13[%add3A_284, %dma_start3A_444] : memref<10240x128xf32, #tpu.memory_space<vmem_shared>> -> memref<128x128xf32, #tpu.memory_space<vmem_shared>>
      tpu.enqueue_dma source(%dma_start3A_445 : memref<128x128xf32, #tpu.memory_space<vmem_shared>>) target(%arg11 : memref<128x128xf32, #tpu.memory_space<vmem>>) target_semaphore(%run_scoped3A : memref<!tpu.dma_semaphore, #tpu.memory_space<semaphore_mem>>)
      %dma_wait3A = arith.constant 0 : i32
      %dma_wait3A_446 = tpu.memref_slice %arg13[%add3A_284, %dma_wait3A] : memref<10240x128xf32, #tpu.memory_space<vmem_shared>> -> memref<128x128xf32, #tpu.memory_space<vmem_shared>>
      %dma_wait3A_447 = arith.constant 0 : i32
      %dma_wait3A_448 = tpu.memref_slice %arg13[%add3A_284, %dma_wait3A_447] : memref<10240x128xf32, #tpu.memory_space<vmem_shared>> -> memref<128x128xf32, #tpu.memory_space<vmem_shared>>
      tpu.wait_dma2 semaphore(%run_scoped3A : memref<!tpu.dma_semaphore, #tpu.memory_space<semaphore_mem>>) src(%dma_wait3A_448 : memref<128x128xf32, #tpu.memory_space<vmem_shared>>) dst(%arg11 : memref<128x128xf32, #tpu.memory_space<vmem>>)
      tpu.yield
    }) : () -> ()
    %mul3A_285 = arith.constant 10240 : i32
    %mul3A_286 = arith.muli %arg0, %mul3A_285 : i32
    %add3A_287 = arith.constant 40960 : i32
    %add3A_288 = arith.addi %add3A_287, %mul3A_286 : i32
    %mul3A_289 = arith.constant 640 : i32
    %mul3A_290 = arith.muli %arg1, %mul3A_289 : i32
    %add3A_291 = arith.addi %add3A_288, %mul3A_290 : i32
    %add3A_292 = arith.constant 128 : i32
    %add3A_293 = arith.addi %add3A_291, %add3A_292 : i32
    "tpu.region"() ({
      %run_scoped3A = tpu.sem_alloc : memref<!tpu.dma_semaphore, #tpu.memory_space<semaphore_mem>>
      %dma_start3A_442 = arith.constant 0 : i32
      %dma_start3A_443 = tpu.memref_slice %arg8[%add3A_293, %dma_start3A_442] : memref<81920x128xf32, #tpu.memory_space<hbm>> -> memref<128x128xf32, #tpu.memory_space<hbm>>
      %dma_start3A_444 = arith.constant 0 : i32
      %dma_start3A_445 = tpu.memref_slice %arg8[%add3A_293, %dma_start3A_444] : memref<81920x128xf32, #tpu.memory_space<hbm>> -> memref<128x128xf32, #tpu.memory_space<hbm>>
      tpu.enqueue_dma source(%arg11 : memref<128x128xf32, #tpu.memory_space<vmem>>) target(%dma_start3A_445 : memref<128x128xf32, #tpu.memory_space<hbm>>) target_semaphore(%run_scoped3A : memref<!tpu.dma_semaphore, #tpu.memory_space<semaphore_mem>>)
      %dma_wait3A = arith.constant 0 : i32
      %dma_wait3A_446 = tpu.memref_slice %arg8[%add3A_293, %dma_wait3A] : memref<81920x128xf32, #tpu.memory_space<hbm>> -> memref<128x128xf32, #tpu.memory_space<hbm>>
      %dma_wait3A_447 = arith.constant 0 : i32
      %dma_wait3A_448 = tpu.memref_slice %arg8[%add3A_293, %dma_wait3A_447] : memref<81920x128xf32, #tpu.memory_space<hbm>> -> memref<128x128xf32, #tpu.memory_space<hbm>>
      tpu.wait_dma2 semaphore(%run_scoped3A : memref<!tpu.dma_semaphore, #tpu.memory_space<semaphore_mem>>) src(%arg11 : memref<128x128xf32, #tpu.memory_space<vmem>>) dst(%dma_wait3A_448 : memref<128x128xf32, #tpu.memory_space<hbm>>)
      tpu.yield
    }) : () -> ()
    %mul3A_294 = arith.constant 640 : i32
    %mul3A_295 = arith.muli %arg1, %mul3A_294 : i32
    %add3A_296 = arith.constant 256 : i32
    %add3A_297 = arith.addi %mul3A_295, %add3A_296 : i32
    "tpu.region"() ({
      %run_scoped3A = tpu.sem_alloc : memref<!tpu.dma_semaphore, #tpu.memory_space<semaphore_mem>>
      %dma_start3A_442 = arith.constant 0 : i32
      %dma_start3A_443 = tpu.memref_slice %arg13[%add3A_297, %dma_start3A_442] : memref<10240x128xf32, #tpu.memory_space<vmem_shared>> -> memref<128x128xf32, #tpu.memory_space<vmem_shared>>
      %dma_start3A_444 = arith.constant 0 : i32
      %dma_start3A_445 = tpu.memref_slice %arg13[%add3A_297, %dma_start3A_444] : memref<10240x128xf32, #tpu.memory_space<vmem_shared>> -> memref<128x128xf32, #tpu.memory_space<vmem_shared>>
      tpu.enqueue_dma source(%dma_start3A_445 : memref<128x128xf32, #tpu.memory_space<vmem_shared>>) target(%arg11 : memref<128x128xf32, #tpu.memory_space<vmem>>) target_semaphore(%run_scoped3A : memref<!tpu.dma_semaphore, #tpu.memory_space<semaphore_mem>>)
      %dma_wait3A = arith.constant 0 : i32
      %dma_wait3A_446 = tpu.memref_slice %arg13[%add3A_297, %dma_wait3A] : memref<10240x128xf32, #tpu.memory_space<vmem_shared>> -> memref<128x128xf32, #tpu.memory_space<vmem_shared>>
      %dma_wait3A_447 = arith.constant 0 : i32
      %dma_wait3A_448 = tpu.memref_slice %arg13[%add3A_297, %dma_wait3A_447] : memref<10240x128xf32, #tpu.memory_space<vmem_shared>> -> memref<128x128xf32, #tpu.memory_space<vmem_shared>>
      tpu.wait_dma2 semaphore(%run_scoped3A : memref<!tpu.dma_semaphore, #tpu.memory_space<semaphore_mem>>) src(%dma_wait3A_448 : memref<128x128xf32, #tpu.memory_space<vmem_shared>>) dst(%arg11 : memref<128x128xf32, #tpu.memory_space<vmem>>)
      tpu.yield
    }) : () -> ()
    %mul3A_298 = arith.constant 10240 : i32
    %mul3A_299 = arith.muli %arg0, %mul3A_298 : i32
    %add3A_300 = arith.constant 40960 : i32
    %add3A_301 = arith.addi %add3A_300, %mul3A_299 : i32
    %mul3A_302 = arith.constant 640 : i32
    %mul3A_303 = arith.muli %arg1, %mul3A_302 : i32
    %add3A_304 = arith.addi %add3A_301, %mul3A_303 : i32
    %add3A_305 = arith.constant 256 : i32
    %add3A_306 = arith.addi %add3A_304, %add3A_305 : i32
    "tpu.region"() ({
      %run_scoped3A = tpu.sem_alloc : memref<!tpu.dma_semaphore, #tpu.memory_space<semaphore_mem>>
      %dma_start3A_442 = arith.constant 0 : i32
      %dma_start3A_443 = tpu.memref_slice %arg8[%add3A_306, %dma_start3A_442] : memref<81920x128xf32, #tpu.memory_space<hbm>> -> memref<128x128xf32, #tpu.memory_space<hbm>>
      %dma_start3A_444 = arith.constant 0 : i32
      %dma_start3A_445 = tpu.memref_slice %arg8[%add3A_306, %dma_start3A_444] : memref<81920x128xf32, #tpu.memory_space<hbm>> -> memref<128x128xf32, #tpu.memory_space<hbm>>
      tpu.enqueue_dma source(%arg11 : memref<128x128xf32, #tpu.memory_space<vmem>>) target(%dma_start3A_445 : memref<128x128xf32, #tpu.memory_space<hbm>>) target_semaphore(%run_scoped3A : memref<!tpu.dma_semaphore, #tpu.memory_space<semaphore_mem>>)
      %dma_wait3A = arith.constant 0 : i32
      %dma_wait3A_446 = tpu.memref_slice %arg8[%add3A_306, %dma_wait3A] : memref<81920x128xf32, #tpu.memory_space<hbm>> -> memref<128x128xf32, #tpu.memory_space<hbm>>
      %dma_wait3A_447 = arith.constant 0 : i32
      %dma_wait3A_448 = tpu.memref_slice %arg8[%add3A_306, %dma_wait3A_447] : memref<81920x128xf32, #tpu.memory_space<hbm>> -> memref<128x128xf32, #tpu.memory_space<hbm>>
      tpu.wait_dma2 semaphore(%run_scoped3A : memref<!tpu.dma_semaphore, #tpu.memory_space<semaphore_mem>>) src(%arg11 : memref<128x128xf32, #tpu.memory_space<vmem>>) dst(%dma_wait3A_448 : memref<128x128xf32, #tpu.memory_space<hbm>>)
      tpu.yield
    }) : () -> ()
    %mul3A_307 = arith.constant 640 : i32
    %mul3A_308 = arith.muli %arg1, %mul3A_307 : i32
    %add3A_309 = arith.constant 384 : i32
    %add3A_310 = arith.addi %mul3A_308, %add3A_309 : i32
    "tpu.region"() ({
      %run_scoped3A = tpu.sem_alloc : memref<!tpu.dma_semaphore, #tpu.memory_space<semaphore_mem>>
      %dma_start3A_442 = arith.constant 0 : i32
      %dma_start3A_443 = tpu.memref_slice %arg13[%add3A_310, %dma_start3A_442] : memref<10240x128xf32, #tpu.memory_space<vmem_shared>> -> memref<128x128xf32, #tpu.memory_space<vmem_shared>>
      %dma_start3A_444 = arith.constant 0 : i32
      %dma_start3A_445 = tpu.memref_slice %arg13[%add3A_310, %dma_start3A_444] : memref<10240x128xf32, #tpu.memory_space<vmem_shared>> -> memref<128x128xf32, #tpu.memory_space<vmem_shared>>
      tpu.enqueue_dma source(%dma_start3A_445 : memref<128x128xf32, #tpu.memory_space<vmem_shared>>) target(%arg11 : memref<128x128xf32, #tpu.memory_space<vmem>>) target_semaphore(%run_scoped3A : memref<!tpu.dma_semaphore, #tpu.memory_space<semaphore_mem>>)
      %dma_wait3A = arith.constant 0 : i32
      %dma_wait3A_446 = tpu.memref_slice %arg13[%add3A_310, %dma_wait3A] : memref<10240x128xf32, #tpu.memory_space<vmem_shared>> -> memref<128x128xf32, #tpu.memory_space<vmem_shared>>
      %dma_wait3A_447 = arith.constant 0 : i32
      %dma_wait3A_448 = tpu.memref_slice %arg13[%add3A_310, %dma_wait3A_447] : memref<10240x128xf32, #tpu.memory_space<vmem_shared>> -> memref<128x128xf32, #tpu.memory_space<vmem_shared>>
      tpu.wait_dma2 semaphore(%run_scoped3A : memref<!tpu.dma_semaphore, #tpu.memory_space<semaphore_mem>>) src(%dma_wait3A_448 : memref<128x128xf32, #tpu.memory_space<vmem_shared>>) dst(%arg11 : memref<128x128xf32, #tpu.memory_space<vmem>>)
      tpu.yield
    }) : () -> ()
    %mul3A_311 = arith.constant 10240 : i32
    %mul3A_312 = arith.muli %arg0, %mul3A_311 : i32
    %add3A_313 = arith.constant 40960 : i32
    %add3A_314 = arith.addi %add3A_313, %mul3A_312 : i32
    %mul3A_315 = arith.constant 640 : i32
    %mul3A_316 = arith.muli %arg1, %mul3A_315 : i32
    %add3A_317 = arith.addi %add3A_314, %mul3A_316 : i32
    %add3A_318 = arith.constant 384 : i32
    %add3A_319 = arith.addi %add3A_317, %add3A_318 : i32
    "tpu.region"() ({
      %run_scoped3A = tpu.sem_alloc : memref<!tpu.dma_semaphore, #tpu.memory_space<semaphore_mem>>
      %dma_start3A_442 = arith.constant 0 : i32
      %dma_start3A_443 = tpu.memref_slice %arg8[%add3A_319, %dma_start3A_442] : memref<81920x128xf32, #tpu.memory_space<hbm>> -> memref<128x128xf32, #tpu.memory_space<hbm>>
      %dma_start3A_444 = arith.constant 0 : i32
      %dma_start3A_445 = tpu.memref_slice %arg8[%add3A_319, %dma_start3A_444] : memref<81920x128xf32, #tpu.memory_space<hbm>> -> memref<128x128xf32, #tpu.memory_space<hbm>>
      tpu.enqueue_dma source(%arg11 : memref<128x128xf32, #tpu.memory_space<vmem>>) target(%dma_start3A_445 : memref<128x128xf32, #tpu.memory_space<hbm>>) target_semaphore(%run_scoped3A : memref<!tpu.dma_semaphore, #tpu.memory_space<semaphore_mem>>)
      %dma_wait3A = arith.constant 0 : i32
      %dma_wait3A_446 = tpu.memref_slice %arg8[%add3A_319, %dma_wait3A] : memref<81920x128xf32, #tpu.memory_space<hbm>> -> memref<128x128xf32, #tpu.memory_space<hbm>>
      %dma_wait3A_447 = arith.constant 0 : i32
      %dma_wait3A_448 = tpu.memref_slice %arg8[%add3A_319, %dma_wait3A_447] : memref<81920x128xf32, #tpu.memory_space<hbm>> -> memref<128x128xf32, #tpu.memory_space<hbm>>
      tpu.wait_dma2 semaphore(%run_scoped3A : memref<!tpu.dma_semaphore, #tpu.memory_space<semaphore_mem>>) src(%arg11 : memref<128x128xf32, #tpu.memory_space<vmem>>) dst(%dma_wait3A_448 : memref<128x128xf32, #tpu.memory_space<hbm>>)
      tpu.yield
    }) : () -> ()
    %mul3A_320 = arith.constant 640 : i32
    %mul3A_321 = arith.muli %arg1, %mul3A_320 : i32
    %add3A_322 = arith.constant 512 : i32
    %add3A_323 = arith.addi %mul3A_321, %add3A_322 : i32
    "tpu.region"() ({
      %run_scoped3A = tpu.sem_alloc : memref<!tpu.dma_semaphore, #tpu.memory_space<semaphore_mem>>
      %dma_start3A_442 = arith.constant 0 : i32
      %dma_start3A_443 = tpu.memref_slice %arg13[%add3A_323, %dma_start3A_442] : memref<10240x128xf32, #tpu.memory_space<vmem_shared>> -> memref<128x128xf32, #tpu.memory_space<vmem_shared>>
      %dma_start3A_444 = arith.constant 0 : i32
      %dma_start3A_445 = tpu.memref_slice %arg13[%add3A_323, %dma_start3A_444] : memref<10240x128xf32, #tpu.memory_space<vmem_shared>> -> memref<128x128xf32, #tpu.memory_space<vmem_shared>>
      tpu.enqueue_dma source(%dma_start3A_445 : memref<128x128xf32, #tpu.memory_space<vmem_shared>>) target(%arg11 : memref<128x128xf32, #tpu.memory_space<vmem>>) target_semaphore(%run_scoped3A : memref<!tpu.dma_semaphore, #tpu.memory_space<semaphore_mem>>)
      %dma_wait3A = arith.constant 0 : i32
      %dma_wait3A_446 = tpu.memref_slice %arg13[%add3A_323, %dma_wait3A] : memref<10240x128xf32, #tpu.memory_space<vmem_shared>> -> memref<128x128xf32, #tpu.memory_space<vmem_shared>>
      %dma_wait3A_447 = arith.constant 0 : i32
      %dma_wait3A_448 = tpu.memref_slice %arg13[%add3A_323, %dma_wait3A_447] : memref<10240x128xf32, #tpu.memory_space<vmem_shared>> -> memref<128x128xf32, #tpu.memory_space<vmem_shared>>
      tpu.wait_dma2 semaphore(%run_scoped3A : memref<!tpu.dma_semaphore, #tpu.memory_space<semaphore_mem>>) src(%dma_wait3A_448 : memref<128x128xf32, #tpu.memory_space<vmem_shared>>) dst(%arg11 : memref<128x128xf32, #tpu.memory_space<vmem>>)
      tpu.yield
    }) : () -> ()
    %mul3A_324 = arith.constant 10240 : i32
    %mul3A_325 = arith.muli %arg0, %mul3A_324 : i32
    %add3A_326 = arith.constant 40960 : i32
    %add3A_327 = arith.addi %add3A_326, %mul3A_325 : i32
    %mul3A_328 = arith.constant 640 : i32
    %mul3A_329 = arith.muli %arg1, %mul3A_328 : i32
    %add3A_330 = arith.addi %add3A_327, %mul3A_329 : i32
    %add3A_331 = arith.constant 512 : i32
    %add3A_332 = arith.addi %add3A_330, %add3A_331 : i32
    "tpu.region"() ({
      %run_scoped3A = tpu.sem_alloc : memref<!tpu.dma_semaphore, #tpu.memory_space<semaphore_mem>>
      %dma_start3A_442 = arith.constant 0 : i32
      %dma_start3A_443 = tpu.memref_slice %arg8[%add3A_332, %dma_start3A_442] : memref<81920x128xf32, #tpu.memory_space<hbm>> -> memref<128x128xf32, #tpu.memory_space<hbm>>
      %dma_start3A_444 = arith.constant 0 : i32
      %dma_start3A_445 = tpu.memref_slice %arg8[%add3A_332, %dma_start3A_444] : memref<81920x128xf32, #tpu.memory_space<hbm>> -> memref<128x128xf32, #tpu.memory_space<hbm>>
      tpu.enqueue_dma source(%arg11 : memref<128x128xf32, #tpu.memory_space<vmem>>) target(%dma_start3A_445 : memref<128x128xf32, #tpu.memory_space<hbm>>) target_semaphore(%run_scoped3A : memref<!tpu.dma_semaphore, #tpu.memory_space<semaphore_mem>>)
      %dma_wait3A = arith.constant 0 : i32
      %dma_wait3A_446 = tpu.memref_slice %arg8[%add3A_332, %dma_wait3A] : memref<81920x128xf32, #tpu.memory_space<hbm>> -> memref<128x128xf32, #tpu.memory_space<hbm>>
      %dma_wait3A_447 = arith.constant 0 : i32
      %dma_wait3A_448 = tpu.memref_slice %arg8[%add3A_332, %dma_wait3A_447] : memref<81920x128xf32, #tpu.memory_space<hbm>> -> memref<128x128xf32, #tpu.memory_space<hbm>>
      tpu.wait_dma2 semaphore(%run_scoped3A : memref<!tpu.dma_semaphore, #tpu.memory_space<semaphore_mem>>) src(%arg11 : memref<128x128xf32, #tpu.memory_space<vmem>>) dst(%dma_wait3A_448 : memref<128x128xf32, #tpu.memory_space<hbm>>)
      tpu.yield
    }) : () -> ()
    %barrier3A_333 = arith.constant 0 : index
    tpu.barrier barrier_id(%barrier3A_333)
    %scan3A_334 = arith.constant 0 : i32
    %scan3A_335 = arith.constant 0 : i32
    %scan3A_336 = arith.constant 128 : i32
    %scan3A_337 = arith.addi %scan3A_335, %scan3A_336 : i32
    %scan3A_338 = arith.constant 1 : i32
    %scan3A_339 = scf.for %scan3A_442 = %scan3A_335 to %scan3A_337 step %scan3A_338 iter_args(%scan3A_443 = %scan3A_334) -> (i32)  : i32 {
      %broadcast_in_dim3A = arith.constant 0.000000e+00 : f32
      %broadcast_in_dim3A_444 = vector.broadcast %broadcast_in_dim3A : f32 to vector<16xf32>
      %swap3A = arith.index_cast %scan3A_442 : i32 to index
      %swap3A_445 = arith.constant 0 : index
      %swap3A_446 = tpu.vector_load %arg11[%swap3A, %swap3A_445] {strides = array<i32>} : memref<128x128xf32, #tpu.memory_space<vmem>>, vector<1x16xf32>,
      %swap3A_447 = vector.shape_cast %swap3A_446 : vector<1x16xf32> to vector<16xf32>
      %swap3A_448 = vector.shape_cast %broadcast_in_dim3A_444 : vector<16xf32> to vector<1x16xf32>
      tpu.vector_store %arg11[%swap3A, %swap3A_445], %swap3A_448 {strides = array<i32>} : memref<128x128xf32, #tpu.memory_space<vmem>>, vector<1x16xf32>,
      %broadcast_in_dim3A_449 = arith.constant 0.000000e+00 : f32
      %broadcast_in_dim3A_450 = vector.broadcast %broadcast_in_dim3A_449 : f32 to vector<16xf32>
      %swap3A_451 = arith.index_cast %scan3A_442 : i32 to index
      %swap3A_452 = arith.constant 16 : index
      %swap3A_453 = tpu.vector_load %arg11[%swap3A_451, %swap3A_452] {strides = array<i32>} : memref<128x128xf32, #tpu.memory_space<vmem>>, vector<1x16xf32>,
      %swap3A_454 = vector.shape_cast %swap3A_453 : vector<1x16xf32> to vector<16xf32>
      %swap3A_455 = vector.shape_cast %broadcast_in_dim3A_450 : vector<16xf32> to vector<1x16xf32>
      tpu.vector_store %arg11[%swap3A_451, %swap3A_452], %swap3A_455 {strides = array<i32>} : memref<128x128xf32, #tpu.memory_space<vmem>>, vector<1x16xf32>,
      %broadcast_in_dim3A_456 = arith.constant 0.000000e+00 : f32
      %broadcast_in_dim3A_457 = vector.broadcast %broadcast_in_dim3A_456 : f32 to vector<16xf32>
      %swap3A_458 = arith.index_cast %scan3A_442 : i32 to index
      %swap3A_459 = arith.constant 32 : index
      %swap3A_460 = tpu.vector_load %arg11[%swap3A_458, %swap3A_459] {strides = array<i32>} : memref<128x128xf32, #tpu.memory_space<vmem>>, vector<1x16xf32>,
      %swap3A_461 = vector.shape_cast %swap3A_460 : vector<1x16xf32> to vector<16xf32>
      %swap3A_462 = vector.shape_cast %broadcast_in_dim3A_457 : vector<16xf32> to vector<1x16xf32>
      tpu.vector_store %arg11[%swap3A_458, %swap3A_459], %swap3A_462 {strides = array<i32>} : memref<128x128xf32, #tpu.memory_space<vmem>>, vector<1x16xf32>,
      %broadcast_in_dim3A_463 = arith.constant 0.000000e+00 : f32
      %broadcast_in_dim3A_464 = vector.broadcast %broadcast_in_dim3A_463 : f32 to vector<16xf32>
      %swap3A_465 = arith.index_cast %scan3A_442 : i32 to index
      %swap3A_466 = arith.constant 48 : index
      %swap3A_467 = tpu.vector_load %arg11[%swap3A_465, %swap3A_466] {strides = array<i32>} : memref<128x128xf32, #tpu.memory_space<vmem>>, vector<1x16xf32>,
      %swap3A_468 = vector.shape_cast %swap3A_467 : vector<1x16xf32> to vector<16xf32>
      %swap3A_469 = vector.shape_cast %broadcast_in_dim3A_464 : vector<16xf32> to vector<1x16xf32>
      tpu.vector_store %arg11[%swap3A_465, %swap3A_466], %swap3A_469 {strides = array<i32>} : memref<128x128xf32, #tpu.memory_space<vmem>>, vector<1x16xf32>,
      %broadcast_in_dim3A_470 = arith.constant 0.000000e+00 : f32
      %broadcast_in_dim3A_471 = vector.broadcast %broadcast_in_dim3A_470 : f32 to vector<16xf32>
      %swap3A_472 = arith.index_cast %scan3A_442 : i32 to index
      %swap3A_473 = arith.constant 64 : index
      %swap3A_474 = tpu.vector_load %arg11[%swap3A_472, %swap3A_473] {strides = array<i32>} : memref<128x128xf32, #tpu.memory_space<vmem>>, vector<1x16xf32>,
      %swap3A_475 = vector.shape_cast %swap3A_474 : vector<1x16xf32> to vector<16xf32>
      %swap3A_476 = vector.shape_cast %broadcast_in_dim3A_471 : vector<16xf32> to vector<1x16xf32>
      tpu.vector_store %arg11[%swap3A_472, %swap3A_473], %swap3A_476 {strides = array<i32>} : memref<128x128xf32, #tpu.memory_space<vmem>>, vector<1x16xf32>,
      %broadcast_in_dim3A_477 = arith.constant 0.000000e+00 : f32
      %broadcast_in_dim3A_478 = vector.broadcast %broadcast_in_dim3A_477 : f32 to vector<16xf32>
      %swap3A_479 = arith.index_cast %scan3A_442 : i32 to index
      %swap3A_480 = arith.constant 80 : index
      %swap3A_481 = tpu.vector_load %arg11[%swap3A_479, %swap3A_480] {strides = array<i32>} : memref<128x128xf32, #tpu.memory_space<vmem>>, vector<1x16xf32>,
      %swap3A_482 = vector.shape_cast %swap3A_481 : vector<1x16xf32> to vector<16xf32>
      %swap3A_483 = vector.shape_cast %broadcast_in_dim3A_478 : vector<16xf32> to vector<1x16xf32>
      tpu.vector_store %arg11[%swap3A_479, %swap3A_480], %swap3A_483 {strides = array<i32>} : memref<128x128xf32, #tpu.memory_space<vmem>>, vector<1x16xf32>,
      %broadcast_in_dim3A_484 = arith.constant 0.000000e+00 : f32
      %broadcast_in_dim3A_485 = vector.broadcast %broadcast_in_dim3A_484 : f32 to vector<16xf32>
      %swap3A_486 = arith.index_cast %scan3A_442 : i32 to index
      %swap3A_487 = arith.constant 96 : index
      %swap3A_488 = tpu.vector_load %arg11[%swap3A_486, %swap3A_487] {strides = array<i32>} : memref<128x128xf32, #tpu.memory_space<vmem>>, vector<1x16xf32>,
      %swap3A_489 = vector.shape_cast %swap3A_488 : vector<1x16xf32> to vector<16xf32>
      %swap3A_490 = vector.shape_cast %broadcast_in_dim3A_485 : vector<16xf32> to vector<1x16xf32>
      tpu.vector_store %arg11[%swap3A_486, %swap3A_487], %swap3A_490 {strides = array<i32>} : memref<128x128xf32, #tpu.memory_space<vmem>>, vector<1x16xf32>,
      %broadcast_in_dim3A_491 = arith.constant 0.000000e+00 : f32
      %broadcast_in_dim3A_492 = vector.broadcast %broadcast_in_dim3A_491 : f32 to vector<16xf32>
      %swap3A_493 = arith.index_cast %scan3A_442 : i32 to index
      %swap3A_494 = arith.constant 112 : index
      %swap3A_495 = tpu.vector_load %arg11[%swap3A_493, %swap3A_494] {strides = array<i32>} : memref<128x128xf32, #tpu.memory_space<vmem>>, vector<1x16xf32>,
      %swap3A_496 = vector.shape_cast %swap3A_495 : vector<1x16xf32> to vector<16xf32>
      %swap3A_497 = vector.shape_cast %broadcast_in_dim3A_492 : vector<16xf32> to vector<1x16xf32>
      tpu.vector_store %arg11[%swap3A_493, %swap3A_494], %swap3A_497 {strides = array<i32>} : memref<128x128xf32, #tpu.memory_space<vmem>>, vector<1x16xf32>,
      %scan3A_498 = arith.constant 0 : i32
      scf.yield %scan3A_498 : i32
    }
    %scan3A_340 = arith.constant 128 : i32
    %mul3A_341 = arith.constant 640 : i32
    %mul3A_342 = arith.muli %arg1, %mul3A_341 : i32
    %add3A_343 = arith.constant 0 : i32
    %add3A_344 = arith.addi %mul3A_342, %add3A_343 : i32
    "tpu.region"() ({
      %run_scoped3A = tpu.sem_alloc : memref<!tpu.dma_semaphore, #tpu.memory_space<semaphore_mem>>
      %dma_start3A_442 = arith.constant 0 : i32
      %dma_start3A_443 = tpu.memref_slice %arg13[%add3A_344, %dma_start3A_442] : memref<10240x128xf32, #tpu.memory_space<vmem_shared>> -> memref<128x128xf32, #tpu.memory_space<vmem_shared>>
      %dma_start3A_444 = arith.constant 0 : i32
      %dma_start3A_445 = tpu.memref_slice %arg13[%add3A_344, %dma_start3A_444] : memref<10240x128xf32, #tpu.memory_space<vmem_shared>> -> memref<128x128xf32, #tpu.memory_space<vmem_shared>>
      tpu.enqueue_dma source(%arg11 : memref<128x128xf32, #tpu.memory_space<vmem>>) target(%dma_start3A_445 : memref<128x128xf32, #tpu.memory_space<vmem_shared>>) target_semaphore(%run_scoped3A : memref<!tpu.dma_semaphore, #tpu.memory_space<semaphore_mem>>)
      %dma_wait3A = arith.constant 0 : i32
      %dma_wait3A_446 = tpu.memref_slice %arg13[%add3A_344, %dma_wait3A] : memref<10240x128xf32, #tpu.memory_space<vmem_shared>> -> memref<128x128xf32, #tpu.memory_space<vmem_shared>>
      %dma_wait3A_447 = arith.constant 0 : i32
      %dma_wait3A_448 = tpu.memref_slice %arg13[%add3A_344, %dma_wait3A_447] : memref<10240x128xf32, #tpu.memory_space<vmem_shared>> -> memref<128x128xf32, #tpu.memory_space<vmem_shared>>
      tpu.wait_dma2 semaphore(%run_scoped3A : memref<!tpu.dma_semaphore, #tpu.memory_space<semaphore_mem>>) src(%arg11 : memref<128x128xf32, #tpu.memory_space<vmem>>) dst(%dma_wait3A_448 : memref<128x128xf32, #tpu.memory_space<vmem_shared>>)
      tpu.yield
    }) : () -> ()
    %mul3A_345 = arith.constant 640 : i32
    %mul3A_346 = arith.muli %arg1, %mul3A_345 : i32
    %add3A_347 = arith.constant 128 : i32
    %add3A_348 = arith.addi %mul3A_346, %add3A_347 : i32
    "tpu.region"() ({
      %run_scoped3A = tpu.sem_alloc : memref<!tpu.dma_semaphore, #tpu.memory_space<semaphore_mem>>
      %dma_start3A_442 = arith.constant 0 : i32
      %dma_start3A_443 = tpu.memref_slice %arg13[%add3A_348, %dma_start3A_442] : memref<10240x128xf32, #tpu.memory_space<vmem_shared>> -> memref<128x128xf32, #tpu.memory_space<vmem_shared>>
      %dma_start3A_444 = arith.constant 0 : i32
      %dma_start3A_445 = tpu.memref_slice %arg13[%add3A_348, %dma_start3A_444] : memref<10240x128xf32, #tpu.memory_space<vmem_shared>> -> memref<128x128xf32, #tpu.memory_space<vmem_shared>>
      tpu.enqueue_dma source(%arg11 : memref<128x128xf32, #tpu.memory_space<vmem>>) target(%dma_start3A_445 : memref<128x128xf32, #tpu.memory_space<vmem_shared>>) target_semaphore(%run_scoped3A : memref<!tpu.dma_semaphore, #tpu.memory_space<semaphore_mem>>)
      %dma_wait3A = arith.constant 0 : i32
      %dma_wait3A_446 = tpu.memref_slice %arg13[%add3A_348, %dma_wait3A] : memref<10240x128xf32, #tpu.memory_space<vmem_shared>> -> memref<128x128xf32, #tpu.memory_space<vmem_shared>>
      %dma_wait3A_447 = arith.constant 0 : i32
      %dma_wait3A_448 = tpu.memref_slice %arg13[%add3A_348, %dma_wait3A_447] : memref<10240x128xf32, #tpu.memory_space<vmem_shared>> -> memref<128x128xf32, #tpu.memory_space<vmem_shared>>
      tpu.wait_dma2 semaphore(%run_scoped3A : memref<!tpu.dma_semaphore, #tpu.memory_space<semaphore_mem>>) src(%arg11 : memref<128x128xf32, #tpu.memory_space<vmem>>) dst(%dma_wait3A_448 : memref<128x128xf32, #tpu.memory_space<vmem_shared>>)
      tpu.yield
    }) : () -> ()
    %mul3A_349 = arith.constant 640 : i32
    %mul3A_350 = arith.muli %arg1, %mul3A_349 : i32
    %add3A_351 = arith.constant 256 : i32
    %add3A_352 = arith.addi %mul3A_350, %add3A_351 : i32
    "tpu.region"() ({
      %run_scoped3A = tpu.sem_alloc : memref<!tpu.dma_semaphore, #tpu.memory_space<semaphore_mem>>
      %dma_start3A_442 = arith.constant 0 : i32
      %dma_start3A_443 = tpu.memref_slice %arg13[%add3A_352, %dma_start3A_442] : memref<10240x128xf32, #tpu.memory_space<vmem_shared>> -> memref<128x128xf32, #tpu.memory_space<vmem_shared>>
      %dma_start3A_444 = arith.constant 0 : i32
      %dma_start3A_445 = tpu.memref_slice %arg13[%add3A_352, %dma_start3A_444] : memref<10240x128xf32, #tpu.memory_space<vmem_shared>> -> memref<128x128xf32, #tpu.memory_space<vmem_shared>>
      tpu.enqueue_dma source(%arg11 : memref<128x128xf32, #tpu.memory_space<vmem>>) target(%dma_start3A_445 : memref<128x128xf32, #tpu.memory_space<vmem_shared>>) target_semaphore(%run_scoped3A : memref<!tpu.dma_semaphore, #tpu.memory_space<semaphore_mem>>)
      %dma_wait3A = arith.constant 0 : i32
      %dma_wait3A_446 = tpu.memref_slice %arg13[%add3A_352, %dma_wait3A] : memref<10240x128xf32, #tpu.memory_space<vmem_shared>> -> memref<128x128xf32, #tpu.memory_space<vmem_shared>>
      %dma_wait3A_447 = arith.constant 0 : i32
      %dma_wait3A_448 = tpu.memref_slice %arg13[%add3A_352, %dma_wait3A_447] : memref<10240x128xf32, #tpu.memory_space<vmem_shared>> -> memref<128x128xf32, #tpu.memory_space<vmem_shared>>
      tpu.wait_dma2 semaphore(%run_scoped3A : memref<!tpu.dma_semaphore, #tpu.memory_space<semaphore_mem>>) src(%arg11 : memref<128x128xf32, #tpu.memory_space<vmem>>) dst(%dma_wait3A_448 : memref<128x128xf32, #tpu.memory_space<vmem_shared>>)
      tpu.yield
    }) : () -> ()
    %mul3A_353 = arith.constant 640 : i32
    %mul3A_354 = arith.muli %arg1, %mul3A_353 : i32
    %add3A_355 = arith.constant 384 : i32
    %add3A_356 = arith.addi %mul3A_354, %add3A_355 : i32
    "tpu.region"() ({
      %run_scoped3A = tpu.sem_alloc : memref<!tpu.dma_semaphore, #tpu.memory_space<semaphore_mem>>
      %dma_start3A_442 = arith.constant 0 : i32
      %dma_start3A_443 = tpu.memref_slice %arg13[%add3A_356, %dma_start3A_442] : memref<10240x128xf32, #tpu.memory_space<vmem_shared>> -> memref<128x128xf32, #tpu.memory_space<vmem_shared>>
      %dma_start3A_444 = arith.constant 0 : i32
      %dma_start3A_445 = tpu.memref_slice %arg13[%add3A_356, %dma_start3A_444] : memref<10240x128xf32, #tpu.memory_space<vmem_shared>> -> memref<128x128xf32, #tpu.memory_space<vmem_shared>>
      tpu.enqueue_dma source(%arg11 : memref<128x128xf32, #tpu.memory_space<vmem>>) target(%dma_start3A_445 : memref<128x128xf32, #tpu.memory_space<vmem_shared>>) target_semaphore(%run_scoped3A : memref<!tpu.dma_semaphore, #tpu.memory_space<semaphore_mem>>)
      %dma_wait3A = arith.constant 0 : i32
      %dma_wait3A_446 = tpu.memref_slice %arg13[%add3A_356, %dma_wait3A] : memref<10240x128xf32, #tpu.memory_space<vmem_shared>> -> memref<128x128xf32, #tpu.memory_space<vmem_shared>>
      %dma_wait3A_447 = arith.constant 0 : i32
      %dma_wait3A_448 = tpu.memref_slice %arg13[%add3A_356, %dma_wait3A_447] : memref<10240x128xf32, #tpu.memory_space<vmem_shared>> -> memref<128x128xf32, #tpu.memory_space<vmem_shared>>
      tpu.wait_dma2 semaphore(%run_scoped3A : memref<!tpu.dma_semaphore, #tpu.memory_space<semaphore_mem>>) src(%arg11 : memref<128x128xf32, #tpu.memory_space<vmem>>) dst(%dma_wait3A_448 : memref<128x128xf32, #tpu.memory_space<vmem_shared>>)
      tpu.yield
    }) : () -> ()
    %mul3A_357 = arith.constant 640 : i32
    %mul3A_358 = arith.muli %arg1, %mul3A_357 : i32
    %add3A_359 = arith.constant 512 : i32
    %add3A_360 = arith.addi %mul3A_358, %add3A_359 : i32
    "tpu.region"() ({
      %run_scoped3A = tpu.sem_alloc : memref<!tpu.dma_semaphore, #tpu.memory_space<semaphore_mem>>
      %dma_start3A_442 = arith.constant 0 : i32
      %dma_start3A_443 = tpu.memref_slice %arg13[%add3A_360, %dma_start3A_442] : memref<10240x128xf32, #tpu.memory_space<vmem_shared>> -> memref<128x128xf32, #tpu.memory_space<vmem_shared>>
      %dma_start3A_444 = arith.constant 0 : i32
      %dma_start3A_445 = tpu.memref_slice %arg13[%add3A_360, %dma_start3A_444] : memref<10240x128xf32, #tpu.memory_space<vmem_shared>> -> memref<128x128xf32, #tpu.memory_space<vmem_shared>>
      tpu.enqueue_dma source(%arg11 : memref<128x128xf32, #tpu.memory_space<vmem>>) target(%dma_start3A_445 : memref<128x128xf32, #tpu.memory_space<vmem_shared>>) target_semaphore(%run_scoped3A : memref<!tpu.dma_semaphore, #tpu.memory_space<semaphore_mem>>)
      %dma_wait3A = arith.constant 0 : i32
      %dma_wait3A_446 = tpu.memref_slice %arg13[%add3A_360, %dma_wait3A] : memref<10240x128xf32, #tpu.memory_space<vmem_shared>> -> memref<128x128xf32, #tpu.memory_space<vmem_shared>>
      %dma_wait3A_447 = arith.constant 0 : i32
      %dma_wait3A_448 = tpu.memref_slice %arg13[%add3A_360, %dma_wait3A_447] : memref<10240x128xf32, #tpu.memory_space<vmem_shared>> -> memref<128x128xf32, #tpu.memory_space<vmem_shared>>
      tpu.wait_dma2 semaphore(%run_scoped3A : memref<!tpu.dma_semaphore, #tpu.memory_space<semaphore_mem>>) src(%arg11 : memref<128x128xf32, #tpu.memory_space<vmem>>) dst(%dma_wait3A_448 : memref<128x128xf32, #tpu.memory_space<vmem_shared>>)
      tpu.yield
    }) : () -> ()
    %barrier3A_361 = arith.constant 0 : index
    tpu.barrier barrier_id(%barrier3A_361)
    %dma_start3A_362 = arith.constant 0 : i32
    %dma_start3A_363 = arith.constant 0 : i32
    %dma_start3A_364 = tpu.memref_slice %arg9[%dma_start3A_362, %dma_start3A_363] : memref<40x128xi32, #tpu.memory_space<vmem>> -> memref<1x128xi32, #tpu.memory_space<vmem>>
    %dma_start3A_365 = tpu.memref_squeeze %dma_start3A_364 : memref<1x128xi32, #tpu.memory_space<vmem>> -> memref<128xi32, #tpu.memory_space<vmem>>
    %dma_start3A_366 = arith.constant 0 : i32
    %dma_start3A_367 = arith.constant 0 : i32
    %dma_start3A_368 = tpu.memref_slice %arg7[%dma_start3A_366, %dma_start3A_367] : memref<10240x128xf32, #tpu.memory_space<hbm>> -> memref<10240x128xf32, #tpu.memory_space<hbm>>
    tpu.enqueue_indirect_dma source(%dma_start3A_368 : memref<10240x128xf32, #tpu.memory_space<hbm>>) target(%arg11 : memref<128x128xf32, #tpu.memory_space<vmem>>) offsets(%dma_start3A_365 : memref<128xi32, #tpu.memory_space<vmem>>) semaphore(%arg14 : memref<!tpu.dma_semaphore, #tpu.memory_space<semaphore_mem>>)
    %scan3A_369 = arith.constant 0 : i32
    %scan3A_370 = arith.constant 0 : i32
    %scan3A_371 = arith.constant 20 : i32
    %scan3A_372 = arith.addi %scan3A_370, %scan3A_371 : i32
    %scan3A_373 = arith.constant 1 : i32
    %scan3A_374 = scf.for %scan3A_442 = %scan3A_370 to %scan3A_372 step %scan3A_373 iter_args(%scan3A_443 = %scan3A_369) -> (i32)  : i32 {
      %mul3A_444 = arith.constant 2 : i32
      %mul3A_445 = arith.muli %mul3A_444, %scan3A_442 : i32
      %add3A_446 = arith.constant 1 : i32
      %add3A_447 = arith.addi %mul3A_445, %add3A_446 : i32
      %dma_start3A_448 = arith.constant 0 : i32
      %dma_start3A_449 = tpu.memref_slice %arg9[%add3A_447, %dma_start3A_448] : memref<40x128xi32, #tpu.memory_space<vmem>> -> memref<1x128xi32, #tpu.memory_space<vmem>>
      %dma_start3A_450 = tpu.memref_squeeze %dma_start3A_449 : memref<1x128xi32, #tpu.memory_space<vmem>> -> memref<128xi32, #tpu.memory_space<vmem>>
      %dma_start3A_451 = arith.constant 0 : i32
      %dma_start3A_452 = arith.constant 0 : i32
      %dma_start3A_453 = tpu.memref_slice %arg7[%dma_start3A_451, %dma_start3A_452] : memref<10240x128xf32, #tpu.memory_space<hbm>> -> memref<10240x128xf32, #tpu.memory_space<hbm>>
      tpu.enqueue_indirect_dma source(%dma_start3A_453 : memref<10240x128xf32, #tpu.memory_space<hbm>>) target(%arg12 : memref<128x128xf32, #tpu.memory_space<vmem>>) offsets(%dma_start3A_450 : memref<128xi32, #tpu.memory_space<vmem>>) semaphore(%arg15 : memref<!tpu.dma_semaphore, #tpu.memory_space<semaphore_mem>>)
      %dma_wait3A = arith.constant 0 : i32
      %dma_wait3A_454 = tpu.memref_slice %arg9[%mul3A_445, %dma_wait3A] : memref<40x128xi32, #tpu.memory_space<vmem>> -> memref<1x128xi32, #tpu.memory_space<vmem>>
      %dma_wait3A_455 = tpu.memref_squeeze %dma_wait3A_454 : memref<1x128xi32, #tpu.memory_space<vmem>> -> memref<128xi32, #tpu.memory_space<vmem>>
      %dma_wait3A_456 = arith.constant 0 : i32
      %dma_wait3A_457 = arith.constant 0 : i32
      %dma_wait3A_458 = tpu.memref_slice %arg7[%dma_wait3A_456, %dma_wait3A_457] : memref<10240x128xf32, #tpu.memory_space<hbm>> -> memref<10240x128xf32, #tpu.memory_space<hbm>>
      tpu.wait_indirect_dma semaphore(%arg14 : memref<!tpu.dma_semaphore, #tpu.memory_space<semaphore_mem>>) src(%dma_wait3A_458 : memref<10240x128xf32, #tpu.memory_space<hbm>>) dst(%arg11 : memref<128x128xf32, #tpu.memory_space<vmem>>)
      "tpu.region"() ({
        %run_scoped3A = tpu.sem_alloc : memref<!tpu.dma_semaphore, #tpu.memory_space<semaphore_mem>>
        %dma_start3A_474 = arith.constant 0 : i32
        %dma_start3A_475 = tpu.memref_slice %arg10[%mul3A_445, %dma_start3A_474] : memref<40x128xi32, #tpu.memory_space<vmem>> -> memref<1x128xi32, #tpu.memory_space<vmem>>
        %dma_start3A_476 = tpu.memref_squeeze %dma_start3A_475 : memref<1x128xi32, #tpu.memory_space<vmem>> -> memref<128xi32, #tpu.memory_space<vmem>>
        %dma_start3A_477 = arith.constant 0 : i32
        %dma_start3A_478 = arith.constant 0 : i32
        %dma_start3A_479 = tpu.memref_slice %arg13[%dma_start3A_477, %dma_start3A_478] : memref<10240x128xf32, #tpu.memory_space<vmem_shared>> -> memref<10240x128xf32, #tpu.memory_space<vmem_shared>>
        tpu.enqueue_indirect_dma source(%arg11 : memref<128x128xf32, #tpu.memory_space<vmem>>) target(%dma_start3A_479 : memref<10240x128xf32, #tpu.memory_space<vmem_shared>>) offsets(%dma_start3A_476 : memref<128xi32, #tpu.memory_space<vmem>>) semaphore(%run_scoped3A : memref<!tpu.dma_semaphore, #tpu.memory_space<semaphore_mem>>) {add = true}
        %dma_wait3A_480 = arith.constant 0 : i32
        %dma_wait3A_481 = tpu.memref_slice %arg10[%mul3A_445, %dma_wait3A_480] : memref<40x128xi32, #tpu.memory_space<vmem>> -> memref<1x128xi32, #tpu.memory_space<vmem>>
        %dma_wait3A_482 = tpu.memref_squeeze %dma_wait3A_481 : memref<1x128xi32, #tpu.memory_space<vmem>> -> memref<128xi32, #tpu.memory_space<vmem>>
        %dma_wait3A_483 = arith.constant 0 : i32
        %dma_wait3A_484 = arith.constant 0 : i32
        %dma_wait3A_485 = tpu.memref_slice %arg13[%dma_wait3A_483, %dma_wait3A_484] : memref<10240x128xf32, #tpu.memory_space<vmem_shared>> -> memref<10240x128xf32, #tpu.memory_space<vmem_shared>>
        tpu.wait_indirect_dma semaphore(%run_scoped3A : memref<!tpu.dma_semaphore, #tpu.memory_space<semaphore_mem>>) src(%arg11 : memref<128x128xf32, #tpu.memory_space<vmem>>) dst(%dma_wait3A_485 : memref<10240x128xf32, #tpu.memory_space<vmem_shared>>)
        tpu.yield
      }) : () -> ()
      %add3A_459 = arith.constant 1 : i32
      %add3A_460 = arith.addi %scan3A_442, %add3A_459 : i32
      %lt3A = arith.constant 20 : i32
      %lt3A_461 = arith.cmpi slt, %add3A_460, %lt3A : i32
      %convert_element_type3A = arith.extui %lt3A_461 : i1 to i32
      %cond3A = arith.constant 0 : i32
      %cond3A_462 = arith.cmpi ne, %convert_element_type3A, %cond3A : i32
      scf.if %cond3A_462 {
        %add3A_474 = arith.constant 2 : i32
        %add3A_475 = arith.addi %mul3A_445, %add3A_474 : i32
        %dma_start3A_476 = arith.constant 0 : i32
        %dma_start3A_477 = tpu.memref_slice %arg9[%add3A_475, %dma_start3A_476] : memref<40x128xi32, #tpu.memory_space<vmem>> -> memref<1x128xi32, #tpu.memory_space<vmem>>
        %dma_start3A_478 = tpu.memref_squeeze %dma_start3A_477 : memref<1x128xi32, #tpu.memory_space<vmem>> -> memref<128xi32, #tpu.memory_space<vmem>>
        %dma_start3A_479 = arith.constant 0 : i32
        %dma_start3A_480 = arith.constant 0 : i32
        %dma_start3A_481 = tpu.memref_slice %arg7[%dma_start3A_479, %dma_start3A_480] : memref<10240x128xf32, #tpu.memory_space<hbm>> -> memref<10240x128xf32, #tpu.memory_space<hbm>>
        tpu.enqueue_indirect_dma source(%dma_start3A_481 : memref<10240x128xf32, #tpu.memory_space<hbm>>) target(%arg11 : memref<128x128xf32, #tpu.memory_space<vmem>>) offsets(%dma_start3A_478 : memref<128xi32, #tpu.memory_space<vmem>>) semaphore(%arg14 : memref<!tpu.dma_semaphore, #tpu.memory_space<semaphore_mem>>)
      } else {
      }
      %add3A_463 = arith.constant 1 : i32
      %add3A_464 = arith.addi %mul3A_445, %add3A_463 : i32
      %dma_wait3A_465 = arith.constant 0 : i32
      %dma_wait3A_466 = tpu.memref_slice %arg9[%add3A_464, %dma_wait3A_465] : memref<40x128xi32, #tpu.memory_space<vmem>> -> memref<1x128xi32, #tpu.memory_space<vmem>>
      %dma_wait3A_467 = tpu.memref_squeeze %dma_wait3A_466 : memref<1x128xi32, #tpu.memory_space<vmem>> -> memref<128xi32, #tpu.memory_space<vmem>>
      %dma_wait3A_468 = arith.constant 0 : i32
      %dma_wait3A_469 = arith.constant 0 : i32
      %dma_wait3A_470 = tpu.memref_slice %arg7[%dma_wait3A_468, %dma_wait3A_469] : memref<10240x128xf32, #tpu.memory_space<hbm>> -> memref<10240x128xf32, #tpu.memory_space<hbm>>
      tpu.wait_indirect_dma semaphore(%arg15 : memref<!tpu.dma_semaphore, #tpu.memory_space<semaphore_mem>>) src(%dma_wait3A_470 : memref<10240x128xf32, #tpu.memory_space<hbm>>) dst(%arg12 : memref<128x128xf32, #tpu.memory_space<vmem>>)
      %add3A_471 = arith.constant 1 : i32
      %add3A_472 = arith.addi %mul3A_445, %add3A_471 : i32
      "tpu.region"() ({
        %run_scoped3A = tpu.sem_alloc : memref<!tpu.dma_semaphore, #tpu.memory_space<semaphore_mem>>
        %dma_start3A_474 = arith.constant 0 : i32
        %dma_start3A_475 = tpu.memref_slice %arg10[%add3A_472, %dma_start3A_474] : memref<40x128xi32, #tpu.memory_space<vmem>> -> memref<1x128xi32, #tpu.memory_space<vmem>>
        %dma_start3A_476 = tpu.memref_squeeze %dma_start3A_475 : memref<1x128xi32, #tpu.memory_space<vmem>> -> memref<128xi32, #tpu.memory_space<vmem>>
        %dma_start3A_477 = arith.constant 0 : i32
        %dma_start3A_478 = arith.constant 0 : i32
        %dma_start3A_479 = tpu.memref_slice %arg13[%dma_start3A_477, %dma_start3A_478] : memref<10240x128xf32, #tpu.memory_space<vmem_shared>> -> memref<10240x128xf32, #tpu.memory_space<vmem_shared>>
        tpu.enqueue_indirect_dma source(%arg12 : memref<128x128xf32, #tpu.memory_space<vmem>>) target(%dma_start3A_479 : memref<10240x128xf32, #tpu.memory_space<vmem_shared>>) offsets(%dma_start3A_476 : memref<128xi32, #tpu.memory_space<vmem>>) semaphore(%run_scoped3A : memref<!tpu.dma_semaphore, #tpu.memory_space<semaphore_mem>>) {add = true}
        %dma_wait3A_480 = arith.constant 0 : i32
        %dma_wait3A_481 = tpu.memref_slice %arg10[%add3A_472, %dma_wait3A_480] : memref<40x128xi32, #tpu.memory_space<vmem>> -> memref<1x128xi32, #tpu.memory_space<vmem>>
        %dma_wait3A_482 = tpu.memref_squeeze %dma_wait3A_481 : memref<1x128xi32, #tpu.memory_space<vmem>> -> memref<128xi32, #tpu.memory_space<vmem>>
        %dma_wait3A_483 = arith.constant 0 : i32
        %dma_wait3A_484 = arith.constant 0 : i32
        %dma_wait3A_485 = tpu.memref_slice %arg13[%dma_wait3A_483, %dma_wait3A_484] : memref<10240x128xf32, #tpu.memory_space<vmem_shared>> -> memref<10240x128xf32, #tpu.memory_space<vmem_shared>>
        tpu.wait_indirect_dma semaphore(%run_scoped3A : memref<!tpu.dma_semaphore, #tpu.memory_space<semaphore_mem>>) src(%arg12 : memref<128x128xf32, #tpu.memory_space<vmem>>) dst(%dma_wait3A_485 : memref<10240x128xf32, #tpu.memory_space<vmem_shared>>)
        tpu.yield
      }) : () -> ()
      %scan3A_473 = arith.constant 0 : i32
      scf.yield %scan3A_473 : i32
    }
    %scan3A_375 = arith.constant 20 : i32
    %barrier3A_376 = arith.constant 0 : index
    tpu.barrier barrier_id(%barrier3A_376)
    %mul3A_377 = arith.constant 640 : i32
    %mul3A_378 = arith.muli %arg1, %mul3A_377 : i32
    %add3A_379 = arith.constant 0 : i32
    %add3A_380 = arith.addi %mul3A_378, %add3A_379 : i32
    "tpu.region"() ({
      %run_scoped3A = tpu.sem_alloc : memref<!tpu.dma_semaphore, #tpu.memory_space<semaphore_mem>>
      %dma_start3A_442 = arith.constant 0 : i32
      %dma_start3A_443 = tpu.memref_slice %arg13[%add3A_380, %dma_start3A_442] : memref<10240x128xf32, #tpu.memory_space<vmem_shared>> -> memref<128x128xf32, #tpu.memory_space<vmem_shared>>
      %dma_start3A_444 = arith.constant 0 : i32
      %dma_start3A_445 = tpu.memref_slice %arg13[%add3A_380, %dma_start3A_444] : memref<10240x128xf32, #tpu.memory_space<vmem_shared>> -> memref<128x128xf32, #tpu.memory_space<vmem_shared>>
      tpu.enqueue_dma source(%dma_start3A_445 : memref<128x128xf32, #tpu.memory_space<vmem_shared>>) target(%arg11 : memref<128x128xf32, #tpu.memory_space<vmem>>) target_semaphore(%run_scoped3A : memref<!tpu.dma_semaphore, #tpu.memory_space<semaphore_mem>>)
      %dma_wait3A = arith.constant 0 : i32
      %dma_wait3A_446 = tpu.memref_slice %arg13[%add3A_380, %dma_wait3A] : memref<10240x128xf32, #tpu.memory_space<vmem_shared>> -> memref<128x128xf32, #tpu.memory_space<vmem_shared>>
      %dma_wait3A_447 = arith.constant 0 : i32
      %dma_wait3A_448 = tpu.memref_slice %arg13[%add3A_380, %dma_wait3A_447] : memref<10240x128xf32, #tpu.memory_space<vmem_shared>> -> memref<128x128xf32, #tpu.memory_space<vmem_shared>>
      tpu.wait_dma2 semaphore(%run_scoped3A : memref<!tpu.dma_semaphore, #tpu.memory_space<semaphore_mem>>) src(%dma_wait3A_448 : memref<128x128xf32, #tpu.memory_space<vmem_shared>>) dst(%arg11 : memref<128x128xf32, #tpu.memory_space<vmem>>)
      tpu.yield
    }) : () -> ()
    %mul3A_381 = arith.constant 10240 : i32
    %mul3A_382 = arith.muli %arg0, %mul3A_381 : i32
    %add3A_383 = arith.constant 61440 : i32
    %add3A_384 = arith.addi %add3A_383, %mul3A_382 : i32
    %mul3A_385 = arith.constant 640 : i32
    %mul3A_386 = arith.muli %arg1, %mul3A_385 : i32
    %add3A_387 = arith.addi %add3A_384, %mul3A_386 : i32
    %add3A_388 = arith.constant 0 : i32
    %add3A_389 = arith.addi %add3A_387, %add3A_388 : i32
    "tpu.region"() ({
      %run_scoped3A = tpu.sem_alloc : memref<!tpu.dma_semaphore, #tpu.memory_space<semaphore_mem>>
      %dma_start3A_442 = arith.constant 0 : i32
      %dma_start3A_443 = tpu.memref_slice %arg8[%add3A_389, %dma_start3A_442] : memref<81920x128xf32, #tpu.memory_space<hbm>> -> memref<128x128xf32, #tpu.memory_space<hbm>>
      %dma_start3A_444 = arith.constant 0 : i32
      %dma_start3A_445 = tpu.memref_slice %arg8[%add3A_389, %dma_start3A_444] : memref<81920x128xf32, #tpu.memory_space<hbm>> -> memref<128x128xf32, #tpu.memory_space<hbm>>
      tpu.enqueue_dma source(%arg11 : memref<128x128xf32, #tpu.memory_space<vmem>>) target(%dma_start3A_445 : memref<128x128xf32, #tpu.memory_space<hbm>>) target_semaphore(%run_scoped3A : memref<!tpu.dma_semaphore, #tpu.memory_space<semaphore_mem>>)
      %dma_wait3A = arith.constant 0 : i32
      %dma_wait3A_446 = tpu.memref_slice %arg8[%add3A_389, %dma_wait3A] : memref<81920x128xf32, #tpu.memory_space<hbm>> -> memref<128x128xf32, #tpu.memory_space<hbm>>
      %dma_wait3A_447 = arith.constant 0 : i32
      %dma_wait3A_448 = tpu.memref_slice %arg8[%add3A_389, %dma_wait3A_447] : memref<81920x128xf32, #tpu.memory_space<hbm>> -> memref<128x128xf32, #tpu.memory_space<hbm>>
      tpu.wait_dma2 semaphore(%run_scoped3A : memref<!tpu.dma_semaphore, #tpu.memory_space<semaphore_mem>>) src(%arg11 : memref<128x128xf32, #tpu.memory_space<vmem>>) dst(%dma_wait3A_448 : memref<128x128xf32, #tpu.memory_space<hbm>>)
      tpu.yield
    }) : () -> ()
    %mul3A_390 = arith.constant 640 : i32
    %mul3A_391 = arith.muli %arg1, %mul3A_390 : i32
    %add3A_392 = arith.constant 128 : i32
    %add3A_393 = arith.addi %mul3A_391, %add3A_392 : i32
    "tpu.region"() ({
      %run_scoped3A = tpu.sem_alloc : memref<!tpu.dma_semaphore, #tpu.memory_space<semaphore_mem>>
      %dma_start3A_442 = arith.constant 0 : i32
      %dma_start3A_443 = tpu.memref_slice %arg13[%add3A_393, %dma_start3A_442] : memref<10240x128xf32, #tpu.memory_space<vmem_shared>> -> memref<128x128xf32, #tpu.memory_space<vmem_shared>>
      %dma_start3A_444 = arith.constant 0 : i32
      %dma_start3A_445 = tpu.memref_slice %arg13[%add3A_393, %dma_start3A_444] : memref<10240x128xf32, #tpu.memory_space<vmem_shared>> -> memref<128x128xf32, #tpu.memory_space<vmem_shared>>
      tpu.enqueue_dma source(%dma_start3A_445 : memref<128x128xf32, #tpu.memory_space<vmem_shared>>) target(%arg11 : memref<128x128xf32, #tpu.memory_space<vmem>>) target_semaphore(%run_scoped3A : memref<!tpu.dma_semaphore, #tpu.memory_space<semaphore_mem>>)
      %dma_wait3A = arith.constant 0 : i32
      %dma_wait3A_446 = tpu.memref_slice %arg13[%add3A_393, %dma_wait3A] : memref<10240x128xf32, #tpu.memory_space<vmem_shared>> -> memref<128x128xf32, #tpu.memory_space<vmem_shared>>
      %dma_wait3A_447 = arith.constant 0 : i32
      %dma_wait3A_448 = tpu.memref_slice %arg13[%add3A_393, %dma_wait3A_447] : memref<10240x128xf32, #tpu.memory_space<vmem_shared>> -> memref<128x128xf32, #tpu.memory_space<vmem_shared>>
      tpu.wait_dma2 semaphore(%run_scoped3A : memref<!tpu.dma_semaphore, #tpu.memory_space<semaphore_mem>>) src(%dma_wait3A_448 : memref<128x128xf32, #tpu.memory_space<vmem_shared>>) dst(%arg11 : memref<128x128xf32, #tpu.memory_space<vmem>>)
      tpu.yield
    }) : () -> ()
    %mul3A_394 = arith.constant 10240 : i32
    %mul3A_395 = arith.muli %arg0, %mul3A_394 : i32
    %add3A_396 = arith.constant 61440 : i32
    %add3A_397 = arith.addi %add3A_396, %mul3A_395 : i32
    %mul3A_398 = arith.constant 640 : i32
    %mul3A_399 = arith.muli %arg1, %mul3A_398 : i32
    %add3A_400 = arith.addi %add3A_397, %mul3A_399 : i32
    %add3A_401 = arith.constant 128 : i32
    %add3A_402 = arith.addi %add3A_400, %add3A_401 : i32
    "tpu.region"() ({
      %run_scoped3A = tpu.sem_alloc : memref<!tpu.dma_semaphore, #tpu.memory_space<semaphore_mem>>
      %dma_start3A_442 = arith.constant 0 : i32
      %dma_start3A_443 = tpu.memref_slice %arg8[%add3A_402, %dma_start3A_442] : memref<81920x128xf32, #tpu.memory_space<hbm>> -> memref<128x128xf32, #tpu.memory_space<hbm>>
      %dma_start3A_444 = arith.constant 0 : i32
      %dma_start3A_445 = tpu.memref_slice %arg8[%add3A_402, %dma_start3A_444] : memref<81920x128xf32, #tpu.memory_space<hbm>> -> memref<128x128xf32, #tpu.memory_space<hbm>>
      tpu.enqueue_dma source(%arg11 : memref<128x128xf32, #tpu.memory_space<vmem>>) target(%dma_start3A_445 : memref<128x128xf32, #tpu.memory_space<hbm>>) target_semaphore(%run_scoped3A : memref<!tpu.dma_semaphore, #tpu.memory_space<semaphore_mem>>)
      %dma_wait3A = arith.constant 0 : i32
      %dma_wait3A_446 = tpu.memref_slice %arg8[%add3A_402, %dma_wait3A] : memref<81920x128xf32, #tpu.memory_space<hbm>> -> memref<128x128xf32, #tpu.memory_space<hbm>>
      %dma_wait3A_447 = arith.constant 0 : i32
      %dma_wait3A_448 = tpu.memref_slice %arg8[%add3A_402, %dma_wait3A_447] : memref<81920x128xf32, #tpu.memory_space<hbm>> -> memref<128x128xf32, #tpu.memory_space<hbm>>
      tpu.wait_dma2 semaphore(%run_scoped3A : memref<!tpu.dma_semaphore, #tpu.memory_space<semaphore_mem>>) src(%arg11 : memref<128x128xf32, #tpu.memory_space<vmem>>) dst(%dma_wait3A_448 : memref<128x128xf32, #tpu.memory_space<hbm>>)
      tpu.yield
    }) : () -> ()
    %mul3A_403 = arith.constant 640 : i32
    %mul3A_404 = arith.muli %arg1, %mul3A_403 : i32
    %add3A_405 = arith.constant 256 : i32
    %add3A_406 = arith.addi %mul3A_404, %add3A_405 : i32
    "tpu.region"() ({
      %run_scoped3A = tpu.sem_alloc : memref<!tpu.dma_semaphore, #tpu.memory_space<semaphore_mem>>
      %dma_start3A_442 = arith.constant 0 : i32
      %dma_start3A_443 = tpu.memref_slice %arg13[%add3A_406, %dma_start3A_442] : memref<10240x128xf32, #tpu.memory_space<vmem_shared>> -> memref<128x128xf32, #tpu.memory_space<vmem_shared>>
      %dma_start3A_444 = arith.constant 0 : i32
      %dma_start3A_445 = tpu.memref_slice %arg13[%add3A_406, %dma_start3A_444] : memref<10240x128xf32, #tpu.memory_space<vmem_shared>> -> memref<128x128xf32, #tpu.memory_space<vmem_shared>>
      tpu.enqueue_dma source(%dma_start3A_445 : memref<128x128xf32, #tpu.memory_space<vmem_shared>>) target(%arg11 : memref<128x128xf32, #tpu.memory_space<vmem>>) target_semaphore(%run_scoped3A : memref<!tpu.dma_semaphore, #tpu.memory_space<semaphore_mem>>)
      %dma_wait3A = arith.constant 0 : i32
      %dma_wait3A_446 = tpu.memref_slice %arg13[%add3A_406, %dma_wait3A] : memref<10240x128xf32, #tpu.memory_space<vmem_shared>> -> memref<128x128xf32, #tpu.memory_space<vmem_shared>>
      %dma_wait3A_447 = arith.constant 0 : i32
      %dma_wait3A_448 = tpu.memref_slice %arg13[%add3A_406, %dma_wait3A_447] : memref<10240x128xf32, #tpu.memory_space<vmem_shared>> -> memref<128x128xf32, #tpu.memory_space<vmem_shared>>
      tpu.wait_dma2 semaphore(%run_scoped3A : memref<!tpu.dma_semaphore, #tpu.memory_space<semaphore_mem>>) src(%dma_wait3A_448 : memref<128x128xf32, #tpu.memory_space<vmem_shared>>) dst(%arg11 : memref<128x128xf32, #tpu.memory_space<vmem>>)
      tpu.yield
    }) : () -> ()
    %mul3A_407 = arith.constant 10240 : i32
    %mul3A_408 = arith.muli %arg0, %mul3A_407 : i32
    %add3A_409 = arith.constant 61440 : i32
    %add3A_410 = arith.addi %add3A_409, %mul3A_408 : i32
    %mul3A_411 = arith.constant 640 : i32
    %mul3A_412 = arith.muli %arg1, %mul3A_411 : i32
    %add3A_413 = arith.addi %add3A_410, %mul3A_412 : i32
    %add3A_414 = arith.constant 256 : i32
    %add3A_415 = arith.addi %add3A_413, %add3A_414 : i32
    "tpu.region"() ({
      %run_scoped3A = tpu.sem_alloc : memref<!tpu.dma_semaphore, #tpu.memory_space<semaphore_mem>>
      %dma_start3A_442 = arith.constant 0 : i32
      %dma_start3A_443 = tpu.memref_slice %arg8[%add3A_415, %dma_start3A_442] : memref<81920x128xf32, #tpu.memory_space<hbm>> -> memref<128x128xf32, #tpu.memory_space<hbm>>
      %dma_start3A_444 = arith.constant 0 : i32
      %dma_start3A_445 = tpu.memref_slice %arg8[%add3A_415, %dma_start3A_444] : memref<81920x128xf32, #tpu.memory_space<hbm>> -> memref<128x128xf32, #tpu.memory_space<hbm>>
      tpu.enqueue_dma source(%arg11 : memref<128x128xf32, #tpu.memory_space<vmem>>) target(%dma_start3A_445 : memref<128x128xf32, #tpu.memory_space<hbm>>) target_semaphore(%run_scoped3A : memref<!tpu.dma_semaphore, #tpu.memory_space<semaphore_mem>>)
      %dma_wait3A = arith.constant 0 : i32
      %dma_wait3A_446 = tpu.memref_slice %arg8[%add3A_415, %dma_wait3A] : memref<81920x128xf32, #tpu.memory_space<hbm>> -> memref<128x128xf32, #tpu.memory_space<hbm>>
      %dma_wait3A_447 = arith.constant 0 : i32
      %dma_wait3A_448 = tpu.memref_slice %arg8[%add3A_415, %dma_wait3A_447] : memref<81920x128xf32, #tpu.memory_space<hbm>> -> memref<128x128xf32, #tpu.memory_space<hbm>>
      tpu.wait_dma2 semaphore(%run_scoped3A : memref<!tpu.dma_semaphore, #tpu.memory_space<semaphore_mem>>) src(%arg11 : memref<128x128xf32, #tpu.memory_space<vmem>>) dst(%dma_wait3A_448 : memref<128x128xf32, #tpu.memory_space<hbm>>)
      tpu.yield
    }) : () -> ()
    %mul3A_416 = arith.constant 640 : i32
    %mul3A_417 = arith.muli %arg1, %mul3A_416 : i32
    %add3A_418 = arith.constant 384 : i32
    %add3A_419 = arith.addi %mul3A_417, %add3A_418 : i32
    "tpu.region"() ({
      %run_scoped3A = tpu.sem_alloc : memref<!tpu.dma_semaphore, #tpu.memory_space<semaphore_mem>>
      %dma_start3A_442 = arith.constant 0 : i32
      %dma_start3A_443 = tpu.memref_slice %arg13[%add3A_419, %dma_start3A_442] : memref<10240x128xf32, #tpu.memory_space<vmem_shared>> -> memref<128x128xf32, #tpu.memory_space<vmem_shared>>
      %dma_start3A_444 = arith.constant 0 : i32
      %dma_start3A_445 = tpu.memref_slice %arg13[%add3A_419, %dma_start3A_444] : memref<10240x128xf32, #tpu.memory_space<vmem_shared>> -> memref<128x128xf32, #tpu.memory_space<vmem_shared>>
      tpu.enqueue_dma source(%dma_start3A_445 : memref<128x128xf32, #tpu.memory_space<vmem_shared>>) target(%arg11 : memref<128x128xf32, #tpu.memory_space<vmem>>) target_semaphore(%run_scoped3A : memref<!tpu.dma_semaphore, #tpu.memory_space<semaphore_mem>>)
      %dma_wait3A = arith.constant 0 : i32
      %dma_wait3A_446 = tpu.memref_slice %arg13[%add3A_419, %dma_wait3A] : memref<10240x128xf32, #tpu.memory_space<vmem_shared>> -> memref<128x128xf32, #tpu.memory_space<vmem_shared>>
      %dma_wait3A_447 = arith.constant 0 : i32
      %dma_wait3A_448 = tpu.memref_slice %arg13[%add3A_419, %dma_wait3A_447] : memref<10240x128xf32, #tpu.memory_space<vmem_shared>> -> memref<128x128xf32, #tpu.memory_space<vmem_shared>>
      tpu.wait_dma2 semaphore(%run_scoped3A : memref<!tpu.dma_semaphore, #tpu.memory_space<semaphore_mem>>) src(%dma_wait3A_448 : memref<128x128xf32, #tpu.memory_space<vmem_shared>>) dst(%arg11 : memref<128x128xf32, #tpu.memory_space<vmem>>)
      tpu.yield
    }) : () -> ()
    %mul3A_420 = arith.constant 10240 : i32
    %mul3A_421 = arith.muli %arg0, %mul3A_420 : i32
    %add3A_422 = arith.constant 61440 : i32
    %add3A_423 = arith.addi %add3A_422, %mul3A_421 : i32
    %mul3A_424 = arith.constant 640 : i32
    %mul3A_425 = arith.muli %arg1, %mul3A_424 : i32
    %add3A_426 = arith.addi %add3A_423, %mul3A_425 : i32
    %add3A_427 = arith.constant 384 : i32
    %add3A_428 = arith.addi %add3A_426, %add3A_427 : i32
    "tpu.region"() ({
      %run_scoped3A = tpu.sem_alloc : memref<!tpu.dma_semaphore, #tpu.memory_space<semaphore_mem>>
      %dma_start3A_442 = arith.constant 0 : i32
      %dma_start3A_443 = tpu.memref_slice %arg8[%add3A_428, %dma_start3A_442] : memref<81920x128xf32, #tpu.memory_space<hbm>> -> memref<128x128xf32, #tpu.memory_space<hbm>>
      %dma_start3A_444 = arith.constant 0 : i32
      %dma_start3A_445 = tpu.memref_slice %arg8[%add3A_428, %dma_start3A_444] : memref<81920x128xf32, #tpu.memory_space<hbm>> -> memref<128x128xf32, #tpu.memory_space<hbm>>
      tpu.enqueue_dma source(%arg11 : memref<128x128xf32, #tpu.memory_space<vmem>>) target(%dma_start3A_445 : memref<128x128xf32, #tpu.memory_space<hbm>>) target_semaphore(%run_scoped3A : memref<!tpu.dma_semaphore, #tpu.memory_space<semaphore_mem>>)
      %dma_wait3A = arith.constant 0 : i32
      %dma_wait3A_446 = tpu.memref_slice %arg8[%add3A_428, %dma_wait3A] : memref<81920x128xf32, #tpu.memory_space<hbm>> -> memref<128x128xf32, #tpu.memory_space<hbm>>
      %dma_wait3A_447 = arith.constant 0 : i32
      %dma_wait3A_448 = tpu.memref_slice %arg8[%add3A_428, %dma_wait3A_447] : memref<81920x128xf32, #tpu.memory_space<hbm>> -> memref<128x128xf32, #tpu.memory_space<hbm>>
      tpu.wait_dma2 semaphore(%run_scoped3A : memref<!tpu.dma_semaphore, #tpu.memory_space<semaphore_mem>>) src(%arg11 : memref<128x128xf32, #tpu.memory_space<vmem>>) dst(%dma_wait3A_448 : memref<128x128xf32, #tpu.memory_space<hbm>>)
      tpu.yield
    }) : () -> ()
    %mul3A_429 = arith.constant 640 : i32
    %mul3A_430 = arith.muli %arg1, %mul3A_429 : i32
    %add3A_431 = arith.constant 512 : i32
    %add3A_432 = arith.addi %mul3A_430, %add3A_431 : i32
    "tpu.region"() ({
      %run_scoped3A = tpu.sem_alloc : memref<!tpu.dma_semaphore, #tpu.memory_space<semaphore_mem>>
      %dma_start3A_442 = arith.constant 0 : i32
      %dma_start3A_443 = tpu.memref_slice %arg13[%add3A_432, %dma_start3A_442] : memref<10240x128xf32, #tpu.memory_space<vmem_shared>> -> memref<128x128xf32, #tpu.memory_space<vmem_shared>>
      %dma_start3A_444 = arith.constant 0 : i32
      %dma_start3A_445 = tpu.memref_slice %arg13[%add3A_432, %dma_start3A_444] : memref<10240x128xf32, #tpu.memory_space<vmem_shared>> -> memref<128x128xf32, #tpu.memory_space<vmem_shared>>
      tpu.enqueue_dma source(%dma_start3A_445 : memref<128x128xf32, #tpu.memory_space<vmem_shared>>) target(%arg11 : memref<128x128xf32, #tpu.memory_space<vmem>>) target_semaphore(%run_scoped3A : memref<!tpu.dma_semaphore, #tpu.memory_space<semaphore_mem>>)
      %dma_wait3A = arith.constant 0 : i32
      %dma_wait3A_446 = tpu.memref_slice %arg13[%add3A_432, %dma_wait3A] : memref<10240x128xf32, #tpu.memory_space<vmem_shared>> -> memref<128x128xf32, #tpu.memory_space<vmem_shared>>
      %dma_wait3A_447 = arith.constant 0 : i32
      %dma_wait3A_448 = tpu.memref_slice %arg13[%add3A_432, %dma_wait3A_447] : memref<10240x128xf32, #tpu.memory_space<vmem_shared>> -> memref<128x128xf32, #tpu.memory_space<vmem_shared>>
      tpu.wait_dma2 semaphore(%run_scoped3A : memref<!tpu.dma_semaphore, #tpu.memory_space<semaphore_mem>>) src(%dma_wait3A_448 : memref<128x128xf32, #tpu.memory_space<vmem_shared>>) dst(%arg11 : memref<128x128xf32, #tpu.memory_space<vmem>>)
      tpu.yield
    }) : () -> ()
    %mul3A_433 = arith.constant 10240 : i32
    %mul3A_434 = arith.muli %arg0, %mul3A_433 : i32
    %add3A_435 = arith.constant 61440 : i32
    %add3A_436 = arith.addi %add3A_435, %mul3A_434 : i32
    %mul3A_437 = arith.constant 640 : i32
    %mul3A_438 = arith.muli %arg1, %mul3A_437 : i32
    %add3A_439 = arith.addi %add3A_436, %mul3A_438 : i32
    %add3A_440 = arith.constant 512 : i32
    %add3A_441 = arith.addi %add3A_439, %add3A_440 : i32
    "tpu.region"() ({
      %run_scoped3A = tpu.sem_alloc : memref<!tpu.dma_semaphore, #tpu.memory_space<semaphore_mem>>
      %dma_start3A_442 = arith.constant 0 : i32
      %dma_start3A_443 = tpu.memref_slice %arg8[%add3A_441, %dma_start3A_442] : memref<81920x128xf32, #tpu.memory_space<hbm>> -> memref<128x128xf32, #tpu.memory_space<hbm>>
      %dma_start3A_444 = arith.constant 0 : i32
      %dma_start3A_445 = tpu.memref_slice %arg8[%add3A_441, %dma_start3A_444] : memref<81920x128xf32, #tpu.memory_space<hbm>> -> memref<128x128xf32, #tpu.memory_space<hbm>>
      tpu.enqueue_dma source(%arg11 : memref<128x128xf32, #tpu.memory_space<vmem>>) target(%dma_start3A_445 : memref<128x128xf32, #tpu.memory_space<hbm>>) target_semaphore(%run_scoped3A : memref<!tpu.dma_semaphore, #tpu.memory_space<semaphore_mem>>)
      %dma_wait3A = arith.constant 0 : i32
      %dma_wait3A_446 = tpu.memref_slice %arg8[%add3A_441, %dma_wait3A] : memref<81920x128xf32, #tpu.memory_space<hbm>> -> memref<128x128xf32, #tpu.memory_space<hbm>>
      %dma_wait3A_447 = arith.constant 0 : i32
      %dma_wait3A_448 = tpu.memref_slice %arg8[%add3A_441, %dma_wait3A_447] : memref<81920x128xf32, #tpu.memory_space<hbm>> -> memref<128x128xf32, #tpu.memory_space<hbm>>
      tpu.wait_dma2 semaphore(%run_scoped3A : memref<!tpu.dma_semaphore, #tpu.memory_space<semaphore_mem>>) src(%arg11 : memref<128x128xf32, #tpu.memory_space<vmem>>) dst(%dma_wait3A_448 : memref<128x128xf32, #tpu.memory_space<hbm>>)
      tpu.yield
    }) : () -> ()
    return
  }
}

module attributes {stable_mosaic.version = 14 : i64} {
  func.func @_kb_body(%arg0: i32, %arg1: memref<1024x256xf32, #tpu.memory_space<vmem>>, %arg2: memref<256x512xf32, #tpu.memory_space<vmem>>, %arg3: memref<1x512xf32, #tpu.memory_space<vmem>>, %arg4: memref<512x512xf32, #tpu.memory_space<vmem>>, %arg5: memref<2x1024x128xf32, #tpu.memory_space<vmem>>, %arg6: memref<1024x128xf32, #tpu.memory_space<vmem>>, %arg7: memref<1024x128xf32, #tpu.memory_space<vmem>>, %arg8: memref<1024x128xf32, #tpu.memory_space<vmem>>, %arg9: memref<1024x128xf32, #tpu.memory_space<vmem>>, %arg10: memref<1024x16xf32, #tpu.memory_space<vmem>>) attributes {dimension_semantics = [#tpu.dimension_semantics<arbitrary>], iteration_bounds = array<i64: 10>, scalar_prefetch = 0 : i64, scratch_operands = 0 : i64, tpu.core_type = #tpu.core_type<tc>, window_params = [{transform_indices = @transform_0, window_bounds = array<i64: 1024, 256>}, {pipeline_mode = #tpu.pipeline_mode<synchronous>, transform_indices = @transform_1, window_bounds = array<i64: 256, 512>}, {pipeline_mode = #tpu.pipeline_mode<synchronous>, transform_indices = @transform_2, window_bounds = array<i64: 1, 512>}, {pipeline_mode = #tpu.pipeline_mode<synchronous>, transform_indices = @transform_3, window_bounds = array<i64: 512, 512>}, {transform_indices = @transform_4, window_bounds = array<i64: 2, 1024, 128>}, {transform_indices = @transform_5, window_bounds = array<i64: 1024, 128>}, {transform_indices = @transform_6, window_bounds = array<i64: 1024, 128>}, {transform_indices = @transform_7, window_bounds = array<i64: 1024, 128>}, {transform_indices = @transform_8, window_bounds = array<i64: 1024, 128>}, {transform_indices = @transform_9, window_bounds = array<i64: 1024, 16>}]} {
    %get3A = arith.constant 0 : index
    %get3A_0 = arith.constant 0 : index
    %get3A_1 = vector.load %arg1[%get3A, %get3A_0] : memref<1024x256xf32, #tpu.memory_space<vmem>>, vector<1024x256xf32>
    %get3A_2 = arith.constant 0 : index
    %get3A_3 = arith.constant 0 : index
    %get3A_4 = vector.load %arg2[%get3A_2, %get3A_3] : memref<256x512xf32, #tpu.memory_space<vmem>>, vector<256x512xf32>
    %dot_general3A = arith.constant dense<0.000000e+00> : vector<1024x512xf32>
    %dot_general3A_5 = tpu.matmul %get3A_1, %get3A_4, %dot_general3A {dimension_numbers = #tpu.dot_dimension_numbers<[1], [0], [0], [1], [0, 0, 1, 1], [], []>, transpose_lhs_hint = false} : vector<1024x256xf32>, vector<256x512xf32>, vector<1024x512xf32> -> vector<1024x512xf32>
    %get3A_6 = arith.constant 0 : index
    %get3A_7 = arith.constant 0 : index
    %get3A_8 = vector.load %arg3[%get3A_6, %get3A_7] : memref<1x512xf32, #tpu.memory_space<vmem>>, vector<1x512xf32>
    %add3A = vector.broadcast %get3A_8 : vector<1x512xf32> to vector<1024x512xf32>
    %add3A_9 = arith.addf %dot_general3A_5, %add3A : vector<1024x512xf32>
    %max3A = arith.constant 0.000000e+00 : f32
    %max3A_10 = vector.broadcast %max3A : f32 to vector<1024x512xf32>
    %max3A_11 = arith.maximumf %add3A_9, %max3A_10 : vector<1024x512xf32>
    %get3A_12 = arith.constant 0 : index
    %get3A_13 = arith.constant 0 : index
    %get3A_14 = vector.load %arg4[%get3A_12, %get3A_13] : memref<512x512xf32, #tpu.memory_space<vmem>>, vector<512x512xf32>
    %dot_general3A_15 = arith.constant dense<0.000000e+00> : vector<1024x512xf32>
    %dot_general3A_16 = tpu.matmul %max3A_11, %get3A_14, %dot_general3A_15 {dimension_numbers = #tpu.dot_dimension_numbers<[1], [0], [0], [1], [0, 0, 1, 1], [], []>, transpose_lhs_hint = false} : vector<1024x512xf32>, vector<512x512xf32>, vector<1024x512xf32> -> vector<1024x512xf32>
    %get3A_17 = arith.constant 0 : index
    %get3A_18 = arith.constant 0 : index
    %get3A_19 = arith.constant 0 : index
    %get3A_20 = vector.load %arg5[%get3A_17, %get3A_18, %get3A_19] : memref<2x1024x128xf32, #tpu.memory_space<vmem>>, vector<1x1024x1xf32>
    %get3A_21 = vector.shape_cast %get3A_20 : vector<1x1024x1xf32> to vector<1024x1xf32>
    %get3A_22 = arith.constant 1 : index
    %get3A_23 = arith.constant 0 : index
    %get3A_24 = arith.constant 0 : index
    %get3A_25 = vector.load %arg5[%get3A_22, %get3A_23, %get3A_24] : memref<2x1024x128xf32, #tpu.memory_space<vmem>>, vector<1x1024x1xf32>
    %get3A_26 = vector.shape_cast %get3A_25 : vector<1x1024x1xf32> to vector<1024x1xf32>
    %add3A_27 = arith.addf %get3A_21, %get3A_26 : vector<1024x1xf32>
    %add3A_28 = arith.constant 1.000000e+00 : f32
    %add3A_29 = vector.broadcast %add3A_28 : f32 to vector<1024x1xf32>
    %add3A_30 = arith.addf %add3A_27, %add3A_29 : vector<1024x1xf32>
    %rsqrt3A = math.rsqrt %add3A_30 : vector<1024x1xf32>
    %mul3A = vector.broadcast %rsqrt3A : vector<1024x1xf32> to vector<1024x512xf32>
    %mul3A_31 = arith.mulf %dot_general3A_16, %mul3A : vector<1024x512xf32>
    %slice3A = vector.extract_strided_slice %mul3A_31 {offsets = [0, 0], sizes = [1024, 128], strides = [1, 1]} : vector<1024x512xf32> to vector<1024x128xf32>
    %swap3A = arith.constant 0 : index
    %swap3A_32 = arith.constant 0 : index
    %swap3A_33 = vector.load %arg6[%swap3A, %swap3A_32] : memref<1024x128xf32, #tpu.memory_space<vmem>>, vector<1024x128xf32>
    tpu.vector_store %arg6[%swap3A, %swap3A_32], %slice3A {strides = array<i32>} : memref<1024x128xf32, #tpu.memory_space<vmem>>, vector<1024x128xf32>,
    %slice3A_34 = vector.extract_strided_slice %mul3A_31 {offsets = [0, 128], sizes = [1024, 128], strides = [1, 1]} : vector<1024x512xf32> to vector<1024x128xf32>
    %swap3A_35 = arith.constant 0 : index
    %swap3A_36 = arith.constant 0 : index
    %swap3A_37 = vector.load %arg7[%swap3A_35, %swap3A_36] : memref<1024x128xf32, #tpu.memory_space<vmem>>, vector<1024x128xf32>
    tpu.vector_store %arg7[%swap3A_35, %swap3A_36], %slice3A_34 {strides = array<i32>} : memref<1024x128xf32, #tpu.memory_space<vmem>>, vector<1024x128xf32>,
    %slice3A_38 = vector.extract_strided_slice %mul3A_31 {offsets = [0, 256], sizes = [1024, 128], strides = [1, 1]} : vector<1024x512xf32> to vector<1024x128xf32>
    %swap3A_39 = arith.constant 0 : index
    %swap3A_40 = arith.constant 0 : index
    %swap3A_41 = vector.load %arg8[%swap3A_39, %swap3A_40] : memref<1024x128xf32, #tpu.memory_space<vmem>>, vector<1024x128xf32>
    tpu.vector_store %arg8[%swap3A_39, %swap3A_40], %slice3A_38 {strides = array<i32>} : memref<1024x128xf32, #tpu.memory_space<vmem>>, vector<1024x128xf32>,
    %slice3A_42 = vector.extract_strided_slice %mul3A_31 {offsets = [0, 384], sizes = [1024, 128], strides = [1, 1]} : vector<1024x512xf32> to vector<1024x128xf32>
    %swap3A_43 = arith.constant 0 : index
    %swap3A_44 = arith.constant 0 : index
    %swap3A_45 = vector.load %arg9[%swap3A_43, %swap3A_44] : memref<1024x128xf32, #tpu.memory_space<vmem>>, vector<1024x128xf32>
    tpu.vector_store %arg9[%swap3A_43, %swap3A_44], %slice3A_42 {strides = array<i32>} : memref<1024x128xf32, #tpu.memory_space<vmem>>, vector<1024x128xf32>,
    %broadcast_in_dim3A = vector.shape_cast %rsqrt3A : vector<1024x1xf32> to vector<1024x1xf32>
    %broadcast_in_dim3A_46 = vector.broadcast %broadcast_in_dim3A : vector<1024x1xf32> to vector<1024x16xf32>
    %swap3A_47 = arith.constant 0 : index
    %swap3A_48 = arith.constant 0 : index
    %swap3A_49 = vector.load %arg10[%swap3A_47, %swap3A_48] : memref<1024x16xf32, #tpu.memory_space<vmem>>, vector<1024x16xf32>
    tpu.vector_store %arg10[%swap3A_47, %swap3A_48], %broadcast_in_dim3A_46 {strides = array<i32>} : memref<1024x16xf32, #tpu.memory_space<vmem>>, vector<1024x16xf32>,
    return
  }
  func.func @transform_0(%arg0: i32) -> (i32, i32) {
    %c0_i32 = arith.constant 0 : i32
    %c0_i32_0 = arith.constant 0 : i32
    return %arg0, %c0_i32 : i32, i32
  }
  func.func @transform_1(%arg0: i32) -> (i32, i32) {
    %c0_i32 = arith.constant 0 : i32
    %c0_i32_0 = arith.constant 0 : i32
    %c0_i32_1 = arith.constant 0 : i32
    return %c0_i32, %c0_i32_0 : i32, i32
  }
  func.func @transform_2(%arg0: i32) -> (i32, i32) {
    %c0_i32 = arith.constant 0 : i32
    %c0_i32_0 = arith.constant 0 : i32
    %c0_i32_1 = arith.constant 0 : i32
    return %c0_i32, %c0_i32_0 : i32, i32
  }
  func.func @transform_3(%arg0: i32) -> (i32, i32) {
    %c0_i32 = arith.constant 0 : i32
    %c0_i32_0 = arith.constant 0 : i32
    %c0_i32_1 = arith.constant 0 : i32
    return %c0_i32, %c0_i32_0 : i32, i32
  }
  func.func @transform_4(%arg0: i32) -> (i32, i32, i32) {
    %c0_i32 = arith.constant 0 : i32
    %c0_i32_0 = arith.constant 0 : i32
    %c0_i32_1 = arith.constant 0 : i32
    return %c0_i32, %arg0, %c0_i32_0 : i32, i32, i32
  }
  func.func @transform_5(%arg0: i32) -> (i32, i32) {
    %c0_i32 = arith.constant 0 : i32
    %c0_i32_0 = arith.constant 0 : i32
    return %arg0, %c0_i32 : i32, i32
  }
  func.func @transform_6(%arg0: i32) -> (i32, i32) {
    %c0_i32 = arith.constant 0 : i32
    %c0_i32_0 = arith.constant 0 : i32
    return %arg0, %c0_i32 : i32, i32
  }
  func.func @transform_7(%arg0: i32) -> (i32, i32) {
    %c0_i32 = arith.constant 0 : i32
    %c0_i32_0 = arith.constant 0 : i32
    return %arg0, %c0_i32 : i32, i32
  }
  func.func @transform_8(%arg0: i32) -> (i32, i32) {
    %c0_i32 = arith.constant 0 : i32
    %c0_i32_0 = arith.constant 0 : i32
    return %arg0, %c0_i32 : i32, i32
  }
  func.func @transform_9(%arg0: i32) -> (i32, i32) {
    %c0_i32 = arith.constant 0 : i32
    %c0_i32_0 = arith.constant 0 : i32
    return %arg0, %c0_i32 : i32, i32
  }
}

module attributes {stable_mosaic.version = 14 : i64} {
  func.func @_body(%arg0: i32, %arg1: memref<4x2x1024x128xf32, #tpu.memory_space<vmem>>, %arg2: memref<1024x128xf32, #tpu.memory_space<vmem>>, %arg3: memref<1024x128xf32, #tpu.memory_space<vmem>>, %arg4: memref<1024x128xf32, #tpu.memory_space<vmem>>, %arg5: memref<1024x128xf32, #tpu.memory_space<vmem>>, %arg6: memref<1024x16xf32, #tpu.memory_space<vmem>>, %arg7: memref<1x512xf32, #tpu.memory_space<vmem>>, %arg8: memref<1024x512xf32, #tpu.memory_space<vmem>>, %arg9: memref<8x512xf32, #tpu.memory_space<vmem>>) attributes {dimension_semantics = [#tpu.dimension_semantics<arbitrary>], iteration_bounds = array<i64: 10>, scalar_prefetch = 0 : i64, scratch_operands = 0 : i64, tpu.core_type = #tpu.core_type<tc>, window_params = [{transform_indices = @transform_0, window_bounds = array<i64: 4, 2, 1024, 128>}, {transform_indices = @transform_1, window_bounds = array<i64: 1024, 128>}, {transform_indices = @transform_2, window_bounds = array<i64: 1024, 128>}, {transform_indices = @transform_3, window_bounds = array<i64: 1024, 128>}, {transform_indices = @transform_4, window_bounds = array<i64: 1024, 128>}, {transform_indices = @transform_5, window_bounds = array<i64: 1024, 16>}, {pipeline_mode = #tpu.pipeline_mode<synchronous>, transform_indices = @transform_6, window_bounds = array<i64: 1, 512>}, {transform_indices = @transform_7, window_bounds = array<i64: 1024, 512>}, {pipeline_mode = #tpu.pipeline_mode<synchronous>, transform_indices = @transform_8, window_bounds = array<i64: 8, 512>}]} {
    %get3A = arith.constant 0 : index
    %get3A_0 = arith.constant 0 : index
    %get3A_1 = vector.load %arg6[%get3A, %get3A_0] : memref<1024x16xf32, #tpu.memory_space<vmem>>, vector<1024x16xf32>
    %slice3A = vector.extract_strided_slice %get3A_1 {offsets = [0, 0], sizes = [1024, 1], strides = [1, 1]} : vector<1024x16xf32> to vector<1024x1xf32>
    %get3A_2 = arith.constant 0 : index
    %get3A_3 = arith.constant 0 : index
    %get3A_4 = arith.constant 0 : index
    %get3A_5 = arith.constant 0 : index
    %get3A_6 = vector.load %arg1[%get3A_2, %get3A_3, %get3A_4, %get3A_5] : memref<4x2x1024x128xf32, #tpu.memory_space<vmem>>, vector<1x1x1024x128xf32>
    %get3A_7 = vector.shape_cast %get3A_6 : vector<1x1x1024x128xf32> to vector<1024x128xf32>
    %get3A_8 = arith.constant 0 : index
    %get3A_9 = arith.constant 1 : index
    %get3A_10 = arith.constant 0 : index
    %get3A_11 = arith.constant 0 : index
    %get3A_12 = vector.load %arg1[%get3A_8, %get3A_9, %get3A_10, %get3A_11] : memref<4x2x1024x128xf32, #tpu.memory_space<vmem>>, vector<1x1x1024x128xf32>
    %get3A_13 = vector.shape_cast %get3A_12 : vector<1x1x1024x128xf32> to vector<1024x128xf32>
    %add3A = arith.addf %get3A_7, %get3A_13 : vector<1024x128xf32>
    %get3A_14 = arith.constant 0 : index
    %get3A_15 = arith.constant 0 : index
    %get3A_16 = vector.load %arg2[%get3A_14, %get3A_15] : memref<1024x128xf32, #tpu.memory_space<vmem>>, vector<1024x128xf32>
    %add3A_17 = arith.addf %add3A, %get3A_16 : vector<1024x128xf32>
    %get3A_18 = arith.constant 1 : index
    %get3A_19 = arith.constant 0 : index
    %get3A_20 = arith.constant 0 : index
    %get3A_21 = arith.constant 0 : index
    %get3A_22 = vector.load %arg1[%get3A_18, %get3A_19, %get3A_20, %get3A_21] : memref<4x2x1024x128xf32, #tpu.memory_space<vmem>>, vector<1x1x1024x128xf32>
    %get3A_23 = vector.shape_cast %get3A_22 : vector<1x1x1024x128xf32> to vector<1024x128xf32>
    %get3A_24 = arith.constant 1 : index
    %get3A_25 = arith.constant 1 : index
    %get3A_26 = arith.constant 0 : index
    %get3A_27 = arith.constant 0 : index
    %get3A_28 = vector.load %arg1[%get3A_24, %get3A_25, %get3A_26, %get3A_27] : memref<4x2x1024x128xf32, #tpu.memory_space<vmem>>, vector<1x1x1024x128xf32>
    %get3A_29 = vector.shape_cast %get3A_28 : vector<1x1x1024x128xf32> to vector<1024x128xf32>
    %add3A_30 = arith.addf %get3A_23, %get3A_29 : vector<1024x128xf32>
    %get3A_31 = arith.constant 0 : index
    %get3A_32 = arith.constant 0 : index
    %get3A_33 = vector.load %arg3[%get3A_31, %get3A_32] : memref<1024x128xf32, #tpu.memory_space<vmem>>, vector<1024x128xf32>
    %add3A_34 = arith.addf %add3A_30, %get3A_33 : vector<1024x128xf32>
    %get3A_35 = arith.constant 2 : index
    %get3A_36 = arith.constant 0 : index
    %get3A_37 = arith.constant 0 : index
    %get3A_38 = arith.constant 0 : index
    %get3A_39 = vector.load %arg1[%get3A_35, %get3A_36, %get3A_37, %get3A_38] : memref<4x2x1024x128xf32, #tpu.memory_space<vmem>>, vector<1x1x1024x128xf32>
    %get3A_40 = vector.shape_cast %get3A_39 : vector<1x1x1024x128xf32> to vector<1024x128xf32>
    %get3A_41 = arith.constant 2 : index
    %get3A_42 = arith.constant 1 : index
    %get3A_43 = arith.constant 0 : index
    %get3A_44 = arith.constant 0 : index
    %get3A_45 = vector.load %arg1[%get3A_41, %get3A_42, %get3A_43, %get3A_44] : memref<4x2x1024x128xf32, #tpu.memory_space<vmem>>, vector<1x1x1024x128xf32>
    %get3A_46 = vector.shape_cast %get3A_45 : vector<1x1x1024x128xf32> to vector<1024x128xf32>
    %add3A_47 = arith.addf %get3A_40, %get3A_46 : vector<1024x128xf32>
    %get3A_48 = arith.constant 0 : index
    %get3A_49 = arith.constant 0 : index
    %get3A_50 = vector.load %arg4[%get3A_48, %get3A_49] : memref<1024x128xf32, #tpu.memory_space<vmem>>, vector<1024x128xf32>
    %add3A_51 = arith.addf %add3A_47, %get3A_50 : vector<1024x128xf32>
    %get3A_52 = arith.constant 3 : index
    %get3A_53 = arith.constant 0 : index
    %get3A_54 = arith.constant 0 : index
    %get3A_55 = arith.constant 0 : index
    %get3A_56 = vector.load %arg1[%get3A_52, %get3A_53, %get3A_54, %get3A_55] : memref<4x2x1024x128xf32, #tpu.memory_space<vmem>>, vector<1x1x1024x128xf32>
    %get3A_57 = vector.shape_cast %get3A_56 : vector<1x1x1024x128xf32> to vector<1024x128xf32>
    %get3A_58 = arith.constant 3 : index
    %get3A_59 = arith.constant 1 : index
    %get3A_60 = arith.constant 0 : index
    %get3A_61 = arith.constant 0 : index
    %get3A_62 = vector.load %arg1[%get3A_58, %get3A_59, %get3A_60, %get3A_61] : memref<4x2x1024x128xf32, #tpu.memory_space<vmem>>, vector<1x1x1024x128xf32>
    %get3A_63 = vector.shape_cast %get3A_62 : vector<1x1x1024x128xf32> to vector<1024x128xf32>
    %add3A_64 = arith.addf %get3A_57, %get3A_63 : vector<1024x128xf32>
    %get3A_65 = arith.constant 0 : index
    %get3A_66 = arith.constant 0 : index
    %get3A_67 = vector.load %arg5[%get3A_65, %get3A_66] : memref<1024x128xf32, #tpu.memory_space<vmem>>, vector<1024x128xf32>
    %add3A_68 = arith.addf %add3A_64, %get3A_67 : vector<1024x128xf32>
    %concatenate3A = tpu.concatenate %add3A_17, %add3A_34, %add3A_51, %add3A_68 in 1 : vector<1024x128xf32>, vector<1024x128xf32>, vector<1024x128xf32>, vector<1024x128xf32> -> vector<1024x512xf32>
    %mul3A = vector.broadcast %slice3A : vector<1024x1xf32> to vector<1024x512xf32>
    %mul3A_69 = arith.mulf %concatenate3A, %mul3A : vector<1024x512xf32>
    %get3A_70 = arith.constant 0 : index
    %get3A_71 = arith.constant 0 : index
    %get3A_72 = vector.load %arg7[%get3A_70, %get3A_71] : memref<1x512xf32, #tpu.memory_space<vmem>>, vector<1x512xf32>
    %add3A_73 = vector.broadcast %get3A_72 : vector<1x512xf32> to vector<1024x512xf32>
    %add3A_74 = arith.addf %mul3A_69, %add3A_73 : vector<1024x512xf32>
    %swap3A = arith.constant 0 : index
    %swap3A_75 = arith.constant 0 : index
    %swap3A_76 = vector.load %arg8[%swap3A, %swap3A_75] : memref<1024x512xf32, #tpu.memory_space<vmem>>, vector<1024x512xf32>
    tpu.vector_store %arg8[%swap3A, %swap3A_75], %add3A_74 {strides = array<i32>} : memref<1024x512xf32, #tpu.memory_space<vmem>>, vector<1024x512xf32>,
    %mul3A_77 = arith.constant 1024 : i32
    %mul3A_78 = arith.muli %arg0, %mul3A_77 : i32
    %iota3A = tpu.iota {dimensions = array<i32: 0>} : vector<1024x1xi32>
    %add3A_79 = vector.broadcast %mul3A_78 : i32 to vector<1024x1xi32>
    %add3A_80 = arith.addi %add3A_79, %iota3A : vector<1024x1xi32>
    %lt3A = arith.constant 10000 : i32
    %lt3A_81 = vector.broadcast %lt3A : i32 to vector<1024x1xi32>
    %lt3A_82 = arith.cmpi slt, %add3A_80, %lt3A_81 : vector<1024x1xi32>
    %jit3A = arith.constant 0.000000e+00 : f32
    %broadcast_in_dim3A = vector.shape_cast %lt3A_82 : vector<1024x1xi1> to vector<1024x1xi1>
    %broadcast_in_dim3A_83 = vector.broadcast %broadcast_in_dim3A : vector<1024x1xi1> to vector<1024x512xi1>
    %broadcast_in_dim3A_84 = vector.broadcast %jit3A : f32 to vector<1024x512xf32>
    %select_n3A = arith.select %broadcast_in_dim3A_83, %add3A_74, %broadcast_in_dim3A_84 : vector<1024x512xi1>, vector<1024x512xf32>
    %reduce_sum3A = arith.constant dense<0.000000e+00> : vector<512xf32>
    %reduce_sum3A_85 = vector.multi_reduction <add>, %select_n3A, %reduce_sum3A [0] : vector<1024x512xf32> to vector<512xf32>
    %broadcast_in_dim3A_86 = vector.shape_cast %reduce_sum3A_85 : vector<512xf32> to vector<1x512xf32>
    %mul3A_87 = arith.mulf %select_n3A, %select_n3A : vector<1024x512xf32>
    %reduce_sum3A_88 = arith.constant dense<0.000000e+00> : vector<512xf32>
    %reduce_sum3A_89 = vector.multi_reduction <add>, %mul3A_87, %reduce_sum3A_88 [0] : vector<1024x512xf32> to vector<512xf32>
    %broadcast_in_dim3A_90 = vector.shape_cast %reduce_sum3A_89 : vector<512xf32> to vector<1x512xf32>
    %broadcast_in_dim3A_91 = arith.constant 0.000000e+00 : f32
    %broadcast_in_dim3A_92 = vector.broadcast %broadcast_in_dim3A_91 : f32 to vector<6x512xf32>
    %concatenate3A_93 = tpu.concatenate %broadcast_in_dim3A_86, %broadcast_in_dim3A_90, %broadcast_in_dim3A_92 in 0 : vector<1x512xf32>, vector<1x512xf32>, vector<6x512xf32> -> vector<8x512xf32>
    %eq3A = arith.constant 0 : i32
    %eq3A_94 = arith.cmpi eq, %arg0, %eq3A : i32
    %convert_element_type3A = arith.extui %eq3A_94 : i1 to i32
    %cond3A = arith.constant 0 : i32
    %cond3A_95 = arith.cmpi ne, %convert_element_type3A, %cond3A : i32
    scf.if %cond3A_95 {
      %swap3A_100 = arith.constant 0 : index
      %swap3A_101 = arith.constant 0 : index
      %swap3A_102 = vector.load %arg9[%swap3A_100, %swap3A_101] : memref<8x512xf32, #tpu.memory_space<vmem>>, vector<8x512xf32>
      tpu.vector_store %arg9[%swap3A_100, %swap3A_101], %concatenate3A_93 {strides = array<i32>} : memref<8x512xf32, #tpu.memory_space<vmem>>, vector<8x512xf32>,
    } else {
    }
    %gt3A = arith.constant 0 : i32
    %gt3A_96 = arith.cmpi sgt, %arg0, %gt3A : i32
    %convert_element_type3A_97 = arith.extui %gt3A_96 : i1 to i32
    %cond3A_98 = arith.constant 0 : i32
    %cond3A_99 = arith.cmpi ne, %convert_element_type3A_97, %cond3A_98 : i32
    scf.if %cond3A_99 {
      %get3A_100 = arith.constant 0 : index
      %get3A_101 = arith.constant 0 : index
      %get3A_102 = vector.load %arg9[%get3A_100, %get3A_101] : memref<8x512xf32, #tpu.memory_space<vmem>>, vector<8x512xf32>
      %add3A_103 = arith.addf %get3A_102, %concatenate3A_93 : vector<8x512xf32>
      %swap3A_104 = arith.constant 0 : index
      %swap3A_105 = arith.constant 0 : index
      %swap3A_106 = vector.load %arg9[%swap3A_104, %swap3A_105] : memref<8x512xf32, #tpu.memory_space<vmem>>, vector<8x512xf32>
      tpu.vector_store %arg9[%swap3A_104, %swap3A_105], %add3A_103 {strides = array<i32>} : memref<8x512xf32, #tpu.memory_space<vmem>>, vector<8x512xf32>,
    } else {
    }
    return
  }
  func.func @transform_0(%arg0: i32) -> (i32, i32, i32, i32) {
    %c0_i32 = arith.constant 0 : i32
    %c0_i32_0 = arith.constant 0 : i32
    %c0_i32_1 = arith.constant 0 : i32
    %c0_i32_2 = arith.constant 0 : i32
    return %c0_i32, %c0_i32_0, %arg0, %c0_i32_1 : i32, i32, i32, i32
  }
  func.func @transform_1(%arg0: i32) -> (i32, i32) {
    %c0_i32 = arith.constant 0 : i32
    %c0_i32_0 = arith.constant 0 : i32
    return %arg0, %c0_i32 : i32, i32
  }
  func.func @transform_2(%arg0: i32) -> (i32, i32) {
    %c0_i32 = arith.constant 0 : i32
    %c0_i32_0 = arith.constant 0 : i32
    return %arg0, %c0_i32 : i32, i32
  }
  func.func @transform_3(%arg0: i32) -> (i32, i32) {
    %c0_i32 = arith.constant 0 : i32
    %c0_i32_0 = arith.constant 0 : i32
    return %arg0, %c0_i32 : i32, i32
  }
  func.func @transform_4(%arg0: i32) -> (i32, i32) {
    %c0_i32 = arith.constant 0 : i32
    %c0_i32_0 = arith.constant 0 : i32
    return %arg0, %c0_i32 : i32, i32
  }
  func.func @transform_5(%arg0: i32) -> (i32, i32) {
    %c0_i32 = arith.constant 0 : i32
    %c0_i32_0 = arith.constant 0 : i32
    return %arg0, %c0_i32 : i32, i32
  }
  func.func @transform_6(%arg0: i32) -> (i32, i32) {
    %c0_i32 = arith.constant 0 : i32
    %c0_i32_0 = arith.constant 0 : i32
    %c0_i32_1 = arith.constant 0 : i32
    return %c0_i32, %c0_i32_0 : i32, i32
  }
  func.func @transform_7(%arg0: i32) -> (i32, i32) {
    %c0_i32 = arith.constant 0 : i32
    %c0_i32_0 = arith.constant 0 : i32
    return %arg0, %c0_i32 : i32, i32
  }
  func.func @transform_8(%arg0: i32) -> (i32, i32) {
    %c0_i32 = arith.constant 0 : i32
    %c0_i32_0 = arith.constant 0 : i32
    %c0_i32_1 = arith.constant 0 : i32
    return %c0_i32, %c0_i32_0 : i32, i32
  }
}

module attributes {stable_mosaic.version = 14 : i64} {
  func.func @_ke2_body(%arg0: i32, %arg1: memref<1024x512xf32, #tpu.memory_space<vmem>>, %arg2: memref<8x512xf32, #tpu.memory_space<vmem>>, %arg3: memref<1x512xf32, #tpu.memory_space<vmem>>, %arg4: memref<1x512xf32, #tpu.memory_space<vmem>>, %arg5: memref<512x256xf32, #tpu.memory_space<vmem>>, %arg6: memref<1024x16xf32, #tpu.memory_space<vmem>>, %arg7: memref<1024x128xf32, #tpu.memory_space<vmem>>, %arg8: memref<1024x128xf32, #tpu.memory_space<vmem>>) attributes {dimension_semantics = [#tpu.dimension_semantics<arbitrary>], iteration_bounds = array<i64: 10>, scalar_prefetch = 0 : i64, scratch_operands = 0 : i64, tpu.core_type = #tpu.core_type<tc>, window_params = [{transform_indices = @transform_0, window_bounds = array<i64: 1024, 512>}, {pipeline_mode = #tpu.pipeline_mode<synchronous>, transform_indices = @transform_1, window_bounds = array<i64: 8, 512>}, {pipeline_mode = #tpu.pipeline_mode<synchronous>, transform_indices = @transform_2, window_bounds = array<i64: 1, 512>}, {pipeline_mode = #tpu.pipeline_mode<synchronous>, transform_indices = @transform_3, window_bounds = array<i64: 1, 512>}, {pipeline_mode = #tpu.pipeline_mode<synchronous>, transform_indices = @transform_4, window_bounds = array<i64: 512, 256>}, {transform_indices = @transform_5, window_bounds = array<i64: 1024, 16>}, {transform_indices = @transform_6, window_bounds = array<i64: 1024, 128>}, {transform_indices = @transform_7, window_bounds = array<i64: 1024, 128>}]} {
    %get3A = arith.constant 0 : index
    %get3A_0 = arith.constant 0 : index
    %get3A_1 = vector.load %arg2[%get3A, %get3A_0] : memref<8x512xf32, #tpu.memory_space<vmem>>, vector<1x512xf32>
    %mul3A = arith.constant 9.99999974E-5 : f32
    %mul3A_2 = vector.broadcast %mul3A : f32 to vector<1x512xf32>
    %mul3A_3 = arith.mulf %get3A_1, %mul3A_2 : vector<1x512xf32>
    %get3A_4 = arith.constant 1 : index
    %get3A_5 = arith.constant 0 : index
    %get3A_6 = vector.load %arg2[%get3A_4, %get3A_5] : memref<8x512xf32, #tpu.memory_space<vmem>>, vector<1x512xf32>
    %mul3A_7 = arith.constant 9.99999974E-5 : f32
    %mul3A_8 = vector.broadcast %mul3A_7 : f32 to vector<1x512xf32>
    %mul3A_9 = arith.mulf %get3A_6, %mul3A_8 : vector<1x512xf32>
    %mul3A_10 = arith.mulf %mul3A_3, %mul3A_3 : vector<1x512xf32>
    %sub3A = arith.subf %mul3A_9, %mul3A_10 : vector<1x512xf32>
    %get3A_11 = arith.constant 0 : index
    %get3A_12 = arith.constant 0 : index
    %get3A_13 = vector.load %arg3[%get3A_11, %get3A_12] : memref<1x512xf32, #tpu.memory_space<vmem>>, vector<1x512xf32>
    %add3A = arith.constant 9.99999974E-6 : f32
    %add3A_14 = vector.broadcast %add3A : f32 to vector<1x512xf32>
    %add3A_15 = arith.addf %sub3A, %add3A_14 : vector<1x512xf32>
    %rsqrt3A = math.rsqrt %add3A_15 : vector<1x512xf32>
    %mul3A_16 = arith.mulf %get3A_13, %rsqrt3A : vector<1x512xf32>
    %get3A_17 = arith.constant 0 : index
    %get3A_18 = arith.constant 0 : index
    %get3A_19 = vector.load %arg4[%get3A_17, %get3A_18] : memref<1x512xf32, #tpu.memory_space<vmem>>, vector<1x512xf32>
    %mul3A_20 = arith.mulf %mul3A_3, %mul3A_16 : vector<1x512xf32>
    %sub3A_21 = arith.subf %get3A_19, %mul3A_20 : vector<1x512xf32>
    %get3A_22 = arith.constant 0 : index
    %get3A_23 = arith.constant 0 : index
    %get3A_24 = vector.load %arg1[%get3A_22, %get3A_23] : memref<1024x512xf32, #tpu.memory_space<vmem>>, vector<1024x512xf32>
    %mul3A_25 = vector.broadcast %mul3A_16 : vector<1x512xf32> to vector<1024x512xf32>
    %mul3A_26 = arith.mulf %get3A_24, %mul3A_25 : vector<1024x512xf32>
    %add3A_27 = vector.broadcast %sub3A_21 : vector<1x512xf32> to vector<1024x512xf32>
    %add3A_28 = arith.addf %mul3A_26, %add3A_27 : vector<1024x512xf32>
    %max3A = arith.constant 0.000000e+00 : f32
    %max3A_29 = vector.broadcast %max3A : f32 to vector<1024x512xf32>
    %max3A_30 = arith.maximumf %add3A_28, %max3A_29 : vector<1024x512xf32>
    %get3A_31 = arith.constant 0 : index
    %get3A_32 = arith.constant 0 : index
    %get3A_33 = vector.load %arg5[%get3A_31, %get3A_32] : memref<512x256xf32, #tpu.memory_space<vmem>>, vector<512x256xf32>
    %dot_general3A = arith.constant dense<0.000000e+00> : vector<1024x256xf32>
    %dot_general3A_34 = tpu.matmul %max3A_30, %get3A_33, %dot_general3A {dimension_numbers = #tpu.dot_dimension_numbers<[1], [0], [0], [1], [0, 0, 1, 1], [], []>, transpose_lhs_hint = false} : vector<1024x512xf32>, vector<512x256xf32>, vector<1024x256xf32> -> vector<1024x256xf32>
    %get3A_35 = arith.constant 0 : index
    %get3A_36 = arith.constant 0 : index
    %get3A_37 = vector.load %arg6[%get3A_35, %get3A_36] : memref<1024x16xf32, #tpu.memory_space<vmem>>, vector<1024x16xf32>
    %slice3A = vector.extract_strided_slice %get3A_37 {offsets = [0, 0], sizes = [1024, 1], strides = [1, 1]} : vector<1024x16xf32> to vector<1024x1xf32>
    %mul3A_38 = vector.broadcast %slice3A : vector<1024x1xf32> to vector<1024x256xf32>
    %mul3A_39 = arith.mulf %dot_general3A_34, %mul3A_38 : vector<1024x256xf32>
    %slice3A_40 = vector.extract_strided_slice %mul3A_39 {offsets = [0, 0], sizes = [1024, 128], strides = [1, 1]} : vector<1024x256xf32> to vector<1024x128xf32>
    %swap3A = arith.constant 0 : index
    %swap3A_41 = arith.constant 0 : index
    %swap3A_42 = vector.load %arg7[%swap3A, %swap3A_41] : memref<1024x128xf32, #tpu.memory_space<vmem>>, vector<1024x128xf32>
    tpu.vector_store %arg7[%swap3A, %swap3A_41], %slice3A_40 {strides = array<i32>} : memref<1024x128xf32, #tpu.memory_space<vmem>>, vector<1024x128xf32>,
    %slice3A_43 = vector.extract_strided_slice %mul3A_39 {offsets = [0, 128], sizes = [1024, 128], strides = [1, 1]} : vector<1024x256xf32> to vector<1024x128xf32>
    %swap3A_44 = arith.constant 0 : index
    %swap3A_45 = arith.constant 0 : index
    %swap3A_46 = vector.load %arg8[%swap3A_44, %swap3A_45] : memref<1024x128xf32, #tpu.memory_space<vmem>>, vector<1024x128xf32>
    tpu.vector_store %arg8[%swap3A_44, %swap3A_45], %slice3A_43 {strides = array<i32>} : memref<1024x128xf32, #tpu.memory_space<vmem>>, vector<1024x128xf32>,
    return
  }
  func.func @transform_0(%arg0: i32) -> (i32, i32) {
    %c0_i32 = arith.constant 0 : i32
    %c0_i32_0 = arith.constant 0 : i32
    return %arg0, %c0_i32 : i32, i32
  }
  func.func @transform_1(%arg0: i32) -> (i32, i32) {
    %c0_i32 = arith.constant 0 : i32
    %c0_i32_0 = arith.constant 0 : i32
    %c0_i32_1 = arith.constant 0 : i32
    return %c0_i32, %c0_i32_0 : i32, i32
  }
  func.func @transform_2(%arg0: i32) -> (i32, i32) {
    %c0_i32 = arith.constant 0 : i32
    %c0_i32_0 = arith.constant 0 : i32
    %c0_i32_1 = arith.constant 0 : i32
    return %c0_i32, %c0_i32_0 : i32, i32
  }
  func.func @transform_3(%arg0: i32) -> (i32, i32) {
    %c0_i32 = arith.constant 0 : i32
    %c0_i32_0 = arith.constant 0 : i32
    %c0_i32_1 = arith.constant 0 : i32
    return %c0_i32, %c0_i32_0 : i32, i32
  }
  func.func @transform_4(%arg0: i32) -> (i32, i32) {
    %c0_i32 = arith.constant 0 : i32
    %c0_i32_0 = arith.constant 0 : i32
    %c0_i32_1 = arith.constant 0 : i32
    return %c0_i32, %c0_i32_0 : i32, i32
  }
  func.func @transform_5(%arg0: i32) -> (i32, i32) {
    %c0_i32 = arith.constant 0 : i32
    %c0_i32_0 = arith.constant 0 : i32
    return %arg0, %c0_i32 : i32, i32
  }
  func.func @transform_6(%arg0: i32) -> (i32, i32) {
    %c0_i32 = arith.constant 0 : i32
    %c0_i32_0 = arith.constant 0 : i32
    return %arg0, %c0_i32 : i32, i32
  }
  func.func @transform_7(%arg0: i32) -> (i32, i32) {
    %c0_i32 = arith.constant 0 : i32
    %c0_i32_0 = arith.constant 0 : i32
    return %arg0, %c0_i32 : i32, i32
  }
}

module attributes {stable_mosaic.version = 14 : i64} {
  func.func @_body(%arg0: i32, %arg1: memref<2x2x1024x128xf32, #tpu.memory_space<vmem>>, %arg2: memref<1024x128xf32, #tpu.memory_space<vmem>>, %arg3: memref<1024x128xf32, #tpu.memory_space<vmem>>, %arg4: memref<1024x16xf32, #tpu.memory_space<vmem>>, %arg5: memref<1x256xf32, #tpu.memory_space<vmem>>, %arg6: memref<1024x256xf32, #tpu.memory_space<vmem>>, %arg7: memref<8x256xf32, #tpu.memory_space<vmem>>) attributes {dimension_semantics = [#tpu.dimension_semantics<arbitrary>], iteration_bounds = array<i64: 10>, scalar_prefetch = 0 : i64, scratch_operands = 0 : i64, tpu.core_type = #tpu.core_type<tc>, window_params = [{transform_indices = @transform_0, window_bounds = array<i64: 2, 2, 1024, 128>}, {transform_indices = @transform_1, window_bounds = array<i64: 1024, 128>}, {transform_indices = @transform_2, window_bounds = array<i64: 1024, 128>}, {transform_indices = @transform_3, window_bounds = array<i64: 1024, 16>}, {pipeline_mode = #tpu.pipeline_mode<synchronous>, transform_indices = @transform_4, window_bounds = array<i64: 1, 256>}, {transform_indices = @transform_5, window_bounds = array<i64: 1024, 256>}, {pipeline_mode = #tpu.pipeline_mode<synchronous>, transform_indices = @transform_6, window_bounds = array<i64: 8, 256>}]} {
    %get3A = arith.constant 0 : index
    %get3A_0 = arith.constant 0 : index
    %get3A_1 = vector.load %arg4[%get3A, %get3A_0] : memref<1024x16xf32, #tpu.memory_space<vmem>>, vector<1024x16xf32>
    %slice3A = vector.extract_strided_slice %get3A_1 {offsets = [0, 0], sizes = [1024, 1], strides = [1, 1]} : vector<1024x16xf32> to vector<1024x1xf32>
    %get3A_2 = arith.constant 0 : index
    %get3A_3 = arith.constant 0 : index
    %get3A_4 = arith.constant 0 : index
    %get3A_5 = arith.constant 0 : index
    %get3A_6 = vector.load %arg1[%get3A_2, %get3A_3, %get3A_4, %get3A_5] : memref<2x2x1024x128xf32, #tpu.memory_space<vmem>>, vector<1x1x1024x128xf32>
    %get3A_7 = vector.shape_cast %get3A_6 : vector<1x1x1024x128xf32> to vector<1024x128xf32>
    %get3A_8 = arith.constant 0 : index
    %get3A_9 = arith.constant 1 : index
    %get3A_10 = arith.constant 0 : index
    %get3A_11 = arith.constant 0 : index
    %get3A_12 = vector.load %arg1[%get3A_8, %get3A_9, %get3A_10, %get3A_11] : memref<2x2x1024x128xf32, #tpu.memory_space<vmem>>, vector<1x1x1024x128xf32>
    %get3A_13 = vector.shape_cast %get3A_12 : vector<1x1x1024x128xf32> to vector<1024x128xf32>
    %add3A = arith.addf %get3A_7, %get3A_13 : vector<1024x128xf32>
    %get3A_14 = arith.constant 0 : index
    %get3A_15 = arith.constant 0 : index
    %get3A_16 = vector.load %arg2[%get3A_14, %get3A_15] : memref<1024x128xf32, #tpu.memory_space<vmem>>, vector<1024x128xf32>
    %add3A_17 = arith.addf %add3A, %get3A_16 : vector<1024x128xf32>
    %get3A_18 = arith.constant 1 : index
    %get3A_19 = arith.constant 0 : index
    %get3A_20 = arith.constant 0 : index
    %get3A_21 = arith.constant 0 : index
    %get3A_22 = vector.load %arg1[%get3A_18, %get3A_19, %get3A_20, %get3A_21] : memref<2x2x1024x128xf32, #tpu.memory_space<vmem>>, vector<1x1x1024x128xf32>
    %get3A_23 = vector.shape_cast %get3A_22 : vector<1x1x1024x128xf32> to vector<1024x128xf32>
    %get3A_24 = arith.constant 1 : index
    %get3A_25 = arith.constant 1 : index
    %get3A_26 = arith.constant 0 : index
    %get3A_27 = arith.constant 0 : index
    %get3A_28 = vector.load %arg1[%get3A_24, %get3A_25, %get3A_26, %get3A_27] : memref<2x2x1024x128xf32, #tpu.memory_space<vmem>>, vector<1x1x1024x128xf32>
    %get3A_29 = vector.shape_cast %get3A_28 : vector<1x1x1024x128xf32> to vector<1024x128xf32>
    %add3A_30 = arith.addf %get3A_23, %get3A_29 : vector<1024x128xf32>
    %get3A_31 = arith.constant 0 : index
    %get3A_32 = arith.constant 0 : index
    %get3A_33 = vector.load %arg3[%get3A_31, %get3A_32] : memref<1024x128xf32, #tpu.memory_space<vmem>>, vector<1024x128xf32>
    %add3A_34 = arith.addf %add3A_30, %get3A_33 : vector<1024x128xf32>
    %concatenate3A = tpu.concatenate %add3A_17, %add3A_34 in 1 : vector<1024x128xf32>, vector<1024x128xf32> -> vector<1024x256xf32>
    %mul3A = vector.broadcast %slice3A : vector<1024x1xf32> to vector<1024x256xf32>
    %mul3A_35 = arith.mulf %concatenate3A, %mul3A : vector<1024x256xf32>
    %get3A_36 = arith.constant 0 : index
    %get3A_37 = arith.constant 0 : index
    %get3A_38 = vector.load %arg5[%get3A_36, %get3A_37] : memref<1x256xf32, #tpu.memory_space<vmem>>, vector<1x256xf32>
    %add3A_39 = vector.broadcast %get3A_38 : vector<1x256xf32> to vector<1024x256xf32>
    %add3A_40 = arith.addf %mul3A_35, %add3A_39 : vector<1024x256xf32>
    %swap3A = arith.constant 0 : index
    %swap3A_41 = arith.constant 0 : index
    %swap3A_42 = vector.load %arg6[%swap3A, %swap3A_41] : memref<1024x256xf32, #tpu.memory_space<vmem>>, vector<1024x256xf32>
    tpu.vector_store %arg6[%swap3A, %swap3A_41], %add3A_40 {strides = array<i32>} : memref<1024x256xf32, #tpu.memory_space<vmem>>, vector<1024x256xf32>,
    %mul3A_43 = arith.constant 1024 : i32
    %mul3A_44 = arith.muli %arg0, %mul3A_43 : i32
    %iota3A = tpu.iota {dimensions = array<i32: 0>} : vector<1024x1xi32>
    %add3A_45 = vector.broadcast %mul3A_44 : i32 to vector<1024x1xi32>
    %add3A_46 = arith.addi %add3A_45, %iota3A : vector<1024x1xi32>
    %lt3A = arith.constant 10000 : i32
    %lt3A_47 = vector.broadcast %lt3A : i32 to vector<1024x1xi32>
    %lt3A_48 = arith.cmpi slt, %add3A_46, %lt3A_47 : vector<1024x1xi32>
    %jit3A = arith.constant 0.000000e+00 : f32
    %broadcast_in_dim3A = vector.shape_cast %lt3A_48 : vector<1024x1xi1> to vector<1024x1xi1>
    %broadcast_in_dim3A_49 = vector.broadcast %broadcast_in_dim3A : vector<1024x1xi1> to vector<1024x256xi1>
    %broadcast_in_dim3A_50 = vector.broadcast %jit3A : f32 to vector<1024x256xf32>
    %select_n3A = arith.select %broadcast_in_dim3A_49, %add3A_40, %broadcast_in_dim3A_50 : vector<1024x256xi1>, vector<1024x256xf32>
    %reduce_sum3A = arith.constant dense<0.000000e+00> : vector<256xf32>
    %reduce_sum3A_51 = vector.multi_reduction <add>, %select_n3A, %reduce_sum3A [0] : vector<1024x256xf32> to vector<256xf32>
    %broadcast_in_dim3A_52 = vector.shape_cast %reduce_sum3A_51 : vector<256xf32> to vector<1x256xf32>
    %mul3A_53 = arith.mulf %select_n3A, %select_n3A : vector<1024x256xf32>
    %reduce_sum3A_54 = arith.constant dense<0.000000e+00> : vector<256xf32>
    %reduce_sum3A_55 = vector.multi_reduction <add>, %mul3A_53, %reduce_sum3A_54 [0] : vector<1024x256xf32> to vector<256xf32>
    %broadcast_in_dim3A_56 = vector.shape_cast %reduce_sum3A_55 : vector<256xf32> to vector<1x256xf32>
    %broadcast_in_dim3A_57 = arith.constant 0.000000e+00 : f32
    %broadcast_in_dim3A_58 = vector.broadcast %broadcast_in_dim3A_57 : f32 to vector<6x256xf32>
    %concatenate3A_59 = tpu.concatenate %broadcast_in_dim3A_52, %broadcast_in_dim3A_56, %broadcast_in_dim3A_58 in 0 : vector<1x256xf32>, vector<1x256xf32>, vector<6x256xf32> -> vector<8x256xf32>
    %eq3A = arith.constant 0 : i32
    %eq3A_60 = arith.cmpi eq, %arg0, %eq3A : i32
    %convert_element_type3A = arith.extui %eq3A_60 : i1 to i32
    %cond3A = arith.constant 0 : i32
    %cond3A_61 = arith.cmpi ne, %convert_element_type3A, %cond3A : i32
    scf.if %cond3A_61 {
      %swap3A_66 = arith.constant 0 : index
      %swap3A_67 = arith.constant 0 : index
      %swap3A_68 = vector.load %arg7[%swap3A_66, %swap3A_67] : memref<8x256xf32, #tpu.memory_space<vmem>>, vector<8x256xf32>
      tpu.vector_store %arg7[%swap3A_66, %swap3A_67], %concatenate3A_59 {strides = array<i32>} : memref<8x256xf32, #tpu.memory_space<vmem>>, vector<8x256xf32>,
    } else {
    }
    %gt3A = arith.constant 0 : i32
    %gt3A_62 = arith.cmpi sgt, %arg0, %gt3A : i32
    %convert_element_type3A_63 = arith.extui %gt3A_62 : i1 to i32
    %cond3A_64 = arith.constant 0 : i32
    %cond3A_65 = arith.cmpi ne, %convert_element_type3A_63, %cond3A_64 : i32
    scf.if %cond3A_65 {
      %get3A_66 = arith.constant 0 : index
      %get3A_67 = arith.constant 0 : index
      %get3A_68 = vector.load %arg7[%get3A_66, %get3A_67] : memref<8x256xf32, #tpu.memory_space<vmem>>, vector<8x256xf32>
      %add3A_69 = arith.addf %get3A_68, %concatenate3A_59 : vector<8x256xf32>
      %swap3A_70 = arith.constant 0 : index
      %swap3A_71 = arith.constant 0 : index
      %swap3A_72 = vector.load %arg7[%swap3A_70, %swap3A_71] : memref<8x256xf32, #tpu.memory_space<vmem>>, vector<8x256xf32>
      tpu.vector_store %arg7[%swap3A_70, %swap3A_71], %add3A_69 {strides = array<i32>} : memref<8x256xf32, #tpu.memory_space<vmem>>, vector<8x256xf32>,
    } else {
    }
    return
  }
  func.func @transform_0(%arg0: i32) -> (i32, i32, i32, i32) {
    %c0_i32 = arith.constant 0 : i32
    %c0_i32_0 = arith.constant 0 : i32
    %c0_i32_1 = arith.constant 0 : i32
    %c0_i32_2 = arith.constant 0 : i32
    return %c0_i32, %c0_i32_0, %arg0, %c0_i32_1 : i32, i32, i32, i32
  }
  func.func @transform_1(%arg0: i32) -> (i32, i32) {
    %c0_i32 = arith.constant 0 : i32
    %c0_i32_0 = arith.constant 0 : i32
    return %arg0, %c0_i32 : i32, i32
  }
  func.func @transform_2(%arg0: i32) -> (i32, i32) {
    %c0_i32 = arith.constant 0 : i32
    %c0_i32_0 = arith.constant 0 : i32
    return %arg0, %c0_i32 : i32, i32
  }
  func.func @transform_3(%arg0: i32) -> (i32, i32) {
    %c0_i32 = arith.constant 0 : i32
    %c0_i32_0 = arith.constant 0 : i32
    return %arg0, %c0_i32 : i32, i32
  }
  func.func @transform_4(%arg0: i32) -> (i32, i32) {
    %c0_i32 = arith.constant 0 : i32
    %c0_i32_0 = arith.constant 0 : i32
    %c0_i32_1 = arith.constant 0 : i32
    return %c0_i32, %c0_i32_0 : i32, i32
  }
  func.func @transform_5(%arg0: i32) -> (i32, i32) {
    %c0_i32 = arith.constant 0 : i32
    %c0_i32_0 = arith.constant 0 : i32
    return %arg0, %c0_i32 : i32, i32
  }
  func.func @transform_6(%arg0: i32) -> (i32, i32) {
    %c0_i32 = arith.constant 0 : i32
    %c0_i32_0 = arith.constant 0 : i32
    %c0_i32_1 = arith.constant 0 : i32
    return %c0_i32, %c0_i32_0 : i32, i32
  }
}

module attributes {stable_mosaic.version = 14 : i64} {
  func.func @_ke4_body(%arg0: i32, %arg1: memref<1024x256xf32, #tpu.memory_space<vmem>>, %arg2: memref<8x256xf32, #tpu.memory_space<vmem>>, %arg3: memref<1x256xf32, #tpu.memory_space<vmem>>, %arg4: memref<1x256xf32, #tpu.memory_space<vmem>>, %arg5: memref<1024x1xi32, #tpu.memory_space<vmem>>, %arg6: memref<64x256xf32, #tpu.memory_space<vmem>>, %arg7: memref<64x128xf32, #tpu.memory_space<vmem>>) attributes {dimension_semantics = [#tpu.dimension_semantics<arbitrary>], iteration_bounds = array<i64: 10>, scalar_prefetch = 0 : i64, scratch_operands = 0 : i64, tpu.core_type = #tpu.core_type<tc>, window_params = [{transform_indices = @transform_0, window_bounds = array<i64: 1024, 256>}, {pipeline_mode = #tpu.pipeline_mode<synchronous>, transform_indices = @transform_1, window_bounds = array<i64: 8, 256>}, {pipeline_mode = #tpu.pipeline_mode<synchronous>, transform_indices = @transform_2, window_bounds = array<i64: 1, 256>}, {pipeline_mode = #tpu.pipeline_mode<synchronous>, transform_indices = @transform_3, window_bounds = array<i64: 1, 256>}, {transform_indices = @transform_4, window_bounds = array<i64: 1024, 1>}, {pipeline_mode = #tpu.pipeline_mode<synchronous>, transform_indices = @transform_5, window_bounds = array<i64: 64, 256>}, {pipeline_mode = #tpu.pipeline_mode<synchronous>, transform_indices = @transform_6, window_bounds = array<i64: 64, 128>}]} {
    %get3A = arith.constant 0 : index
    %get3A_0 = arith.constant 0 : index
    %get3A_1 = vector.load %arg2[%get3A, %get3A_0] : memref<8x256xf32, #tpu.memory_space<vmem>>, vector<1x256xf32>
    %mul3A = arith.constant 9.99999974E-5 : f32
    %mul3A_2 = vector.broadcast %mul3A : f32 to vector<1x256xf32>
    %mul3A_3 = arith.mulf %get3A_1, %mul3A_2 : vector<1x256xf32>
    %get3A_4 = arith.constant 1 : index
    %get3A_5 = arith.constant 0 : index
    %get3A_6 = vector.load %arg2[%get3A_4, %get3A_5] : memref<8x256xf32, #tpu.memory_space<vmem>>, vector<1x256xf32>
    %mul3A_7 = arith.constant 9.99999974E-5 : f32
    %mul3A_8 = vector.broadcast %mul3A_7 : f32 to vector<1x256xf32>
    %mul3A_9 = arith.mulf %get3A_6, %mul3A_8 : vector<1x256xf32>
    %mul3A_10 = arith.mulf %mul3A_3, %mul3A_3 : vector<1x256xf32>
    %sub3A = arith.subf %mul3A_9, %mul3A_10 : vector<1x256xf32>
    %get3A_11 = arith.constant 0 : index
    %get3A_12 = arith.constant 0 : index
    %get3A_13 = vector.load %arg3[%get3A_11, %get3A_12] : memref<1x256xf32, #tpu.memory_space<vmem>>, vector<1x256xf32>
    %add3A = arith.constant 9.99999974E-6 : f32
    %add3A_14 = vector.broadcast %add3A : f32 to vector<1x256xf32>
    %add3A_15 = arith.addf %sub3A, %add3A_14 : vector<1x256xf32>
    %rsqrt3A = math.rsqrt %add3A_15 : vector<1x256xf32>
    %mul3A_16 = arith.mulf %get3A_13, %rsqrt3A : vector<1x256xf32>
    %get3A_17 = arith.constant 0 : index
    %get3A_18 = arith.constant 0 : index
    %get3A_19 = vector.load %arg4[%get3A_17, %get3A_18] : memref<1x256xf32, #tpu.memory_space<vmem>>, vector<1x256xf32>
    %mul3A_20 = arith.mulf %mul3A_3, %mul3A_16 : vector<1x256xf32>
    %sub3A_21 = arith.subf %get3A_19, %mul3A_20 : vector<1x256xf32>
    %get3A_22 = arith.constant 0 : index
    %get3A_23 = arith.constant 0 : index
    %get3A_24 = vector.load %arg1[%get3A_22, %get3A_23] : memref<1024x256xf32, #tpu.memory_space<vmem>>, vector<1024x256xf32>
    %mul3A_25 = vector.broadcast %mul3A_16 : vector<1x256xf32> to vector<1024x256xf32>
    %mul3A_26 = arith.mulf %get3A_24, %mul3A_25 : vector<1024x256xf32>
    %add3A_27 = vector.broadcast %sub3A_21 : vector<1x256xf32> to vector<1024x256xf32>
    %add3A_28 = arith.addf %mul3A_26, %add3A_27 : vector<1024x256xf32>
    %max3A = arith.constant 0.000000e+00 : f32
    %max3A_29 = vector.broadcast %max3A : f32 to vector<1024x256xf32>
    %max3A_30 = arith.maximumf %add3A_28, %max3A_29 : vector<1024x256xf32>
    %iota3A = tpu.iota {dimensions = array<i32: 1>} : vector<1x64xi32>
    %get3A_31 = arith.constant 0 : index
    %get3A_32 = arith.constant 0 : index
    %get3A_33 = vector.load %arg5[%get3A_31, %get3A_32] : memref<1024x1xi32, #tpu.memory_space<vmem>>, vector<1024x1xi32>
    %eq3A = vector.broadcast %get3A_33 : vector<1024x1xi32> to vector<1024x64xi32>
    %eq3A_34 = vector.broadcast %iota3A : vector<1x64xi32> to vector<1024x64xi32>
    %eq3A_35 = arith.cmpi eq, %eq3A, %eq3A_34 : vector<1024x64xi32>
    %convert_element_type3A = arith.extui %eq3A_35 : vector<1024x64xi1> to vector<1024x64xi32>
    %convert_element_type3A_36 = arith.sitofp %convert_element_type3A : vector<1024x64xi32> to vector<1024x64xf32>
    %dot_general3A = arith.constant dense<0.000000e+00> : vector<64x256xf32>
    %dot_general3A_37 = tpu.matmul %convert_element_type3A_36, %max3A_30, %dot_general3A {dimension_numbers = #tpu.dot_dimension_numbers<[0], [0], [1], [1], [0, 1, 1, 1], [], []>, precision = #tpu.contract_precision<fp32>, transpose_lhs_hint = false} : vector<1024x64xf32>, vector<1024x256xf32>, vector<64x256xf32> -> vector<64x256xf32>
    %reduce_sum3A = arith.constant dense<0.000000e+00> : vector<64xf32>
    %reduce_sum3A_38 = vector.multi_reduction <add>, %convert_element_type3A_36, %reduce_sum3A [0] : vector<1024x64xf32> to vector<64xf32>
    %broadcast_in_dim3A = vector.shape_cast %reduce_sum3A_38 : vector<64xf32> to vector<64x1xf32>
    %broadcast_in_dim3A_39 = vector.shape_cast %broadcast_in_dim3A : vector<64x1xf32> to vector<64x1xf32>
    %broadcast_in_dim3A_40 = vector.broadcast %broadcast_in_dim3A_39 : vector<64x1xf32> to vector<64x128xf32>
    %eq3A_41 = arith.constant 0 : i32
    %eq3A_42 = arith.cmpi eq, %arg0, %eq3A_41 : i32
    %convert_element_type3A_43 = arith.extui %eq3A_42 : i1 to i32
    %cond3A = arith.constant 0 : i32
    %cond3A_44 = arith.cmpi ne, %convert_element_type3A_43, %cond3A : i32
    scf.if %cond3A_44 {
      %swap3A = arith.constant 0 : index
      %swap3A_49 = arith.constant 0 : index
      %swap3A_50 = vector.load %arg6[%swap3A, %swap3A_49] : memref<64x256xf32, #tpu.memory_space<vmem>>, vector<64x256xf32>
      tpu.vector_store %arg6[%swap3A, %swap3A_49], %dot_general3A_37 {strides = array<i32>} : memref<64x256xf32, #tpu.memory_space<vmem>>, vector<64x256xf32>,
      %swap3A_51 = arith.constant 0 : index
      %swap3A_52 = arith.constant 0 : index
      %swap3A_53 = vector.load %arg7[%swap3A_51, %swap3A_52] : memref<64x128xf32, #tpu.memory_space<vmem>>, vector<64x128xf32>
      tpu.vector_store %arg7[%swap3A_51, %swap3A_52], %broadcast_in_dim3A_40 {strides = array<i32>} : memref<64x128xf32, #tpu.memory_space<vmem>>, vector<64x128xf32>,
    } else {
    }
    %gt3A = arith.constant 0 : i32
    %gt3A_45 = arith.cmpi sgt, %arg0, %gt3A : i32
    %convert_element_type3A_46 = arith.extui %gt3A_45 : i1 to i32
    %cond3A_47 = arith.constant 0 : i32
    %cond3A_48 = arith.cmpi ne, %convert_element_type3A_46, %cond3A_47 : i32
    scf.if %cond3A_48 {
      %get3A_49 = arith.constant 0 : index
      %get3A_50 = arith.constant 0 : index
      %get3A_51 = vector.load %arg6[%get3A_49, %get3A_50] : memref<64x256xf32, #tpu.memory_space<vmem>>, vector<64x256xf32>
      %add3A_52 = arith.addf %get3A_51, %dot_general3A_37 : vector<64x256xf32>
      %swap3A = arith.constant 0 : index
      %swap3A_53 = arith.constant 0 : index
      %swap3A_54 = vector.load %arg6[%swap3A, %swap3A_53] : memref<64x256xf32, #tpu.memory_space<vmem>>, vector<64x256xf32>
      tpu.vector_store %arg6[%swap3A, %swap3A_53], %add3A_52 {strides = array<i32>} : memref<64x256xf32, #tpu.memory_space<vmem>>, vector<64x256xf32>,
      %get3A_55 = arith.constant 0 : index
      %get3A_56 = arith.constant 0 : index
      %get3A_57 = vector.load %arg7[%get3A_55, %get3A_56] : memref<64x128xf32, #tpu.memory_space<vmem>>, vector<64x128xf32>
      %add3A_58 = arith.addf %get3A_57, %broadcast_in_dim3A_40 : vector<64x128xf32>
      %swap3A_59 = arith.constant 0 : index
      %swap3A_60 = arith.constant 0 : index
      %swap3A_61 = vector.load %arg7[%swap3A_59, %swap3A_60] : memref<64x128xf32, #tpu.memory_space<vmem>>, vector<64x128xf32>
      tpu.vector_store %arg7[%swap3A_59, %swap3A_60], %add3A_58 {strides = array<i32>} : memref<64x128xf32, #tpu.memory_space<vmem>>, vector<64x128xf32>,
    } else {
    }
    return
  }
  func.func @transform_0(%arg0: i32) -> (i32, i32) {
    %c0_i32 = arith.constant 0 : i32
    %c0_i32_0 = arith.constant 0 : i32
    return %arg0, %c0_i32 : i32, i32
  }
  func.func @transform_1(%arg0: i32) -> (i32, i32) {
    %c0_i32 = arith.constant 0 : i32
    %c0_i32_0 = arith.constant 0 : i32
    %c0_i32_1 = arith.constant 0 : i32
    return %c0_i32, %c0_i32_0 : i32, i32
  }
  func.func @transform_2(%arg0: i32) -> (i32, i32) {
    %c0_i32 = arith.constant 0 : i32
    %c0_i32_0 = arith.constant 0 : i32
    %c0_i32_1 = arith.constant 0 : i32
    return %c0_i32, %c0_i32_0 : i32, i32
  }
  func.func @transform_3(%arg0: i32) -> (i32, i32) {
    %c0_i32 = arith.constant 0 : i32
    %c0_i32_0 = arith.constant 0 : i32
    %c0_i32_1 = arith.constant 0 : i32
    return %c0_i32, %c0_i32_0 : i32, i32
  }
  func.func @transform_4(%arg0: i32) -> (i32, i32) {
    %c0_i32 = arith.constant 0 : i32
    %c0_i32_0 = arith.constant 0 : i32
    return %arg0, %c0_i32 : i32, i32
  }
  func.func @transform_5(%arg0: i32) -> (i32, i32) {
    %c0_i32 = arith.constant 0 : i32
    %c0_i32_0 = arith.constant 0 : i32
    %c0_i32_1 = arith.constant 0 : i32
    return %c0_i32, %c0_i32_0 : i32, i32
  }
  func.func @transform_6(%arg0: i32) -> (i32, i32) {
    %c0_i32 = arith.constant 0 : i32
    %c0_i32_0 = arith.constant 0 : i32
    %c0_i32_1 = arith.constant 0 : i32
    return %c0_i32, %c0_i32_0 : i32, i32
  }
}

module attributes {stable_mosaic.version = 14 : i64} {
  func.func @_head_body(%arg0: memref<64x256xf32, #tpu.memory_space<vmem>>, %arg1: memref<64x128xf32, #tpu.memory_space<vmem>>, %arg2: memref<256x512xf32, #tpu.memory_space<vmem>>, %arg3: memref<1x512xf32, #tpu.memory_space<vmem>>, %arg4: memref<1x512xf32, #tpu.memory_space<vmem>>, %arg5: memref<1x512xf32, #tpu.memory_space<vmem>>, %arg6: memref<512x256xf32, #tpu.memory_space<vmem>>, %arg7: memref<1x256xf32, #tpu.memory_space<vmem>>, %arg8: memref<1x256xf32, #tpu.memory_space<vmem>>, %arg9: memref<1x256xf32, #tpu.memory_space<vmem>>, %arg10: memref<256x1xf32, #tpu.memory_space<vmem>>, %arg11: memref<1x1xf32, #tpu.memory_space<vmem>>, %arg12: memref<64x1xf32, #tpu.memory_space<vmem>>) attributes {dimension_semantics = [], scalar_prefetch = 0 : i64, scratch_operands = 0 : i64, tpu.core_type = #tpu.core_type<tc>} {
    %get3A = arith.constant 0 : index
    %get3A_0 = arith.constant 0 : index
    %get3A_1 = vector.load %arg0[%get3A, %get3A_0] : memref<64x256xf32, #tpu.memory_space<vmem>>, vector<64x256xf32>
    %get3A_2 = arith.constant 0 : index
    %get3A_3 = arith.constant 0 : index
    %get3A_4 = vector.load %arg1[%get3A_2, %get3A_3] : memref<64x128xf32, #tpu.memory_space<vmem>>, vector<64x128xf32>
    %slice3A = vector.extract_strided_slice %get3A_4 {offsets = [0, 0], sizes = [64, 1], strides = [1, 1]} : vector<64x128xf32> to vector<64x1xf32>
    %max3A = arith.constant 1.000000e+00 : f32
    %max3A_5 = vector.broadcast %max3A : f32 to vector<64x1xf32>
    %max3A_6 = arith.maximumf %slice3A, %max3A_5 : vector<64x1xf32>
    %div3A = vector.broadcast %max3A_6 : vector<64x1xf32> to vector<64x256xf32>
    %div3A_7 = arith.divf %get3A_1, %div3A : vector<64x256xf32>
    %get3A_8 = arith.constant 0 : index
    %get3A_9 = arith.constant 0 : index
    %get3A_10 = vector.load %arg2[%get3A_8, %get3A_9] : memref<256x512xf32, #tpu.memory_space<vmem>>, vector<256x512xf32>
    %dot_general3A = arith.constant dense<0.000000e+00> : vector<64x512xf32>
    %dot_general3A_11 = tpu.matmul %div3A_7, %get3A_10, %dot_general3A {dimension_numbers = #tpu.dot_dimension_numbers<[1], [0], [0], [1], [0, 0, 1, 1], [], []>, transpose_lhs_hint = false} : vector<64x256xf32>, vector<256x512xf32>, vector<64x512xf32> -> vector<64x512xf32>
    %get3A_12 = arith.constant 0 : index
    %get3A_13 = arith.constant 0 : index
    %get3A_14 = vector.load %arg3[%get3A_12, %get3A_13] : memref<1x512xf32, #tpu.memory_space<vmem>>, vector<1x512xf32>
    %add3A = vector.broadcast %get3A_14 : vector<1x512xf32> to vector<64x512xf32>
    %add3A_15 = arith.addf %dot_general3A_11, %add3A : vector<64x512xf32>
    %get3A_16 = arith.constant 0 : index
    %get3A_17 = arith.constant 0 : index
    %get3A_18 = vector.load %arg4[%get3A_16, %get3A_17] : memref<1x512xf32, #tpu.memory_space<vmem>>, vector<1x512xf32>
    %get3A_19 = arith.constant 0 : index
    %get3A_20 = arith.constant 0 : index
    %get3A_21 = vector.load %arg5[%get3A_19, %get3A_20] : memref<1x512xf32, #tpu.memory_space<vmem>>, vector<1x512xf32>
    %reduce_sum3A = arith.constant dense<0.000000e+00> : vector<512xf32>
    %reduce_sum3A_22 = vector.multi_reduction <add>, %add3A_15, %reduce_sum3A [0] : vector<64x512xf32> to vector<512xf32>
    %broadcast_in_dim3A = vector.shape_cast %reduce_sum3A_22 : vector<512xf32> to vector<1x512xf32>
    %div3A_23 = arith.constant 6.400000e+01 : f32
    %div3A_24 = vector.broadcast %div3A_23 : f32 to vector<1x512xf32>
    %div3A_25 = arith.divf %broadcast_in_dim3A, %div3A_24 : vector<1x512xf32>
    %sub3A = vector.broadcast %div3A_25 : vector<1x512xf32> to vector<64x512xf32>
    %sub3A_26 = arith.subf %add3A_15, %sub3A : vector<64x512xf32>
    %integer_pow3A = arith.mulf %sub3A_26, %sub3A_26 : vector<64x512xf32>
    %reduce_sum3A_27 = arith.constant dense<0.000000e+00> : vector<512xf32>
    %reduce_sum3A_28 = vector.multi_reduction <add>, %integer_pow3A, %reduce_sum3A_27 [0] : vector<64x512xf32> to vector<512xf32>
    %broadcast_in_dim3A_29 = vector.shape_cast %reduce_sum3A_28 : vector<512xf32> to vector<1x512xf32>
    %div3A_30 = arith.constant 6.400000e+01 : f32
    %div3A_31 = vector.broadcast %div3A_30 : f32 to vector<1x512xf32>
    %div3A_32 = arith.divf %broadcast_in_dim3A_29, %div3A_31 : vector<1x512xf32>
    %sub3A_33 = vector.broadcast %div3A_25 : vector<1x512xf32> to vector<64x512xf32>
    %sub3A_34 = arith.subf %add3A_15, %sub3A_33 : vector<64x512xf32>
    %add3A_35 = arith.constant 9.99999974E-6 : f32
    %add3A_36 = vector.broadcast %add3A_35 : f32 to vector<1x512xf32>
    %add3A_37 = arith.addf %div3A_32, %add3A_36 : vector<1x512xf32>
    %rsqrt3A = math.rsqrt %add3A_37 : vector<1x512xf32>
    %mul3A = vector.broadcast %rsqrt3A : vector<1x512xf32> to vector<64x512xf32>
    %mul3A_38 = arith.mulf %sub3A_34, %mul3A : vector<64x512xf32>
    %mul3A_39 = vector.broadcast %get3A_18 : vector<1x512xf32> to vector<64x512xf32>
    %mul3A_40 = arith.mulf %mul3A_38, %mul3A_39 : vector<64x512xf32>
    %add3A_41 = vector.broadcast %get3A_21 : vector<1x512xf32> to vector<64x512xf32>
    %add3A_42 = arith.addf %mul3A_40, %add3A_41 : vector<64x512xf32>
    %max3A_43 = arith.constant 0.000000e+00 : f32
    %max3A_44 = vector.broadcast %max3A_43 : f32 to vector<64x512xf32>
    %max3A_45 = arith.maximumf %add3A_42, %max3A_44 : vector<64x512xf32>
    %get3A_46 = arith.constant 0 : index
    %get3A_47 = arith.constant 0 : index
    %get3A_48 = vector.load %arg6[%get3A_46, %get3A_47] : memref<512x256xf32, #tpu.memory_space<vmem>>, vector<512x256xf32>
    %dot_general3A_49 = arith.constant dense<0.000000e+00> : vector<64x256xf32>
    %dot_general3A_50 = tpu.matmul %max3A_45, %get3A_48, %dot_general3A_49 {dimension_numbers = #tpu.dot_dimension_numbers<[1], [0], [0], [1], [0, 0, 1, 1], [], []>, transpose_lhs_hint = false} : vector<64x512xf32>, vector<512x256xf32>, vector<64x256xf32> -> vector<64x256xf32>
    %get3A_51 = arith.constant 0 : index
    %get3A_52 = arith.constant 0 : index
    %get3A_53 = vector.load %arg7[%get3A_51, %get3A_52] : memref<1x256xf32, #tpu.memory_space<vmem>>, vector<1x256xf32>
    %add3A_54 = vector.broadcast %get3A_53 : vector<1x256xf32> to vector<64x256xf32>
    %add3A_55 = arith.addf %dot_general3A_50, %add3A_54 : vector<64x256xf32>
    %get3A_56 = arith.constant 0 : index
    %get3A_57 = arith.constant 0 : index
    %get3A_58 = vector.load %arg8[%get3A_56, %get3A_57] : memref<1x256xf32, #tpu.memory_space<vmem>>, vector<1x256xf32>
    %get3A_59 = arith.constant 0 : index
    %get3A_60 = arith.constant 0 : index
    %get3A_61 = vector.load %arg9[%get3A_59, %get3A_60] : memref<1x256xf32, #tpu.memory_space<vmem>>, vector<1x256xf32>
    %reduce_sum3A_62 = arith.constant dense<0.000000e+00> : vector<256xf32>
    %reduce_sum3A_63 = vector.multi_reduction <add>, %add3A_55, %reduce_sum3A_62 [0] : vector<64x256xf32> to vector<256xf32>
    %broadcast_in_dim3A_64 = vector.shape_cast %reduce_sum3A_63 : vector<256xf32> to vector<1x256xf32>
    %div3A_65 = arith.constant 6.400000e+01 : f32
    %div3A_66 = vector.broadcast %div3A_65 : f32 to vector<1x256xf32>
    %div3A_67 = arith.divf %broadcast_in_dim3A_64, %div3A_66 : vector<1x256xf32>
    %sub3A_68 = vector.broadcast %div3A_67 : vector<1x256xf32> to vector<64x256xf32>
    %sub3A_69 = arith.subf %add3A_55, %sub3A_68 : vector<64x256xf32>
    %integer_pow3A_70 = arith.mulf %sub3A_69, %sub3A_69 : vector<64x256xf32>
    %reduce_sum3A_71 = arith.constant dense<0.000000e+00> : vector<256xf32>
    %reduce_sum3A_72 = vector.multi_reduction <add>, %integer_pow3A_70, %reduce_sum3A_71 [0] : vector<64x256xf32> to vector<256xf32>
    %broadcast_in_dim3A_73 = vector.shape_cast %reduce_sum3A_72 : vector<256xf32> to vector<1x256xf32>
    %div3A_74 = arith.constant 6.400000e+01 : f32
    %div3A_75 = vector.broadcast %div3A_74 : f32 to vector<1x256xf32>
    %div3A_76 = arith.divf %broadcast_in_dim3A_73, %div3A_75 : vector<1x256xf32>
    %sub3A_77 = vector.broadcast %div3A_67 : vector<1x256xf32> to vector<64x256xf32>
    %sub3A_78 = arith.subf %add3A_55, %sub3A_77 : vector<64x256xf32>
    %add3A_79 = arith.constant 9.99999974E-6 : f32
    %add3A_80 = vector.broadcast %add3A_79 : f32 to vector<1x256xf32>
    %add3A_81 = arith.addf %div3A_76, %add3A_80 : vector<1x256xf32>
    %rsqrt3A_82 = math.rsqrt %add3A_81 : vector<1x256xf32>
    %mul3A_83 = vector.broadcast %rsqrt3A_82 : vector<1x256xf32> to vector<64x256xf32>
    %mul3A_84 = arith.mulf %sub3A_78, %mul3A_83 : vector<64x256xf32>
    %mul3A_85 = vector.broadcast %get3A_58 : vector<1x256xf32> to vector<64x256xf32>
    %mul3A_86 = arith.mulf %mul3A_84, %mul3A_85 : vector<64x256xf32>
    %add3A_87 = vector.broadcast %get3A_61 : vector<1x256xf32> to vector<64x256xf32>
    %add3A_88 = arith.addf %mul3A_86, %add3A_87 : vector<64x256xf32>
    %max3A_89 = arith.constant 0.000000e+00 : f32
    %max3A_90 = vector.broadcast %max3A_89 : f32 to vector<64x256xf32>
    %max3A_91 = arith.maximumf %add3A_88, %max3A_90 : vector<64x256xf32>
    %get3A_92 = arith.constant 0 : index
    %get3A_93 = arith.constant 0 : index
    %get3A_94 = vector.load %arg10[%get3A_92, %get3A_93] : memref<256x1xf32, #tpu.memory_space<vmem>>, vector<256x1xf32>
    %dot_general3A_95 = arith.constant dense<0.000000e+00> : vector<64x1xf32>
    %dot_general3A_96 = tpu.matmul %max3A_91, %get3A_94, %dot_general3A_95 {dimension_numbers = #tpu.dot_dimension_numbers<[1], [0], [0], [1], [0, 0, 1, 1], [], []>, transpose_lhs_hint = false} : vector<64x256xf32>, vector<256x1xf32>, vector<64x1xf32> -> vector<64x1xf32>
    %get3A_97 = arith.constant 0 : index
    %get3A_98 = arith.constant 0 : index
    %get3A_99 = vector.load %arg11[%get3A_97, %get3A_98] : memref<1x1xf32, #tpu.memory_space<vmem>>, vector<1x1xf32>
    %add3A_100 = vector.broadcast %get3A_99 : vector<1x1xf32> to vector<64x1xf32>
    %add3A_101 = arith.addf %dot_general3A_96, %add3A_100 : vector<64x1xf32>
    %swap3A = arith.constant 0 : index
    %swap3A_102 = arith.constant 0 : index
    %swap3A_103 = vector.load %arg12[%swap3A, %swap3A_102] : memref<64x1xf32, #tpu.memory_space<vmem>>, vector<64x1xf32>
    tpu.vector_store %arg12[%swap3A, %swap3A_102], %add3A_101 {strides = array<i32>} : memref<64x1xf32, #tpu.memory_space<vmem>>, vector<64x1xf32>,
    return
  }
}

</mosaic_0001>

<sc_bundles>
// kernel: kernel.11.cloned.1.call-start
scs
__scs_entry_jumppad:
0x0: {  	(pc) =	sbr.rel $0x88, $3  }
0x1: {  	(tag) =	ssettag $0x0;
	lr =	simm.s32 $0x1  }
0x2: {  	[smem:$0x3F8A] =	sst lr;
	_ =	strace $0xD0000000  }
0x3: {  	_ = 	snop  }
0x4: {  	_ = 	snop  }
0x5: {  	_ = 	snop  }
0x6: {  	_ = 	snop  }
0x7: {  	_ = 	snop  }
__scs_overlays_trampoline_lowered:
0x8: {  	[smem:$0x3F99] =	sst s0  }
0x9: {  	[smem:$0x3F9A] =	sst s1  }
0xa: {  	[smem:$0x3F9B] =	sst s2  }
0xb: {  	[smem:$0x3F9C] =	sst s3  }
0xc: {  	[smem:$0x3F9D] =	sst s4  }
0xd: {  	[smem:$0x3F9E] =	sst s5  }
0xe: {  	[smem:$0x3F9F] =	sst s6  }
0xf: {  	[smem:$0x3FA0] =	sst s7  }
0x10: {  	[smem:$0x3FA1] =	sst s8  }
0x11: {  	[smem:$0x3FA2] =	sst s9;
	s0 =	simm.s32 @!p0 $0x0  }
0x12: {  	s1 =	sld [smem:$0x3F88];
	s0 =	simm.s32 @p0 $0x1  }
0x13: {  	[smem:$0x3FA3] =	sst s0;
	s0 =	simm.s32 @!p1 $0x0  }
0x14: {  	s2 =	sld [smem:$0x3F87];
	s0 =	simm.s32 @p1 $0x1  }
0x15: {  	[smem:$0x3FA4] =	sst s0;
	s0 =	simm.s32 @!p2 $0x0  }
0x16: {  	s3 =	sld [smem:$0x3FDB];
	s0 =	simm.s32 @p2 $0x1  }
0x17: {  	s4 =	simm.s32 $0x1BF5;
	[smem:$0x3FA6] =	sst s0  }
0x18: {  	s0 =	sld [smem:$0x3F89];
	_ =	swait.ge [sflag:s4], $0x0  }
0x19: {  	s7 =	sld [smem:$0x3F8A]  }
0x1a: {  	s8 =	sadd.s32 $0xFFFFE003, lr  }
0x1b: {  	s9 =	sadd.s32 $0xFFFFFEF7, lr;
	s5 =	simm.s32 $0xFFFFFFFF;
	p2 =	slt.u32 s8, $0xFFFFF086  }
0x1c: {  	p1 =	slt.u32 s9, $0xF7A;
	s5 =	simm.s32 @!p2 $0x0  }
0x1d: {  	s5 =	simm.s32 @p1 $0x1;
	p0 =	seq.s32 s7, s2  }
0x1e: {  	s7 =	smul.u32 @!p0 $0xF7A, s2;
	p2 =	seq.s32 @!p0 s5, $0x0  }
0x1f: {  	s9 =	smul.u32 $0xF7A, s1;
	s8 =	simm.s32 @!p0 $0x1BF5;
	p2 =	por !p2, p0  }
0x20: {  	[sflag:s8] =	ssyncset.s32 @!p0 $0xFFFFF086;
	s6 =	sadd.s32 @!p0 s3, s7;
	s7 =	simm.s32 @!p0 $0x108  }
0x21: {  	s3 =	sadd.s32 s3, s9;
	s6 =	sadd.s32 @!p0 $0x88, s6;
	s7 =	simm.s32 @p2 $0x1082  }
0x22: {  	[simem:s7], [sflag:s8] =	dma.local @!p0 [hbm:s6], $0xF7A  }
0x23: {  	s9 =	sor.u32 $0xD0000000, s2;
	s6 =	simm.s32 $0x108;
	_ =	swait.ge @!p0 [sflag:s8], $0x0  }
0x24: {  	s3 =	sadd.s32 $0x88, s3;
	s6 =	simm.s32 @!p1 $0x1082;
	[sflag:s4] =	ssyncset.s32 $0xFFFFF086  }
0x25: {  	[simem:s6], [sflag:s4] =	dma.local [hbm:s3], $0xF7A  }
0x26: {  	[smem:$0x3F8A] =	sst s1;
	(tag) =	ssettag s2;
	_ =	strace s9  }
0x27: {  	s1 =	sld [smem:$0x3F9A]  }
0x28: {  	s2 =	sld [smem:$0x3F9B]  }
0x29: {  	s4 =	sld [smem:$0x3F9D]  }
0x2a: {  	p0 =	seq.s32 s5, $0x0;
	s5 =	sld [smem:$0x3F9E]  }
0x2b: {  	s6 =	sld [smem:$0x3F9F]  }
0x2c: {  	s7 =	sld [smem:$0x3FA0]  }
0x2d: {  	s3 =	simm.s32 $0x108;
	s8 =	sld [smem:$0x3FA1]  }
0x2e: {  	s3 =	simm.s32 @!p0 $0x1082;
	s9 =	sld [smem:$0x3FA2]  }
0x2f: {  	lr =	sadd.s32 s0, s3;
	s0 =	sld [smem:$0x3F99]  }
0x30: {  	s3 =	sld [smem:$0x3F9C]  }
0x31: {  	[smem:$0x3FA5] =	sst s10  }
0x32: {  	s10 =	sld [smem:$0x3FA3];
	_ =	sdelay $0x3  }
0x33: {  	p0 =	seq.s32 s10, $0x1;
	s10 =	sld [smem:$0x3FA5];
	_ =	sdelay $0x3  }
0x34: {  	[smem:$0x3FA5] =	sst s10  }
0x35: {  	s10 =	sld [smem:$0x3FA4];
	_ =	sdelay $0x3  }
0x36: {  	p1 =	seq.s32 s10, $0x1;
	s10 =	sld [smem:$0x3FA5];
	_ =	sdelay $0x3  }
0x37: {  	[smem:$0x3FA5] =	sst s10  }
0x38: {  	s10 =	sld [smem:$0x3FA6]  }
0x39: {  	_ = 	snop;
	(pc) =	sbr.ind lr, $3  }
0x3a: {  	_ = 	snop  }
0x3b: {  	_ = 	snop  }
0x3c: {  	p2 =	seq.s32 s10, $0x1;
	s10 =	sld [smem:$0x3FA5]  }
0x3d: {  	_ =	shalt  }
0x3e: {  	_ =	shalt  }
0x3f: {  	_ =	shalt  }
0x40: {  	_ =	shalt  }
0x41: {  	_ =	shalt  }
0x42: {  	_ =	shalt  }
0x43: {  	_ =	shalt  }
0x44: {  	_ =	shalt  }
0x45: {  	_ =	shalt  }
0x46: {  	_ =	shalt  }
0x47: {  	_ =	shalt  }
0x48: {  	_ =	shalt  }
0x49: {  	_ =	shalt  }
0x4a: {  	_ =	shalt  }
0x4b: {  	_ =	shalt  }
0x4c: {  	_ =	shalt  }
0x4d: {  	_ =	shalt  }
0x4e: {  	_ =	shalt  }
0x4f: {  	_ =	shalt  }
0x50: {  	_ =	shalt  }
0x51: {  	_ =	shalt  }
0x52: {  	_ =	shalt  }
0x53: {  	_ =	shalt  }
0x54: {  	_ =	shalt  }
0x55: {  	_ =	shalt  }
0x56: {  	_ =	shalt  }
0x57: {  	_ =	shalt  }
0x58: {  	_ =	shalt  }
0x59: {  	_ =	shalt  }
0x5a: {  	_ =	shalt  }
0x5b: {  	_ =	shalt  }
0x5c: {  	_ =	shalt  }
0x5d: {  	_ =	shalt  }
0x5e: {  	_ =	shalt  }
0x5f: {  	_ =	shalt  }
0x60: {  	_ =	shalt  }
0x61: {  	_ =	shalt  }
0x62: {  	_ =	shalt  }
0x63: {  	_ =	shalt  }
0x64: {  	_ =	shalt  }
0x65: {  	_ =	shalt  }
0x66: {  	_ =	shalt  }
0x67: {  	_ =	shalt  }
0x68: {  	_ =	shalt  }
0x69: {  	_ =	shalt  }
0x6a: {  	_ =	shalt  }
0x6b: {  	_ =	shalt  }
0x6c: {  	_ =	shalt  }
0x6d: {  	_ =	shalt  }
0x6e: {  	_ =	shalt  }
0x6f: {  	_ =	shalt  }
0x70: {  	_ =	shalt  }
0x71: {  	_ =	shalt  }
0x72: {  	_ =	shalt  }
0x73: {  	_ =	shalt  }
0x74: {  	_ =	shalt  }
0x75: {  	_ =	shalt  }
0x76: {  	_ =	shalt  }
0x77: {  	_ =	shalt  }
0x78: {  	_ =	shalt  }
0x79: {  	_ =	shalt  }
0x7a: {  	_ =	shalt  }
0x7b: {  	_ =	shalt  }
0x7c: {  	_ =	shalt  }
0x7d: {  	_ =	shalt  }
0x7e: {  	_ =	shalt  }
0x7f: {  	_ =	shalt  }
0x80: {  	_ =	shalt  }
0x81: {  	_ =	shalt  }
0x82: {  	_ =	shalt  }
0x83: {  	_ =	shalt  }
0x84: {  	_ =	shalt  }
0x85: {  	_ =	shalt  }
0x86: {  	_ =	shalt  }
0x87: {  	_ =	shalt  }
.Lfunc_end0:
.L_simem_size_0:
called_computation_lowered:
.L_overlay_start_0:
0x88: {  	s2 =	sld [smem:$0x3FD9]  }
0x89: {  	s3 =	sld [smem:$0x3FFE];
	_ =	sdelay $0x1  }
0x8a: {  	s1 =	srdreg.scid  }
0x8b: {  	s0 =	sand.u32 $0x1, s1  }
0x8c: {  	s16 =	sshll.u32 s0, $0xA;
	s2 =	sadd.s32 s3, s2  }
0x8d: {  	s2 =	sadd.s32 s2, s16  }
0x8e: {  	[smem:$0x3FB1] =	sst s2  }
0x8f: {  	_ = 	snop  }
0x90: {  	(tm) =	ssettm $0x1  }
0x91: {  	s17 =	sld [smem:$0x3FFB];
	_ =	sdelay $0x3  }
0x92: {  	_ =	strace s17  }
0x93: {  	s2 =	sld [smem:$0x3FFC];
	_ =	sdelay $0x3  }
0x94: {  	_ =	strace s2  }
0x95: {  	s2 =	sld [smem:$0x3FFD];
	_ =	sdelay $0x3  }
0x96: {  	_ =	strace s2  }
0x97: {  	_ =	strace $0x8FFFFFFF  }
0x98: {  	s18 =	sld [smem:$0x3FDB];
	_ =	sdelay $0x1  }
0x99: {  	s19 =	simm.s32 $_scs_section_size  }
0x9a: {  	s4 =	simm.s32 $_size__tile_overlayer_lowered;
	s5 =	simm.s32 $_tile_overlayer_lowered  }
0x9b: {  	s22 =	simm.s32 $0x1BFF;
	s21 =	sshll.u32 s5, $0x1;
	s2 =	sadd.s32 s19, s18  }
0x9c: {  	s6 =	simm.s32 $0x0;
	s20 =	sshll.u32 s4, $0x1;
	s4 =	sadd.s32 s21, s2  }
0x9d: {  	[timem:s6], [sflag:s22] =	dma.local [hbm:s4], s20  }
0x9e: {  	_ =	swait.ge [sflag:s22], s20  }
0x9f: {  	s3 =	ssub.s32 $0x0, s20;
	[sflag:s22] =	ssyncset.done $0x0  }
0xa0: {  	[sflag:s22] =	ssyncadd.s32 s3;
	_ =	sdelay $0x1  }
0xa1: {  	s23 =	simm.s32 $0x1B8B  }
0xa2: {  	_ =	swait.ge [sflag:s23], $0x1  }
0xa3: {  	[sflag:s23] =	ssyncset.done $0x0  }
0xa4: {  	s25 =	simm.s32 $0x1B8E;
	s24 =	sld [smem:$0x3FFE];
	[sflag:s23] =	ssyncadd.s32 $0xFFFFFFFF  }
0xa5: {  	s26 =	simm.s32 $execute0_lowered;
	[smem:$0x3FD2] =	sst s25  }
0xa6: {  	s4 =	sshll.u32 s26, $0x1;
	_ =	strace $0x80000046;
	[dreg:$0x1] =	wrdreg $0xFFFFFFFF  }
0xa7: {  	s28 =	simm.s32 $_size_execute0_lowered;
	s2 =	sadd.s32 s2, s4;
	[dreg:$0x0] =	wrdreg $0x0  }
0xa8: {  	s4 =	sshll.u32 s28, $0x1;
	[dreg:$0x2] =	wrdreg s2  }
0xa9: {  	[dreg:$0x3] =	wrdreg s4  }
0xaa: {  	[dreg:$0x4] =	wrdreg $0xC0  }
0xab: {  	_ =	task [dreg:s6], $0x5FFFF  }
0xac: {  	[dreg:$0x1] =	wrdreg $0xFFFFFFFF  }
0xad: {  	[dreg:$0x0] =	wrdreg $0x60  }
0xae: {  	[dreg:$0x2] =	wrdreg s24  }
0xaf: {  	[dreg:$0x3] =	wrdreg $0x54000  }
0xb0: {  	[dreg:$0x4] =	wrdreg $0x9  }
0xb1: {  	_ =	task.clear_ibuf [dreg:s6], $0x5FFFF;
	_ =	strace $0x90000046  }
0xb2: {  	s29 =	simm.s32 $0x9;
	_ =	strace $0x80000048  }
0xb3: {  	_ =	swait.ge [sflag:s29], $0x1  }
0xb4: {  	[sflag:s29] =	ssyncadd.s32 $0xFFFFFFFF  }
0xb5: {  	_ =	strace $0x90000048  }
0xb6: {  	_ =	sfence  }
0xb7: {  	s30 =	sld [smem:$0x0];
	_ =	sdelay $0x2  }
0xb8: {  	s31 =	sshll.u32 s1, $0xD;
	s1 =	sshrl.u32 s1, $0x2  }
0xb9: {  	s3 =	sand.u32 $0x4000, s31;
	s1 =	sadd.s32 s1, s30  }
0xba: {  	s0 =	sor.u32 s3, s0;
	s1 =	sshll.u32 s1, $0x11  }
0xbb: {  	s0 =	sor.u32 s1, s0  }
0xbc: {  	s0 =	sadd.s32 $0x8F2B, s0  }
0xbd: {  	[sflag:s0] =	ssyncadd.remote.s32 $0x1  }
0xbe: {  	_ =	sfence.sel $0xFFFF  }
0xbf: {  	[dreg:$0x0] =	wrdreg $0xFFFFFFFF;
	(pc) =	sbr.abs _section_cstart, $3  }
0xc0: {  	[dreg:$0x1] =	wrdreg $0xFFFFFFFF  }
0xc1: {  	_ =	task.clear_ibuf [dreg:s6], $0x2FFFF;
	_ =	strace $0x9FFFFFFF  }
0xc2: {  	(tm) =	ssettm $0x7FFFFFFF  }
0xc3: {  	_ =	shalt  }
tec
execute0_lowered:
.L_overlay_start_1:
0x0: {  	(tag) =	ssettag $0x1  }
0x1: {  	s1 =	srdreg.scid  }
0x2: {  	s0 =	stileid.u32;
	s4 =	rddreg [dreg:$0x0]  }
0x3: {  	s2 =	rddreg [dreg:$0x1];
	s3 =	simm.s32 $0x0;
	s6 =	smul.u32 $0x2800, s0  }
0x4: {  	s16 =	simm.s32 $0x1;
	s17 =	simm.s32 $0x80;
	s8 =	smul.u32 $0x280, s0  }
0x5: {  	s5 =	sand.u32 $0x1, s1;
	s1 =	rddreg [dreg:$0x2];
	s9 =	smul.u32 $0x50000, s0  }
0x6: {  	s18 =	simm.s32 $0x0;
	[smem:$0x7FF] =	sst s3;
	s7 =	smul.u32 $0x1400, s5  }
0x7: {  	s28 =	smul.u32 $0x2800, s5;
	_ =	strace $0x80000047;
	s5 =	ssub.s32 $0x2, s5  }
0x8: {  	s30 =	sshrl.u32 s9, $0x2;
	s31 =	sshrl.u32 s5, $0x1;
	s6 =	sadd.s32 s7, s6  }
0x9: {  	s29 =	sadd.s32 s8, s28;
	s14 =	ssub.s32 s5, s31;
	s6 =	sshrl.u32 s6, $0x3  }
0xa: {  	s14 =	smax.u32 s14, $0x1;
	s15 =	sadd.s32 s6, s4;
	s6 =	sshll.u32 s29, $0x4  }
0xb: {  	s13 =	sadd.s32 s6, s4;
	s4 =	sadd.s32 s30, s2;
	s15 =	sadd.s32 $0x6400, s15  }
0xc: {  	s5 =	sadd.s32 $0x4000, s4;
	s6 =	sadd.s32 $0x8000, s4;
	s7 =	sadd.s32 $0xC000, s4  }
0xd: {  	s8 =	sadd.s32 $0x10000, s4;
	s9 =	sadd.s32 $0xB400, s13;
	s10 =	sadd.s32 $0xBC00, s13  }
0xe: {  	v0 =	vimm.f32 $0.0e+00;
	v1 =	vimm.f32 $1.000000000e+00;
	s11 =	sadd.s32 $0xC400, s13;
	s12 =	sadd.s32 $0xCC00, s13;
	s13 =	sadd.s32 $0xD400, s13  }
.LBB2_1:
0xf: {  	s19 =	simm.s32 $0x0;
	s20 =	simm.s32 $0x200  }
.LBB2_2:
0x10: {  	p0 =	sne.s32 s20, $0xFE00;
	[tilespmem:s19+$0x70] =	vst v0  }
0x11: {  	[tilespmem:s19+$0x0] =	vst v0  }
0x12: {  	[tilespmem:s19+$0x10] =	vst v0  }
.Ltmp0:
0x13: {  	[tilespmem:s19+$0x20] =	vst v0;
	(pc) =	sbr.rel @p0 .LBB2_2-.Ltmp0, $4  }
0x14: {  	[tilespmem:s19+$0x30] =	vst v0  }
0x15: {  	[tilespmem:s19+$0x40] =	vst v0  }
0x16: {  	[tilespmem:s19+$0x50] =	vst v0  }
0x17: {  	[tilespmem:s19+$0x60] =	vst v0;
	s19 =	sshra.s32 s20, $0x2;
	s20 =	sadd.s32 $0x200, s20  }
0x18: {  	[tilespmem:s19+$0x70] =	vst v0  }
0x19: {  	[tilespmem:s19+$0x0] =	vst v0  }
0x1a: {  	[tilespmem:s19+$0x10] =	vst v0  }
0x1b: {  	[tilespmem:s19+$0x20] =	vst v0  }
0x1c: {  	[tilespmem:s19+$0x30] =	vst v0  }
0x1d: {  	[tilespmem:s19+$0x40] =	vst v0  }
0x1e: {  	[tilespmem:s19+$0x50] =	vst v0  }
0x1f: {  	[tilespmem:s19+$0x60] =	vst v0;
	s31 =	simm.s32 $0x0  }
0x20: {  	[spmem:s4] =	stream.linear.scatter [tilespmem:s31], [sflag:$0x1], $0x4000, $0x38;
	[tilespmem:$0x19400] =	vst v63  }
0x21: {  	_ =	swait.ge [sflag:s16], $0x4000  }
0x22: {  	[sflag:s16] =	ssyncset.done $0x0  }
0x23: {  	[sflag:s16] =	ssyncadd.s32 $0xFFFFC000  }
0x24: {  	[spmem:s5] =	stream.linear.scatter [tilespmem:s31], [sflag:$0x1], $0x4000, $0x38;
	[tilespmem:$0x19400] =	vst v63  }
0x25: {  	_ =	swait.ge [sflag:s16], $0x4000  }
0x26: {  	[sflag:s16] =	ssyncset.done $0x0  }
0x27: {  	[sflag:s16] =	ssyncadd.s32 $0xFFFFC000  }
0x28: {  	[spmem:s6] =	stream.linear.scatter [tilespmem:s31], [sflag:$0x1], $0x4000, $0x38;
	[tilespmem:$0x19400] =	vst v63  }
0x29: {  	_ =	swait.ge [sflag:s16], $0x4000  }
0x2a: {  	[sflag:s16] =	ssyncset.done $0x0  }
0x2b: {  	[sflag:s16] =	ssyncadd.s32 $0xFFFFC000  }
0x2c: {  	[spmem:s7] =	stream.linear.scatter [tilespmem:s31], [sflag:$0x1], $0x4000, $0x38;
	[tilespmem:$0x19400] =	vst v63  }
0x2d: {  	_ =	swait.ge [sflag:s16], $0x4000  }
0x2e: {  	[sflag:s16] =	ssyncset.done $0x0  }
0x2f: {  	[sflag:s16] =	ssyncadd.s32 $0xFFFFC000  }
0x30: {  	[spmem:s8] =	stream.linear.scatter [tilespmem:s31], [sflag:$0x1], $0x4000, $0x38;
	[tilespmem:$0x19400] =	vst v63  }
0x31: {  	_ =	swait.ge [sflag:s16], $0x4000  }
0x32: {  	[sflag:s16] =	ssyncset.done $0x0  }
0x33: {  	s19 =	simm.s32 $0x0;
	s20 =	simm.s32 $0x200;
	[sflag:s16] =	ssyncadd.s32 $0xFFFFC000  }
.LBB2_4:
0x34: {  	p0 =	sne.s32 s20, $0xFE00;
	[tilespmem:s19+$0x70] =	vst v1  }
0x35: {  	[tilespmem:s19+$0x0] =	vst v1  }
0x36: {  	[tilespmem:s19+$0x10] =	vst v1  }
.Ltmp1:
0x37: {  	[tilespmem:s19+$0x20] =	vst v1;
	(pc) =	sbr.rel @p0 .LBB2_4-.Ltmp1, $4  }
0x38: {  	[tilespmem:s19+$0x30] =	vst v1  }
0x39: {  	[tilespmem:s19+$0x40] =	vst v1  }
0x3a: {  	[tilespmem:s19+$0x50] =	vst v1  }
0x3b: {  	[tilespmem:s19+$0x60] =	vst v1;
	s19 =	sshra.s32 s20, $0x2;
	s20 =	sadd.s32 $0x200, s20  }
0x3c: {  	[tilespmem:s19+$0x70] =	vst v1  }
0x3d: {  	[tilespmem:s19+$0x0] =	vst v1  }
0x3e: {  	[tilespmem:s19+$0x10] =	vst v1  }
0x3f: {  	[tilespmem:s19+$0x20] =	vst v1  }
0x40: {  	[tilespmem:s19+$0x30] =	vst v1  }
0x41: {  	[tilespmem:s19+$0x40] =	vst v1  }
0x42: {  	[tilespmem:s19+$0x50] =	vst v1  }
0x43: {  	[tilespmem:s19+$0x60] =	vst v1;
	s19 =	simm.s32 $0x4000;
	s20 =	sadd.s32 $0x0, s15  }
0x44: {  	[tilespmem:s19], [sflag:$0x1] =	stream.linear.gather [hbm4b:s20+s3], $0x80, $0x38;
	[tilespmem:$0x19400] =	vst v63  }
0x45: {  	_ =	swait.ge [sflag:s16], $0x80  }
0x46: {  	s20 =	simm.s32 $0x10;
	[sflag:s16] =	ssyncset.done $0x0  }
.LBB2_6:
0x47: {  	s21 =	sadd.s32 s20, s15  }
0x48: {  	[sflag:s16] =	ssyncadd.s32 $0xFFFFFF80;
	s19 =	sadd.s32 $0x80, s19;
	p0 =	sne.s32 s20, $0x270  }
0x49: {  	[tilespmem:s19], [sflag:$0x1] =	stream.linear.gather [hbm4b:s21+s3], $0x80, $0x38;
	[tilespmem:$0x19400] =	vst v63  }
.Ltmp2:
0x4a: {  	_ = 	snop;
	(pc) =	sbr.rel @p0 .LBB2_6-.Ltmp2, $4  }
0x4b: {  	_ = 	snop  }
0x4c: {  	s20 =	sadd.s32 $0x10, s20  }
0x4d: {  	_ =	swait.ge [sflag:s16], $0x80  }
0x4e: {  	[sflag:s16] =	ssyncset.done $0x0  }
0x4f: {  	[sflag:s16] =	ssyncadd.s32 $0xFFFFFF80  }
0x50: {  	s19 =	simm.s32 $0x4000;
	[bflag:$0x0] =	sbarrier.arrive $0xFFFF  }
0x51: {  	[spmem:s2] =	stream.indirect.scatter.add.f32 [tilespmem:s3], [sflag:$0x1], $0x80, s19, s17, $0xb8;
	[tilespmem:$0x19400] =	vst v63  }
0x52: {  	s19 =	simm.s32 $0x200;
	_ =	swait.ge [sflag:s16], $0x4000  }
.LBB2_8:
0x53: {  	s20 =	sshra.s32 s19, $0x2;
	[sflag:s16] =	ssyncset.done $0x0;
	p0 =	sne.s32 s19, $0x4E00  }
.Ltmp3:
0x54: {  	s20 =	sadd.s32 $0x4000, s20;
	[sflag:s16] =	ssyncadd.s32 $0xFFFFC000;
	(pc) =	sbr.rel @p0 .LBB2_8-.Ltmp3, $3  }
0x55: {  	[spmem:s2] =	stream.indirect.scatter.add.f32 [tilespmem:s3], [sflag:$0x1], $0x80, s20, s17, $0xb8;
	[tilespmem:$0x19400] =	vst v63  }
0x56: {  	s19 =	sadd.s32 $0x200, s19;
	_ =	sdelay $0x1  }
0x57: {  	_ =	swait.ge [sflag:s16], $0x4000  }
0x58: {  	[sflag:s16] =	ssyncset.done $0x0  }
0x59: {  	[sflag:s16] =	ssyncadd.s32 $0xFFFFC000  }
0x5a: {  	[bflag:$0x0] =	sbarrier.arrive $0xFFFF  }
0x5b: {  	[tilespmem:s3], [sflag:$0x1] =	stream.linear.gather [spmem:s4], $0x4000, $0x38;
	[tilespmem:$0x19400] =	vst v63  }
0x5c: {  	_ =	swait.ge [sflag:s16], $0x4000  }
0x5d: {  	[sflag:s16] =	ssyncset.done $0x0  }
0x5e: {  	[sflag:s16] =	ssyncadd.s32 $0xFFFFC000  }
0x5f: {  	[hbm4b:s9+s3] =	stream.linear.scatter [tilespmem:s3], [sflag:$0x1], $0x4000, $0x38;
	[tilespmem:$0x19400] =	vst v63  }
0x60: {  	_ =	swait.ge [sflag:s16], $0x4000  }
0x61: {  	[sflag:s16] =	ssyncset.done $0x0  }
0x62: {  	[sflag:s16] =	ssyncadd.s32 $0xFFFFC000  }
0x63: {  	[tilespmem:s3], [sflag:$0x1] =	stream.linear.gather [spmem:s5], $0x4000, $0x38;
	[tilespmem:$0x19400] =	vst v63  }
0x64: {  	_ =	swait.ge [sflag:s16], $0x4000  }
0x65: {  	[sflag:s16] =	ssyncset.done $0x0  }
0x66: {  	[sflag:s16] =	ssyncadd.s32 $0xFFFFC000  }
0x67: {  	[hbm4b:s10+s3] =	stream.linear.scatter [tilespmem:s3], [sflag:$0x1], $0x4000, $0x38;
	[tilespmem:$0x19400] =	vst v63  }
0x68: {  	_ =	swait.ge [sflag:s16], $0x4000  }
0x69: {  	[sflag:s16] =	ssyncset.done $0x0  }
0x6a: {  	[sflag:s16] =	ssyncadd.s32 $0xFFFFC000  }
0x6b: {  	[tilespmem:s3], [sflag:$0x1] =	stream.linear.gather [spmem:s6], $0x4000, $0x38;
	[tilespmem:$0x19400] =	vst v63  }
0x6c: {  	_ =	swait.ge [sflag:s16], $0x4000  }
0x6d: {  	[sflag:s16] =	ssyncset.done $0x0  }
0x6e: {  	[sflag:s16] =	ssyncadd.s32 $0xFFFFC000  }
0x6f: {  	[hbm4b:s11+s3] =	stream.linear.scatter [tilespmem:s3], [sflag:$0x1], $0x4000, $0x38;
	[tilespmem:$0x19400] =	vst v63  }
0x70: {  	_ =	swait.ge [sflag:s16], $0x4000  }
0x71: {  	[sflag:s16] =	ssyncset.done $0x0  }
0x72: {  	[sflag:s16] =	ssyncadd.s32 $0xFFFFC000  }
0x73: {  	[tilespmem:s3], [sflag:$0x1] =	stream.linear.gather [spmem:s7], $0x4000, $0x38;
	[tilespmem:$0x19400] =	vst v63  }
0x74: {  	_ =	swait.ge [sflag:s16], $0x4000  }
0x75: {  	[sflag:s16] =	ssyncset.done $0x0  }
0x76: {  	[sflag:s16] =	ssyncadd.s32 $0xFFFFC000  }
0x77: {  	[hbm4b:s12+s3] =	stream.linear.scatter [tilespmem:s3], [sflag:$0x1], $0x4000, $0x38;
	[tilespmem:$0x19400] =	vst v63  }
0x78: {  	_ =	swait.ge [sflag:s16], $0x4000  }
0x79: {  	[sflag:s16] =	ssyncset.done $0x0  }
0x7a: {  	[sflag:s16] =	ssyncadd.s32 $0xFFFFC000  }
0x7b: {  	[tilespmem:s3], [sflag:$0x1] =	stream.linear.gather [spmem:s8], $0x4000, $0x38;
	[tilespmem:$0x19400] =	vst v63  }
0x7c: {  	s18 =	sadd.s32 $0x1, s18;
	_ =	swait.ge [sflag:s16], $0x4000  }
0x7d: {  	p0 =	sne.s32 s18, s14;
	[sflag:s16] =	ssyncset.done $0x0  }
.Ltmp4:
0x7e: {  	[sflag:s16] =	ssyncadd.s32 $0xFFFFC000;
	(pc) =	sbr.rel @p0 .LBB2_1-.Ltmp4, $4  }
0x7f: {  	[hbm4b:s13+s3] =	stream.linear.scatter [tilespmem:s3], [sflag:$0x1], $0x4000, $0x38;
	[tilespmem:$0x19400] =	vst v63  }
0x80: {  	_ =	swait.ge [sflag:s16], $0x4000  }
0x81: {  	[sflag:s16] =	ssyncset.done $0x0  }
0x82: {  	[sflag:s16] =	ssyncadd.s32 $0xFFFFC000  }
0x83: {  	_ =	sfence.sel $0x180000  }
0x84: {  	[bflag:$0x0] =	sbarrier.arrive $0xFFFF  }
0x85: {  	p0 =	sne.s32 s0, $0x0;
	_ =	strace $0x90000047  }
0x86: {  	s0 =	sadd.s32 @!p0 $0x100000, s1;
	[bflag:$0x2] =	sbarrier.arrive $0xFFFF  }
0x87: {  	[sflag:s0] =	ssyncadd.tile.s32 @!p0 $0x1;
	_ =	shalt  }
.Lfunc_end2:
_tile_overlayer_lowered:
.L_overlay_start_2:
0x88: {  	(tag) =	ssettag $0x2  }
0x89: {  	s0 =	rddreg [dreg:$0x0];
	s2 =	stileid.u32  }
0x8a: {  	s1 =	rddreg [dreg:$0x1];
	p0 =	sne.s32 s2, $0x0  }
0x8b: {  	s3 =	rddreg [dreg:$0x2];
	[bflag:$0x3] =	sbarrier.arrive $0xFFFF;
	s2 =	simm.s32 @!p0 $0x1C01  }
0x8c: {  	[timem:s3], [sflag:s2] =	dma.local @!p0 [hbm:s0], s1  }
0x8d: {  	s0 =	simm.s32 @!p0 $0x1  }
0x8e: {  	_ =	swait.ge @!p0 [sflag:s0], s1  }
0x8f: {  	s1 =	ssub.s32 @!p0 $0x0, s1;
	[sflag:s0] =	ssyncset.done @!p0 $0x0  }
0x90: {  	[sflag:s0] =	ssyncadd.s32 @!p0 s1  }
0x91: {  	[bflag:$0x3] =	sbarrier.arrive $0xFFFF  }
0x92: {  	_ =	shalt  }

// kernel: kernel.14.cloned.1.call-start
scs
__scs_entry_jumppad:
0x0: {  	(pc) =	sbr.rel $0x88, $3  }
0x1: {  	(tag) =	ssettag $0x0;
	lr =	simm.s32 $0x1  }
0x2: {  	[smem:$0x3F8A] =	sst lr;
	_ =	strace $0xD0000000  }
0x3: {  	_ = 	snop  }
0x4: {  	_ = 	snop  }
0x5: {  	_ = 	snop  }
0x6: {  	_ = 	snop  }
0x7: {  	_ = 	snop  }
__scs_overlays_trampoline_lowered:
0x8: {  	[smem:$0x3F99] =	sst s0  }
0x9: {  	[smem:$0x3F9A] =	sst s1  }
0xa: {  	[smem:$0x3F9B] =	sst s2  }
0xb: {  	[smem:$0x3F9C] =	sst s3  }
0xc: {  	[smem:$0x3F9D] =	sst s4  }
0xd: {  	[smem:$0x3F9E] =	sst s5  }
0xe: {  	[smem:$0x3F9F] =	sst s6  }
0xf: {  	[smem:$0x3FA0] =	sst s7  }
0x10: {  	[smem:$0x3FA1] =	sst s8  }
0x11: {  	[smem:$0x3FA2] =	sst s9;
	s0 =	simm.s32 @!p0 $0x0  }
0x12: {  	s1 =	sld [smem:$0x3F88];
	s0 =	simm.s32 @p0 $0x1  }
0x13: {  	[smem:$0x3FA3] =	sst s0;
	s0 =	simm.s32 @!p1 $0x0  }
0x14: {  	s2 =	sld [smem:$0x3F87];
	s0 =	simm.s32 @p1 $0x1  }
0x15: {  	[smem:$0x3FA4] =	sst s0;
	s0 =	simm.s32 @!p2 $0x0  }
0x16: {  	s3 =	sld [smem:$0x3FDB];
	s0 =	simm.s32 @p2 $0x1  }
0x17: {  	s4 =	simm.s32 $0x1BF5;
	[smem:$0x3FA6] =	sst s0  }
0x18: {  	s0 =	sld [smem:$0x3F89];
	_ =	swait.ge [sflag:s4], $0x0  }
0x19: {  	s7 =	sld [smem:$0x3F8A]  }
0x1a: {  	s8 =	sadd.s32 $0xFFFFE003, lr  }
0x1b: {  	s9 =	sadd.s32 $0xFFFFFEF7, lr;
	s5 =	simm.s32 $0xFFFFFFFF;
	p2 =	slt.u32 s8, $0xFFFFF086  }
0x1c: {  	p1 =	slt.u32 s9, $0xF7A;
	s5 =	simm.s32 @!p2 $0x0  }
0x1d: {  	s5 =	simm.s32 @p1 $0x1;
	p0 =	seq.s32 s7, s2  }
0x1e: {  	s7 =	smul.u32 @!p0 $0xF7A, s2;
	p2 =	seq.s32 @!p0 s5, $0x0  }
0x1f: {  	s9 =	smul.u32 $0xF7A, s1;
	s8 =	simm.s32 @!p0 $0x1BF5;
	p2 =	por !p2, p0  }
0x20: {  	[sflag:s8] =	ssyncset.s32 @!p0 $0xFFFFF086;
	s6 =	sadd.s32 @!p0 s3, s7;
	s7 =	simm.s32 @!p0 $0x108  }
0x21: {  	s3 =	sadd.s32 s3, s9;
	s6 =	sadd.s32 @!p0 $0x88, s6;
	s7 =	simm.s32 @p2 $0x1082  }
0x22: {  	[simem:s7], [sflag:s8] =	dma.local @!p0 [hbm:s6], $0xF7A  }
0x23: {  	s9 =	sor.u32 $0xD0000000, s2;
	s6 =	simm.s32 $0x108;
	_ =	swait.ge @!p0 [sflag:s8], $0x0  }
0x24: {  	s3 =	sadd.s32 $0x88, s3;
	s6 =	simm.s32 @!p1 $0x1082;
	[sflag:s4] =	ssyncset.s32 $0xFFFFF086  }
0x25: {  	[simem:s6], [sflag:s4] =	dma.local [hbm:s3], $0xF7A  }
0x26: {  	[smem:$0x3F8A] =	sst s1;
	(tag) =	ssettag s2;
	_ =	strace s9  }
0x27: {  	s1 =	sld [smem:$0x3F9A]  }
0x28: {  	s2 =	sld [smem:$0x3F9B]  }
0x29: {  	s4 =	sld [smem:$0x3F9D]  }
0x2a: {  	p0 =	seq.s32 s5, $0x0;
	s5 =	sld [smem:$0x3F9E]  }
0x2b: {  	s6 =	sld [smem:$0x3F9F]  }
0x2c: {  	s7 =	sld [smem:$0x3FA0]  }
0x2d: {  	s3 =	simm.s32 $0x108;
	s8 =	sld [smem:$0x3FA1]  }
0x2e: {  	s3 =	simm.s32 @!p0 $0x1082;
	s9 =	sld [smem:$0x3FA2]  }
0x2f: {  	lr =	sadd.s32 s0, s3;
	s0 =	sld [smem:$0x3F99]  }
0x30: {  	s3 =	sld [smem:$0x3F9C]  }
0x31: {  	[smem:$0x3FA5] =	sst s10  }
0x32: {  	s10 =	sld [smem:$0x3FA3];
	_ =	sdelay $0x3  }
0x33: {  	p0 =	seq.s32 s10, $0x1;
	s10 =	sld [smem:$0x3FA5];
	_ =	sdelay $0x3  }
0x34: {  	[smem:$0x3FA5] =	sst s10  }
0x35: {  	s10 =	sld [smem:$0x3FA4];
	_ =	sdelay $0x3  }
0x36: {  	p1 =	seq.s32 s10, $0x1;
	s10 =	sld [smem:$0x3FA5];
	_ =	sdelay $0x3  }
0x37: {  	[smem:$0x3FA5] =	sst s10  }
0x38: {  	s10 =	sld [smem:$0x3FA6]  }
0x39: {  	_ = 	snop;
	(pc) =	sbr.ind lr, $3  }
0x3a: {  	_ = 	snop  }
0x3b: {  	_ = 	snop  }
0x3c: {  	p2 =	seq.s32 s10, $0x1;
	s10 =	sld [smem:$0x3FA5]  }
0x3d: {  	_ =	shalt  }
0x3e: {  	_ =	shalt  }
0x3f: {  	_ =	shalt  }
0x40: {  	_ =	shalt  }
0x41: {  	_ =	shalt  }
0x42: {  	_ =	shalt  }
0x43: {  	_ =	shalt  }
0x44: {  	_ =	shalt  }
0x45: {  	_ =	shalt  }
0x46: {  	_ =	shalt  }
0x47: {  	_ =	shalt  }
0x48: {  	_ =	shalt  }
0x49: {  	_ =	shalt  }
0x4a: {  	_ =	shalt  }
0x4b: {  	_ =	shalt  }
0x4c: {  	_ =	shalt  }
0x4d: {  	_ =	shalt  }
0x4e: {  	_ =	shalt  }
0x4f: {  	_ =	shalt  }
0x50: {  	_ =	shalt  }
0x51: {  	_ =	shalt  }
0x52: {  	_ =	shalt  }
0x53: {  	_ =	shalt  }
0x54: {  	_ =	shalt  }
0x55: {  	_ =	shalt  }
0x56: {  	_ =	shalt  }
0x57: {  	_ =	shalt  }
0x58: {  	_ =	shalt  }
0x59: {  	_ =	shalt  }
0x5a: {  	_ =	shalt  }
0x5b: {  	_ =	shalt  }
0x5c: {  	_ =	shalt  }
0x5d: {  	_ =	shalt  }
0x5e: {  	_ =	shalt  }
0x5f: {  	_ =	shalt  }
0x60: {  	_ =	shalt  }
0x61: {  	_ =	shalt  }
0x62: {  	_ =	shalt  }
0x63: {  	_ =	shalt  }
0x64: {  	_ =	shalt  }
0x65: {  	_ =	shalt  }
0x66: {  	_ =	shalt  }
0x67: {  	_ =	shalt  }
0x68: {  	_ =	shalt  }
0x69: {  	_ =	shalt  }
0x6a: {  	_ =	shalt  }
0x6b: {  	_ =	shalt  }
0x6c: {  	_ =	shalt  }
0x6d: {  	_ =	shalt  }
0x6e: {  	_ =	shalt  }
0x6f: {  	_ =	shalt  }
0x70: {  	_ =	shalt  }
0x71: {  	_ =	shalt  }
0x72: {  	_ =	shalt  }
0x73: {  	_ =	shalt  }
0x74: {  	_ =	shalt  }
0x75: {  	_ =	shalt  }
0x76: {  	_ =	shalt  }
0x77: {  	_ =	shalt  }
0x78: {  	_ =	shalt  }
0x79: {  	_ =	shalt  }
0x7a: {  	_ =	shalt  }
0x7b: {  	_ =	shalt  }
0x7c: {  	_ =	shalt  }
0x7d: {  	_ =	shalt  }
0x7e: {  	_ =	shalt  }
0x7f: {  	_ =	shalt  }
0x80: {  	_ =	shalt  }
0x81: {  	_ =	shalt  }
0x82: {  	_ =	shalt  }
0x83: {  	_ =	shalt  }
0x84: {  	_ =	shalt  }
0x85: {  	_ =	shalt  }
0x86: {  	_ =	shalt  }
0x87: {  	_ =	shalt  }
.Lfunc_end0:
.L_simem_size_0:
called_computation.1_lowered:
.L_overlay_start_0:
0x88: {  	s2 =	sld [smem:$0x3FD9]  }
0x89: {  	s3 =	sld [smem:$0x3FFE];
	_ =	sdelay $0x1  }
0x8a: {  	s1 =	srdreg.scid  }
0x8b: {  	s0 =	sand.u32 $0x1, s1  }
0x8c: {  	s16 =	sshll.u32 s0, $0xA;
	s2 =	sadd.s32 s3, s2  }
0x8d: {  	s2 =	sadd.s32 s2, s16  }
0x8e: {  	[smem:$0x3FB1] =	sst s2  }
0x8f: {  	_ = 	snop  }
0x90: {  	(tm) =	ssettm $0x1  }
0x91: {  	s17 =	sld [smem:$0x3FFB];
	_ =	sdelay $0x3  }
0x92: {  	_ =	strace s17  }
0x93: {  	s2 =	sld [smem:$0x3FFC];
	_ =	sdelay $0x3  }
0x94: {  	_ =	strace s2  }
0x95: {  	s2 =	sld [smem:$0x3FFD];
	_ =	sdelay $0x3  }
0x96: {  	_ =	strace s2  }
0x97: {  	_ =	strace $0x8FFFFFFF  }
0x98: {  	s18 =	sld [smem:$0x3FDB];
	_ =	sdelay $0x1  }
0x99: {  	s19 =	simm.s32 $_scs_section_size  }
0x9a: {  	s4 =	simm.s32 $_size__tile_overlayer_lowered;
	s5 =	simm.s32 $_tile_overlayer_lowered  }
0x9b: {  	s22 =	simm.s32 $0x1BFF;
	s21 =	sshll.u32 s5, $0x1;
	s2 =	sadd.s32 s19, s18  }
0x9c: {  	s6 =	simm.s32 $0x0;
	s20 =	sshll.u32 s4, $0x1;
	s4 =	sadd.s32 s21, s2  }
0x9d: {  	[timem:s6], [sflag:s22] =	dma.local [hbm:s4], s20  }
0x9e: {  	_ =	swait.ge [sflag:s22], s20  }
0x9f: {  	s3 =	ssub.s32 $0x0, s20;
	[sflag:s22] =	ssyncset.done $0x0  }
0xa0: {  	[sflag:s22] =	ssyncadd.s32 s3;
	_ =	sdelay $0x1  }
0xa1: {  	s23 =	simm.s32 $0x1B8B  }
0xa2: {  	_ =	swait.ge [sflag:s23], $0x1  }
0xa3: {  	[sflag:s23] =	ssyncset.done $0x0  }
0xa4: {  	s25 =	simm.s32 $0x1B8E;
	s24 =	sld [smem:$0x3FFE];
	[sflag:s23] =	ssyncadd.s32 $0xFFFFFFFF  }
0xa5: {  	s26 =	simm.s32 $execute0_lowered;
	[smem:$0x3FD2] =	sst s25  }
0xa6: {  	s4 =	sshll.u32 s26, $0x1;
	_ =	strace $0x80000049;
	[dreg:$0x1] =	wrdreg $0xFFFFFFFF  }
0xa7: {  	s28 =	simm.s32 $_size_execute0_lowered;
	s2 =	sadd.s32 s2, s4;
	[dreg:$0x0] =	wrdreg $0x0  }
0xa8: {  	s4 =	sshll.u32 s28, $0x1;
	[dreg:$0x2] =	wrdreg s2  }
0xa9: {  	[dreg:$0x3] =	wrdreg s4  }
0xaa: {  	[dreg:$0x4] =	wrdreg $0xC0  }
0xab: {  	_ =	task [dreg:s6], $0x5FFFF  }
0xac: {  	[dreg:$0x1] =	wrdreg $0xFFFFFFFF  }
0xad: {  	[dreg:$0x0] =	wrdreg $0x60  }
0xae: {  	[dreg:$0x2] =	wrdreg s24  }
0xaf: {  	[dreg:$0x3] =	wrdreg $0xA8000  }
0xb0: {  	[dreg:$0x4] =	wrdreg $0x9  }
0xb1: {  	_ =	task.clear_ibuf [dreg:s6], $0x5FFFF;
	_ =	strace $0x90000049  }
0xb2: {  	s29 =	simm.s32 $0x9;
	_ =	strace $0x8000004B  }
0xb3: {  	_ =	swait.ge [sflag:s29], $0x1  }
0xb4: {  	[sflag:s29] =	ssyncadd.s32 $0xFFFFFFFF  }
0xb5: {  	_ =	strace $0x9000004B  }
0xb6: {  	_ =	sfence  }
0xb7: {  	s30 =	sld [smem:$0x0];
	_ =	sdelay $0x2  }
0xb8: {  	s31 =	sshll.u32 s1, $0xD;
	s1 =	sshrl.u32 s1, $0x2  }
0xb9: {  	s3 =	sand.u32 $0x4000, s31;
	s1 =	sadd.s32 s1, s30  }
0xba: {  	s0 =	sor.u32 s3, s0;
	s1 =	sshll.u32 s1, $0x11  }
0xbb: {  	s0 =	sor.u32 s1, s0  }
0xbc: {  	s0 =	sadd.s32 $0x8F2B, s0  }
0xbd: {  	[sflag:s0] =	ssyncadd.remote.s32 $0x1  }
0xbe: {  	_ =	sfence.sel $0xFFFF  }
0xbf: {  	[dreg:$0x0] =	wrdreg $0xFFFFFFFF;
	(pc) =	sbr.abs _section_cstart, $3  }
0xc0: {  	[dreg:$0x1] =	wrdreg $0xFFFFFFFF  }
0xc1: {  	_ =	task.clear_ibuf [dreg:s6], $0x2FFFF;
	_ =	strace $0x9FFFFFFF  }
0xc2: {  	(tm) =	ssettm $0x7FFFFFFF  }
0xc3: {  	_ =	shalt  }
tec
execute0_lowered:
.L_overlay_start_1:
0x0: {  	(tag) =	ssettag $0x1  }
0x1: {  	s0 =	srdreg.scid;
	s10 =	stileid.u32  }
0x2: {  	s0 =	sand.u32 $0x1, s0;
	s5 =	smul.u32 $0x280, s10  }
0x3: {  	s6 =	smul.u32 $0x2800, s0  }
0x4: {  	s8 =	rddreg [dreg:$0x0];
	s4 =	smul.u32 $0x1400, s0;
	s0 =	ssub.s32 $0x2, s0  }
0x5: {  	s2 =	rddreg [dreg:$0x1];
	s19 =	sshrl.u32 s0, $0x1;
	s6 =	sadd.s32 s5, s6  }
0x6: {  	s3 =	simm.s32 $0x0;
	s0 =	ssub.s32 s0, s19;
	s9 =	sshll.u32 s6, $0x4  }
0x7: {  	[smem:$0x7FF] =	sst s3;
	s0 =	smax.u32 s0, $0x1;
	s9 =	sadd.s32 s9, s8  }
0x8: {  	_ =	strace $0x8000004A;
	[dreg:$0x17] =	wrdreg s0;
	s11 =	sadd.s32 $0xD8400, s9  }
0x9: {  	s28 =	sadd.s32 $0xD8C00, s9;
	[dreg:$0x3] =	wrdreg s11  }
0xa: {  	s29 =	sadd.s32 $0xD9400, s9;
	[dreg:$0x4] =	wrdreg s28  }
0xb: {  	s30 =	sadd.s32 $0xD9C00, s9;
	[dreg:$0x5] =	wrdreg s29  }
0xc: {  	s1 =	smul.u32 $0x2800, s10;
	s12 =	sadd.s32 $0xDA400, s9;
	[dreg:$0x6] =	wrdreg s30  }
0xd: {  	s10 =	smul.u32 $0x50000, s10;
	s13 =	sadd.s32 $0x128400, s9;
	[dreg:$0x7] =	wrdreg s12  }
0xe: {  	s7 =	sadd.s32 $0x83400, s8;
	s14 =	sadd.s32 $0x128C00, s9;
	[dreg:$0x8] =	wrdreg s13  }
0xf: {  	s24 =	sshrl.u32 s10, $0x2;
	s15 =	sadd.s32 $0x129400, s9;
	[dreg:$0x9] =	wrdreg s14  }
0x10: {  	s1 =	sadd.s32 s4, s1;
	s16 =	sadd.s32 $0x129C00, s9;
	[dreg:$0xa] =	wrdreg s15  }
0x11: {  	s4 =	sadd.s32 $0xB400, s8;
	s17 =	sadd.s32 $0x12A400, s9;
	[dreg:$0xb] =	wrdreg s16  }
0x12: {  	s5 =	sadd.s32 $0x33400, s8;
	s18 =	sadd.s32 $0x178400, s9;
	[dreg:$0xc] =	wrdreg s17  }
0x13: {  	s19 =	simm.s32 $0x2780;
	s20 =	sadd.s32 $0x178C00, s9;
	[dreg:$0xd] =	wrdreg s18  }
0x14: {  	s6 =	sadd.s32 $0x5B400, s8;
	s21 =	sadd.s32 $0x179400, s9;
	[dreg:$0xe] =	wrdreg s20  }
0x15: {  	s1 =	sshrl.u32 s1, $0x3;
	s22 =	sadd.s32 $0x179C00, s9;
	[dreg:$0xf] =	wrdreg s21  }
0x16: {  	s1 =	sadd.s32 s1, s8;
	s23 =	sadd.s32 $0x17A400, s9;
	[dreg:$0x10] =	wrdreg s22  }
0x17: {  	s25 =	sadd.s32 $0x1C8400, s9;
	s26 =	sadd.s32 $0x1C8C00, s9;
	[dreg:$0x11] =	wrdreg s23  }
0x18: {  	s31 =	sadd.s32 $0x6400, s1;
	s1 =	sadd.s32 $0xAB400, s1;
	[dreg:$0x12] =	wrdreg s25  }
0x19: {  	[dreg:$0x13] =	wrdreg s26;
	s25 =	sadd.s32 s24, s2;
	s28 =	sadd.s32 $0x1C9400, s9  }
0x1a: {  	s29 =	sadd.s32 $0x1C9C00, s9;
	s30 =	sadd.s32 $0x1CA400, s9;
	s11 =	simm.s32 $0x3  }
0x1b: {  	s12 =	simm.s32 $0x2800;
	s13 =	simm.s32 $0x80;
	s14 =	simm.s32 $0x6800  }
0x1c: {  	s15 =	simm.s32 $0x1;
	s16 =	simm.s32 $0x2;
	[dreg:$0x14] =	wrdreg s28  }
0x1d: {  	s17 =	simm.s32 $0x1380;
	s18 =	simm.s32 $0x2700;
	[dreg:$0x15] =	wrdreg s29  }
0x1e: {  	s20 =	simm.s32 $0x0;
	[dreg:$0x16] =	wrdreg s30;
	s0 =	sadd.s32 $0x4000, s25  }
0x1f: {  	v0 =	vimm.f32 $0.0e+00;
	s8 =	sadd.s32 $0x8000, s25;
	s9 =	sadd.s32 $0xC000, s25;
	s10 =	sadd.s32 $0x10000, s25  }
.LBB2_1:
0x20: {  	s21 =	sadd.s32 $0x0, s1  }
0x21: {  	[tilespmem:s3], [sflag:$0x3] =	stream.linear.gather [hbm4b:s21+s3], $0x80, $0x38;
	[tilespmem:$0x1E800] =	vst v63  }
0x22: {  	_ =	swait.ge [sflag:s11], $0x80  }
0x23: {  	s22 =	simm.s32 $0x1400;
	[sflag:s11] =	ssyncset.done $0x0  }
0x24: {  	s23 =	sadd.s32 $0x0, s31;
	s28 =	sadd.s32 $0x10, s1;
	[sflag:s11] =	ssyncadd.s32 $0xFFFFFF80  }
0x25: {  	[tilespmem:s22], [sflag:$0x3] =	stream.linear.gather [hbm4b:s23+s3], $0x80, $0x38;
	[tilespmem:$0x1E800] =	vst v63  }
0x26: {  	s26 =	simm.s32 $0x80;
	s21 =	simm.s32 $0x10;
	_ =	swait.ge [sflag:s11], $0x80  }
0x27: {  	s23 =	simm.s32 $0x20;
	s22 =	simm.s32 $0x1480;
	[sflag:s11] =	ssyncset.done $0x0  }
.LBB2_2:
0x28: {  	s29 =	sadd.s32 s23, s1  }
0x29: {  	s24 =	simm.s32 $0x0;
	[sflag:s11] =	ssyncadd.s32 $0xFFFFFF80;
	s30 =	smov.u32 s23  }
0x2a: {  	[tilespmem:s26], [sflag:$0x3] =	stream.linear.gather [hbm4b:s28+s24], $0x80, $0x38;
	[tilespmem:$0x1E800] =	vst v63  }
0x2b: {  	p0 =	sne.s32 s23, $0x270;
	s23 =	sadd.s32 $0x10, s23;
	_ =	swait.ge [sflag:s11], $0x80  }
.Ltmp0:
0x2c: {  	s28 =	smov.u32 s29;
	[sflag:s11] =	ssyncset.done $0x0;
	(pc) =	sbr.rel @p0 .LBB2_2-.Ltmp0, $4  }
0x2d: {  	s29 =	sadd.s32 s21, s31;
	s21 =	smov.u32 s30;
	[sflag:s11] =	ssyncadd.s32 $0xFFFFFF80  }
0x2e: {  	[tilespmem:s22], [sflag:$0x3] =	stream.linear.gather [hbm4b:s29+s24], $0x80, $0x38;
	[tilespmem:$0x1E800] =	vst v63  }
0x2f: {  	_ =	swait.ge [sflag:s11], $0x80  }
0x30: {  	s26 =	sadd.s32 $0x80, s26;
	s22 =	sadd.s32 $0x80, s22;
	[sflag:s11] =	ssyncset.done $0x0  }
0x31: {  	[sflag:s11] =	ssyncadd.s32 $0xFFFFFF80  }
0x32: {  	[tilespmem:s26], [sflag:$0x3] =	stream.linear.gather [hbm4b:s28+s24], $0x80, $0x38;
	[tilespmem:$0x1E800] =	vst v63  }
0x33: {  	_ =	swait.ge [sflag:s11], $0x80  }
0x34: {  	p0 =	por $0x1, $0x1;
	[sflag:s11] =	ssyncset.done $0x0  }
.Ltmp1:
0x35: {  	s21 =	sadd.s32 s21, s31;
	[sflag:s11] =	ssyncadd.s32 $0xFFFFFF80;
	(pc) =	sbr.rel @!p0 .LBB2_5-.Ltmp1, $4  }
0x36: {  	[tilespmem:s22], [sflag:$0x3] =	stream.linear.gather [hbm4b:s21+s24], $0x80, $0x38;
	[tilespmem:$0x1E800] =	vst v63  }
0x37: {  	_ =	swait.ge [sflag:s11], $0x80  }
0x38: {  	[sflag:s11] =	ssyncset.done $0x0  }
0x39: {  	s21 =	simm.s32 $0x0;
	s22 =	simm.s32 $0x200;
	[sflag:s11] =	ssyncadd.s32 $0xFFFFFF80  }
.LBB2_4:
0x3a: {  	p0 =	sne.s32 s22, $0xFE00;
	[tilespmem:s21+$0x2870] =	vst v0  }
0x3b: {  	[tilespmem:s21+$0x2800] =	vst v0  }
0x3c: {  	[tilespmem:s21+$0x2810] =	vst v0  }
.Ltmp2:
0x3d: {  	[tilespmem:s21+$0x2820] =	vst v0;
	(pc) =	sbr.rel @p0 .LBB2_4-.Ltmp2, $4  }
0x3e: {  	[tilespmem:s21+$0x2830] =	vst v0  }
0x3f: {  	[tilespmem:s21+$0x2840] =	vst v0  }
0x40: {  	[tilespmem:s21+$0x2850] =	vst v0  }
0x41: {  	[tilespmem:s21+$0x2860] =	vst v0;
	s21 =	sshra.s32 s22, $0x2;
	s22 =	sadd.s32 $0x200, s22  }
.LBB2_5:
0x42: {  	[tilespmem:s21+$0x2870] =	vst v0  }
0x43: {  	[tilespmem:s21+$0x2800] =	vst v0  }
0x44: {  	[tilespmem:s21+$0x2810] =	vst v0  }
0x45: {  	[tilespmem:s21+$0x2820] =	vst v0  }
0x46: {  	[tilespmem:s21+$0x2830] =	vst v0  }
0x47: {  	[tilespmem:s21+$0x2840] =	vst v0  }
0x48: {  	[tilespmem:s21+$0x2850] =	vst v0  }
0x49: {  	[tilespmem:s21+$0x2860] =	vst v0  }
0x4a: {  	[spmem:s25] =	stream.linear.scatter [tilespmem:s12], [sflag:$0x3], $0x4000, $0x38;
	[tilespmem:$0x1E800] =	vst v63  }
0x4b: {  	_ =	swait.ge [sflag:s11], $0x4000  }
0x4c: {  	[sflag:s11] =	ssyncset.done $0x0  }
0x4d: {  	[sflag:s11] =	ssyncadd.s32 $0xFFFFC000  }
0x4e: {  	[spmem:s0] =	stream.linear.scatter [tilespmem:s12], [sflag:$0x3], $0x4000, $0x38;
	[tilespmem:$0x1E800] =	vst v63  }
0x4f: {  	_ =	swait.ge [sflag:s11], $0x4000  }
0x50: {  	[sflag:s11] =	ssyncset.done $0x0  }
0x51: {  	[sflag:s11] =	ssyncadd.s32 $0xFFFFC000  }
0x52: {  	[spmem:s8] =	stream.linear.scatter [tilespmem:s12], [sflag:$0x3], $0x4000, $0x38;
	[tilespmem:$0x1E800] =	vst v63  }
0x53: {  	_ =	swait.ge [sflag:s11], $0x4000  }
0x54: {  	[sflag:s11] =	ssyncset.done $0x0  }
0x55: {  	[sflag:s11] =	ssyncadd.s32 $0xFFFFC000  }
0x56: {  	[spmem:s9] =	stream.linear.scatter [tilespmem:s12], [sflag:$0x3], $0x4000, $0x38;
	[tilespmem:$0x1E800] =	vst v63  }
0x57: {  	_ =	swait.ge [sflag:s11], $0x4000  }
0x58: {  	[sflag:s11] =	ssyncset.done $0x0  }
0x59: {  	[sflag:s11] =	ssyncadd.s32 $0xFFFFC000  }
0x5a: {  	[spmem:s10] =	stream.linear.scatter [tilespmem:s12], [sflag:$0x3], $0x4000, $0x38;
	[tilespmem:$0x1E800] =	vst v63  }
0x5b: {  	_ =	swait.ge [sflag:s11], $0x4000  }
0x5c: {  	[sflag:s11] =	ssyncset.done $0x0  }
0x5d: {  	[sflag:s11] =	ssyncadd.s32 $0xFFFFC000  }
0x5e: {  	s24 =	simm.s32 $0x0;
	[bflag:$0x0] =	sbarrier.arrive $0xFFFF  }
0x5f: {  	[tilespmem:s12], [sflag:$0x1] =	stream.indirect.gather [hbm4b:s4+s13], $0x80, s24, s13, $0xb8;
	[tilespmem:$0x1E800] =	vst v63  }
0x60: {  	s26 =	simm.s32 $0x80  }
0x61: {  	[tilespmem:s14], [sflag:$0x2] =	stream.indirect.gather [hbm4b:s4+s13], $0x80, s26, s13, $0xb8;
	[tilespmem:$0x1E800] =	vst v63  }
0x62: {  	_ =	swait.ge [sflag:s15], $0x4000  }
0x63: {  	[sflag:s15] =	ssyncset.done $0x0  }
0x64: {  	s28 =	simm.s32 $0x1400;
	[sflag:s15] =	ssyncadd.s32 $0xFFFFC000  }
0x65: {  	[spmem:s2] =	stream.indirect.scatter.add.f32 [tilespmem:s12], [sflag:$0x3], $0x80, s28, s13, $0xb8;
	[tilespmem:$0x1E800] =	vst v63  }
0x66: {  	_ =	swait.ge [sflag:s11], $0x4000  }
0x67: {  	[sflag:s11] =	ssyncset.done $0x0  }
0x68: {  	s29 =	simm.s32 $0x100;
	[sflag:s11] =	ssyncadd.s32 $0xFFFFC000  }
0x69: {  	[tilespmem:s12], [sflag:$0x1] =	stream.indirect.gather [hbm4b:s4+s13], $0x80, s29, s13, $0xb8;
	[tilespmem:$0x1E800] =	vst v63  }
0x6a: {  	_ =	swait.ge [sflag:s16], $0x4000  }
0x6b: {  	[sflag:s16] =	ssyncset.done $0x0  }
0x6c: {  	s30 =	simm.s32 $0x1480;
	[sflag:s16] =	ssyncadd.s32 $0xFFFFC000  }
0x6d: {  	[spmem:s2] =	stream.indirect.scatter.add.f32 [tilespmem:s14], [sflag:$0x3], $0x80, s30, s13, $0xb8;
	[tilespmem:$0x1E800] =	vst v63  }
0x6e: {  	_ =	swait.ge [sflag:s11], $0x4000  }
0x6f: {  	s22 =	simm.s32 $0x800;
	s21 =	simm.s32 $0x100;
	[sflag:s11] =	ssyncset.done $0x0  }
.LBB2_6:
0x70: {  	s23 =	sadd.s32 $0x80, s21  }
0x71: {  	[sflag:s11] =	ssyncadd.s32 $0xFFFFC000;
	s24 =	smov.u32 s22;
	s26 =	sadd.s32 $0x400, s22  }
0x72: {  	[tilespmem:s14], [sflag:$0x2] =	stream.indirect.gather [hbm4b:s4+s13], $0x80, s23, s13, $0xb8;
	[tilespmem:$0x1E800] =	vst v63  }
0x73: {  	p0 =	sne.s32 s22, $0x4800;
	_ =	swait.ge [sflag:s15], $0x4000  }
0x74: {  	[sflag:s15] =	ssyncset.done $0x0  }
0x75: {  	s22 =	sadd.s32 $0x1400, s21;
	[sflag:s15] =	ssyncadd.s32 $0xFFFFC000  }
0x76: {  	[spmem:s2] =	stream.indirect.scatter.add.f32 [tilespmem:s12], [sflag:$0x3], $0x80, s22, s13, $0xb8;
	[tilespmem:$0x1E800] =	vst v63  }
0x77: {  	_ =	swait.ge [sflag:s11], $0x4000  }
0x78: {  	[sflag:s11] =	ssyncset.done $0x0  }
0x79: {  	s22 =	sadd.s32 $0x100, s21;
	[sflag:s11] =	ssyncadd.s32 $0xFFFFC000  }
0x7a: {  	[tilespmem:s12], [sflag:$0x1] =	stream.indirect.gather [hbm4b:s4+s13], $0x80, s22, s13, $0xb8;
	[tilespmem:$0x1E800] =	vst v63  }
0x7b: {  	_ =	swait.ge [sflag:s16], $0x4000  }
.Ltmp3:
0x7c: {  	[sflag:s16] =	ssyncset.done $0x0;
	(pc) =	sbr.rel @p0 .LBB2_6-.Ltmp3, $4  }
0x7d: {  	s21 =	sadd.s32 $0x1480, s21;
	[sflag:s16] =	ssyncadd.s32 $0xFFFFC000  }
0x7e: {  	[spmem:s2] =	stream.indirect.scatter.add.f32 [tilespmem:s14], [sflag:$0x3], $0x80, s21, s13, $0xb8;
	[tilespmem:$0x1E800] =	vst v63  }
0x7f: {  	_ =	swait.ge [sflag:s11], $0x4000  }
0x80: {  	s22 =	smov.u32 s26;
	s21 =	sshra.s32 s24, $0x2;
	[sflag:s11] =	ssyncset.done $0x0  }
0x81: {  	s22 =	sadd.s32 $0x80, s21;
	[sflag:s11] =	ssyncadd.s32 $0xFFFFC000  }
0x82: {  	[tilespmem:s14], [sflag:$0x2] =	stream.indirect.gather [hbm4b:s4+s13], $0x80, s22, s13, $0xb8;
	[tilespmem:$0x1E800] =	vst v63  }
0x83: {  	_ =	swait.ge [sflag:s15], $0x4000  }
0x84: {  	[sflag:s15] =	ssyncset.done $0x0  }
0x85: {  	s29 =	sadd.s32 $0x1400, s21;
	[sflag:s15] =	ssyncadd.s32 $0xFFFFC000  }
0x86: {  	[spmem:s2] =	stream.indirect.scatter.add.f32 [tilespmem:s12], [sflag:$0x3], $0x80, s29, s13, $0xb8;
	[tilespmem:$0x1E800] =	vst v63  }
0x87: {  	_ =	swait.ge [sflag:s11], $0x4000  }
0x88: {  	[sflag:s11] =	ssyncset.done $0x0  }
0x89: {  	s30 =	sadd.s32 $0x100, s21;
	[sflag:s11] =	ssyncadd.s32 $0xFFFFC000  }
0x8a: {  	[tilespmem:s12], [sflag:$0x1] =	stream.indirect.gather [hbm4b:s4+s13], $0x80, s30, s13, $0xb8;
	[tilespmem:$0x1E800] =	vst v63  }
0x8b: {  	_ =	swait.ge [sflag:s16], $0x4000  }
0x8c: {  	[sflag:s16] =	ssyncset.done $0x0  }
0x8d: {  	s22 =	sadd.s32 $0x1480, s21;
	[sflag:s16] =	ssyncadd.s32 $0xFFFFC000  }
0x8e: {  	[spmem:s2] =	stream.indirect.scatter.add.f32 [tilespmem:s14], [sflag:$0x3], $0x80, s22, s13, $0xb8;
	[tilespmem:$0x1E800] =	vst v63  }
0x8f: {  	_ =	swait.ge [sflag:s11], $0x4000  }
0x90: {  	[sflag:s11] =	ssyncset.done $0x0  }
0x91: {  	[sflag:s11] =	ssyncadd.s32 $0xFFFFC000  }
0x92: {  	[tilespmem:s14], [sflag:$0x2] =	stream.indirect.gather [hbm4b:s4+s13], $0x80, s17, s13, $0xb8;
	[tilespmem:$0x1E800] =	vst v63  }
0x93: {  	_ =	swait.ge [sflag:s15], $0x4000  }
0x94: {  	[sflag:s15] =	ssyncset.done $0x0  }
0x95: {  	[sflag:s15] =	ssyncadd.s32 $0xFFFFC000  }
0x96: {  	[spmem:s2] =	stream.indirect.scatter.add.f32 [tilespmem:s12], [sflag:$0x3], $0x80, s18, s13, $0xb8;
	[tilespmem:$0x1E800] =	vst v63  }
0x97: {  	_ =	swait.ge [sflag:s11], $0x4000  }
0x98: {  	[sflag:s11] =	ssyncset.done $0x0  }
0x99: {  	[sflag:s11] =	ssyncadd.s32 $0xFFFFC000  }
0x9a: {  	_ =	swait.ge [sflag:s16], $0x4000  }
0x9b: {  	[sflag:s16] =	ssyncset.done $0x0  }
0x9c: {  	[sflag:s16] =	ssyncadd.s32 $0xFFFFC000  }
0x9d: {  	[spmem:s2] =	stream.indirect.scatter.add.f32 [tilespmem:s14], [sflag:$0x3], $0x80, s19, s13, $0xb8;
	[tilespmem:$0x1E800] =	vst v63  }
0x9e: {  	_ =	swait.ge [sflag:s11], $0x4000  }
0x9f: {  	[sflag:s11] =	ssyncset.done $0x0  }
0xa0: {  	[sflag:s11] =	ssyncadd.s32 $0xFFFFC000  }
0xa1: {  	[bflag:$0x0] =	sbarrier.arrive $0xFFFF  }
0xa2: {  	[tilespmem:s12], [sflag:$0x3] =	stream.linear.gather [spmem:s25], $0x4000, $0x38;
	[tilespmem:$0x1E800] =	vst v63  }
0xa3: {  	_ =	swait.ge [sflag:s11], $0x4000  }
0xa4: {  	[sflag:s11] =	ssyncset.done $0x0  }
0xa5: {  	s23 =	simm.s32 $0x0;
	s24 =	rddreg [dreg:$0x3];
	[sflag:s11] =	ssyncadd.s32 $0xFFFFC000  }
0xa6: {  	[hbm4b:s24+s23] =	stream.linear.scatter [tilespmem:s12], [sflag:$0x3], $0x4000, $0x38;
	[tilespmem:$0x1E800] =	vst v63  }
0xa7: {  	_ =	swait.ge [sflag:s11], $0x4000  }
0xa8: {  	[sflag:s11] =	ssyncset.done $0x0  }
0xa9: {  	[sflag:s11] =	ssyncadd.s32 $0xFFFFC000  }
0xaa: {  	[tilespmem:s12], [sflag:$0x3] =	stream.linear.gather [spmem:s0], $0x4000, $0x38;
	[tilespmem:$0x1E800] =	vst v63  }
0xab: {  	_ =	swait.ge [sflag:s11], $0x4000  }
0xac: {  	[sflag:s11] =	ssyncset.done $0x0  }
0xad: {  	s26 =	rddreg [dreg:$0x4];
	[sflag:s11] =	ssyncadd.s32 $0xFFFFC000  }
0xae: {  	[hbm4b:s26+s23] =	stream.linear.scatter [tilespmem:s12], [sflag:$0x3], $0x4000, $0x38;
	[tilespmem:$0x1E800] =	vst v63  }
0xaf: {  	_ =	swait.ge [sflag:s11], $0x4000  }
0xb0: {  	[sflag:s11] =	ssyncset.done $0x0  }
0xb1: {  	[sflag:s11] =	ssyncadd.s32 $0xFFFFC000  }
0xb2: {  	[tilespmem:s12], [sflag:$0x3] =	stream.linear.gather [spmem:s8], $0x4000, $0x38;
	[tilespmem:$0x1E800] =	vst v63  }
0xb3: {  	_ =	swait.ge [sflag:s11], $0x4000  }
0xb4: {  	[sflag:s11] =	ssyncset.done $0x0  }
0xb5: {  	s28 =	rddreg [dreg:$0x5];
	[sflag:s11] =	ssyncadd.s32 $0xFFFFC000  }
0xb6: {  	[hbm4b:s28+s23] =	stream.linear.scatter [tilespmem:s12], [sflag:$0x3], $0x4000, $0x38;
	[tilespmem:$0x1E800] =	vst v63  }
0xb7: {  	_ =	swait.ge [sflag:s11], $0x4000  }
0xb8: {  	[sflag:s11] =	ssyncset.done $0x0  }
0xb9: {  	[sflag:s11] =	ssyncadd.s32 $0xFFFFC000  }
0xba: {  	[tilespmem:s12], [sflag:$0x3] =	stream.linear.gather [spmem:s9], $0x4000, $0x38;
	[tilespmem:$0x1E800] =	vst v63  }
0xbb: {  	_ =	swait.ge [sflag:s11], $0x4000  }
0xbc: {  	[sflag:s11] =	ssyncset.done $0x0  }
0xbd: {  	s29 =	rddreg [dreg:$0x6];
	[sflag:s11] =	ssyncadd.s32 $0xFFFFC000  }
0xbe: {  	[hbm4b:s29+s23] =	stream.linear.scatter [tilespmem:s12], [sflag:$0x3], $0x4000, $0x38;
	[tilespmem:$0x1E800] =	vst v63  }
0xbf: {  	_ =	swait.ge [sflag:s11], $0x4000  }
0xc0: {  	[sflag:s11] =	ssyncset.done $0x0  }
0xc1: {  	[sflag:s11] =	ssyncadd.s32 $0xFFFFC000  }
0xc2: {  	[tilespmem:s12], [sflag:$0x3] =	stream.linear.gather [spmem:s10], $0x4000, $0x38;
	[tilespmem:$0x1E800] =	vst v63  }
0xc3: {  	_ =	swait.ge [sflag:s11], $0x4000  }
0xc4: {  	[sflag:s11] =	ssyncset.done $0x0  }
0xc5: {  	s30 =	rddreg [dreg:$0x7];
	[sflag:s11] =	ssyncadd.s32 $0xFFFFC000  }
0xc6: {  	[hbm4b:s30+s23] =	stream.linear.scatter [tilespmem:s12], [sflag:$0x3], $0x4000, $0x38;
	[tilespmem:$0x1E800] =	vst v63  }
0xc7: {  	_ =	swait.ge [sflag:s11], $0x4000  }
0xc8: {  	[sflag:s11] =	ssyncset.done $0x0  }
0xc9: {  	[sflag:s11] =	ssyncadd.s32 $0xFFFFC000  }
0xca: {  	s21 =	simm.s32 $0x0;
	s22 =	simm.s32 $0x200;
	[bflag:$0x0] =	sbarrier.arrive $0xFFFF  }
.LBB2_8:
0xcb: {  	p0 =	sne.s32 s22, $0xFE00;
	[tilespmem:s21+$0x2870] =	vst v0  }
0xcc: {  	[tilespmem:s21+$0x2800] =	vst v0  }
0xcd: {  	[tilespmem:s21+$0x2810] =	vst v0  }
.Ltmp4:
0xce: {  	[tilespmem:s21+$0x2820] =	vst v0;
	(pc) =	sbr.rel @p0 .LBB2_8-.Ltmp4, $4  }
0xcf: {  	[tilespmem:s21+$0x2830] =	vst v0  }
0xd0: {  	[tilespmem:s21+$0x2840] =	vst v0  }
0xd1: {  	[tilespmem:s21+$0x2850] =	vst v0  }
0xd2: {  	[tilespmem:s21+$0x2860] =	vst v0;
	s21 =	sshra.s32 s22, $0x2;
	s22 =	sadd.s32 $0x200, s22  }
0xd3: {  	[tilespmem:s21+$0x2870] =	vst v0  }
0xd4: {  	[tilespmem:s21+$0x2800] =	vst v0  }
0xd5: {  	[tilespmem:s21+$0x2810] =	vst v0  }
0xd6: {  	[tilespmem:s21+$0x2820] =	vst v0  }
0xd7: {  	[tilespmem:s21+$0x2830] =	vst v0  }
0xd8: {  	[tilespmem:s21+$0x2840] =	vst v0  }
0xd9: {  	[tilespmem:s21+$0x2850] =	vst v0  }
0xda: {  	[tilespmem:s21+$0x2860] =	vst v0  }
0xdb: {  	[spmem:s25] =	stream.linear.scatter [tilespmem:s12], [sflag:$0x3], $0x4000, $0x38;
	[tilespmem:$0x1E800] =	vst v63  }
0xdc: {  	_ =	swait.ge [sflag:s11], $0x4000  }
0xdd: {  	[sflag:s11] =	ssyncset.done $0x0  }
0xde: {  	[sflag:s11] =	ssyncadd.s32 $0xFFFFC000  }
0xdf: {  	[spmem:s0] =	stream.linear.scatter [tilespmem:s12], [sflag:$0x3], $0x4000, $0x38;
	[tilespmem:$0x1E800] =	vst v63  }
0xe0: {  	_ =	swait.ge [sflag:s11], $0x4000  }
0xe1: {  	[sflag:s11] =	ssyncset.done $0x0  }
0xe2: {  	[sflag:s11] =	ssyncadd.s32 $0xFFFFC000  }
0xe3: {  	[spmem:s8] =	stream.linear.scatter [tilespmem:s12], [sflag:$0x3], $0x4000, $0x38;
	[tilespmem:$0x1E800] =	vst v63  }
0xe4: {  	_ =	swait.ge [sflag:s11], $0x4000  }
0xe5: {  	[sflag:s11] =	ssyncset.done $0x0  }
0xe6: {  	[sflag:s11] =	ssyncadd.s32 $0xFFFFC000  }
0xe7: {  	[spmem:s9] =	stream.linear.scatter [tilespmem:s12], [sflag:$0x3], $0x4000, $0x38;
	[tilespmem:$0x1E800] =	vst v63  }
0xe8: {  	_ =	swait.ge [sflag:s11], $0x4000  }
0xe9: {  	[sflag:s11] =	ssyncset.done $0x0  }
0xea: {  	[sflag:s11] =	ssyncadd.s32 $0xFFFFC000  }
0xeb: {  	[spmem:s10] =	stream.linear.scatter [tilespmem:s12], [sflag:$0x3], $0x4000, $0x38;
	[tilespmem:$0x1E800] =	vst v63  }
0xec: {  	_ =	swait.ge [sflag:s11], $0x4000  }
0xed: {  	[sflag:s11] =	ssyncset.done $0x0  }
0xee: {  	[sflag:s11] =	ssyncadd.s32 $0xFFFFC000  }
0xef: {  	s24 =	simm.s32 $0x0;
	[bflag:$0x0] =	sbarrier.arrive $0xFFFF  }
0xf0: {  	[tilespmem:s12], [sflag:$0x1] =	stream.indirect.gather [hbm4b:s5+s13], $0x80, s24, s13, $0xb8;
	[tilespmem:$0x1E800] =	vst v63  }
0xf1: {  	s26 =	simm.s32 $0x80  }
0xf2: {  	[tilespmem:s14], [sflag:$0x2] =	stream.indirect.gather [hbm4b:s5+s13], $0x80, s26, s13, $0xb8;
	[tilespmem:$0x1E800] =	vst v63  }
0xf3: {  	_ =	swait.ge [sflag:s15], $0x4000  }
0xf4: {  	[sflag:s15] =	ssyncset.done $0x0  }
0xf5: {  	s28 =	simm.s32 $0x1400;
	[sflag:s15] =	ssyncadd.s32 $0xFFFFC000  }
0xf6: {  	[spmem:s2] =	stream.indirect.scatter.add.f32 [tilespmem:s12], [sflag:$0x3], $0x80, s28, s13, $0xb8;
	[tilespmem:$0x1E800] =	vst v63  }
0xf7: {  	_ =	swait.ge [sflag:s11], $0x4000  }
0xf8: {  	[sflag:s11] =	ssyncset.done $0x0  }
0xf9: {  	s29 =	simm.s32 $0x100;
	[sflag:s11] =	ssyncadd.s32 $0xFFFFC000  }
0xfa: {  	[tilespmem:s12], [sflag:$0x1] =	stream.indirect.gather [hbm4b:s5+s13], $0x80, s29, s13, $0xb8;
	[tilespmem:$0x1E800] =	vst v63  }
0xfb: {  	_ =	swait.ge [sflag:s16], $0x4000  }
0xfc: {  	[sflag:s16] =	ssyncset.done $0x0  }
0xfd: {  	s30 =	simm.s32 $0x1480;
	[sflag:s16] =	ssyncadd.s32 $0xFFFFC000  }
0xfe: {  	[spmem:s2] =	stream.indirect.scatter.add.f32 [tilespmem:s14], [sflag:$0x3], $0x80, s30, s13, $0xb8;
	[tilespmem:$0x1E800] =	vst v63  }
0xff: {  	_ =	swait.ge [sflag:s11], $0x4000  }
0x100: {  	s22 =	simm.s32 $0x800;
	s21 =	simm.s32 $0x100;
	[sflag:s11] =	ssyncset.done $0x0  }
.LBB2_10:
0x101: {  	s23 =	sadd.s32 $0x80, s21  }
0x102: {  	[sflag:s11] =	ssyncadd.s32 $0xFFFFC000;
	s24 =	smov.u32 s22;
	s26 =	sadd.s32 $0x400, s22  }
0x103: {  	[tilespmem:s14], [sflag:$0x2] =	stream.indirect.gather [hbm4b:s5+s13], $0x80, s23, s13, $0xb8;
	[tilespmem:$0x1E800] =	vst v63  }
0x104: {  	p0 =	sne.s32 s22, $0x4800;
	_ =	swait.ge [sflag:s15], $0x4000  }
0x105: {  	[sflag:s15] =	ssyncset.done $0x0  }
0x106: {  	s22 =	sadd.s32 $0x1400, s21;
	[sflag:s15] =	ssyncadd.s32 $0xFFFFC000  }
0x107: {  	[spmem:s2] =	stream.indirect.scatter.add.f32 [tilespmem:s12], [sflag:$0x3], $0x80, s22, s13, $0xb8;
	[tilespmem:$0x1E800] =	vst v63  }
0x108: {  	_ =	swait.ge [sflag:s11], $0x4000  }
0x109: {  	[sflag:s11] =	ssyncset.done $0x0  }
0x10a: {  	s22 =	sadd.s32 $0x100, s21;
	[sflag:s11] =	ssyncadd.s32 $0xFFFFC000  }
0x10b: {  	[tilespmem:s12], [sflag:$0x1] =	stream.indirect.gather [hbm4b:s5+s13], $0x80, s22, s13, $0xb8;
	[tilespmem:$0x1E800] =	vst v63  }
0x10c: {  	_ =	swait.ge [sflag:s16], $0x4000  }
.Ltmp5:
0x10d: {  	[sflag:s16] =	ssyncset.done $0x0;
	(pc) =	sbr.rel @p0 .LBB2_10-.Ltmp5, $4  }
0x10e: {  	s21 =	sadd.s32 $0x1480, s21;
	[sflag:s16] =	ssyncadd.s32 $0xFFFFC000  }
0x10f: {  	[spmem:s2] =	stream.indirect.scatter.add.f32 [tilespmem:s14], [sflag:$0x3], $0x80, s21, s13, $0xb8;
	[tilespmem:$0x1E800] =	vst v63  }
0x110: {  	_ =	swait.ge [sflag:s11], $0x4000  }
0x111: {  	s22 =	smov.u32 s26;
	s21 =	sshra.s32 s24, $0x2;
	[sflag:s11] =	ssyncset.done $0x0  }
0x112: {  	s22 =	sadd.s32 $0x80, s21;
	[sflag:s11] =	ssyncadd.s32 $0xFFFFC000  }
0x113: {  	[tilespmem:s14], [sflag:$0x2] =	stream.indirect.gather [hbm4b:s5+s13], $0x80, s22, s13, $0xb8;
	[tilespmem:$0x1E800] =	vst v63  }
0x114: {  	_ =	swait.ge [sflag:s15], $0x4000  }
0x115: {  	[sflag:s15] =	ssyncset.done $0x0  }
0x116: {  	s29 =	sadd.s32 $0x1400, s21;
	[sflag:s15] =	ssyncadd.s32 $0xFFFFC000  }
0x117: {  	[spmem:s2] =	stream.indirect.scatter.add.f32 [tilespmem:s12], [sflag:$0x3], $0x80, s29, s13, $0xb8;
	[tilespmem:$0x1E800] =	vst v63  }
0x118: {  	_ =	swait.ge [sflag:s11], $0x4000  }
0x119: {  	[sflag:s11] =	ssyncset.done $0x0  }
0x11a: {  	s30 =	sadd.s32 $0x100, s21;
	[sflag:s11] =	ssyncadd.s32 $0xFFFFC000  }
0x11b: {  	[tilespmem:s12], [sflag:$0x1] =	stream.indirect.gather [hbm4b:s5+s13], $0x80, s30, s13, $0xb8;
	[tilespmem:$0x1E800] =	vst v63  }
0x11c: {  	_ =	swait.ge [sflag:s16], $0x4000  }
0x11d: {  	[sflag:s16] =	ssyncset.done $0x0  }
0x11e: {  	s22 =	sadd.s32 $0x1480, s21;
	[sflag:s16] =	ssyncadd.s32 $0xFFFFC000  }
0x11f: {  	[spmem:s2] =	stream.indirect.scatter.add.f32 [tilespmem:s14], [sflag:$0x3], $0x80, s22, s13, $0xb8;
	[tilespmem:$0x1E800] =	vst v63  }
0x120: {  	_ =	swait.ge [sflag:s11], $0x4000  }
0x121: {  	[sflag:s11] =	ssyncset.done $0x0  }
0x122: {  	[sflag:s11] =	ssyncadd.s32 $0xFFFFC000  }
0x123: {  	[tilespmem:s14], [sflag:$0x2] =	stream.indirect.gather [hbm4b:s5+s13], $0x80, s17, s13, $0xb8;
	[tilespmem:$0x1E800] =	vst v63  }
0x124: {  	_ =	swait.ge [sflag:s15], $0x4000  }
0x125: {  	[sflag:s15] =	ssyncset.done $0x0  }
0x126: {  	[sflag:s15] =	ssyncadd.s32 $0xFFFFC000  }
0x127: {  	[spmem:s2] =	stream.indirect.scatter.add.f32 [tilespmem:s12], [sflag:$0x3], $0x80, s18, s13, $0xb8;
	[tilespmem:$0x1E800] =	vst v63  }
0x128: {  	_ =	swait.ge [sflag:s11], $0x4000  }
0x129: {  	[sflag:s11] =	ssyncset.done $0x0  }
0x12a: {  	[sflag:s11] =	ssyncadd.s32 $0xFFFFC000  }
0x12b: {  	_ =	swait.ge [sflag:s16], $0x4000  }
0x12c: {  	[sflag:s16] =	ssyncset.done $0x0  }
0x12d: {  	[sflag:s16] =	ssyncadd.s32 $0xFFFFC000  }
0x12e: {  	[spmem:s2] =	stream.indirect.scatter.add.f32 [tilespmem:s14], [sflag:$0x3], $0x80, s19, s13, $0xb8;
	[tilespmem:$0x1E800] =	vst v63  }
0x12f: {  	_ =	swait.ge [sflag:s11], $0x4000  }
0x130: {  	[sflag:s11] =	ssyncset.done $0x0  }
0x131: {  	[sflag:s11] =	ssyncadd.s32 $0xFFFFC000  }
0x132: {  	[bflag:$0x0] =	sbarrier.arrive $0xFFFF  }
0x133: {  	[tilespmem:s12], [sflag:$0x3] =	stream.linear.gather [spmem:s25], $0x4000, $0x38;
	[tilespmem:$0x1E800] =	vst v63  }
0x134: {  	_ =	swait.ge [sflag:s11], $0x4000  }
0x135: {  	[sflag:s11] =	ssyncset.done $0x0  }
0x136: {  	s23 =	simm.s32 $0x0;
	s24 =	rddreg [dreg:$0x8];
	[sflag:s11] =	ssyncadd.s32 $0xFFFFC000  }
0x137: {  	[hbm4b:s24+s23] =	stream.linear.scatter [tilespmem:s12], [sflag:$0x3], $0x4000, $0x38;
	[tilespmem:$0x1E800] =	vst v63  }
0x138: {  	_ =	swait.ge [sflag:s11], $0x4000  }
0x139: {  	[sflag:s11] =	ssyncset.done $0x0  }
0x13a: {  	[sflag:s11] =	ssyncadd.s32 $0xFFFFC000  }
0x13b: {  	[tilespmem:s12], [sflag:$0x3] =	stream.linear.gather [spmem:s0], $0x4000, $0x38;
	[tilespmem:$0x1E800] =	vst v63  }
0x13c: {  	_ =	swait.ge [sflag:s11], $0x4000  }
0x13d: {  	[sflag:s11] =	ssyncset.done $0x0  }
0x13e: {  	s26 =	rddreg [dreg:$0x9];
	[sflag:s11] =	ssyncadd.s32 $0xFFFFC000  }
0x13f: {  	[hbm4b:s26+s23] =	stream.linear.scatter [tilespmem:s12], [sflag:$0x3], $0x4000, $0x38;
	[tilespmem:$0x1E800] =	vst v63  }
0x140: {  	_ =	swait.ge [sflag:s11], $0x4000  }
0x141: {  	[sflag:s11] =	ssyncset.done $0x0  }
0x142: {  	[sflag:s11] =	ssyncadd.s32 $0xFFFFC000  }
0x143: {  	[tilespmem:s12], [sflag:$0x3] =	stream.linear.gather [spmem:s8], $0x4000, $0x38;
	[tilespmem:$0x1E800] =	vst v63  }
0x144: {  	_ =	swait.ge [sflag:s11], $0x4000  }
0x145: {  	[sflag:s11] =	ssyncset.done $0x0  }
0x146: {  	s28 =	rddreg [dreg:$0xa];
	[sflag:s11] =	ssyncadd.s32 $0xFFFFC000  }
0x147: {  	[hbm4b:s28+s23] =	stream.linear.scatter [tilespmem:s12], [sflag:$0x3], $0x4000, $0x38;
	[tilespmem:$0x1E800] =	vst v63  }
0x148: {  	_ =	swait.ge [sflag:s11], $0x4000  }
0x149: {  	[sflag:s11] =	ssyncset.done $0x0  }
0x14a: {  	[sflag:s11] =	ssyncadd.s32 $0xFFFFC000  }
0x14b: {  	[tilespmem:s12], [sflag:$0x3] =	stream.linear.gather [spmem:s9], $0x4000, $0x38;
	[tilespmem:$0x1E800] =	vst v63  }
0x14c: {  	_ =	swait.ge [sflag:s11], $0x4000  }
0x14d: {  	[sflag:s11] =	ssyncset.done $0x0  }
0x14e: {  	s29 =	rddreg [dreg:$0xb];
	[sflag:s11] =	ssyncadd.s32 $0xFFFFC000  }
0x14f: {  	[hbm4b:s29+s23] =	stream.linear.scatter [tilespmem:s12], [sflag:$0x3], $0x4000, $0x38;
	[tilespmem:$0x1E800] =	vst v63  }
0x150: {  	_ =	swait.ge [sflag:s11], $0x4000  }
0x151: {  	[sflag:s11] =	ssyncset.done $0x0  }
0x152: {  	[sflag:s11] =	ssyncadd.s32 $0xFFFFC000  }
0x153: {  	[tilespmem:s12], [sflag:$0x3] =	stream.linear.gather [spmem:s10], $0x4000, $0x38;
	[tilespmem:$0x1E800] =	vst v63  }
0x154: {  	_ =	swait.ge [sflag:s11], $0x4000  }
0x155: {  	[sflag:s11] =	ssyncset.done $0x0  }
0x156: {  	s30 =	rddreg [dreg:$0xc];
	[sflag:s11] =	ssyncadd.s32 $0xFFFFC000  }
0x157: {  	[hbm4b:s30+s23] =	stream.linear.scatter [tilespmem:s12], [sflag:$0x3], $0x4000, $0x38;
	[tilespmem:$0x1E800] =	vst v63  }
0x158: {  	_ =	swait.ge [sflag:s11], $0x4000  }
0x159: {  	[sflag:s11] =	ssyncset.done $0x0  }
0x15a: {  	[sflag:s11] =	ssyncadd.s32 $0xFFFFC000  }
0x15b: {  	s21 =	simm.s32 $0x0;
	s22 =	simm.s32 $0x200;
	[bflag:$0x0] =	sbarrier.arrive $0xFFFF  }
.LBB2_12:
0x15c: {  	p0 =	sne.s32 s22, $0xFE00;
	[tilespmem:s21+$0x2870] =	vst v0  }
0x15d: {  	[tilespmem:s21+$0x2800] =	vst v0  }
0x15e: {  	[tilespmem:s21+$0x2810] =	vst v0  }
.Ltmp6:
0x15f: {  	[tilespmem:s21+$0x2820] =	vst v0;
	(pc) =	sbr.rel @p0 .LBB2_12-.Ltmp6, $4  }
0x160: {  	[tilespmem:s21+$0x2830] =	vst v0  }
0x161: {  	[tilespmem:s21+$0x2840] =	vst v0  }
0x162: {  	[tilespmem:s21+$0x2850] =	vst v0  }
0x163: {  	[tilespmem:s21+$0x2860] =	vst v0;
	s21 =	sshra.s32 s22, $0x2;
	s22 =	sadd.s32 $0x200, s22  }
0x164: {  	[tilespmem:s21+$0x2870] =	vst v0  }
0x165: {  	[tilespmem:s21+$0x2800] =	vst v0  }
0x166: {  	[tilespmem:s21+$0x2810] =	vst v0  }
0x167: {  	[tilespmem:s21+$0x2820] =	vst v0  }
0x168: {  	[tilespmem:s21+$0x2830] =	vst v0  }
0x169: {  	[tilespmem:s21+$0x2840] =	vst v0  }
0x16a: {  	[tilespmem:s21+$0x2850] =	vst v0  }
0x16b: {  	[tilespmem:s21+$0x2860] =	vst v0  }
0x16c: {  	[spmem:s25] =	stream.linear.scatter [tilespmem:s12], [sflag:$0x3], $0x4000, $0x38;
	[tilespmem:$0x1E800] =	vst v63  }
0x16d: {  	_ =	swait.ge [sflag:s11], $0x4000  }
0x16e: {  	[sflag:s11] =	ssyncset.done $0x0  }
0x16f: {  	[sflag:s11] =	ssyncadd.s32 $0xFFFFC000  }
0x170: {  	[spmem:s0] =	stream.linear.scatter [tilespmem:s12], [sflag:$0x3], $0x4000, $0x38;
	[tilespmem:$0x1E800] =	vst v63  }
0x171: {  	_ =	swait.ge [sflag:s11], $0x4000  }
0x172: {  	[sflag:s11] =	ssyncset.done $0x0  }
0x173: {  	[sflag:s11] =	ssyncadd.s32 $0xFFFFC000  }
0x174: {  	[spmem:s8] =	stream.linear.scatter [tilespmem:s12], [sflag:$0x3], $0x4000, $0x38;
	[tilespmem:$0x1E800] =	vst v63  }
0x175: {  	_ =	swait.ge [sflag:s11], $0x4000  }
0x176: {  	[sflag:s11] =	ssyncset.done $0x0  }
0x177: {  	[sflag:s11] =	ssyncadd.s32 $0xFFFFC000  }
0x178: {  	[spmem:s9] =	stream.linear.scatter [tilespmem:s12], [sflag:$0x3], $0x4000, $0x38;
	[tilespmem:$0x1E800] =	vst v63  }
0x179: {  	_ =	swait.ge [sflag:s11], $0x4000  }
0x17a: {  	[sflag:s11] =	ssyncset.done $0x0  }
0x17b: {  	[sflag:s11] =	ssyncadd.s32 $0xFFFFC000  }
0x17c: {  	[spmem:s10] =	stream.linear.scatter [tilespmem:s12], [sflag:$0x3], $0x4000, $0x38;
	[tilespmem:$0x1E800] =	vst v63  }
0x17d: {  	_ =	swait.ge [sflag:s11], $0x4000  }
0x17e: {  	[sflag:s11] =	ssyncset.done $0x0  }
0x17f: {  	[sflag:s11] =	ssyncadd.s32 $0xFFFFC000  }
0x180: {  	s24 =	simm.s32 $0x0;
	[bflag:$0x0] =	sbarrier.arrive $0xFFFF  }
0x181: {  	[tilespmem:s12], [sflag:$0x1] =	stream.indirect.gather [hbm4b:s6+s13], $0x80, s24, s13, $0xb8;
	[tilespmem:$0x1E800] =	vst v63  }
0x182: {  	s26 =	simm.s32 $0x80  }
0x183: {  	[tilespmem:s14], [sflag:$0x2] =	stream.indirect.gather [hbm4b:s6+s13], $0x80, s26, s13, $0xb8;
	[tilespmem:$0x1E800] =	vst v63  }
0x184: {  	_ =	swait.ge [sflag:s15], $0x4000  }
0x185: {  	[sflag:s15] =	ssyncset.done $0x0  }
0x186: {  	s28 =	simm.s32 $0x1400;
	[sflag:s15] =	ssyncadd.s32 $0xFFFFC000  }
0x187: {  	[spmem:s2] =	stream.indirect.scatter.add.f32 [tilespmem:s12], [sflag:$0x3], $0x80, s28, s13, $0xb8;
	[tilespmem:$0x1E800] =	vst v63  }
0x188: {  	_ =	swait.ge [sflag:s11], $0x4000  }
0x189: {  	[sflag:s11] =	ssyncset.done $0x0  }
0x18a: {  	s29 =	simm.s32 $0x100;
	[sflag:s11] =	ssyncadd.s32 $0xFFFFC000  }
0x18b: {  	[tilespmem:s12], [sflag:$0x1] =	stream.indirect.gather [hbm4b:s6+s13], $0x80, s29, s13, $0xb8;
	[tilespmem:$0x1E800] =	vst v63  }
0x18c: {  	_ =	swait.ge [sflag:s16], $0x4000  }
0x18d: {  	[sflag:s16] =	ssyncset.done $0x0  }
0x18e: {  	s30 =	simm.s32 $0x1480;
	[sflag:s16] =	ssyncadd.s32 $0xFFFFC000  }
0x18f: {  	[spmem:s2] =	stream.indirect.scatter.add.f32 [tilespmem:s14], [sflag:$0x3], $0x80, s30, s13, $0xb8;
	[tilespmem:$0x1E800] =	vst v63  }
0x190: {  	_ =	swait.ge [sflag:s11], $0x4000  }
0x191: {  	s22 =	simm.s32 $0x800;
	s21 =	simm.s32 $0x100;
	[sflag:s11] =	ssyncset.done $0x0  }
.LBB2_14:
0x192: {  	s23 =	sadd.s32 $0x80, s21  }
0x193: {  	[sflag:s11] =	ssyncadd.s32 $0xFFFFC000;
	s24 =	smov.u32 s22;
	s26 =	sadd.s32 $0x400, s22  }
0x194: {  	[tilespmem:s14], [sflag:$0x2] =	stream.indirect.gather [hbm4b:s6+s13], $0x80, s23, s13, $0xb8;
	[tilespmem:$0x1E800] =	vst v63  }
0x195: {  	p0 =	sne.s32 s22, $0x4800;
	_ =	swait.ge [sflag:s15], $0x4000  }
0x196: {  	[sflag:s15] =	ssyncset.done $0x0  }
0x197: {  	s22 =	sadd.s32 $0x1400, s21;
	[sflag:s15] =	ssyncadd.s32 $0xFFFFC000  }
0x198: {  	[spmem:s2] =	stream.indirect.scatter.add.f32 [tilespmem:s12], [sflag:$0x3], $0x80, s22, s13, $0xb8;
	[tilespmem:$0x1E800] =	vst v63  }
0x199: {  	_ =	swait.ge [sflag:s11], $0x4000  }
0x19a: {  	[sflag:s11] =	ssyncset.done $0x0  }
0x19b: {  	s22 =	sadd.s32 $0x100, s21;
	[sflag:s11] =	ssyncadd.s32 $0xFFFFC000  }
0x19c: {  	[tilespmem:s12], [sflag:$0x1] =	stream.indirect.gather [hbm4b:s6+s13], $0x80, s22, s13, $0xb8;
	[tilespmem:$0x1E800] =	vst v63  }
0x19d: {  	_ =	swait.ge [sflag:s16], $0x4000  }
.Ltmp7:
0x19e: {  	[sflag:s16] =	ssyncset.done $0x0;
	(pc) =	sbr.rel @p0 .LBB2_14-.Ltmp7, $4  }
0x19f: {  	s21 =	sadd.s32 $0x1480, s21;
	[sflag:s16] =	ssyncadd.s32 $0xFFFFC000  }
0x1a0: {  	[spmem:s2] =	stream.indirect.scatter.add.f32 [tilespmem:s14], [sflag:$0x3], $0x80, s21, s13, $0xb8;
	[tilespmem:$0x1E800] =	vst v63  }
0x1a1: {  	_ =	swait.ge [sflag:s11], $0x4000  }
0x1a2: {  	s22 =	smov.u32 s26;
	s21 =	sshra.s32 s24, $0x2;
	[sflag:s11] =	ssyncset.done $0x0  }
0x1a3: {  	s22 =	sadd.s32 $0x80, s21;
	[sflag:s11] =	ssyncadd.s32 $0xFFFFC000  }
0x1a4: {  	[tilespmem:s14], [sflag:$0x2] =	stream.indirect.gather [hbm4b:s6+s13], $0x80, s22, s13, $0xb8;
	[tilespmem:$0x1E800] =	vst v63  }
0x1a5: {  	_ =	swait.ge [sflag:s15], $0x4000  }
0x1a6: {  	[sflag:s15] =	ssyncset.done $0x0  }
0x1a7: {  	s29 =	sadd.s32 $0x1400, s21;
	[sflag:s15] =	ssyncadd.s32 $0xFFFFC000  }
0x1a8: {  	[spmem:s2] =	stream.indirect.scatter.add.f32 [tilespmem:s12], [sflag:$0x3], $0x80, s29, s13, $0xb8;
	[tilespmem:$0x1E800] =	vst v63  }
0x1a9: {  	_ =	swait.ge [sflag:s11], $0x4000  }
0x1aa: {  	[sflag:s11] =	ssyncset.done $0x0  }
0x1ab: {  	s30 =	sadd.s32 $0x100, s21;
	[sflag:s11] =	ssyncadd.s32 $0xFFFFC000  }
0x1ac: {  	[tilespmem:s12], [sflag:$0x1] =	stream.indirect.gather [hbm4b:s6+s13], $0x80, s30, s13, $0xb8;
	[tilespmem:$0x1E800] =	vst v63  }
0x1ad: {  	_ =	swait.ge [sflag:s16], $0x4000  }
0x1ae: {  	[sflag:s16] =	ssyncset.done $0x0  }
0x1af: {  	s22 =	sadd.s32 $0x1480, s21;
	[sflag:s16] =	ssyncadd.s32 $0xFFFFC000  }
0x1b0: {  	[spmem:s2] =	stream.indirect.scatter.add.f32 [tilespmem:s14], [sflag:$0x3], $0x80, s22, s13, $0xb8;
	[tilespmem:$0x1E800] =	vst v63  }
0x1b1: {  	_ =	swait.ge [sflag:s11], $0x4000  }
0x1b2: {  	[sflag:s11] =	ssyncset.done $0x0  }
0x1b3: {  	[sflag:s11] =	ssyncadd.s32 $0xFFFFC000  }
0x1b4: {  	[tilespmem:s14], [sflag:$0x2] =	stream.indirect.gather [hbm4b:s6+s13], $0x80, s17, s13, $0xb8;
	[tilespmem:$0x1E800] =	vst v63  }
0x1b5: {  	_ =	swait.ge [sflag:s15], $0x4000  }
0x1b6: {  	[sflag:s15] =	ssyncset.done $0x0  }
0x1b7: {  	[sflag:s15] =	ssyncadd.s32 $0xFFFFC000  }
0x1b8: {  	[spmem:s2] =	stream.indirect.scatter.add.f32 [tilespmem:s12], [sflag:$0x3], $0x80, s18, s13, $0xb8;
	[tilespmem:$0x1E800] =	vst v63  }
0x1b9: {  	_ =	swait.ge [sflag:s11], $0x4000  }
0x1ba: {  	[sflag:s11] =	ssyncset.done $0x0  }
0x1bb: {  	[sflag:s11] =	ssyncadd.s32 $0xFFFFC000  }
0x1bc: {  	_ =	swait.ge [sflag:s16], $0x4000  }
0x1bd: {  	[sflag:s16] =	ssyncset.done $0x0  }
0x1be: {  	[sflag:s16] =	ssyncadd.s32 $0xFFFFC000  }
0x1bf: {  	[spmem:s2] =	stream.indirect.scatter.add.f32 [tilespmem:s14], [sflag:$0x3], $0x80, s19, s13, $0xb8;
	[tilespmem:$0x1E800] =	vst v63  }
0x1c0: {  	_ =	swait.ge [sflag:s11], $0x4000  }
0x1c1: {  	[sflag:s11] =	ssyncset.done $0x0  }
0x1c2: {  	[sflag:s11] =	ssyncadd.s32 $0xFFFFC000  }
0x1c3: {  	[bflag:$0x0] =	sbarrier.arrive $0xFFFF  }
0x1c4: {  	[tilespmem:s12], [sflag:$0x3] =	stream.linear.gather [spmem:s25], $0x4000, $0x38;
	[tilespmem:$0x1E800] =	vst v63  }
0x1c5: {  	_ =	swait.ge [sflag:s11], $0x4000  }
0x1c6: {  	[sflag:s11] =	ssyncset.done $0x0  }
0x1c7: {  	s23 =	simm.s32 $0x0;
	s24 =	rddreg [dreg:$0xd];
	[sflag:s11] =	ssyncadd.s32 $0xFFFFC000  }
0x1c8: {  	[hbm4b:s24+s23] =	stream.linear.scatter [tilespmem:s12], [sflag:$0x3], $0x4000, $0x38;
	[tilespmem:$0x1E800] =	vst v63  }
0x1c9: {  	_ =	swait.ge [sflag:s11], $0x4000  }
0x1ca: {  	[sflag:s11] =	ssyncset.done $0x0  }
0x1cb: {  	[sflag:s11] =	ssyncadd.s32 $0xFFFFC000  }
0x1cc: {  	[tilespmem:s12], [sflag:$0x3] =	stream.linear.gather [spmem:s0], $0x4000, $0x38;
	[tilespmem:$0x1E800] =	vst v63  }
0x1cd: {  	_ =	swait.ge [sflag:s11], $0x4000  }
0x1ce: {  	[sflag:s11] =	ssyncset.done $0x0  }
0x1cf: {  	s26 =	rddreg [dreg:$0xe];
	[sflag:s11] =	ssyncadd.s32 $0xFFFFC000  }
0x1d0: {  	[hbm4b:s26+s23] =	stream.linear.scatter [tilespmem:s12], [sflag:$0x3], $0x4000, $0x38;
	[tilespmem:$0x1E800] =	vst v63  }
0x1d1: {  	_ =	swait.ge [sflag:s11], $0x4000  }
0x1d2: {  	[sflag:s11] =	ssyncset.done $0x0  }
0x1d3: {  	[sflag:s11] =	ssyncadd.s32 $0xFFFFC000  }
0x1d4: {  	[tilespmem:s12], [sflag:$0x3] =	stream.linear.gather [spmem:s8], $0x4000, $0x38;
	[tilespmem:$0x1E800] =	vst v63  }
0x1d5: {  	_ =	swait.ge [sflag:s11], $0x4000  }
0x1d6: {  	[sflag:s11] =	ssyncset.done $0x0  }
0x1d7: {  	s28 =	rddreg [dreg:$0xf];
	[sflag:s11] =	ssyncadd.s32 $0xFFFFC000  }
0x1d8: {  	[hbm4b:s28+s23] =	stream.linear.scatter [tilespmem:s12], [sflag:$0x3], $0x4000, $0x38;
	[tilespmem:$0x1E800] =	vst v63  }
0x1d9: {  	_ =	swait.ge [sflag:s11], $0x4000  }
0x1da: {  	[sflag:s11] =	ssyncset.done $0x0  }
0x1db: {  	[sflag:s11] =	ssyncadd.s32 $0xFFFFC000  }
0x1dc: {  	[tilespmem:s12], [sflag:$0x3] =	stream.linear.gather [spmem:s9], $0x4000, $0x38;
	[tilespmem:$0x1E800] =	vst v63  }
0x1dd: {  	_ =	swait.ge [sflag:s11], $0x4000  }
0x1de: {  	[sflag:s11] =	ssyncset.done $0x0  }
0x1df: {  	s29 =	rddreg [dreg:$0x10];
	[sflag:s11] =	ssyncadd.s32 $0xFFFFC000  }
0x1e0: {  	[hbm4b:s29+s23] =	stream.linear.scatter [tilespmem:s12], [sflag:$0x3], $0x4000, $0x38;
	[tilespmem:$0x1E800] =	vst v63  }
0x1e1: {  	_ =	swait.ge [sflag:s11], $0x4000  }
0x1e2: {  	[sflag:s11] =	ssyncset.done $0x0  }
0x1e3: {  	[sflag:s11] =	ssyncadd.s32 $0xFFFFC000  }
0x1e4: {  	[tilespmem:s12], [sflag:$0x3] =	stream.linear.gather [spmem:s10], $0x4000, $0x38;
	[tilespmem:$0x1E800] =	vst v63  }
0x1e5: {  	_ =	swait.ge [sflag:s11], $0x4000  }
0x1e6: {  	[sflag:s11] =	ssyncset.done $0x0  }
0x1e7: {  	s30 =	rddreg [dreg:$0x11];
	[sflag:s11] =	ssyncadd.s32 $0xFFFFC000  }
0x1e8: {  	[hbm4b:s30+s23] =	stream.linear.scatter [tilespmem:s12], [sflag:$0x3], $0x4000, $0x38;
	[tilespmem:$0x1E800] =	vst v63  }
0x1e9: {  	_ =	swait.ge [sflag:s11], $0x4000  }
0x1ea: {  	[sflag:s11] =	ssyncset.done $0x0  }
0x1eb: {  	[sflag:s11] =	ssyncadd.s32 $0xFFFFC000  }
0x1ec: {  	s21 =	simm.s32 $0x0;
	s22 =	simm.s32 $0x200;
	[bflag:$0x0] =	sbarrier.arrive $0xFFFF  }
.LBB2_16:
0x1ed: {  	p0 =	sne.s32 s22, $0xFE00;
	[tilespmem:s21+$0x2870] =	vst v0  }
0x1ee: {  	[tilespmem:s21+$0x2800] =	vst v0  }
0x1ef: {  	[tilespmem:s21+$0x2810] =	vst v0  }
.Ltmp8:
0x1f0: {  	[tilespmem:s21+$0x2820] =	vst v0;
	(pc) =	sbr.rel @p0 .LBB2_16-.Ltmp8, $4  }
0x1f1: {  	[tilespmem:s21+$0x2830] =	vst v0  }
0x1f2: {  	[tilespmem:s21+$0x2840] =	vst v0  }
0x1f3: {  	[tilespmem:s21+$0x2850] =	vst v0  }
0x1f4: {  	[tilespmem:s21+$0x2860] =	vst v0;
	s21 =	sshra.s32 s22, $0x2;
	s22 =	sadd.s32 $0x200, s22  }
0x1f5: {  	[tilespmem:s21+$0x2870] =	vst v0  }
0x1f6: {  	[tilespmem:s21+$0x2800] =	vst v0  }
0x1f7: {  	[tilespmem:s21+$0x2810] =	vst v0  }
0x1f8: {  	[tilespmem:s21+$0x2820] =	vst v0  }
0x1f9: {  	[tilespmem:s21+$0x2830] =	vst v0  }
0x1fa: {  	[tilespmem:s21+$0x2840] =	vst v0  }
0x1fb: {  	[tilespmem:s21+$0x2850] =	vst v0  }
0x1fc: {  	[tilespmem:s21+$0x2860] =	vst v0  }
0x1fd: {  	[spmem:s25] =	stream.linear.scatter [tilespmem:s12], [sflag:$0x3], $0x4000, $0x38;
	[tilespmem:$0x1E800] =	vst v63  }
0x1fe: {  	_ =	swait.ge [sflag:s11], $0x4000  }
0x1ff: {  	[sflag:s11] =	ssyncset.done $0x0  }
0x200: {  	[sflag:s11] =	ssyncadd.s32 $0xFFFFC000  }
0x201: {  	[spmem:s0] =	stream.linear.scatter [tilespmem:s12], [sflag:$0x3], $0x4000, $0x38;
	[tilespmem:$0x1E800] =	vst v63  }
0x202: {  	_ =	swait.ge [sflag:s11], $0x4000  }
0x203: {  	[sflag:s11] =	ssyncset.done $0x0  }
0x204: {  	[sflag:s11] =	ssyncadd.s32 $0xFFFFC000  }
0x205: {  	[spmem:s8] =	stream.linear.scatter [tilespmem:s12], [sflag:$0x3], $0x4000, $0x38;
	[tilespmem:$0x1E800] =	vst v63  }
0x206: {  	_ =	swait.ge [sflag:s11], $0x4000  }
0x207: {  	[sflag:s11] =	ssyncset.done $0x0  }
0x208: {  	[sflag:s11] =	ssyncadd.s32 $0xFFFFC000  }
0x209: {  	[spmem:s9] =	stream.linear.scatter [tilespmem:s12], [sflag:$0x3], $0x4000, $0x38;
	[tilespmem:$0x1E800] =	vst v63  }
0x20a: {  	_ =	swait.ge [sflag:s11], $0x4000  }
0x20b: {  	[sflag:s11] =	ssyncset.done $0x0  }
0x20c: {  	[sflag:s11] =	ssyncadd.s32 $0xFFFFC000  }
0x20d: {  	[spmem:s10] =	stream.linear.scatter [tilespmem:s12], [sflag:$0x3], $0x4000, $0x38;
	[tilespmem:$0x1E800] =	vst v63  }
0x20e: {  	_ =	swait.ge [sflag:s11], $0x4000  }
0x20f: {  	[sflag:s11] =	ssyncset.done $0x0  }
0x210: {  	[sflag:s11] =	ssyncadd.s32 $0xFFFFC000  }
0x211: {  	s24 =	simm.s32 $0x0;
	[bflag:$0x0] =	sbarrier.arrive $0xFFFF  }
0x212: {  	[tilespmem:s12], [sflag:$0x1] =	stream.indirect.gather [hbm4b:s7+s13], $0x80, s24, s13, $0xb8;
	[tilespmem:$0x1E800] =	vst v63  }
0x213: {  	s26 =	simm.s32 $0x80  }
0x214: {  	[tilespmem:s14], [sflag:$0x2] =	stream.indirect.gather [hbm4b:s7+s13], $0x80, s26, s13, $0xb8;
	[tilespmem:$0x1E800] =	vst v63  }
0x215: {  	_ =	swait.ge [sflag:s15], $0x4000  }
0x216: {  	[sflag:s15] =	ssyncset.done $0x0  }
0x217: {  	s28 =	simm.s32 $0x1400;
	[sflag:s15] =	ssyncadd.s32 $0xFFFFC000  }
0x218: {  	[spmem:s2] =	stream.indirect.scatter.add.f32 [tilespmem:s12], [sflag:$0x3], $0x80, s28, s13, $0xb8;
	[tilespmem:$0x1E800] =	vst v63  }
0x219: {  	_ =	swait.ge [sflag:s11], $0x4000  }
0x21a: {  	[sflag:s11] =	ssyncset.done $0x0  }
0x21b: {  	s29 =	simm.s32 $0x100;
	[sflag:s11] =	ssyncadd.s32 $0xFFFFC000  }
0x21c: {  	[tilespmem:s12], [sflag:$0x1] =	stream.indirect.gather [hbm4b:s7+s13], $0x80, s29, s13, $0xb8;
	[tilespmem:$0x1E800] =	vst v63  }
0x21d: {  	_ =	swait.ge [sflag:s16], $0x4000  }
0x21e: {  	[sflag:s16] =	ssyncset.done $0x0  }
0x21f: {  	s30 =	simm.s32 $0x1480;
	[sflag:s16] =	ssyncadd.s32 $0xFFFFC000  }
0x220: {  	[spmem:s2] =	stream.indirect.scatter.add.f32 [tilespmem:s14], [sflag:$0x3], $0x80, s30, s13, $0xb8;
	[tilespmem:$0x1E800] =	vst v63  }
0x221: {  	_ =	swait.ge [sflag:s11], $0x4000  }
0x222: {  	s22 =	simm.s32 $0x800;
	s21 =	simm.s32 $0x100;
	[sflag:s11] =	ssyncset.done $0x0  }
.LBB2_18:
0x223: {  	s23 =	sadd.s32 $0x80, s21  }
0x224: {  	[sflag:s11] =	ssyncadd.s32 $0xFFFFC000;
	s24 =	smov.u32 s22;
	s26 =	sadd.s32 $0x400, s22  }
0x225: {  	[tilespmem:s14], [sflag:$0x2] =	stream.indirect.gather [hbm4b:s7+s13], $0x80, s23, s13, $0xb8;
	[tilespmem:$0x1E800] =	vst v63  }
0x226: {  	p0 =	sne.s32 s22, $0x4800;
	_ =	swait.ge [sflag:s15], $0x4000  }
0x227: {  	[sflag:s15] =	ssyncset.done $0x0  }
0x228: {  	s22 =	sadd.s32 $0x1400, s21;
	[sflag:s15] =	ssyncadd.s32 $0xFFFFC000  }
0x229: {  	[spmem:s2] =	stream.indirect.scatter.add.f32 [tilespmem:s12], [sflag:$0x3], $0x80, s22, s13, $0xb8;
	[tilespmem:$0x1E800] =	vst v63  }
0x22a: {  	_ =	swait.ge [sflag:s11], $0x4000  }
0x22b: {  	[sflag:s11] =	ssyncset.done $0x0  }
0x22c: {  	s22 =	sadd.s32 $0x100, s21;
	[sflag:s11] =	ssyncadd.s32 $0xFFFFC000  }
0x22d: {  	[tilespmem:s12], [sflag:$0x1] =	stream.indirect.gather [hbm4b:s7+s13], $0x80, s22, s13, $0xb8;
	[tilespmem:$0x1E800] =	vst v63  }
0x22e: {  	_ =	swait.ge [sflag:s16], $0x4000  }
.Ltmp9:
0x22f: {  	[sflag:s16] =	ssyncset.done $0x0;
	(pc) =	sbr.rel @p0 .LBB2_18-.Ltmp9, $4  }
0x230: {  	s21 =	sadd.s32 $0x1480, s21;
	[sflag:s16] =	ssyncadd.s32 $0xFFFFC000  }
0x231: {  	[spmem:s2] =	stream.indirect.scatter.add.f32 [tilespmem:s14], [sflag:$0x3], $0x80, s21, s13, $0xb8;
	[tilespmem:$0x1E800] =	vst v63  }
0x232: {  	_ =	swait.ge [sflag:s11], $0x4000  }
0x233: {  	s22 =	smov.u32 s26;
	s21 =	sshra.s32 s24, $0x2;
	[sflag:s11] =	ssyncset.done $0x0  }
0x234: {  	s22 =	sadd.s32 $0x80, s21;
	[sflag:s11] =	ssyncadd.s32 $0xFFFFC000  }
0x235: {  	[tilespmem:s14], [sflag:$0x2] =	stream.indirect.gather [hbm4b:s7+s13], $0x80, s22, s13, $0xb8;
	[tilespmem:$0x1E800] =	vst v63  }
0x236: {  	_ =	swait.ge [sflag:s15], $0x4000  }
0x237: {  	[sflag:s15] =	ssyncset.done $0x0  }
0x238: {  	s29 =	sadd.s32 $0x1400, s21;
	[sflag:s15] =	ssyncadd.s32 $0xFFFFC000  }
0x239: {  	[spmem:s2] =	stream.indirect.scatter.add.f32 [tilespmem:s12], [sflag:$0x3], $0x80, s29, s13, $0xb8;
	[tilespmem:$0x1E800] =	vst v63  }
0x23a: {  	_ =	swait.ge [sflag:s11], $0x4000  }
0x23b: {  	[sflag:s11] =	ssyncset.done $0x0  }
0x23c: {  	s30 =	sadd.s32 $0x100, s21;
	[sflag:s11] =	ssyncadd.s32 $0xFFFFC000  }
0x23d: {  	[tilespmem:s12], [sflag:$0x1] =	stream.indirect.gather [hbm4b:s7+s13], $0x80, s30, s13, $0xb8;
	[tilespmem:$0x1E800] =	vst v63  }
0x23e: {  	_ =	swait.ge [sflag:s16], $0x4000  }
0x23f: {  	[sflag:s16] =	ssyncset.done $0x0  }
0x240: {  	s22 =	sadd.s32 $0x1480, s21;
	[sflag:s16] =	ssyncadd.s32 $0xFFFFC000  }
0x241: {  	[spmem:s2] =	stream.indirect.scatter.add.f32 [tilespmem:s14], [sflag:$0x3], $0x80, s22, s13, $0xb8;
	[tilespmem:$0x1E800] =	vst v63  }
0x242: {  	_ =	swait.ge [sflag:s11], $0x4000  }
0x243: {  	[sflag:s11] =	ssyncset.done $0x0  }
0x244: {  	[sflag:s11] =	ssyncadd.s32 $0xFFFFC000  }
0x245: {  	[tilespmem:s14], [sflag:$0x2] =	stream.indirect.gather [hbm4b:s7+s13], $0x80, s17, s13, $0xb8;
	[tilespmem:$0x1E800] =	vst v63  }
0x246: {  	_ =	swait.ge [sflag:s15], $0x4000  }
0x247: {  	[sflag:s15] =	ssyncset.done $0x0  }
0x248: {  	[sflag:s15] =	ssyncadd.s32 $0xFFFFC000  }
0x249: {  	[spmem:s2] =	stream.indirect.scatter.add.f32 [tilespmem:s12], [sflag:$0x3], $0x80, s18, s13, $0xb8;
	[tilespmem:$0x1E800] =	vst v63  }
0x24a: {  	_ =	swait.ge [sflag:s11], $0x4000  }
0x24b: {  	[sflag:s11] =	ssyncset.done $0x0  }
0x24c: {  	[sflag:s11] =	ssyncadd.s32 $0xFFFFC000  }
0x24d: {  	_ =	swait.ge [sflag:s16], $0x4000  }
0x24e: {  	[sflag:s16] =	ssyncset.done $0x0  }
0x24f: {  	[sflag:s16] =	ssyncadd.s32 $0xFFFFC000  }
0x250: {  	[spmem:s2] =	stream.indirect.scatter.add.f32 [tilespmem:s14], [sflag:$0x3], $0x80, s19, s13, $0xb8;
	[tilespmem:$0x1E800] =	vst v63  }
0x251: {  	_ =	swait.ge [sflag:s11], $0x4000  }
0x252: {  	[sflag:s11] =	ssyncset.done $0x0  }
0x253: {  	[sflag:s11] =	ssyncadd.s32 $0xFFFFC000  }
0x254: {  	[bflag:$0x0] =	sbarrier.arrive $0xFFFF  }
0x255: {  	[tilespmem:s12], [sflag:$0x3] =	stream.linear.gather [spmem:s25], $0x4000, $0x38;
	[tilespmem:$0x1E800] =	vst v63  }
0x256: {  	_ =	swait.ge [sflag:s11], $0x4000  }
0x257: {  	[sflag:s11] =	ssyncset.done $0x0  }
0x258: {  	s23 =	rddreg [dreg:$0x12];
	[sflag:s11] =	ssyncadd.s32 $0xFFFFC000  }
0x259: {  	[hbm4b:s23+s3] =	stream.linear.scatter [tilespmem:s12], [sflag:$0x3], $0x4000, $0x38;
	[tilespmem:$0x1E800] =	vst v63  }
0x25a: {  	_ =	swait.ge [sflag:s11], $0x4000  }
0x25b: {  	[sflag:s11] =	ssyncset.done $0x0  }
0x25c: {  	[sflag:s11] =	ssyncadd.s32 $0xFFFFC000  }
0x25d: {  	[tilespmem:s12], [sflag:$0x3] =	stream.linear.gather [spmem:s0], $0x4000, $0x38;
	[tilespmem:$0x1E800] =	vst v63  }
0x25e: {  	_ =	swait.ge [sflag:s11], $0x4000  }
0x25f: {  	[sflag:s11] =	ssyncset.done $0x0  }
0x260: {  	s24 =	rddreg [dreg:$0x13];
	[sflag:s11] =	ssyncadd.s32 $0xFFFFC000  }
0x261: {  	[hbm4b:s24+s3] =	stream.linear.scatter [tilespmem:s12], [sflag:$0x3], $0x4000, $0x38;
	[tilespmem:$0x1E800] =	vst v63  }
0x262: {  	_ =	swait.ge [sflag:s11], $0x4000  }
0x263: {  	[sflag:s11] =	ssyncset.done $0x0  }
0x264: {  	[sflag:s11] =	ssyncadd.s32 $0xFFFFC000  }
0x265: {  	[tilespmem:s12], [sflag:$0x3] =	stream.linear.gather [spmem:s8], $0x4000, $0x38;
	[tilespmem:$0x1E800] =	vst v63  }
0x266: {  	_ =	swait.ge [sflag:s11], $0x4000  }
0x267: {  	[sflag:s11] =	ssyncset.done $0x0  }
0x268: {  	s26 =	rddreg [dreg:$0x14];
	[sflag:s11] =	ssyncadd.s32 $0xFFFFC000  }
0x269: {  	[hbm4b:s26+s3] =	stream.linear.scatter [tilespmem:s12], [sflag:$0x3], $0x4000, $0x38;
	[tilespmem:$0x1E800] =	vst v63  }
0x26a: {  	_ =	swait.ge [sflag:s11], $0x4000  }
0x26b: {  	[sflag:s11] =	ssyncset.done $0x0  }
0x26c: {  	[sflag:s11] =	ssyncadd.s32 $0xFFFFC000  }
0x26d: {  	[tilespmem:s12], [sflag:$0x3] =	stream.linear.gather [spmem:s9], $0x4000, $0x38;
	[tilespmem:$0x1E800] =	vst v63  }
0x26e: {  	_ =	swait.ge [sflag:s11], $0x4000  }
0x26f: {  	[sflag:s11] =	ssyncset.done $0x0  }
0x270: {  	s28 =	rddreg [dreg:$0x15];
	[sflag:s11] =	ssyncadd.s32 $0xFFFFC000  }
0x271: {  	[hbm4b:s28+s3] =	stream.linear.scatter [tilespmem:s12], [sflag:$0x3], $0x4000, $0x38;
	[tilespmem:$0x1E800] =	vst v63  }
0x272: {  	_ =	swait.ge [sflag:s11], $0x4000  }
0x273: {  	[sflag:s11] =	ssyncset.done $0x0  }
0x274: {  	[sflag:s11] =	ssyncadd.s32 $0xFFFFC000  }
0x275: {  	[tilespmem:s12], [sflag:$0x3] =	stream.linear.gather [spmem:s10], $0x4000, $0x38;
	[tilespmem:$0x1E800] =	vst v63  }
0x276: {  	_ =	swait.ge [sflag:s11], $0x4000  }
0x277: {  	[sflag:s11] =	ssyncset.done $0x0  }
0x278: {  	s29 =	rddreg [dreg:$0x16];
	[sflag:s11] =	ssyncadd.s32 $0xFFFFC000  }
0x279: {  	[hbm4b:s29+s3] =	stream.linear.scatter [tilespmem:s12], [sflag:$0x3], $0x4000, $0x38;
	[tilespmem:$0x1E800] =	vst v63  }
0x27a: {  	_ =	swait.ge [sflag:s11], $0x4000  }
0x27b: {  	s20 =	sadd.s32 $0x1, s20;
	s30 =	rddreg [dreg:$0x17]  }
0x27c: {  	p0 =	sne.s32 s20, s30  }
.Ltmp10:
0x27d: {  	_ = 	snop;
	(pc) =	sbr.rel @p0 .LBB2_1-.Ltmp10, $3  }
0x27e: {  	_ =	sdelay $0x1  }
0x27f: {  	[sflag:s11] =	ssyncset.done $0x0  }
0x280: {  	[sflag:s11] =	ssyncadd.s32 $0xFFFFC000  }
0x281: {  	_ =	sfence.sel $0x180000  }
0x282: {  	[bflag:$0x0] =	sbarrier.arrive $0xFFFF  }
0x283: {  	_ =	strace $0x9000004A  }
0x284: {  	s0 =	stileid.u32;
	[bflag:$0x2] =	sbarrier.arrive $0xFFFF  }
0x285: {  	p0 =	sne.s32 s0, $0x0;
	s0 =	rddreg [dreg:$0x2]  }
0x286: {  	s0 =	sadd.s32 @!p0 $0x100000, s0  }
0x287: {  	[sflag:s0] =	ssyncadd.tile.s32 @!p0 $0x1;
	_ =	shalt  }
.Lfunc_end2:
_tile_overlayer_lowered:
.L_overlay_start_2:
0x288: {  	(tag) =	ssettag $0x2  }
0x289: {  	s0 =	rddreg [dreg:$0x0];
	s2 =	stileid.u32  }
0x28a: {  	s1 =	rddreg [dreg:$0x1];
	p0 =	sne.s32 s2, $0x0  }
0x28b: {  	s3 =	rddreg [dreg:$0x2];
	[bflag:$0x3] =	sbarrier.arrive $0xFFFF;
	s2 =	simm.s32 @!p0 $0x1C03  }
0x28c: {  	[timem:s3], [sflag:s2] =	dma.local @!p0 [hbm:s0], s1  }
0x28d: {  	s0 =	simm.s32 @!p0 $0x3  }
0x28e: {  	_ =	swait.ge @!p0 [sflag:s0], s1  }
0x28f: {  	s1 =	ssub.s32 @!p0 $0x0, s1;
	[sflag:s0] =	ssyncset.done @!p0 $0x0  }
0x290: {  	[sflag:s0] =	ssyncadd.s32 @!p0 s1  }
0x291: {  	[bflag:$0x3] =	sbarrier.arrive $0xFFFF  }
0x292: {  	_ =	shalt  }

// kernel: kernel.17.cloned.1.call-start
scs
__scs_entry_jumppad:
0x0: {  	(pc) =	sbr.rel $0x88, $3  }
0x1: {  	(tag) =	ssettag $0x0;
	lr =	simm.s32 $0x1  }
0x2: {  	[smem:$0x3F8A] =	sst lr;
	_ =	strace $0xD0000000  }
0x3: {  	_ = 	snop  }
0x4: {  	_ = 	snop  }
0x5: {  	_ = 	snop  }
0x6: {  	_ = 	snop  }
0x7: {  	_ = 	snop  }
__scs_overlays_trampoline_lowered:
0x8: {  	[smem:$0x3F99] =	sst s0  }
0x9: {  	[smem:$0x3F9A] =	sst s1  }
0xa: {  	[smem:$0x3F9B] =	sst s2  }
0xb: {  	[smem:$0x3F9C] =	sst s3  }
0xc: {  	[smem:$0x3F9D] =	sst s4  }
0xd: {  	[smem:$0x3F9E] =	sst s5  }
0xe: {  	[smem:$0x3F9F] =	sst s6  }
0xf: {  	[smem:$0x3FA0] =	sst s7  }
0x10: {  	[smem:$0x3FA1] =	sst s8  }
0x11: {  	[smem:$0x3FA2] =	sst s9;
	s0 =	simm.s32 @!p0 $0x0  }
0x12: {  	s1 =	sld [smem:$0x3F88];
	s0 =	simm.s32 @p0 $0x1  }
0x13: {  	[smem:$0x3FA3] =	sst s0;
	s0 =	simm.s32 @!p1 $0x0  }
0x14: {  	s2 =	sld [smem:$0x3F87];
	s0 =	simm.s32 @p1 $0x1  }
0x15: {  	[smem:$0x3FA4] =	sst s0;
	s0 =	simm.s32 @!p2 $0x0  }
0x16: {  	s3 =	sld [smem:$0x3FDB];
	s0 =	simm.s32 @p2 $0x1  }
0x17: {  	s4 =	simm.s32 $0x1BF5;
	[smem:$0x3FA6] =	sst s0  }
0x18: {  	s0 =	sld [smem:$0x3F89];
	_ =	swait.ge [sflag:s4], $0x0  }
0x19: {  	s7 =	sld [smem:$0x3F8A]  }
0x1a: {  	s8 =	sadd.s32 $0xFFFFE003, lr  }
0x1b: {  	s9 =	sadd.s32 $0xFFFFFEF7, lr;
	s5 =	simm.s32 $0xFFFFFFFF;
	p2 =	slt.u32 s8, $0xFFFFF086  }
0x1c: {  	p1 =	slt.u32 s9, $0xF7A;
	s5 =	simm.s32 @!p2 $0x0  }
0x1d: {  	s5 =	simm.s32 @p1 $0x1;
	p0 =	seq.s32 s7, s2  }
0x1e: {  	s7 =	smul.u32 @!p0 $0xF7A, s2;
	p2 =	seq.s32 @!p0 s5, $0x0  }
0x1f: {  	s9 =	smul.u32 $0xF7A, s1;
	s8 =	simm.s32 @!p0 $0x1BF5;
	p2 =	por !p2, p0  }
0x20: {  	[sflag:s8] =	ssyncset.s32 @!p0 $0xFFFFF086;
	s6 =	sadd.s32 @!p0 s3, s7;
	s7 =	simm.s32 @!p0 $0x108  }
0x21: {  	s3 =	sadd.s32 s3, s9;
	s6 =	sadd.s32 @!p0 $0x88, s6;
	s7 =	simm.s32 @p2 $0x1082  }
0x22: {  	[simem:s7], [sflag:s8] =	dma.local @!p0 [hbm:s6], $0xF7A  }
0x23: {  	s9 =	sor.u32 $0xD0000000, s2;
	s6 =	simm.s32 $0x108;
	_ =	swait.ge @!p0 [sflag:s8], $0x0  }
0x24: {  	s3 =	sadd.s32 $0x88, s3;
	s6 =	simm.s32 @!p1 $0x1082;
	[sflag:s4] =	ssyncset.s32 $0xFFFFF086  }
0x25: {  	[simem:s6], [sflag:s4] =	dma.local [hbm:s3], $0xF7A  }
0x26: {  	[smem:$0x3F8A] =	sst s1;
	(tag) =	ssettag s2;
	_ =	strace s9  }
0x27: {  	s1 =	sld [smem:$0x3F9A]  }
0x28: {  	s2 =	sld [smem:$0x3F9B]  }
0x29: {  	s4 =	sld [smem:$0x3F9D]  }
0x2a: {  	p0 =	seq.s32 s5, $0x0;
	s5 =	sld [smem:$0x3F9E]  }
0x2b: {  	s6 =	sld [smem:$0x3F9F]  }
0x2c: {  	s7 =	sld [smem:$0x3FA0]  }
0x2d: {  	s3 =	simm.s32 $0x108;
	s8 =	sld [smem:$0x3FA1]  }
0x2e: {  	s3 =	simm.s32 @!p0 $0x1082;
	s9 =	sld [smem:$0x3FA2]  }
0x2f: {  	lr =	sadd.s32 s0, s3;
	s0 =	sld [smem:$0x3F99]  }
0x30: {  	s3 =	sld [smem:$0x3F9C]  }
0x31: {  	[smem:$0x3FA5] =	sst s10  }
0x32: {  	s10 =	sld [smem:$0x3FA3];
	_ =	sdelay $0x3  }
0x33: {  	p0 =	seq.s32 s10, $0x1;
	s10 =	sld [smem:$0x3FA5];
	_ =	sdelay $0x3  }
0x34: {  	[smem:$0x3FA5] =	sst s10  }
0x35: {  	s10 =	sld [smem:$0x3FA4];
	_ =	sdelay $0x3  }
0x36: {  	p1 =	seq.s32 s10, $0x1;
	s10 =	sld [smem:$0x3FA5];
	_ =	sdelay $0x3  }
0x37: {  	[smem:$0x3FA5] =	sst s10  }
0x38: {  	s10 =	sld [smem:$0x3FA6]  }
0x39: {  	_ = 	snop;
	(pc) =	sbr.ind lr, $3  }
0x3a: {  	_ = 	snop  }
0x3b: {  	_ = 	snop  }
0x3c: {  	p2 =	seq.s32 s10, $0x1;
	s10 =	sld [smem:$0x3FA5]  }
0x3d: {  	_ =	shalt  }
0x3e: {  	_ =	shalt  }
0x3f: {  	_ =	shalt  }
0x40: {  	_ =	shalt  }
0x41: {  	_ =	shalt  }
0x42: {  	_ =	shalt  }
0x43: {  	_ =	shalt  }
0x44: {  	_ =	shalt  }
0x45: {  	_ =	shalt  }
0x46: {  	_ =	shalt  }
0x47: {  	_ =	shalt  }
0x48: {  	_ =	shalt  }
0x49: {  	_ =	shalt  }
0x4a: {  	_ =	shalt  }
0x4b: {  	_ =	shalt  }
0x4c: {  	_ =	shalt  }
0x4d: {  	_ =	shalt  }
0x4e: {  	_ =	shalt  }
0x4f: {  	_ =	shalt  }
0x50: {  	_ =	shalt  }
0x51: {  	_ =	shalt  }
0x52: {  	_ =	shalt  }
0x53: {  	_ =	shalt  }
0x54: {  	_ =	shalt  }
0x55: {  	_ =	shalt  }
0x56: {  	_ =	shalt  }
0x57: {  	_ =	shalt  }
0x58: {  	_ =	shalt  }
0x59: {  	_ =	shalt  }
0x5a: {  	_ =	shalt  }
0x5b: {  	_ =	shalt  }
0x5c: {  	_ =	shalt  }
0x5d: {  	_ =	shalt  }
0x5e: {  	_ =	shalt  }
0x5f: {  	_ =	shalt  }
0x60: {  	_ =	shalt  }
0x61: {  	_ =	shalt  }
0x62: {  	_ =	shalt  }
0x63: {  	_ =	shalt  }
0x64: {  	_ =	shalt  }
0x65: {  	_ =	shalt  }
0x66: {  	_ =	shalt  }
0x67: {  	_ =	shalt  }
0x68: {  	_ =	shalt  }
0x69: {  	_ =	shalt  }
0x6a: {  	_ =	shalt  }
0x6b: {  	_ =	shalt  }
0x6c: {  	_ =	shalt  }
0x6d: {  	_ =	shalt  }
0x6e: {  	_ =	shalt  }
0x6f: {  	_ =	shalt  }
0x70: {  	_ =	shalt  }
0x71: {  	_ =	shalt  }
0x72: {  	_ =	shalt  }
0x73: {  	_ =	shalt  }
0x74: {  	_ =	shalt  }
0x75: {  	_ =	shalt  }
0x76: {  	_ =	shalt  }
0x77: {  	_ =	shalt  }
0x78: {  	_ =	shalt  }
0x79: {  	_ =	shalt  }
0x7a: {  	_ =	shalt  }
0x7b: {  	_ =	shalt  }
0x7c: {  	_ =	shalt  }
0x7d: {  	_ =	shalt  }
0x7e: {  	_ =	shalt  }
0x7f: {  	_ =	shalt  }
0x80: {  	_ =	shalt  }
0x81: {  	_ =	shalt  }
0x82: {  	_ =	shalt  }
0x83: {  	_ =	shalt  }
0x84: {  	_ =	shalt  }
0x85: {  	_ =	shalt  }
0x86: {  	_ =	shalt  }
0x87: {  	_ =	shalt  }
.Lfunc_end0:
.L_simem_size_0:
called_computation.2_lowered:
.L_overlay_start_0:
0x88: {  	s2 =	sld [smem:$0x3FD9]  }
0x89: {  	s3 =	sld [smem:$0x3FFE];
	_ =	sdelay $0x1  }
0x8a: {  	s1 =	srdreg.scid  }
0x8b: {  	s0 =	sand.u32 $0x1, s1  }
0x8c: {  	s16 =	sshll.u32 s0, $0xA;
	s2 =	sadd.s32 s3, s2  }
0x8d: {  	s2 =	sadd.s32 s2, s16  }
0x8e: {  	[smem:$0x3FB1] =	sst s2  }
0x8f: {  	_ = 	snop  }
0x90: {  	(tm) =	ssettm $0x1  }
0x91: {  	s17 =	sld [smem:$0x3FFB];
	_ =	sdelay $0x3  }
0x92: {  	_ =	strace s17  }
0x93: {  	s2 =	sld [smem:$0x3FFC];
	_ =	sdelay $0x3  }
0x94: {  	_ =	strace s2  }
0x95: {  	s2 =	sld [smem:$0x3FFD];
	_ =	sdelay $0x3  }
0x96: {  	_ =	strace s2  }
0x97: {  	_ =	strace $0x8FFFFFFF  }
0x98: {  	s18 =	sld [smem:$0x3FDB];
	_ =	sdelay $0x1  }
0x99: {  	s19 =	simm.s32 $_scs_section_size  }
0x9a: {  	s4 =	simm.s32 $_size__tile_overlayer_lowered;
	s5 =	simm.s32 $_tile_overlayer_lowered  }
0x9b: {  	s22 =	simm.s32 $0x1BFF;
	s21 =	sshll.u32 s5, $0x1;
	s2 =	sadd.s32 s19, s18  }
0x9c: {  	s6 =	simm.s32 $0x0;
	s20 =	sshll.u32 s4, $0x1;
	s4 =	sadd.s32 s21, s2  }
0x9d: {  	[timem:s6], [sflag:s22] =	dma.local [hbm:s4], s20  }
0x9e: {  	_ =	swait.ge [sflag:s22], s20  }
0x9f: {  	s3 =	ssub.s32 $0x0, s20;
	[sflag:s22] =	ssyncset.done $0x0  }
0xa0: {  	[sflag:s22] =	ssyncadd.s32 s3;
	_ =	sdelay $0x1  }
0xa1: {  	s23 =	simm.s32 $0x1B8B  }
0xa2: {  	_ =	swait.ge [sflag:s23], $0x1  }
0xa3: {  	[sflag:s23] =	ssyncset.done $0x0  }
0xa4: {  	s25 =	simm.s32 $0x1B8E;
	s24 =	sld [smem:$0x3FFE];
	[sflag:s23] =	ssyncadd.s32 $0xFFFFFFFF  }
0xa5: {  	s26 =	simm.s32 $execute0_lowered;
	[smem:$0x3FD2] =	sst s25  }
0xa6: {  	s4 =	sshll.u32 s26, $0x1;
	_ =	strace $0x8000004C;
	[dreg:$0x1] =	wrdreg $0xFFFFFFFF  }
0xa7: {  	s28 =	simm.s32 $_size_execute0_lowered;
	s2 =	sadd.s32 s2, s4;
	[dreg:$0x0] =	wrdreg $0x0  }
0xa8: {  	s4 =	sshll.u32 s28, $0x1;
	[dreg:$0x2] =	wrdreg s2  }
0xa9: {  	[dreg:$0x3] =	wrdreg s4  }
0xaa: {  	[dreg:$0x4] =	wrdreg $0xC0  }
0xab: {  	_ =	task [dreg:s6], $0x5FFFF  }
0xac: {  	[dreg:$0x1] =	wrdreg $0xFFFFFFFF  }
0xad: {  	[dreg:$0x0] =	wrdreg $0x60  }
0xae: {  	[dreg:$0x2] =	wrdreg s24  }
0xaf: {  	[dreg:$0x3] =	wrdreg $0xA8000  }
0xb0: {  	[dreg:$0x4] =	wrdreg $0x9  }
0xb1: {  	_ =	task.clear_ibuf [dreg:s6], $0x5FFFF;
	_ =	strace $0x9000004C  }
0xb2: {  	s29 =	simm.s32 $0x9;
	_ =	strace $0x8000004E  }
0xb3: {  	_ =	swait.ge [sflag:s29], $0x1  }
0xb4: {  	[sflag:s29] =	ssyncadd.s32 $0xFFFFFFFF  }
0xb5: {  	_ =	strace $0x9000004E  }
0xb6: {  	_ =	sfence  }
0xb7: {  	s30 =	sld [smem:$0x0];
	_ =	sdelay $0x2  }
0xb8: {  	s31 =	sshll.u32 s1, $0xD;
	s1 =	sshrl.u32 s1, $0x2  }
0xb9: {  	s3 =	sand.u32 $0x4000, s31;
	s1 =	sadd.s32 s1, s30  }
0xba: {  	s0 =	sor.u32 s3, s0;
	s1 =	sshll.u32 s1, $0x11  }
0xbb: {  	s0 =	sor.u32 s1, s0  }
0xbc: {  	s0 =	sadd.s32 $0x8F2B, s0  }
0xbd: {  	[sflag:s0] =	ssyncadd.remote.s32 $0x1  }
0xbe: {  	_ =	sfence.sel $0xFFFF  }
0xbf: {  	[dreg:$0x0] =	wrdreg $0xFFFFFFFF;
	(pc) =	sbr.abs _section_cstart, $3  }
0xc0: {  	[dreg:$0x1] =	wrdreg $0xFFFFFFFF  }
0xc1: {  	_ =	task.clear_ibuf [dreg:s6], $0x2FFFF;
	_ =	strace $0x9FFFFFFF  }
0xc2: {  	(tm) =	ssettm $0x7FFFFFFF  }
0xc3: {  	_ =	shalt  }
tec
execute0_lowered:
.L_overlay_start_1:
0x0: {  	(tag) =	ssettag $0x1  }
0x1: {  	s8 =	stileid.u32  }
0x2: {  	s0 =	srdreg.scid;
	s4 =	smul.u32 $0x2800, s8  }
0x3: {  	s1 =	rddreg [dreg:$0x0];
	s0 =	sand.u32 $0x1, s0;
	s6 =	smul.u32 $0x280, s8  }
0x4: {  	s2 =	rddreg [dreg:$0x1];
	s5 =	smul.u32 $0x1400, s0  }
0x5: {  	s3 =	simm.s32 $0x0;
	s28 =	simm.s32 $0x6800;
	s7 =	smul.u32 $0x2800, s0  }
0x6: {  	s29 =	simm.s32 $0x1;
	s30 =	simm.s32 $0x2;
	s31 =	simm.s32 $0x1380  }
0x7: {  	[smem:$0x7FF] =	sst s3;
	s4 =	sadd.s32 s5, s4;
	s6 =	sadd.s32 s6, s7  }
0x8: {  	s5 =	sadd.s32 $0x33400, s1;
	s4 =	sshrl.u32 s4, $0x3;
	s18 =	sshll.u32 s6, $0x4  }
0x9: {  	s11 =	sadd.s32 s4, s1;
	s4 =	sadd.s32 $0xB400, s1;
	s1 =	sadd.s32 s18, s1  }
0xa: {  	s8 =	smul.u32 $0x50000, s8;
	_ =	strace $0x8000004D;
	s13 =	sadd.s32 $0xB0400, s1  }
0xb: {  	s0 =	ssub.s32 $0x2, s0;
	s19 =	sadd.s32 $0xB0C00, s1;
	[dreg:$0x3] =	wrdreg s13  }
0xc: {  	s17 =	sshrl.u32 s8, $0x2;
	s20 =	sadd.s32 $0xB1400, s1;
	[dreg:$0x4] =	wrdreg s19  }
0xd: {  	s12 =	sshrl.u32 s0, $0x1;
	s21 =	sadd.s32 $0xB1C00, s1;
	[dreg:$0x5] =	wrdreg s20  }
0xe: {  	s0 =	ssub.s32 s0, s12;
	s22 =	sadd.s32 $0xB2400, s1;
	[dreg:$0x6] =	wrdreg s21  }
0xf: {  	s6 =	sadd.s32 s17, s2;
	s23 =	sadd.s32 $0x100400, s1;
	[dreg:$0x7] =	wrdreg s22  }
0x10: {  	s7 =	sadd.s32 $0x4000, s6;
	s24 =	sadd.s32 $0x100C00, s1;
	[dreg:$0x8] =	wrdreg s23  }
0x11: {  	s8 =	sadd.s32 $0x8000, s6;
	s25 =	sadd.s32 $0x101400, s1;
	[dreg:$0x9] =	wrdreg s24  }
0x12: {  	s9 =	sadd.s32 $0xC000, s6;
	s26 =	sadd.s32 $0x101C00, s1;
	[dreg:$0xa] =	wrdreg s25  }
0x13: {  	s10 =	sadd.s32 $0x10000, s6;
	[dreg:$0xb] =	wrdreg s26;
	s20 =	sadd.s32 $0x102400, s1  }
0x14: {  	s21 =	smax.u32 s0, $0x1;
	s22 =	sadd.s32 $0x6400, s11;
	s23 =	sadd.s32 $0xAB400, s11  }
0x15: {  	s24 =	simm.s32 $0x3;
	s25 =	simm.s32 $0x2800;
	s26 =	simm.s32 $0x80  }
0x16: {  	v0 =	vimm.f32 $0.0e+00;
	s1 =	simm.s32 $0x2700;
	s0 =	simm.s32 $0x2780;
	s11 =	simm.s32 $0x0  }
.LBB2_1:
0x17: {  	s12 =	sadd.s32 $0x0, s23  }
0x18: {  	[tilespmem:s3], [sflag:$0x3] =	stream.linear.gather [hbm4b:s12+s3], $0x80, $0x38;
	[tilespmem:$0x1E800] =	vst v63  }
0x19: {  	_ =	swait.ge [sflag:s24], $0x80  }
0x1a: {  	s13 =	simm.s32 $0x1400;
	[sflag:s24] =	ssyncset.done $0x0  }
0x1b: {  	s14 =	sadd.s32 $0x0, s22;
	s17 =	sadd.s32 $0x10, s23;
	[sflag:s24] =	ssyncadd.s32 $0xFFFFFF80  }
0x1c: {  	[tilespmem:s13], [sflag:$0x3] =	stream.linear.gather [hbm4b:s14+s3], $0x80, $0x38;
	[tilespmem:$0x1E800] =	vst v63  }
0x1d: {  	s16 =	simm.s32 $0x80;
	s12 =	simm.s32 $0x10;
	_ =	swait.ge [sflag:s24], $0x80  }
0x1e: {  	s14 =	simm.s32 $0x20;
	s13 =	simm.s32 $0x1480;
	[sflag:s24] =	ssyncset.done $0x0  }
.LBB2_2:
0x1f: {  	s18 =	sadd.s32 s14, s23  }
0x20: {  	s15 =	simm.s32 $0x0;
	[sflag:s24] =	ssyncadd.s32 $0xFFFFFF80;
	s19 =	smov.u32 s14  }
0x21: {  	[tilespmem:s16], [sflag:$0x3] =	stream.linear.gather [hbm4b:s17+s15], $0x80, $0x38;
	[tilespmem:$0x1E800] =	vst v63  }
0x22: {  	p0 =	sne.s32 s14, $0x270;
	s14 =	sadd.s32 $0x10, s14;
	_ =	swait.ge [sflag:s24], $0x80  }
.Ltmp0:
0x23: {  	s17 =	smov.u32 s18;
	[sflag:s24] =	ssyncset.done $0x0;
	(pc) =	sbr.rel @p0 .LBB2_2-.Ltmp0, $4  }
0x24: {  	s18 =	sadd.s32 s12, s22;
	s12 =	smov.u32 s19;
	[sflag:s24] =	ssyncadd.s32 $0xFFFFFF80  }
0x25: {  	[tilespmem:s13], [sflag:$0x3] =	stream.linear.gather [hbm4b:s18+s15], $0x80, $0x38;
	[tilespmem:$0x1E800] =	vst v63  }
0x26: {  	_ =	swait.ge [sflag:s24], $0x80  }
0x27: {  	s16 =	sadd.s32 $0x80, s16;
	s13 =	sadd.s32 $0x80, s13;
	[sflag:s24] =	ssyncset.done $0x0  }
0x28: {  	[sflag:s24] =	ssyncadd.s32 $0xFFFFFF80  }
0x29: {  	[tilespmem:s16], [sflag:$0x3] =	stream.linear.gather [hbm4b:s17+s15], $0x80, $0x38;
	[tilespmem:$0x1E800] =	vst v63  }
0x2a: {  	_ =	swait.ge [sflag:s24], $0x80  }
0x2b: {  	p0 =	por $0x1, $0x1;
	[sflag:s24] =	ssyncset.done $0x0  }
.Ltmp1:
0x2c: {  	s12 =	sadd.s32 s12, s22;
	[sflag:s24] =	ssyncadd.s32 $0xFFFFFF80;
	(pc) =	sbr.rel @!p0 .LBB2_5-.Ltmp1, $4  }
0x2d: {  	[tilespmem:s13], [sflag:$0x3] =	stream.linear.gather [hbm4b:s12+s15], $0x80, $0x38;
	[tilespmem:$0x1E800] =	vst v63  }
0x2e: {  	_ =	swait.ge [sflag:s24], $0x80  }
0x2f: {  	[sflag:s24] =	ssyncset.done $0x0  }
0x30: {  	s12 =	simm.s32 $0x0;
	s13 =	simm.s32 $0x200;
	[sflag:s24] =	ssyncadd.s32 $0xFFFFFF80  }
.LBB2_4:
0x31: {  	p0 =	sne.s32 s13, $0xFE00;
	[tilespmem:s12+$0x2870] =	vst v0  }
0x32: {  	[tilespmem:s12+$0x2800] =	vst v0  }
0x33: {  	[tilespmem:s12+$0x2810] =	vst v0  }
.Ltmp2:
0x34: {  	[tilespmem:s12+$0x2820] =	vst v0;
	(pc) =	sbr.rel @p0 .LBB2_4-.Ltmp2, $4  }
0x35: {  	[tilespmem:s12+$0x2830] =	vst v0  }
0x36: {  	[tilespmem:s12+$0x2840] =	vst v0  }
0x37: {  	[tilespmem:s12+$0x2850] =	vst v0  }
0x38: {  	[tilespmem:s12+$0x2860] =	vst v0;
	s12 =	sshra.s32 s13, $0x2;
	s13 =	sadd.s32 $0x200, s13  }
.LBB2_5:
0x39: {  	[tilespmem:s12+$0x2870] =	vst v0  }
0x3a: {  	[tilespmem:s12+$0x2800] =	vst v0  }
0x3b: {  	[tilespmem:s12+$0x2810] =	vst v0  }
0x3c: {  	[tilespmem:s12+$0x2820] =	vst v0  }
0x3d: {  	[tilespmem:s12+$0x2830] =	vst v0  }
0x3e: {  	[tilespmem:s12+$0x2840] =	vst v0  }
0x3f: {  	[tilespmem:s12+$0x2850] =	vst v0  }
0x40: {  	[tilespmem:s12+$0x2860] =	vst v0  }
0x41: {  	[spmem:s6] =	stream.linear.scatter [tilespmem:s25], [sflag:$0x3], $0x4000, $0x38;
	[tilespmem:$0x1E800] =	vst v63  }
0x42: {  	_ =	swait.ge [sflag:s24], $0x4000  }
0x43: {  	[sflag:s24] =	ssyncset.done $0x0  }
0x44: {  	[sflag:s24] =	ssyncadd.s32 $0xFFFFC000  }
0x45: {  	[spmem:s7] =	stream.linear.scatter [tilespmem:s25], [sflag:$0x3], $0x4000, $0x38;
	[tilespmem:$0x1E800] =	vst v63  }
0x46: {  	_ =	swait.ge [sflag:s24], $0x4000  }
0x47: {  	[sflag:s24] =	ssyncset.done $0x0  }
0x48: {  	[sflag:s24] =	ssyncadd.s32 $0xFFFFC000  }
0x49: {  	[spmem:s8] =	stream.linear.scatter [tilespmem:s25], [sflag:$0x3], $0x4000, $0x38;
	[tilespmem:$0x1E800] =	vst v63  }
0x4a: {  	_ =	swait.ge [sflag:s24], $0x4000  }
0x4b: {  	[sflag:s24] =	ssyncset.done $0x0  }
0x4c: {  	[sflag:s24] =	ssyncadd.s32 $0xFFFFC000  }
0x4d: {  	[spmem:s9] =	stream.linear.scatter [tilespmem:s25], [sflag:$0x3], $0x4000, $0x38;
	[tilespmem:$0x1E800] =	vst v63  }
0x4e: {  	_ =	swait.ge [sflag:s24], $0x4000  }
0x4f: {  	[sflag:s24] =	ssyncset.done $0x0  }
0x50: {  	[sflag:s24] =	ssyncadd.s32 $0xFFFFC000  }
0x51: {  	[spmem:s10] =	stream.linear.scatter [tilespmem:s25], [sflag:$0x3], $0x4000, $0x38;
	[tilespmem:$0x1E800] =	vst v63  }
0x52: {  	_ =	swait.ge [sflag:s24], $0x4000  }
0x53: {  	[sflag:s24] =	ssyncset.done $0x0  }
0x54: {  	[sflag:s24] =	ssyncadd.s32 $0xFFFFC000  }
0x55: {  	s15 =	simm.s32 $0x0;
	[bflag:$0x0] =	sbarrier.arrive $0xFFFF  }
0x56: {  	[tilespmem:s25], [sflag:$0x1] =	stream.indirect.gather [hbm4b:s4+s26], $0x80, s15, s26, $0xb8;
	[tilespmem:$0x1E800] =	vst v63  }
0x57: {  	s16 =	simm.s32 $0x80  }
0x58: {  	[tilespmem:s28], [sflag:$0x2] =	stream.indirect.gather [hbm4b:s4+s26], $0x80, s16, s26, $0xb8;
	[tilespmem:$0x1E800] =	vst v63  }
0x59: {  	_ =	swait.ge [sflag:s29], $0x4000  }
0x5a: {  	[sflag:s29] =	ssyncset.done $0x0  }
0x5b: {  	s17 =	simm.s32 $0x1400;
	[sflag:s29] =	ssyncadd.s32 $0xFFFFC000  }
0x5c: {  	[spmem:s2] =	stream.indirect.scatter.add.f32 [tilespmem:s25], [sflag:$0x3], $0x80, s17, s26, $0xb8;
	[tilespmem:$0x1E800] =	vst v63  }
0x5d: {  	_ =	swait.ge [sflag:s24], $0x4000  }
0x5e: {  	[sflag:s24] =	ssyncset.done $0x0  }
0x5f: {  	s18 =	simm.s32 $0x100;
	[sflag:s24] =	ssyncadd.s32 $0xFFFFC000  }
0x60: {  	[tilespmem:s25], [sflag:$0x1] =	stream.indirect.gather [hbm4b:s4+s26], $0x80, s18, s26, $0xb8;
	[tilespmem:$0x1E800] =	vst v63  }
0x61: {  	_ =	swait.ge [sflag:s30], $0x4000  }
0x62: {  	[sflag:s30] =	ssyncset.done $0x0  }
0x63: {  	s19 =	simm.s32 $0x1480;
	[sflag:s30] =	ssyncadd.s32 $0xFFFFC000  }
0x64: {  	[spmem:s2] =	stream.indirect.scatter.add.f32 [tilespmem:s28], [sflag:$0x3], $0x80, s19, s26, $0xb8;
	[tilespmem:$0x1E800] =	vst v63  }
0x65: {  	_ =	swait.ge [sflag:s24], $0x4000  }
0x66: {  	s13 =	simm.s32 $0x800;
	s12 =	simm.s32 $0x100;
	[sflag:s24] =	ssyncset.done $0x0  }
.LBB2_6:
0x67: {  	s14 =	sadd.s32 $0x80, s12  }
0x68: {  	[sflag:s24] =	ssyncadd.s32 $0xFFFFC000;
	s15 =	smov.u32 s13;
	s16 =	sadd.s32 $0x400, s13  }
0x69: {  	[tilespmem:s28], [sflag:$0x2] =	stream.indirect.gather [hbm4b:s4+s26], $0x80, s14, s26, $0xb8;
	[tilespmem:$0x1E800] =	vst v63  }
0x6a: {  	p0 =	sne.s32 s13, $0x4800;
	_ =	swait.ge [sflag:s29], $0x4000  }
0x6b: {  	[sflag:s29] =	ssyncset.done $0x0  }
0x6c: {  	s13 =	sadd.s32 $0x1400, s12;
	[sflag:s29] =	ssyncadd.s32 $0xFFFFC000  }
0x6d: {  	[spmem:s2] =	stream.indirect.scatter.add.f32 [tilespmem:s25], [sflag:$0x3], $0x80, s13, s26, $0xb8;
	[tilespmem:$0x1E800] =	vst v63  }
0x6e: {  	_ =	swait.ge [sflag:s24], $0x4000  }
0x6f: {  	[sflag:s24] =	ssyncset.done $0x0  }
0x70: {  	s13 =	sadd.s32 $0x100, s12;
	[sflag:s24] =	ssyncadd.s32 $0xFFFFC000  }
0x71: {  	[tilespmem:s25], [sflag:$0x1] =	stream.indirect.gather [hbm4b:s4+s26], $0x80, s13, s26, $0xb8;
	[tilespmem:$0x1E800] =	vst v63  }
0x72: {  	_ =	swait.ge [sflag:s30], $0x4000  }
.Ltmp3:
0x73: {  	[sflag:s30] =	ssyncset.done $0x0;
	(pc) =	sbr.rel @p0 .LBB2_6-.Ltmp3, $4  }
0x74: {  	s12 =	sadd.s32 $0x1480, s12;
	[sflag:s30] =	ssyncadd.s32 $0xFFFFC000  }
0x75: {  	[spmem:s2] =	stream.indirect.scatter.add.f32 [tilespmem:s28], [sflag:$0x3], $0x80, s12, s26, $0xb8;
	[tilespmem:$0x1E800] =	vst v63  }
0x76: {  	_ =	swait.ge [sflag:s24], $0x4000  }
0x77: {  	s13 =	smov.u32 s16;
	s12 =	sshra.s32 s15, $0x2;
	[sflag:s24] =	ssyncset.done $0x0  }
0x78: {  	s13 =	sadd.s32 $0x80, s12;
	[sflag:s24] =	ssyncadd.s32 $0xFFFFC000  }
0x79: {  	[tilespmem:s28], [sflag:$0x2] =	stream.indirect.gather [hbm4b:s4+s26], $0x80, s13, s26, $0xb8;
	[tilespmem:$0x1E800] =	vst v63  }
0x7a: {  	_ =	swait.ge [sflag:s29], $0x4000  }
0x7b: {  	[sflag:s29] =	ssyncset.done $0x0  }
0x7c: {  	s18 =	sadd.s32 $0x1400, s12;
	[sflag:s29] =	ssyncadd.s32 $0xFFFFC000  }
0x7d: {  	[spmem:s2] =	stream.indirect.scatter.add.f32 [tilespmem:s25], [sflag:$0x3], $0x80, s18, s26, $0xb8;
	[tilespmem:$0x1E800] =	vst v63  }
0x7e: {  	_ =	swait.ge [sflag:s24], $0x4000  }
0x7f: {  	[sflag:s24] =	ssyncset.done $0x0  }
0x80: {  	s19 =	sadd.s32 $0x100, s12;
	[sflag:s24] =	ssyncadd.s32 $0xFFFFC000  }
0x81: {  	[tilespmem:s25], [sflag:$0x1] =	stream.indirect.gather [hbm4b:s4+s26], $0x80, s19, s26, $0xb8;
	[tilespmem:$0x1E800] =	vst v63  }
0x82: {  	_ =	swait.ge [sflag:s30], $0x4000  }
0x83: {  	[sflag:s30] =	ssyncset.done $0x0  }
0x84: {  	s13 =	sadd.s32 $0x1480, s12;
	[sflag:s30] =	ssyncadd.s32 $0xFFFFC000  }
0x85: {  	[spmem:s2] =	stream.indirect.scatter.add.f32 [tilespmem:s28], [sflag:$0x3], $0x80, s13, s26, $0xb8;
	[tilespmem:$0x1E800] =	vst v63  }
0x86: {  	_ =	swait.ge [sflag:s24], $0x4000  }
0x87: {  	[sflag:s24] =	ssyncset.done $0x0  }
0x88: {  	[sflag:s24] =	ssyncadd.s32 $0xFFFFC000  }
0x89: {  	[tilespmem:s28], [sflag:$0x2] =	stream.indirect.gather [hbm4b:s4+s26], $0x80, s31, s26, $0xb8;
	[tilespmem:$0x1E800] =	vst v63  }
0x8a: {  	_ =	swait.ge [sflag:s29], $0x4000  }
0x8b: {  	[sflag:s29] =	ssyncset.done $0x0  }
0x8c: {  	[sflag:s29] =	ssyncadd.s32 $0xFFFFC000  }
0x8d: {  	[spmem:s2] =	stream.indirect.scatter.add.f32 [tilespmem:s25], [sflag:$0x3], $0x80, s1, s26, $0xb8;
	[tilespmem:$0x1E800] =	vst v63  }
0x8e: {  	_ =	swait.ge [sflag:s24], $0x4000  }
0x8f: {  	[sflag:s24] =	ssyncset.done $0x0  }
0x90: {  	[sflag:s24] =	ssyncadd.s32 $0xFFFFC000  }
0x91: {  	_ =	swait.ge [sflag:s30], $0x4000  }
0x92: {  	[sflag:s30] =	ssyncset.done $0x0  }
0x93: {  	[sflag:s30] =	ssyncadd.s32 $0xFFFFC000  }
0x94: {  	[spmem:s2] =	stream.indirect.scatter.add.f32 [tilespmem:s28], [sflag:$0x3], $0x80, s0, s26, $0xb8;
	[tilespmem:$0x1E800] =	vst v63  }
0x95: {  	_ =	swait.ge [sflag:s24], $0x4000  }
0x96: {  	[sflag:s24] =	ssyncset.done $0x0  }
0x97: {  	[sflag:s24] =	ssyncadd.s32 $0xFFFFC000  }
0x98: {  	[bflag:$0x0] =	sbarrier.arrive $0xFFFF  }
0x99: {  	[tilespmem:s25], [sflag:$0x3] =	stream.linear.gather [spmem:s6], $0x4000, $0x38;
	[tilespmem:$0x1E800] =	vst v63  }
0x9a: {  	_ =	swait.ge [sflag:s24], $0x4000  }
0x9b: {  	[sflag:s24] =	ssyncset.done $0x0  }
0x9c: {  	s14 =	simm.s32 $0x0;
	s15 =	rddreg [dreg:$0x3];
	[sflag:s24] =	ssyncadd.s32 $0xFFFFC000  }
0x9d: {  	[hbm4b:s15+s14] =	stream.linear.scatter [tilespmem:s25], [sflag:$0x3], $0x4000, $0x38;
	[tilespmem:$0x1E800] =	vst v63  }
0x9e: {  	_ =	swait.ge [sflag:s24], $0x4000  }
0x9f: {  	[sflag:s24] =	ssyncset.done $0x0  }
0xa0: {  	[sflag:s24] =	ssyncadd.s32 $0xFFFFC000  }
0xa1: {  	[tilespmem:s25], [sflag:$0x3] =	stream.linear.gather [spmem:s7], $0x4000, $0x38;
	[tilespmem:$0x1E800] =	vst v63  }
0xa2: {  	_ =	swait.ge [sflag:s24], $0x4000  }
0xa3: {  	[sflag:s24] =	ssyncset.done $0x0  }
0xa4: {  	s16 =	rddreg [dreg:$0x4];
	[sflag:s24] =	ssyncadd.s32 $0xFFFFC000  }
0xa5: {  	[hbm4b:s16+s14] =	stream.linear.scatter [tilespmem:s25], [sflag:$0x3], $0x4000, $0x38;
	[tilespmem:$0x1E800] =	vst v63  }
0xa6: {  	_ =	swait.ge [sflag:s24], $0x4000  }
0xa7: {  	[sflag:s24] =	ssyncset.done $0x0  }
0xa8: {  	[sflag:s24] =	ssyncadd.s32 $0xFFFFC000  }
0xa9: {  	[tilespmem:s25], [sflag:$0x3] =	stream.linear.gather [spmem:s8], $0x4000, $0x38;
	[tilespmem:$0x1E800] =	vst v63  }
0xaa: {  	_ =	swait.ge [sflag:s24], $0x4000  }
0xab: {  	[sflag:s24] =	ssyncset.done $0x0  }
0xac: {  	s17 =	rddreg [dreg:$0x5];
	[sflag:s24] =	ssyncadd.s32 $0xFFFFC000  }
0xad: {  	[hbm4b:s17+s14] =	stream.linear.scatter [tilespmem:s25], [sflag:$0x3], $0x4000, $0x38;
	[tilespmem:$0x1E800] =	vst v63  }
0xae: {  	_ =	swait.ge [sflag:s24], $0x4000  }
0xaf: {  	[sflag:s24] =	ssyncset.done $0x0  }
0xb0: {  	[sflag:s24] =	ssyncadd.s32 $0xFFFFC000  }
0xb1: {  	[tilespmem:s25], [sflag:$0x3] =	stream.linear.gather [spmem:s9], $0x4000, $0x38;
	[tilespmem:$0x1E800] =	vst v63  }
0xb2: {  	_ =	swait.ge [sflag:s24], $0x4000  }
0xb3: {  	[sflag:s24] =	ssyncset.done $0x0  }
0xb4: {  	s18 =	rddreg [dreg:$0x6];
	[sflag:s24] =	ssyncadd.s32 $0xFFFFC000  }
0xb5: {  	[hbm4b:s18+s14] =	stream.linear.scatter [tilespmem:s25], [sflag:$0x3], $0x4000, $0x38;
	[tilespmem:$0x1E800] =	vst v63  }
0xb6: {  	_ =	swait.ge [sflag:s24], $0x4000  }
0xb7: {  	[sflag:s24] =	ssyncset.done $0x0  }
0xb8: {  	[sflag:s24] =	ssyncadd.s32 $0xFFFFC000  }
0xb9: {  	[tilespmem:s25], [sflag:$0x3] =	stream.linear.gather [spmem:s10], $0x4000, $0x38;
	[tilespmem:$0x1E800] =	vst v63  }
0xba: {  	_ =	swait.ge [sflag:s24], $0x4000  }
0xbb: {  	[sflag:s24] =	ssyncset.done $0x0  }
0xbc: {  	s19 =	rddreg [dreg:$0x7];
	[sflag:s24] =	ssyncadd.s32 $0xFFFFC000  }
0xbd: {  	[hbm4b:s19+s14] =	stream.linear.scatter [tilespmem:s25], [sflag:$0x3], $0x4000, $0x38;
	[tilespmem:$0x1E800] =	vst v63  }
0xbe: {  	_ =	swait.ge [sflag:s24], $0x4000  }
0xbf: {  	[sflag:s24] =	ssyncset.done $0x0  }
0xc0: {  	[sflag:s24] =	ssyncadd.s32 $0xFFFFC000  }
0xc1: {  	s12 =	simm.s32 $0x0;
	s13 =	simm.s32 $0x200;
	[bflag:$0x0] =	sbarrier.arrive $0xFFFF  }
.LBB2_8:
0xc2: {  	p0 =	sne.s32 s13, $0xFE00;
	[tilespmem:s12+$0x2870] =	vst v0  }
0xc3: {  	[tilespmem:s12+$0x2800] =	vst v0  }
0xc4: {  	[tilespmem:s12+$0x2810] =	vst v0  }
.Ltmp4:
0xc5: {  	[tilespmem:s12+$0x2820] =	vst v0;
	(pc) =	sbr.rel @p0 .LBB2_8-.Ltmp4, $4  }
0xc6: {  	[tilespmem:s12+$0x2830] =	vst v0  }
0xc7: {  	[tilespmem:s12+$0x2840] =	vst v0  }
0xc8: {  	[tilespmem:s12+$0x2850] =	vst v0  }
0xc9: {  	[tilespmem:s12+$0x2860] =	vst v0;
	s12 =	sshra.s32 s13, $0x2;
	s13 =	sadd.s32 $0x200, s13  }
0xca: {  	[tilespmem:s12+$0x2870] =	vst v0  }
0xcb: {  	[tilespmem:s12+$0x2800] =	vst v0  }
0xcc: {  	[tilespmem:s12+$0x2810] =	vst v0  }
0xcd: {  	[tilespmem:s12+$0x2820] =	vst v0  }
0xce: {  	[tilespmem:s12+$0x2830] =	vst v0  }
0xcf: {  	[tilespmem:s12+$0x2840] =	vst v0  }
0xd0: {  	[tilespmem:s12+$0x2850] =	vst v0  }
0xd1: {  	[tilespmem:s12+$0x2860] =	vst v0  }
0xd2: {  	[spmem:s6] =	stream.linear.scatter [tilespmem:s25], [sflag:$0x3], $0x4000, $0x38;
	[tilespmem:$0x1E800] =	vst v63  }
0xd3: {  	_ =	swait.ge [sflag:s24], $0x4000  }
0xd4: {  	[sflag:s24] =	ssyncset.done $0x0  }
0xd5: {  	[sflag:s24] =	ssyncadd.s32 $0xFFFFC000  }
0xd6: {  	[spmem:s7] =	stream.linear.scatter [tilespmem:s25], [sflag:$0x3], $0x4000, $0x38;
	[tilespmem:$0x1E800] =	vst v63  }
0xd7: {  	_ =	swait.ge [sflag:s24], $0x4000  }
0xd8: {  	[sflag:s24] =	ssyncset.done $0x0  }
0xd9: {  	[sflag:s24] =	ssyncadd.s32 $0xFFFFC000  }
0xda: {  	[spmem:s8] =	stream.linear.scatter [tilespmem:s25], [sflag:$0x3], $0x4000, $0x38;
	[tilespmem:$0x1E800] =	vst v63  }
0xdb: {  	_ =	swait.ge [sflag:s24], $0x4000  }
0xdc: {  	[sflag:s24] =	ssyncset.done $0x0  }
0xdd: {  	[sflag:s24] =	ssyncadd.s32 $0xFFFFC000  }
0xde: {  	[spmem:s9] =	stream.linear.scatter [tilespmem:s25], [sflag:$0x3], $0x4000, $0x38;
	[tilespmem:$0x1E800] =	vst v63  }
0xdf: {  	_ =	swait.ge [sflag:s24], $0x4000  }
0xe0: {  	[sflag:s24] =	ssyncset.done $0x0  }
0xe1: {  	[sflag:s24] =	ssyncadd.s32 $0xFFFFC000  }
0xe2: {  	[spmem:s10] =	stream.linear.scatter [tilespmem:s25], [sflag:$0x3], $0x4000, $0x38;
	[tilespmem:$0x1E800] =	vst v63  }
0xe3: {  	_ =	swait.ge [sflag:s24], $0x4000  }
0xe4: {  	[sflag:s24] =	ssyncset.done $0x0  }
0xe5: {  	[sflag:s24] =	ssyncadd.s32 $0xFFFFC000  }
0xe6: {  	s15 =	simm.s32 $0x0;
	[bflag:$0x0] =	sbarrier.arrive $0xFFFF  }
0xe7: {  	[tilespmem:s25], [sflag:$0x1] =	stream.indirect.gather [hbm4b:s5+s26], $0x80, s15, s26, $0xb8;
	[tilespmem:$0x1E800] =	vst v63  }
0xe8: {  	s16 =	simm.s32 $0x80  }
0xe9: {  	[tilespmem:s28], [sflag:$0x2] =	stream.indirect.gather [hbm4b:s5+s26], $0x80, s16, s26, $0xb8;
	[tilespmem:$0x1E800] =	vst v63  }
0xea: {  	_ =	swait.ge [sflag:s29], $0x4000  }
0xeb: {  	[sflag:s29] =	ssyncset.done $0x0  }
0xec: {  	s17 =	simm.s32 $0x1400;
	[sflag:s29] =	ssyncadd.s32 $0xFFFFC000  }
0xed: {  	[spmem:s2] =	stream.indirect.scatter.add.f32 [tilespmem:s25], [sflag:$0x3], $0x80, s17, s26, $0xb8;
	[tilespmem:$0x1E800] =	vst v63  }
0xee: {  	_ =	swait.ge [sflag:s24], $0x4000  }
0xef: {  	[sflag:s24] =	ssyncset.done $0x0  }
0xf0: {  	s18 =	simm.s32 $0x100;
	[sflag:s24] =	ssyncadd.s32 $0xFFFFC000  }
0xf1: {  	[tilespmem:s25], [sflag:$0x1] =	stream.indirect.gather [hbm4b:s5+s26], $0x80, s18, s26, $0xb8;
	[tilespmem:$0x1E800] =	vst v63  }
0xf2: {  	_ =	swait.ge [sflag:s30], $0x4000  }
0xf3: {  	[sflag:s30] =	ssyncset.done $0x0  }
0xf4: {  	s19 =	simm.s32 $0x1480;
	[sflag:s30] =	ssyncadd.s32 $0xFFFFC000  }
0xf5: {  	[spmem:s2] =	stream.indirect.scatter.add.f32 [tilespmem:s28], [sflag:$0x3], $0x80, s19, s26, $0xb8;
	[tilespmem:$0x1E800] =	vst v63  }
0xf6: {  	_ =	swait.ge [sflag:s24], $0x4000  }
0xf7: {  	s13 =	simm.s32 $0x800;
	s12 =	simm.s32 $0x100;
	[sflag:s24] =	ssyncset.done $0x0  }
.LBB2_10:
0xf8: {  	s14 =	sadd.s32 $0x80, s12  }
0xf9: {  	[sflag:s24] =	ssyncadd.s32 $0xFFFFC000;
	s15 =	smov.u32 s13;
	s16 =	sadd.s32 $0x400, s13  }
0xfa: {  	[tilespmem:s28], [sflag:$0x2] =	stream.indirect.gather [hbm4b:s5+s26], $0x80, s14, s26, $0xb8;
	[tilespmem:$0x1E800] =	vst v63  }
0xfb: {  	p0 =	sne.s32 s13, $0x4800;
	_ =	swait.ge [sflag:s29], $0x4000  }
0xfc: {  	[sflag:s29] =	ssyncset.done $0x0  }
0xfd: {  	s13 =	sadd.s32 $0x1400, s12;
	[sflag:s29] =	ssyncadd.s32 $0xFFFFC000  }
0xfe: {  	[spmem:s2] =	stream.indirect.scatter.add.f32 [tilespmem:s25], [sflag:$0x3], $0x80, s13, s26, $0xb8;
	[tilespmem:$0x1E800] =	vst v63  }
0xff: {  	_ =	swait.ge [sflag:s24], $0x4000  }
0x100: {  	[sflag:s24] =	ssyncset.done $0x0  }
0x101: {  	s13 =	sadd.s32 $0x100, s12;
	[sflag:s24] =	ssyncadd.s32 $0xFFFFC000  }
0x102: {  	[tilespmem:s25], [sflag:$0x1] =	stream.indirect.gather [hbm4b:s5+s26], $0x80, s13, s26, $0xb8;
	[tilespmem:$0x1E800] =	vst v63  }
0x103: {  	_ =	swait.ge [sflag:s30], $0x4000  }
.Ltmp5:
0x104: {  	[sflag:s30] =	ssyncset.done $0x0;
	(pc) =	sbr.rel @p0 .LBB2_10-.Ltmp5, $4  }
0x105: {  	s12 =	sadd.s32 $0x1480, s12;
	[sflag:s30] =	ssyncadd.s32 $0xFFFFC000  }
0x106: {  	[spmem:s2] =	stream.indirect.scatter.add.f32 [tilespmem:s28], [sflag:$0x3], $0x80, s12, s26, $0xb8;
	[tilespmem:$0x1E800] =	vst v63  }
0x107: {  	_ =	swait.ge [sflag:s24], $0x4000  }
0x108: {  	s13 =	smov.u32 s16;
	s12 =	sshra.s32 s15, $0x2;
	[sflag:s24] =	ssyncset.done $0x0  }
0x109: {  	s13 =	sadd.s32 $0x80, s12;
	[sflag:s24] =	ssyncadd.s32 $0xFFFFC000  }
0x10a: {  	[tilespmem:s28], [sflag:$0x2] =	stream.indirect.gather [hbm4b:s5+s26], $0x80, s13, s26, $0xb8;
	[tilespmem:$0x1E800] =	vst v63  }
0x10b: {  	_ =	swait.ge [sflag:s29], $0x4000  }
0x10c: {  	[sflag:s29] =	ssyncset.done $0x0  }
0x10d: {  	s19 =	sadd.s32 $0x1400, s12;
	[sflag:s29] =	ssyncadd.s32 $0xFFFFC000  }
0x10e: {  	[spmem:s2] =	stream.indirect.scatter.add.f32 [tilespmem:s25], [sflag:$0x3], $0x80, s19, s26, $0xb8;
	[tilespmem:$0x1E800] =	vst v63  }
0x10f: {  	_ =	swait.ge [sflag:s24], $0x4000  }
0x110: {  	[sflag:s24] =	ssyncset.done $0x0  }
0x111: {  	s14 =	sadd.s32 $0x100, s12;
	[sflag:s24] =	ssyncadd.s32 $0xFFFFC000  }
0x112: {  	[tilespmem:s25], [sflag:$0x1] =	stream.indirect.gather [hbm4b:s5+s26], $0x80, s14, s26, $0xb8;
	[tilespmem:$0x1E800] =	vst v63  }
0x113: {  	_ =	swait.ge [sflag:s30], $0x4000  }
0x114: {  	[sflag:s30] =	ssyncset.done $0x0  }
0x115: {  	s15 =	sadd.s32 $0x1480, s12;
	[sflag:s30] =	ssyncadd.s32 $0xFFFFC000  }
0x116: {  	[spmem:s2] =	stream.indirect.scatter.add.f32 [tilespmem:s28], [sflag:$0x3], $0x80, s15, s26, $0xb8;
	[tilespmem:$0x1E800] =	vst v63  }
0x117: {  	_ =	swait.ge [sflag:s24], $0x4000  }
0x118: {  	[sflag:s24] =	ssyncset.done $0x0  }
0x119: {  	[sflag:s24] =	ssyncadd.s32 $0xFFFFC000  }
0x11a: {  	[tilespmem:s28], [sflag:$0x2] =	stream.indirect.gather [hbm4b:s5+s26], $0x80, s31, s26, $0xb8;
	[tilespmem:$0x1E800] =	vst v63  }
0x11b: {  	_ =	swait.ge [sflag:s29], $0x4000  }
0x11c: {  	[sflag:s29] =	ssyncset.done $0x0  }
0x11d: {  	[sflag:s29] =	ssyncadd.s32 $0xFFFFC000  }
0x11e: {  	[spmem:s2] =	stream.indirect.scatter.add.f32 [tilespmem:s25], [sflag:$0x3], $0x80, s1, s26, $0xb8;
	[tilespmem:$0x1E800] =	vst v63  }
0x11f: {  	_ =	swait.ge [sflag:s24], $0x4000  }
0x120: {  	[sflag:s24] =	ssyncset.done $0x0  }
0x121: {  	[sflag:s24] =	ssyncadd.s32 $0xFFFFC000  }
0x122: {  	_ =	swait.ge [sflag:s30], $0x4000  }
0x123: {  	[sflag:s30] =	ssyncset.done $0x0  }
0x124: {  	[sflag:s30] =	ssyncadd.s32 $0xFFFFC000  }
0x125: {  	[spmem:s2] =	stream.indirect.scatter.add.f32 [tilespmem:s28], [sflag:$0x3], $0x80, s0, s26, $0xb8;
	[tilespmem:$0x1E800] =	vst v63  }
0x126: {  	_ =	swait.ge [sflag:s24], $0x4000  }
0x127: {  	[sflag:s24] =	ssyncset.done $0x0  }
0x128: {  	[sflag:s24] =	ssyncadd.s32 $0xFFFFC000  }
0x129: {  	[bflag:$0x0] =	sbarrier.arrive $0xFFFF  }
0x12a: {  	[tilespmem:s25], [sflag:$0x3] =	stream.linear.gather [spmem:s6], $0x4000, $0x38;
	[tilespmem:$0x1E800] =	vst v63  }
0x12b: {  	_ =	swait.ge [sflag:s24], $0x4000  }
0x12c: {  	[sflag:s24] =	ssyncset.done $0x0  }
0x12d: {  	s16 =	rddreg [dreg:$0x8];
	[sflag:s24] =	ssyncadd.s32 $0xFFFFC000  }
0x12e: {  	[hbm4b:s16+s3] =	stream.linear.scatter [tilespmem:s25], [sflag:$0x3], $0x4000, $0x38;
	[tilespmem:$0x1E800] =	vst v63  }
0x12f: {  	_ =	swait.ge [sflag:s24], $0x4000  }
0x130: {  	[sflag:s24] =	ssyncset.done $0x0  }
0x131: {  	[sflag:s24] =	ssyncadd.s32 $0xFFFFC000  }
0x132: {  	[tilespmem:s25], [sflag:$0x3] =	stream.linear.gather [spmem:s7], $0x4000, $0x38;
	[tilespmem:$0x1E800] =	vst v63  }
0x133: {  	_ =	swait.ge [sflag:s24], $0x4000  }
0x134: {  	[sflag:s24] =	ssyncset.done $0x0  }
0x135: {  	s17 =	rddreg [dreg:$0x9];
	[sflag:s24] =	ssyncadd.s32 $0xFFFFC000  }
0x136: {  	[hbm4b:s17+s3] =	stream.linear.scatter [tilespmem:s25], [sflag:$0x3], $0x4000, $0x38;
	[tilespmem:$0x1E800] =	vst v63  }
0x137: {  	_ =	swait.ge [sflag:s24], $0x4000  }
0x138: {  	[sflag:s24] =	ssyncset.done $0x0  }
0x139: {  	[sflag:s24] =	ssyncadd.s32 $0xFFFFC000  }
0x13a: {  	[tilespmem:s25], [sflag:$0x3] =	stream.linear.gather [spmem:s8], $0x4000, $0x38;
	[tilespmem:$0x1E800] =	vst v63  }
0x13b: {  	_ =	swait.ge [sflag:s24], $0x4000  }
0x13c: {  	[sflag:s24] =	ssyncset.done $0x0  }
0x13d: {  	s18 =	rddreg [dreg:$0xa];
	[sflag:s24] =	ssyncadd.s32 $0xFFFFC000  }
0x13e: {  	[hbm4b:s18+s3] =	stream.linear.scatter [tilespmem:s25], [sflag:$0x3], $0x4000, $0x38;
	[tilespmem:$0x1E800] =	vst v63  }
0x13f: {  	_ =	swait.ge [sflag:s24], $0x4000  }
0x140: {  	[sflag:s24] =	ssyncset.done $0x0  }
0x141: {  	[sflag:s24] =	ssyncadd.s32 $0xFFFFC000  }
0x142: {  	[tilespmem:s25], [sflag:$0x3] =	stream.linear.gather [spmem:s9], $0x4000, $0x38;
	[tilespmem:$0x1E800] =	vst v63  }
0x143: {  	_ =	swait.ge [sflag:s24], $0x4000  }
0x144: {  	[sflag:s24] =	ssyncset.done $0x0  }
0x145: {  	s19 =	rddreg [dreg:$0xb];
	[sflag:s24] =	ssyncadd.s32 $0xFFFFC000  }
0x146: {  	[hbm4b:s19+s3] =	stream.linear.scatter [tilespmem:s25], [sflag:$0x3], $0x4000, $0x38;
	[tilespmem:$0x1E800] =	vst v63  }
0x147: {  	_ =	swait.ge [sflag:s24], $0x4000  }
0x148: {  	[sflag:s24] =	ssyncset.done $0x0  }
0x149: {  	[sflag:s24] =	ssyncadd.s32 $0xFFFFC000  }
0x14a: {  	[tilespmem:s25], [sflag:$0x3] =	stream.linear.gather [spmem:s10], $0x4000, $0x38;
	[tilespmem:$0x1E800] =	vst v63  }
0x14b: {  	s11 =	sadd.s32 $0x1, s11;
	_ =	swait.ge [sflag:s24], $0x4000  }
0x14c: {  	p0 =	sne.s32 s11, s21;
	[sflag:s24] =	ssyncset.done $0x0  }
.Ltmp6:
0x14d: {  	[sflag:s24] =	ssyncadd.s32 $0xFFFFC000;
	(pc) =	sbr.rel @p0 .LBB2_1-.Ltmp6, $4  }
0x14e: {  	[hbm4b:s20+s3] =	stream.linear.scatter [tilespmem:s25], [sflag:$0x3], $0x4000, $0x38;
	[tilespmem:$0x1E800] =	vst v63  }
0x14f: {  	_ =	swait.ge [sflag:s24], $0x4000  }
0x150: {  	[sflag:s24] =	ssyncset.done $0x0  }
0x151: {  	[sflag:s24] =	ssyncadd.s32 $0xFFFFC000  }
0x152: {  	_ =	sfence.sel $0x180000  }
0x153: {  	[bflag:$0x0] =	sbarrier.arrive $0xFFFF  }
0x154: {  	_ =	strace $0x9000004D  }
0x155: {  	s0 =	stileid.u32;
	[bflag:$0x2] =	sbarrier.arrive $0xFFFF  }
0x156: {  	p0 =	sne.s32 s0, $0x0;
	s0 =	rddreg [dreg:$0x2]  }
0x157: {  	s0 =	sadd.s32 @!p0 $0x100000, s0  }
0x158: {  	[sflag:s0] =	ssyncadd.tile.s32 @!p0 $0x1;
	_ =	shalt  }
.Lfunc_end2:
_tile_overlayer_lowered:
.L_overlay_start_2:
0x159: {  	(tag) =	ssettag $0x2  }
0x15a: {  	s0 =	rddreg [dreg:$0x0];
	s2 =	stileid.u32  }
0x15b: {  	s1 =	rddreg [dreg:$0x1];
	p0 =	sne.s32 s2, $0x0  }
0x15c: {  	s3 =	rddreg [dreg:$0x2];
	[bflag:$0x3] =	sbarrier.arrive $0xFFFF;
	s2 =	simm.s32 @!p0 $0x1C03  }
0x15d: {  	[timem:s3], [sflag:s2] =	dma.local @!p0 [hbm:s0], s1  }
0x15e: {  	s0 =	simm.s32 @!p0 $0x3  }
0x15f: {  	_ =	swait.ge @!p0 [sflag:s0], s1  }
0x160: {  	s1 =	ssub.s32 @!p0 $0x0, s1;
	[sflag:s0] =	ssyncset.done @!p0 $0x0  }
0x161: {  	[sflag:s0] =	ssyncadd.s32 @!p0 s1  }
0x162: {  	[bflag:$0x3] =	sbarrier.arrive $0xFFFF  }
0x163: {  	_ =	shalt  }

</sc_bundles>
